<compile_context>
chip_gen: v7x
topology: tpu7x:2x2x1
jax: 0.10.2.dev20260603
libtpu: 0.0.44.dev20260713+nightly
codegen_flags: <defaults>
</compile_context>

<pallas_src>
import functools

import jax
import jax.numpy as jnp
from jax import lax
from jax.experimental import pallas as pl
from jax.experimental.pallas import tpu as pltpu
from jax.experimental.pallas import tpu_sc as plsc

B = 16384
L = 200
VOCAB = 7800
DIM = 64
VPAD = 7808
NC, NS = 2, 16
NW = NC * NS
RPW = B // NW
GROUPS = RPW // 16
TR = L // 8


def _project_body(et_ref, w_ref, o_ref):
    o_ref[...] = jnp.sum(et_ref[...] * w_ref[...].T, axis=0, keepdims=True)


def _project(table_t_pad, lin_w):
    return pl.pallas_call(
        _project_body,
        out_shape=jax.ShapeDtypeStruct((1, VPAD), jnp.float32),
    )(table_t_pad, lin_w)


_MESH = plsc.VectorSubcoreMesh(core_axis_name="c", subcore_axis_name="s")


@functools.partial(
    pl.kernel,
    out_type=jax.ShapeDtypeStruct((B,), jnp.float32),
    mesh=_MESH,
    compiler_params=pltpu.CompilerParams(needs_layout_passes=False),
    scratch_types=[
        pltpu.VMEM((VPAD,), jnp.float32),
        pltpu.VMEM((8 * TR, 128), jnp.int32),
        pltpu.VMEM((8 * TR, 128), jnp.int32),
        pltpu.VMEM((RPW,), jnp.float32),
        pltpu.VMEM((16,), jnp.float32),
        pltpu.VMEM((RPW,), jnp.float32),
        pltpu.SemaphoreType.DMA,
        pltpu.SemaphoreType.DMA,
    ],
)
def _sc_pool(s_hbm, x_hbm, len_hbm, bias_hbm, out_hbm,
             s_v, xb0, xb1, len_v, bias_v, out_v, sem0, sem1):
    wid = lax.axis_index("s") * NC + lax.axis_index("c")
    base = wid * RPW
    bufs = (xb0, xb1)
    sems = (sem0, sem1)

    def start(tc):
        buf, sem = bufs[tc % 2], sems[tc % 2]
        return [
            pltpu.async_copy(
                x_hbm.at[pl.ds(tr * 1024 + 32 * wid + 8 * tc, 8), :],
                buf.at[pl.ds(tr * 8, 8), :], sem)
            for tr in range(TR)
        ]

    cps = start(0)
    pltpu.sync_copy(s_hbm, s_v)
    pltpu.sync_copy(len_hbm.at[pl.ds(base, RPW)], len_v)
    pltpu.sync_copy(bias_hbm, bias_v)

    lanes = lax.iota(jnp.int32, 16)
    bias = bias_v[...]
    zero = jnp.zeros((16,), jnp.float32)
    zero_i = jnp.zeros((16,), jnp.int32)

    for tc in range(4):
        for cp in cps:
            cp.wait()
        if tc + 1 < 4:
            cps = start(tc + 1)
        x_v = bufs[tc % 2]

        def group_body(j, carry):
            cvec = j * 16 + lanes

            def band(tr, st):
                acc0, acc1, i0 = st
                for r in range(8):
                    xv = plsc.load_gather(x_v, [i0 + r, cvec])
                    val = plsc.load_gather(s_v, [xv])
                    if r % 2 == 0:
                        acc0 = acc0 + val
                    else:
                        acc1 = acc1 + val
                return acc0, acc1, i0 + 8

            a0, a1, _ = lax.fori_loop(0, TR, band, (zero, zero, zero_i))
            off = tc * 128 + j * 16
            z = (a0 + a1) / len_v[pl.ds(off, 16)] + bias
            out_v[pl.ds(off, 16)] = 1.0 / (1.0 + jnp.exp(-z))
            return carry

        lax.fori_loop(0, 8, group_body, 0)
    pltpu.sync_copy(out_v, out_hbm.at[pl.ds(base, RPW)])


def kernel(x, length, embed_table, lin_w, lin_b):
    table_t_pad = jnp.pad(embed_table, ((0, VPAD - VOCAB), (0, 0))).T
    s = _project(table_t_pad, lin_w).reshape(VPAD)
    bias16 = jnp.broadcast_to(lin_b, (16,)).astype(jnp.float32)
    xt = (x.T.reshape(TR, 8, B // 128, 128)
          .transpose(0, 2, 1, 3)
          .reshape(TR * (B // 128) * 8, 128))
    y = _sc_pool(s, xt, length, bias16)
    return y.reshape(B, 1)

# --- scband reference (transcript-rebuilt; emitter-appended) ---
"""Pipeline reference for scband-average-pooling-16346645529027 (READ-ONLY COPY).

The authoritative reference and input builder live on the scoring server;
editing this copy changes nothing except your own understanding.
"""

import jax, jax.numpy as jnp
import numpy as np

B = 16384
L = 200
VOCAB = 7800
DIM = 64

def setup_inputs(seed: int = 0) -> dict:
    key = jax.random.key(seed)
    k1, k2, k3, k4 = jax.random.split(key, 4)
    x = jax.random.randint(k1, (B, L), 0, VOCAB, dtype=jnp.int32)
    length = jnp.ones((B,), dtype=jnp.float32)
    embed_table = jax.random.normal(k2, (VOCAB, DIM), dtype=jnp.float32)
    lin_w = jax.random.normal(k3, (1, DIM), dtype=jnp.float32) * 0.1
    lin_b = jnp.zeros((1,), dtype=jnp.float32)
    return {"x": x, "length": length, "embed_table": embed_table, "lin_w": lin_w, "lin_b": lin_b}

def reference(x, length, embed_table, lin_w, lin_b):
    # nn.EmbeddingBag(mode='sum'): gather rows then sum over bag dim
    emb = jnp.take(embed_table, x, axis=0)  # [B, L, DIM]
    pooled = emb.sum(axis=1)                # [B, DIM]
    N = pooled.shape[0]
    pooled = pooled / length.reshape(N, -1)
    y = pooled @ lin_w.T + lin_b            # [B, 1]
    return jax.nn.sigmoid(y)

if __name__ == "__main__":
    import jax
    _d = setup_inputs()
    print(jax.jit(kernel)(*tuple(_d.values())))

</pallas_src>

<mosaic_0001>
#map = affine_map<(d0, d1) -> (0)>
#map1 = affine_map<(d0, d1) -> (0, 0)>
module attributes {stable_mosaic.version = 14 : i64} {
  func.func @_sc_pool(%arg0: i32, %arg1: i32, %arg2: memref<7808xf32, #tpu.memory_space<hbm>>, %arg3: memref<25600x128xi32, #tpu.memory_space<hbm>>, %arg4: memref<16384xf32, #tpu.memory_space<hbm>>, %arg5: memref<16xf32, #tpu.memory_space<hbm>>, %arg6: memref<16384xf32, #tpu.memory_space<hbm>>, %arg7: memref<7808xf32, #tpu.memory_space<vmem>>, %arg8: memref<200x128xi32, #tpu.memory_space<vmem>>, %arg9: memref<200x128xi32, #tpu.memory_space<vmem>>, %arg10: memref<512xf32, #tpu.memory_space<vmem>>, %arg11: memref<16xf32, #tpu.memory_space<vmem>>, %arg12: memref<512xf32, #tpu.memory_space<vmem>>, %arg13: memref<!tpu.dma_semaphore, #tpu.memory_space<semaphore_mem>>, %arg14: memref<!tpu.dma_semaphore, #tpu.memory_space<semaphore_mem>>) attributes {dimension_semantics = [#tpu.dimension_semantics<core_parallel>, #tpu.dimension_semantics<subcore_parallel>], iteration_bounds = array<i64: 2, 16>, scalar_prefetch = 0 : i64, scratch_operands = 8 : i64, tpu.core_type = #tpu.core_type<sc_vector_subcore>, window_params = [{transform_indices = #map}, {transform_indices = #map1}, {transform_indices = #map}, {transform_indices = #map}, {transform_indices = #map}]} {
    %mul3A = arith.constant 2 : i32
    %mul3A_0 = arith.muli %arg1, %mul3A : i32
    %add3A = arith.addi %mul3A_0, %arg0 : i32
    %mul3A_1 = arith.constant 512 : i32
    %mul3A_2 = arith.muli %add3A, %mul3A_1 : i32
    %mul3A_3 = arith.constant 32 : i32
    %mul3A_4 = arith.muli %mul3A_3, %add3A : i32
    %add3A_5 = arith.constant 0 : i32
    %add3A_6 = arith.addi %add3A_5, %mul3A_4 : i32
    %add3A_7 = arith.constant 0 : i32
    %add3A_8 = arith.addi %add3A_6, %add3A_7 : i32
    %dma_start3A = arith.constant 0 : i32
    %dma_start3A_9 = arith.constant 0 : i32
    %dma_start3A_10 = tpu.memref_slice %arg8[%dma_start3A, %dma_start3A_9] : memref<200x128xi32, #tpu.memory_space<vmem>> -> memref<8x128xi32, #tpu.memory_space<vmem>>
    %dma_start3A_11 = arith.constant 0 : i32
    %dma_start3A_12 = tpu.memref_slice %arg3[%add3A_8, %dma_start3A_11] : memref<25600x128xi32, #tpu.memory_space<hbm>> -> memref<8x128xi32, #tpu.memory_space<hbm>>
    %dma_start3A_13 = arith.constant 0 : i32
    %dma_start3A_14 = arith.constant 0 : i32
    %dma_start3A_15 = tpu.memref_slice %arg8[%dma_start3A_13, %dma_start3A_14] : memref<200x128xi32, #tpu.memory_space<vmem>> -> memref<8x128xi32, #tpu.memory_space<vmem>>
    %dma_start3A_16 = arith.constant 0 : i32
    %dma_start3A_17 = tpu.memref_slice %arg3[%add3A_8, %dma_start3A_16] : memref<25600x128xi32, #tpu.memory_space<hbm>> -> memref<8x128xi32, #tpu.memory_space<hbm>>
    tpu.enqueue_dma source(%dma_start3A_17 : memref<8x128xi32, #tpu.memory_space<hbm>>) target(%dma_start3A_15 : memref<8x128xi32, #tpu.memory_space<vmem>>) target_semaphore(%arg13 : memref<!tpu.dma_semaphore, #tpu.memory_space<semaphore_mem>>)
    %mul3A_18 = arith.constant 32 : i32
    %mul3A_19 = arith.muli %mul3A_18, %add3A : i32
    %add3A_20 = arith.constant 1024 : i32
    %add3A_21 = arith.addi %add3A_20, %mul3A_19 : i32
    %add3A_22 = arith.constant 0 : i32
    %add3A_23 = arith.addi %add3A_21, %add3A_22 : i32
    %dma_start3A_24 = arith.constant 8 : i32
    %dma_start3A_25 = arith.constant 0 : i32
    %dma_start3A_26 = tpu.memref_slice %arg8[%dma_start3A_24, %dma_start3A_25] : memref<200x128xi32, #tpu.memory_space<vmem>> -> memref<8x128xi32, #tpu.memory_space<vmem>>
    %dma_start3A_27 = arith.constant 0 : i32
    %dma_start3A_28 = tpu.memref_slice %arg3[%add3A_23, %dma_start3A_27] : memref<25600x128xi32, #tpu.memory_space<hbm>> -> memref<8x128xi32, #tpu.memory_space<hbm>>
    %dma_start3A_29 = arith.constant 8 : i32
    %dma_start3A_30 = arith.constant 0 : i32
    %dma_start3A_31 = tpu.memref_slice %arg8[%dma_start3A_29, %dma_start3A_30] : memref<200x128xi32, #tpu.memory_space<vmem>> -> memref<8x128xi32, #tpu.memory_space<vmem>>
    %dma_start3A_32 = arith.constant 0 : i32
    %dma_start3A_33 = tpu.memref_slice %arg3[%add3A_23, %dma_start3A_32] : memref<25600x128xi32, #tpu.memory_space<hbm>> -> memref<8x128xi32, #tpu.memory_space<hbm>>
    tpu.enqueue_dma source(%dma_start3A_33 : memref<8x128xi32, #tpu.memory_space<hbm>>) target(%dma_start3A_31 : memref<8x128xi32, #tpu.memory_space<vmem>>) target_semaphore(%arg13 : memref<!tpu.dma_semaphore, #tpu.memory_space<semaphore_mem>>)
    %mul3A_34 = arith.constant 32 : i32
    %mul3A_35 = arith.muli %mul3A_34, %add3A : i32
    %add3A_36 = arith.constant 2048 : i32
    %add3A_37 = arith.addi %add3A_36, %mul3A_35 : i32
    %add3A_38 = arith.constant 0 : i32
    %add3A_39 = arith.addi %add3A_37, %add3A_38 : i32
    %dma_start3A_40 = arith.constant 16 : i32
    %dma_start3A_41 = arith.constant 0 : i32
    %dma_start3A_42 = tpu.memref_slice %arg8[%dma_start3A_40, %dma_start3A_41] : memref<200x128xi32, #tpu.memory_space<vmem>> -> memref<8x128xi32, #tpu.memory_space<vmem>>
    %dma_start3A_43 = arith.constant 0 : i32
    %dma_start3A_44 = tpu.memref_slice %arg3[%add3A_39, %dma_start3A_43] : memref<25600x128xi32, #tpu.memory_space<hbm>> -> memref<8x128xi32, #tpu.memory_space<hbm>>
    %dma_start3A_45 = arith.constant 16 : i32
    %dma_start3A_46 = arith.constant 0 : i32
    %dma_start3A_47 = tpu.memref_slice %arg8[%dma_start3A_45, %dma_start3A_46] : memref<200x128xi32, #tpu.memory_space<vmem>> -> memref<8x128xi32, #tpu.memory_space<vmem>>
    %dma_start3A_48 = arith.constant 0 : i32
    %dma_start3A_49 = tpu.memref_slice %arg3[%add3A_39, %dma_start3A_48] : memref<25600x128xi32, #tpu.memory_space<hbm>> -> memref<8x128xi32, #tpu.memory_space<hbm>>
    tpu.enqueue_dma source(%dma_start3A_49 : memref<8x128xi32, #tpu.memory_space<hbm>>) target(%dma_start3A_47 : memref<8x128xi32, #tpu.memory_space<vmem>>) target_semaphore(%arg13 : memref<!tpu.dma_semaphore, #tpu.memory_space<semaphore_mem>>)
    %mul3A_50 = arith.constant 32 : i32
    %mul3A_51 = arith.muli %mul3A_50, %add3A : i32
    %add3A_52 = arith.constant 3072 : i32
    %add3A_53 = arith.addi %add3A_52, %mul3A_51 : i32
    %add3A_54 = arith.constant 0 : i32
    %add3A_55 = arith.addi %add3A_53, %add3A_54 : i32
    %dma_start3A_56 = arith.constant 24 : i32
    %dma_start3A_57 = arith.constant 0 : i32
    %dma_start3A_58 = tpu.memref_slice %arg8[%dma_start3A_56, %dma_start3A_57] : memref<200x128xi32, #tpu.memory_space<vmem>> -> memref<8x128xi32, #tpu.memory_space<vmem>>
    %dma_start3A_59 = arith.constant 0 : i32
    %dma_start3A_60 = tpu.memref_slice %arg3[%add3A_55, %dma_start3A_59] : memref<25600x128xi32, #tpu.memory_space<hbm>> -> memref<8x128xi32, #tpu.memory_space<hbm>>
    %dma_start3A_61 = arith.constant 24 : i32
    %dma_start3A_62 = arith.constant 0 : i32
    %dma_start3A_63 = tpu.memref_slice %arg8[%dma_start3A_61, %dma_start3A_62] : memref<200x128xi32, #tpu.memory_space<vmem>> -> memref<8x128xi32, #tpu.memory_space<vmem>>
    %dma_start3A_64 = arith.constant 0 : i32
    %dma_start3A_65 = tpu.memref_slice %arg3[%add3A_55, %dma_start3A_64] : memref<25600x128xi32, #tpu.memory_space<hbm>> -> memref<8x128xi32, #tpu.memory_space<hbm>>
    tpu.enqueue_dma source(%dma_start3A_65 : memref<8x128xi32, #tpu.memory_space<hbm>>) target(%dma_start3A_63 : memref<8x128xi32, #tpu.memory_space<vmem>>) target_semaphore(%arg13 : memref<!tpu.dma_semaphore, #tpu.memory_space<semaphore_mem>>)
    %mul3A_66 = arith.constant 32 : i32
    %mul3A_67 = arith.muli %mul3A_66, %add3A : i32
    %add3A_68 = arith.constant 4096 : i32
    %add3A_69 = arith.addi %add3A_68, %mul3A_67 : i32
    %add3A_70 = arith.constant 0 : i32
    %add3A_71 = arith.addi %add3A_69, %add3A_70 : i32
    %dma_start3A_72 = arith.constant 32 : i32
    %dma_start3A_73 = arith.constant 0 : i32
    %dma_start3A_74 = tpu.memref_slice %arg8[%dma_start3A_72, %dma_start3A_73] : memref<200x128xi32, #tpu.memory_space<vmem>> -> memref<8x128xi32, #tpu.memory_space<vmem>>
    %dma_start3A_75 = arith.constant 0 : i32
    %dma_start3A_76 = tpu.memref_slice %arg3[%add3A_71, %dma_start3A_75] : memref<25600x128xi32, #tpu.memory_space<hbm>> -> memref<8x128xi32, #tpu.memory_space<hbm>>
    %dma_start3A_77 = arith.constant 32 : i32
    %dma_start3A_78 = arith.constant 0 : i32
    %dma_start3A_79 = tpu.memref_slice %arg8[%dma_start3A_77, %dma_start3A_78] : memref<200x128xi32, #tpu.memory_space<vmem>> -> memref<8x128xi32, #tpu.memory_space<vmem>>
    %dma_start3A_80 = arith.constant 0 : i32
    %dma_start3A_81 = tpu.memref_slice %arg3[%add3A_71, %dma_start3A_80] : memref<25600x128xi32, #tpu.memory_space<hbm>> -> memref<8x128xi32, #tpu.memory_space<hbm>>
    tpu.enqueue_dma source(%dma_start3A_81 : memref<8x128xi32, #tpu.memory_space<hbm>>) target(%dma_start3A_79 : memref<8x128xi32, #tpu.memory_space<vmem>>) target_semaphore(%arg13 : memref<!tpu.dma_semaphore, #tpu.memory_space<semaphore_mem>>)
    %mul3A_82 = arith.constant 32 : i32
    %mul3A_83 = arith.muli %mul3A_82, %add3A : i32
    %add3A_84 = arith.constant 5120 : i32
    %add3A_85 = arith.addi %add3A_84, %mul3A_83 : i32
    %add3A_86 = arith.constant 0 : i32
    %add3A_87 = arith.addi %add3A_85, %add3A_86 : i32
    %dma_start3A_88 = arith.constant 40 : i32
    %dma_start3A_89 = arith.constant 0 : i32
    %dma_start3A_90 = tpu.memref_slice %arg8[%dma_start3A_88, %dma_start3A_89] : memref<200x128xi32, #tpu.memory_space<vmem>> -> memref<8x128xi32, #tpu.memory_space<vmem>>
    %dma_start3A_91 = arith.constant 0 : i32
    %dma_start3A_92 = tpu.memref_slice %arg3[%add3A_87, %dma_start3A_91] : memref<25600x128xi32, #tpu.memory_space<hbm>> -> memref<8x128xi32, #tpu.memory_space<hbm>>
    %dma_start3A_93 = arith.constant 40 : i32
    %dma_start3A_94 = arith.constant 0 : i32
    %dma_start3A_95 = tpu.memref_slice %arg8[%dma_start3A_93, %dma_start3A_94] : memref<200x128xi32, #tpu.memory_space<vmem>> -> memref<8x128xi32, #tpu.memory_space<vmem>>
    %dma_start3A_96 = arith.constant 0 : i32
    %dma_start3A_97 = tpu.memref_slice %arg3[%add3A_87, %dma_start3A_96] : memref<25600x128xi32, #tpu.memory_space<hbm>> -> memref<8x128xi32, #tpu.memory_space<hbm>>
    tpu.enqueue_dma source(%dma_start3A_97 : memref<8x128xi32, #tpu.memory_space<hbm>>) target(%dma_start3A_95 : memref<8x128xi32, #tpu.memory_space<vmem>>) target_semaphore(%arg13 : memref<!tpu.dma_semaphore, #tpu.memory_space<semaphore_mem>>)
    %mul3A_98 = arith.constant 32 : i32
    %mul3A_99 = arith.muli %mul3A_98, %add3A : i32
    %add3A_100 = arith.constant 6144 : i32
    %add3A_101 = arith.addi %add3A_100, %mul3A_99 : i32
    %add3A_102 = arith.constant 0 : i32
    %add3A_103 = arith.addi %add3A_101, %add3A_102 : i32
    %dma_start3A_104 = arith.constant 48 : i32
    %dma_start3A_105 = arith.constant 0 : i32
    %dma_start3A_106 = tpu.memref_slice %arg8[%dma_start3A_104, %dma_start3A_105] : memref<200x128xi32, #tpu.memory_space<vmem>> -> memref<8x128xi32, #tpu.memory_space<vmem>>
    %dma_start3A_107 = arith.constant 0 : i32
    %dma_start3A_108 = tpu.memref_slice %arg3[%add3A_103, %dma_start3A_107] : memref<25600x128xi32, #tpu.memory_space<hbm>> -> memref<8x128xi32, #tpu.memory_space<hbm>>
    %dma_start3A_109 = arith.constant 48 : i32
    %dma_start3A_110 = arith.constant 0 : i32
    %dma_start3A_111 = tpu.memref_slice %arg8[%dma_start3A_109, %dma_start3A_110] : memref<200x128xi32, #tpu.memory_space<vmem>> -> memref<8x128xi32, #tpu.memory_space<vmem>>
    %dma_start3A_112 = arith.constant 0 : i32
    %dma_start3A_113 = tpu.memref_slice %arg3[%add3A_103, %dma_start3A_112] : memref<25600x128xi32, #tpu.memory_space<hbm>> -> memref<8x128xi32, #tpu.memory_space<hbm>>
    tpu.enqueue_dma source(%dma_start3A_113 : memref<8x128xi32, #tpu.memory_space<hbm>>) target(%dma_start3A_111 : memref<8x128xi32, #tpu.memory_space<vmem>>) target_semaphore(%arg13 : memref<!tpu.dma_semaphore, #tpu.memory_space<semaphore_mem>>)
    %mul3A_114 = arith.constant 32 : i32
    %mul3A_115 = arith.muli %mul3A_114, %add3A : i32
    %add3A_116 = arith.constant 7168 : i32
    %add3A_117 = arith.addi %add3A_116, %mul3A_115 : i32
    %add3A_118 = arith.constant 0 : i32
    %add3A_119 = arith.addi %add3A_117, %add3A_118 : i32
    %dma_start3A_120 = arith.constant 56 : i32
    %dma_start3A_121 = arith.constant 0 : i32
    %dma_start3A_122 = tpu.memref_slice %arg8[%dma_start3A_120, %dma_start3A_121] : memref<200x128xi32, #tpu.memory_space<vmem>> -> memref<8x128xi32, #tpu.memory_space<vmem>>
    %dma_start3A_123 = arith.constant 0 : i32
    %dma_start3A_124 = tpu.memref_slice %arg3[%add3A_119, %dma_start3A_123] : memref<25600x128xi32, #tpu.memory_space<hbm>> -> memref<8x128xi32, #tpu.memory_space<hbm>>
    %dma_start3A_125 = arith.constant 56 : i32
    %dma_start3A_126 = arith.constant 0 : i32
    %dma_start3A_127 = tpu.memref_slice %arg8[%dma_start3A_125, %dma_start3A_126] : memref<200x128xi32, #tpu.memory_space<vmem>> -> memref<8x128xi32, #tpu.memory_space<vmem>>
    %dma_start3A_128 = arith.constant 0 : i32
    %dma_start3A_129 = tpu.memref_slice %arg3[%add3A_119, %dma_start3A_128] : memref<25600x128xi32, #tpu.memory_space<hbm>> -> memref<8x128xi32, #tpu.memory_space<hbm>>
    tpu.enqueue_dma source(%dma_start3A_129 : memref<8x128xi32, #tpu.memory_space<hbm>>) target(%dma_start3A_127 : memref<8x128xi32, #tpu.memory_space<vmem>>) target_semaphore(%arg13 : memref<!tpu.dma_semaphore, #tpu.memory_space<semaphore_mem>>)
    %mul3A_130 = arith.constant 32 : i32
    %mul3A_131 = arith.muli %mul3A_130, %add3A : i32
    %add3A_132 = arith.constant 8192 : i32
    %add3A_133 = arith.addi %add3A_132, %mul3A_131 : i32
    %add3A_134 = arith.constant 0 : i32
    %add3A_135 = arith.addi %add3A_133, %add3A_134 : i32
    %dma_start3A_136 = arith.constant 64 : i32
    %dma_start3A_137 = arith.constant 0 : i32
    %dma_start3A_138 = tpu.memref_slice %arg8[%dma_start3A_136, %dma_start3A_137] : memref<200x128xi32, #tpu.memory_space<vmem>> -> memref<8x128xi32, #tpu.memory_space<vmem>>
    %dma_start3A_139 = arith.constant 0 : i32
    %dma_start3A_140 = tpu.memref_slice %arg3[%add3A_135, %dma_start3A_139] : memref<25600x128xi32, #tpu.memory_space<hbm>> -> memref<8x128xi32, #tpu.memory_space<hbm>>
    %dma_start3A_141 = arith.constant 64 : i32
    %dma_start3A_142 = arith.constant 0 : i32
    %dma_start3A_143 = tpu.memref_slice %arg8[%dma_start3A_141, %dma_start3A_142] : memref<200x128xi32, #tpu.memory_space<vmem>> -> memref<8x128xi32, #tpu.memory_space<vmem>>
    %dma_start3A_144 = arith.constant 0 : i32
    %dma_start3A_145 = tpu.memref_slice %arg3[%add3A_135, %dma_start3A_144] : memref<25600x128xi32, #tpu.memory_space<hbm>> -> memref<8x128xi32, #tpu.memory_space<hbm>>
    tpu.enqueue_dma source(%dma_start3A_145 : memref<8x128xi32, #tpu.memory_space<hbm>>) target(%dma_start3A_143 : memref<8x128xi32, #tpu.memory_space<vmem>>) target_semaphore(%arg13 : memref<!tpu.dma_semaphore, #tpu.memory_space<semaphore_mem>>)
    %mul3A_146 = arith.constant 32 : i32
    %mul3A_147 = arith.muli %mul3A_146, %add3A : i32
    %add3A_148 = arith.constant 9216 : i32
    %add3A_149 = arith.addi %add3A_148, %mul3A_147 : i32
    %add3A_150 = arith.constant 0 : i32
    %add3A_151 = arith.addi %add3A_149, %add3A_150 : i32
    %dma_start3A_152 = arith.constant 72 : i32
    %dma_start3A_153 = arith.constant 0 : i32
    %dma_start3A_154 = tpu.memref_slice %arg8[%dma_start3A_152, %dma_start3A_153] : memref<200x128xi32, #tpu.memory_space<vmem>> -> memref<8x128xi32, #tpu.memory_space<vmem>>
    %dma_start3A_155 = arith.constant 0 : i32
    %dma_start3A_156 = tpu.memref_slice %arg3[%add3A_151, %dma_start3A_155] : memref<25600x128xi32, #tpu.memory_space<hbm>> -> memref<8x128xi32, #tpu.memory_space<hbm>>
    %dma_start3A_157 = arith.constant 72 : i32
    %dma_start3A_158 = arith.constant 0 : i32
    %dma_start3A_159 = tpu.memref_slice %arg8[%dma_start3A_157, %dma_start3A_158] : memref<200x128xi32, #tpu.memory_space<vmem>> -> memref<8x128xi32, #tpu.memory_space<vmem>>
    %dma_start3A_160 = arith.constant 0 : i32
    %dma_start3A_161 = tpu.memref_slice %arg3[%add3A_151, %dma_start3A_160] : memref<25600x128xi32, #tpu.memory_space<hbm>> -> memref<8x128xi32, #tpu.memory_space<hbm>>
    tpu.enqueue_dma source(%dma_start3A_161 : memref<8x128xi32, #tpu.memory_space<hbm>>) target(%dma_start3A_159 : memref<8x128xi32, #tpu.memory_space<vmem>>) target_semaphore(%arg13 : memref<!tpu.dma_semaphore, #tpu.memory_space<semaphore_mem>>)
    %mul3A_162 = arith.constant 32 : i32
    %mul3A_163 = arith.muli %mul3A_162, %add3A : i32
    %add3A_164 = arith.constant 10240 : i32
    %add3A_165 = arith.addi %add3A_164, %mul3A_163 : i32
    %add3A_166 = arith.constant 0 : i32
    %add3A_167 = arith.addi %add3A_165, %add3A_166 : i32
    %dma_start3A_168 = arith.constant 80 : i32
    %dma_start3A_169 = arith.constant 0 : i32
    %dma_start3A_170 = tpu.memref_slice %arg8[%dma_start3A_168, %dma_start3A_169] : memref<200x128xi32, #tpu.memory_space<vmem>> -> memref<8x128xi32, #tpu.memory_space<vmem>>
    %dma_start3A_171 = arith.constant 0 : i32
    %dma_start3A_172 = tpu.memref_slice %arg3[%add3A_167, %dma_start3A_171] : memref<25600x128xi32, #tpu.memory_space<hbm>> -> memref<8x128xi32, #tpu.memory_space<hbm>>
    %dma_start3A_173 = arith.constant 80 : i32
    %dma_start3A_174 = arith.constant 0 : i32
    %dma_start3A_175 = tpu.memref_slice %arg8[%dma_start3A_173, %dma_start3A_174] : memref<200x128xi32, #tpu.memory_space<vmem>> -> memref<8x128xi32, #tpu.memory_space<vmem>>
    %dma_start3A_176 = arith.constant 0 : i32
    %dma_start3A_177 = tpu.memref_slice %arg3[%add3A_167, %dma_start3A_176] : memref<25600x128xi32, #tpu.memory_space<hbm>> -> memref<8x128xi32, #tpu.memory_space<hbm>>
    tpu.enqueue_dma source(%dma_start3A_177 : memref<8x128xi32, #tpu.memory_space<hbm>>) target(%dma_start3A_175 : memref<8x128xi32, #tpu.memory_space<vmem>>) target_semaphore(%arg13 : memref<!tpu.dma_semaphore, #tpu.memory_space<semaphore_mem>>)
    %mul3A_178 = arith.constant 32 : i32
    %mul3A_179 = arith.muli %mul3A_178, %add3A : i32
    %add3A_180 = arith.constant 11264 : i32
    %add3A_181 = arith.addi %add3A_180, %mul3A_179 : i32
    %add3A_182 = arith.constant 0 : i32
    %add3A_183 = arith.addi %add3A_181, %add3A_182 : i32
    %dma_start3A_184 = arith.constant 88 : i32
    %dma_start3A_185 = arith.constant 0 : i32
    %dma_start3A_186 = tpu.memref_slice %arg8[%dma_start3A_184, %dma_start3A_185] : memref<200x128xi32, #tpu.memory_space<vmem>> -> memref<8x128xi32, #tpu.memory_space<vmem>>
    %dma_start3A_187 = arith.constant 0 : i32
    %dma_start3A_188 = tpu.memref_slice %arg3[%add3A_183, %dma_start3A_187] : memref<25600x128xi32, #tpu.memory_space<hbm>> -> memref<8x128xi32, #tpu.memory_space<hbm>>
    %dma_start3A_189 = arith.constant 88 : i32
    %dma_start3A_190 = arith.constant 0 : i32
    %dma_start3A_191 = tpu.memref_slice %arg8[%dma_start3A_189, %dma_start3A_190] : memref<200x128xi32, #tpu.memory_space<vmem>> -> memref<8x128xi32, #tpu.memory_space<vmem>>
    %dma_start3A_192 = arith.constant 0 : i32
    %dma_start3A_193 = tpu.memref_slice %arg3[%add3A_183, %dma_start3A_192] : memref<25600x128xi32, #tpu.memory_space<hbm>> -> memref<8x128xi32, #tpu.memory_space<hbm>>
    tpu.enqueue_dma source(%dma_start3A_193 : memref<8x128xi32, #tpu.memory_space<hbm>>) target(%dma_start3A_191 : memref<8x128xi32, #tpu.memory_space<vmem>>) target_semaphore(%arg13 : memref<!tpu.dma_semaphore, #tpu.memory_space<semaphore_mem>>)
    %mul3A_194 = arith.constant 32 : i32
    %mul3A_195 = arith.muli %mul3A_194, %add3A : i32
    %add3A_196 = arith.constant 12288 : i32
    %add3A_197 = arith.addi %add3A_196, %mul3A_195 : i32
    %add3A_198 = arith.constant 0 : i32
    %add3A_199 = arith.addi %add3A_197, %add3A_198 : i32
    %dma_start3A_200 = arith.constant 96 : i32
    %dma_start3A_201 = arith.constant 0 : i32
    %dma_start3A_202 = tpu.memref_slice %arg8[%dma_start3A_200, %dma_start3A_201] : memref<200x128xi32, #tpu.memory_space<vmem>> -> memref<8x128xi32, #tpu.memory_space<vmem>>
    %dma_start3A_203 = arith.constant 0 : i32
    %dma_start3A_204 = tpu.memref_slice %arg3[%add3A_199, %dma_start3A_203] : memref<25600x128xi32, #tpu.memory_space<hbm>> -> memref<8x128xi32, #tpu.memory_space<hbm>>
    %dma_start3A_205 = arith.constant 96 : i32
    %dma_start3A_206 = arith.constant 0 : i32
    %dma_start3A_207 = tpu.memref_slice %arg8[%dma_start3A_205, %dma_start3A_206] : memref<200x128xi32, #tpu.memory_space<vmem>> -> memref<8x128xi32, #tpu.memory_space<vmem>>
    %dma_start3A_208 = arith.constant 0 : i32
    %dma_start3A_209 = tpu.memref_slice %arg3[%add3A_199, %dma_start3A_208] : memref<25600x128xi32, #tpu.memory_space<hbm>> -> memref<8x128xi32, #tpu.memory_space<hbm>>
    tpu.enqueue_dma source(%dma_start3A_209 : memref<8x128xi32, #tpu.memory_space<hbm>>) target(%dma_start3A_207 : memref<8x128xi32, #tpu.memory_space<vmem>>) target_semaphore(%arg13 : memref<!tpu.dma_semaphore, #tpu.memory_space<semaphore_mem>>)
    %mul3A_210 = arith.constant 32 : i32
    %mul3A_211 = arith.muli %mul3A_210, %add3A : i32
    %add3A_212 = arith.constant 13312 : i32
    %add3A_213 = arith.addi %add3A_212, %mul3A_211 : i32
    %add3A_214 = arith.constant 0 : i32
    %add3A_215 = arith.addi %add3A_213, %add3A_214 : i32
    %dma_start3A_216 = arith.constant 104 : i32
    %dma_start3A_217 = arith.constant 0 : i32
    %dma_start3A_218 = tpu.memref_slice %arg8[%dma_start3A_216, %dma_start3A_217] : memref<200x128xi32, #tpu.memory_space<vmem>> -> memref<8x128xi32, #tpu.memory_space<vmem>>
    %dma_start3A_219 = arith.constant 0 : i32
    %dma_start3A_220 = tpu.memref_slice %arg3[%add3A_215, %dma_start3A_219] : memref<25600x128xi32, #tpu.memory_space<hbm>> -> memref<8x128xi32, #tpu.memory_space<hbm>>
    %dma_start3A_221 = arith.constant 104 : i32
    %dma_start3A_222 = arith.constant 0 : i32
    %dma_start3A_223 = tpu.memref_slice %arg8[%dma_start3A_221, %dma_start3A_222] : memref<200x128xi32, #tpu.memory_space<vmem>> -> memref<8x128xi32, #tpu.memory_space<vmem>>
    %dma_start3A_224 = arith.constant 0 : i32
    %dma_start3A_225 = tpu.memref_slice %arg3[%add3A_215, %dma_start3A_224] : memref<25600x128xi32, #tpu.memory_space<hbm>> -> memref<8x128xi32, #tpu.memory_space<hbm>>
    tpu.enqueue_dma source(%dma_start3A_225 : memref<8x128xi32, #tpu.memory_space<hbm>>) target(%dma_start3A_223 : memref<8x128xi32, #tpu.memory_space<vmem>>) target_semaphore(%arg13 : memref<!tpu.dma_semaphore, #tpu.memory_space<semaphore_mem>>)
    %mul3A_226 = arith.constant 32 : i32
    %mul3A_227 = arith.muli %mul3A_226, %add3A : i32
    %add3A_228 = arith.constant 14336 : i32
    %add3A_229 = arith.addi %add3A_228, %mul3A_227 : i32
    %add3A_230 = arith.constant 0 : i32
    %add3A_231 = arith.addi %add3A_229, %add3A_230 : i32
    %dma_start3A_232 = arith.constant 112 : i32
    %dma_start3A_233 = arith.constant 0 : i32
    %dma_start3A_234 = tpu.memref_slice %arg8[%dma_start3A_232, %dma_start3A_233] : memref<200x128xi32, #tpu.memory_space<vmem>> -> memref<8x128xi32, #tpu.memory_space<vmem>>
    %dma_start3A_235 = arith.constant 0 : i32
    %dma_start3A_236 = tpu.memref_slice %arg3[%add3A_231, %dma_start3A_235] : memref<25600x128xi32, #tpu.memory_space<hbm>> -> memref<8x128xi32, #tpu.memory_space<hbm>>
    %dma_start3A_237 = arith.constant 112 : i32
    %dma_start3A_238 = arith.constant 0 : i32
    %dma_start3A_239 = tpu.memref_slice %arg8[%dma_start3A_237, %dma_start3A_238] : memref<200x128xi32, #tpu.memory_space<vmem>> -> memref<8x128xi32, #tpu.memory_space<vmem>>
    %dma_start3A_240 = arith.constant 0 : i32
    %dma_start3A_241 = tpu.memref_slice %arg3[%add3A_231, %dma_start3A_240] : memref<25600x128xi32, #tpu.memory_space<hbm>> -> memref<8x128xi32, #tpu.memory_space<hbm>>
    tpu.enqueue_dma source(%dma_start3A_241 : memref<8x128xi32, #tpu.memory_space<hbm>>) target(%dma_start3A_239 : memref<8x128xi32, #tpu.memory_space<vmem>>) target_semaphore(%arg13 : memref<!tpu.dma_semaphore, #tpu.memory_space<semaphore_mem>>)
    %mul3A_242 = arith.constant 32 : i32
    %mul3A_243 = arith.muli %mul3A_242, %add3A : i32
    %add3A_244 = arith.constant 15360 : i32
    %add3A_245 = arith.addi %add3A_244, %mul3A_243 : i32
    %add3A_246 = arith.constant 0 : i32
    %add3A_247 = arith.addi %add3A_245, %add3A_246 : i32
    %dma_start3A_248 = arith.constant 120 : i32
    %dma_start3A_249 = arith.constant 0 : i32
    %dma_start3A_250 = tpu.memref_slice %arg8[%dma_start3A_248, %dma_start3A_249] : memref<200x128xi32, #tpu.memory_space<vmem>> -> memref<8x128xi32, #tpu.memory_space<vmem>>
    %dma_start3A_251 = arith.constant 0 : i32
    %dma_start3A_252 = tpu.memref_slice %arg3[%add3A_247, %dma_start3A_251] : memref<25600x128xi32, #tpu.memory_space<hbm>> -> memref<8x128xi32, #tpu.memory_space<hbm>>
    %dma_start3A_253 = arith.constant 120 : i32
    %dma_start3A_254 = arith.constant 0 : i32
    %dma_start3A_255 = tpu.memref_slice %arg8[%dma_start3A_253, %dma_start3A_254] : memref<200x128xi32, #tpu.memory_space<vmem>> -> memref<8x128xi32, #tpu.memory_space<vmem>>
    %dma_start3A_256 = arith.constant 0 : i32
    %dma_start3A_257 = tpu.memref_slice %arg3[%add3A_247, %dma_start3A_256] : memref<25600x128xi32, #tpu.memory_space<hbm>> -> memref<8x128xi32, #tpu.memory_space<hbm>>
    tpu.enqueue_dma source(%dma_start3A_257 : memref<8x128xi32, #tpu.memory_space<hbm>>) target(%dma_start3A_255 : memref<8x128xi32, #tpu.memory_space<vmem>>) target_semaphore(%arg13 : memref<!tpu.dma_semaphore, #tpu.memory_space<semaphore_mem>>)
    %mul3A_258 = arith.constant 32 : i32
    %mul3A_259 = arith.muli %mul3A_258, %add3A : i32
    %add3A_260 = arith.constant 16384 : i32
    %add3A_261 = arith.addi %add3A_260, %mul3A_259 : i32
    %add3A_262 = arith.constant 0 : i32
    %add3A_263 = arith.addi %add3A_261, %add3A_262 : i32
    %dma_start3A_264 = arith.constant 128 : i32
    %dma_start3A_265 = arith.constant 0 : i32
    %dma_start3A_266 = tpu.memref_slice %arg8[%dma_start3A_264, %dma_start3A_265] : memref<200x128xi32, #tpu.memory_space<vmem>> -> memref<8x128xi32, #tpu.memory_space<vmem>>
    %dma_start3A_267 = arith.constant 0 : i32
    %dma_start3A_268 = tpu.memref_slice %arg3[%add3A_263, %dma_start3A_267] : memref<25600x128xi32, #tpu.memory_space<hbm>> -> memref<8x128xi32, #tpu.memory_space<hbm>>
    %dma_start3A_269 = arith.constant 128 : i32
    %dma_start3A_270 = arith.constant 0 : i32
    %dma_start3A_271 = tpu.memref_slice %arg8[%dma_start3A_269, %dma_start3A_270] : memref<200x128xi32, #tpu.memory_space<vmem>> -> memref<8x128xi32, #tpu.memory_space<vmem>>
    %dma_start3A_272 = arith.constant 0 : i32
    %dma_start3A_273 = tpu.memref_slice %arg3[%add3A_263, %dma_start3A_272] : memref<25600x128xi32, #tpu.memory_space<hbm>> -> memref<8x128xi32, #tpu.memory_space<hbm>>
    tpu.enqueue_dma source(%dma_start3A_273 : memref<8x128xi32, #tpu.memory_space<hbm>>) target(%dma_start3A_271 : memref<8x128xi32, #tpu.memory_space<vmem>>) target_semaphore(%arg13 : memref<!tpu.dma_semaphore, #tpu.memory_space<semaphore_mem>>)
    %mul3A_274 = arith.constant 32 : i32
    %mul3A_275 = arith.muli %mul3A_274, %add3A : i32
    %add3A_276 = arith.constant 17408 : i32
    %add3A_277 = arith.addi %add3A_276, %mul3A_275 : i32
    %add3A_278 = arith.constant 0 : i32
    %add3A_279 = arith.addi %add3A_277, %add3A_278 : i32
    %dma_start3A_280 = arith.constant 136 : i32
    %dma_start3A_281 = arith.constant 0 : i32
    %dma_start3A_282 = tpu.memref_slice %arg8[%dma_start3A_280, %dma_start3A_281] : memref<200x128xi32, #tpu.memory_space<vmem>> -> memref<8x128xi32, #tpu.memory_space<vmem>>
    %dma_start3A_283 = arith.constant 0 : i32
    %dma_start3A_284 = tpu.memref_slice %arg3[%add3A_279, %dma_start3A_283] : memref<25600x128xi32, #tpu.memory_space<hbm>> -> memref<8x128xi32, #tpu.memory_space<hbm>>
    %dma_start3A_285 = arith.constant 136 : i32
    %dma_start3A_286 = arith.constant 0 : i32
    %dma_start3A_287 = tpu.memref_slice %arg8[%dma_start3A_285, %dma_start3A_286] : memref<200x128xi32, #tpu.memory_space<vmem>> -> memref<8x128xi32, #tpu.memory_space<vmem>>
    %dma_start3A_288 = arith.constant 0 : i32
    %dma_start3A_289 = tpu.memref_slice %arg3[%add3A_279, %dma_start3A_288] : memref<25600x128xi32, #tpu.memory_space<hbm>> -> memref<8x128xi32, #tpu.memory_space<hbm>>
    tpu.enqueue_dma source(%dma_start3A_289 : memref<8x128xi32, #tpu.memory_space<hbm>>) target(%dma_start3A_287 : memref<8x128xi32, #tpu.memory_space<vmem>>) target_semaphore(%arg13 : memref<!tpu.dma_semaphore, #tpu.memory_space<semaphore_mem>>)
    %mul3A_290 = arith.constant 32 : i32
    %mul3A_291 = arith.muli %mul3A_290, %add3A : i32
    %add3A_292 = arith.constant 18432 : i32
    %add3A_293 = arith.addi %add3A_292, %mul3A_291 : i32
    %add3A_294 = arith.constant 0 : i32
    %add3A_295 = arith.addi %add3A_293, %add3A_294 : i32
    %dma_start3A_296 = arith.constant 144 : i32
    %dma_start3A_297 = arith.constant 0 : i32
    %dma_start3A_298 = tpu.memref_slice %arg8[%dma_start3A_296, %dma_start3A_297] : memref<200x128xi32, #tpu.memory_space<vmem>> -> memref<8x128xi32, #tpu.memory_space<vmem>>
    %dma_start3A_299 = arith.constant 0 : i32
    %dma_start3A_300 = tpu.memref_slice %arg3[%add3A_295, %dma_start3A_299] : memref<25600x128xi32, #tpu.memory_space<hbm>> -> memref<8x128xi32, #tpu.memory_space<hbm>>
    %dma_start3A_301 = arith.constant 144 : i32
    %dma_start3A_302 = arith.constant 0 : i32
    %dma_start3A_303 = tpu.memref_slice %arg8[%dma_start3A_301, %dma_start3A_302] : memref<200x128xi32, #tpu.memory_space<vmem>> -> memref<8x128xi32, #tpu.memory_space<vmem>>
    %dma_start3A_304 = arith.constant 0 : i32
    %dma_start3A_305 = tpu.memref_slice %arg3[%add3A_295, %dma_start3A_304] : memref<25600x128xi32, #tpu.memory_space<hbm>> -> memref<8x128xi32, #tpu.memory_space<hbm>>
    tpu.enqueue_dma source(%dma_start3A_305 : memref<8x128xi32, #tpu.memory_space<hbm>>) target(%dma_start3A_303 : memref<8x128xi32, #tpu.memory_space<vmem>>) target_semaphore(%arg13 : memref<!tpu.dma_semaphore, #tpu.memory_space<semaphore_mem>>)
    %mul3A_306 = arith.constant 32 : i32
    %mul3A_307 = arith.muli %mul3A_306, %add3A : i32
    %add3A_308 = arith.constant 19456 : i32
    %add3A_309 = arith.addi %add3A_308, %mul3A_307 : i32
    %add3A_310 = arith.constant 0 : i32
    %add3A_311 = arith.addi %add3A_309, %add3A_310 : i32
    %dma_start3A_312 = arith.constant 152 : i32
    %dma_start3A_313 = arith.constant 0 : i32
    %dma_start3A_314 = tpu.memref_slice %arg8[%dma_start3A_312, %dma_start3A_313] : memref<200x128xi32, #tpu.memory_space<vmem>> -> memref<8x128xi32, #tpu.memory_space<vmem>>
    %dma_start3A_315 = arith.constant 0 : i32
    %dma_start3A_316 = tpu.memref_slice %arg3[%add3A_311, %dma_start3A_315] : memref<25600x128xi32, #tpu.memory_space<hbm>> -> memref<8x128xi32, #tpu.memory_space<hbm>>
    %dma_start3A_317 = arith.constant 152 : i32
    %dma_start3A_318 = arith.constant 0 : i32
    %dma_start3A_319 = tpu.memref_slice %arg8[%dma_start3A_317, %dma_start3A_318] : memref<200x128xi32, #tpu.memory_space<vmem>> -> memref<8x128xi32, #tpu.memory_space<vmem>>
    %dma_start3A_320 = arith.constant 0 : i32
    %dma_start3A_321 = tpu.memref_slice %arg3[%add3A_311, %dma_start3A_320] : memref<25600x128xi32, #tpu.memory_space<hbm>> -> memref<8x128xi32, #tpu.memory_space<hbm>>
    tpu.enqueue_dma source(%dma_start3A_321 : memref<8x128xi32, #tpu.memory_space<hbm>>) target(%dma_start3A_319 : memref<8x128xi32, #tpu.memory_space<vmem>>) target_semaphore(%arg13 : memref<!tpu.dma_semaphore, #tpu.memory_space<semaphore_mem>>)
    %mul3A_322 = arith.constant 32 : i32
    %mul3A_323 = arith.muli %mul3A_322, %add3A : i32
    %add3A_324 = arith.constant 20480 : i32
    %add3A_325 = arith.addi %add3A_324, %mul3A_323 : i32
    %add3A_326 = arith.constant 0 : i32
    %add3A_327 = arith.addi %add3A_325, %add3A_326 : i32
    %dma_start3A_328 = arith.constant 160 : i32
    %dma_start3A_329 = arith.constant 0 : i32
    %dma_start3A_330 = tpu.memref_slice %arg8[%dma_start3A_328, %dma_start3A_329] : memref<200x128xi32, #tpu.memory_space<vmem>> -> memref<8x128xi32, #tpu.memory_space<vmem>>
    %dma_start3A_331 = arith.constant 0 : i32
    %dma_start3A_332 = tpu.memref_slice %arg3[%add3A_327, %dma_start3A_331] : memref<25600x128xi32, #tpu.memory_space<hbm>> -> memref<8x128xi32, #tpu.memory_space<hbm>>
    %dma_start3A_333 = arith.constant 160 : i32
    %dma_start3A_334 = arith.constant 0 : i32
    %dma_start3A_335 = tpu.memref_slice %arg8[%dma_start3A_333, %dma_start3A_334] : memref<200x128xi32, #tpu.memory_space<vmem>> -> memref<8x128xi32, #tpu.memory_space<vmem>>
    %dma_start3A_336 = arith.constant 0 : i32
    %dma_start3A_337 = tpu.memref_slice %arg3[%add3A_327, %dma_start3A_336] : memref<25600x128xi32, #tpu.memory_space<hbm>> -> memref<8x128xi32, #tpu.memory_space<hbm>>
    tpu.enqueue_dma source(%dma_start3A_337 : memref<8x128xi32, #tpu.memory_space<hbm>>) target(%dma_start3A_335 : memref<8x128xi32, #tpu.memory_space<vmem>>) target_semaphore(%arg13 : memref<!tpu.dma_semaphore, #tpu.memory_space<semaphore_mem>>)
    %mul3A_338 = arith.constant 32 : i32
    %mul3A_339 = arith.muli %mul3A_338, %add3A : i32
    %add3A_340 = arith.constant 21504 : i32
    %add3A_341 = arith.addi %add3A_340, %mul3A_339 : i32
    %add3A_342 = arith.constant 0 : i32
    %add3A_343 = arith.addi %add3A_341, %add3A_342 : i32
    %dma_start3A_344 = arith.constant 168 : i32
    %dma_start3A_345 = arith.constant 0 : i32
    %dma_start3A_346 = tpu.memref_slice %arg8[%dma_start3A_344, %dma_start3A_345] : memref<200x128xi32, #tpu.memory_space<vmem>> -> memref<8x128xi32, #tpu.memory_space<vmem>>
    %dma_start3A_347 = arith.constant 0 : i32
    %dma_start3A_348 = tpu.memref_slice %arg3[%add3A_343, %dma_start3A_347] : memref<25600x128xi32, #tpu.memory_space<hbm>> -> memref<8x128xi32, #tpu.memory_space<hbm>>
    %dma_start3A_349 = arith.constant 168 : i32
    %dma_start3A_350 = arith.constant 0 : i32
    %dma_start3A_351 = tpu.memref_slice %arg8[%dma_start3A_349, %dma_start3A_350] : memref<200x128xi32, #tpu.memory_space<vmem>> -> memref<8x128xi32, #tpu.memory_space<vmem>>
    %dma_start3A_352 = arith.constant 0 : i32
    %dma_start3A_353 = tpu.memref_slice %arg3[%add3A_343, %dma_start3A_352] : memref<25600x128xi32, #tpu.memory_space<hbm>> -> memref<8x128xi32, #tpu.memory_space<hbm>>
    tpu.enqueue_dma source(%dma_start3A_353 : memref<8x128xi32, #tpu.memory_space<hbm>>) target(%dma_start3A_351 : memref<8x128xi32, #tpu.memory_space<vmem>>) target_semaphore(%arg13 : memref<!tpu.dma_semaphore, #tpu.memory_space<semaphore_mem>>)
    %mul3A_354 = arith.constant 32 : i32
    %mul3A_355 = arith.muli %mul3A_354, %add3A : i32
    %add3A_356 = arith.constant 22528 : i32
    %add3A_357 = arith.addi %add3A_356, %mul3A_355 : i32
    %add3A_358 = arith.constant 0 : i32
    %add3A_359 = arith.addi %add3A_357, %add3A_358 : i32
    %dma_start3A_360 = arith.constant 176 : i32
    %dma_start3A_361 = arith.constant 0 : i32
    %dma_start3A_362 = tpu.memref_slice %arg8[%dma_start3A_360, %dma_start3A_361] : memref<200x128xi32, #tpu.memory_space<vmem>> -> memref<8x128xi32, #tpu.memory_space<vmem>>
    %dma_start3A_363 = arith.constant 0 : i32
    %dma_start3A_364 = tpu.memref_slice %arg3[%add3A_359, %dma_start3A_363] : memref<25600x128xi32, #tpu.memory_space<hbm>> -> memref<8x128xi32, #tpu.memory_space<hbm>>
    %dma_start3A_365 = arith.constant 176 : i32
    %dma_start3A_366 = arith.constant 0 : i32
    %dma_start3A_367 = tpu.memref_slice %arg8[%dma_start3A_365, %dma_start3A_366] : memref<200x128xi32, #tpu.memory_space<vmem>> -> memref<8x128xi32, #tpu.memory_space<vmem>>
    %dma_start3A_368 = arith.constant 0 : i32
    %dma_start3A_369 = tpu.memref_slice %arg3[%add3A_359, %dma_start3A_368] : memref<25600x128xi32, #tpu.memory_space<hbm>> -> memref<8x128xi32, #tpu.memory_space<hbm>>
    tpu.enqueue_dma source(%dma_start3A_369 : memref<8x128xi32, #tpu.memory_space<hbm>>) target(%dma_start3A_367 : memref<8x128xi32, #tpu.memory_space<vmem>>) target_semaphore(%arg13 : memref<!tpu.dma_semaphore, #tpu.memory_space<semaphore_mem>>)
    %mul3A_370 = arith.constant 32 : i32
    %mul3A_371 = arith.muli %mul3A_370, %add3A : i32
    %add3A_372 = arith.constant 23552 : i32
    %add3A_373 = arith.addi %add3A_372, %mul3A_371 : i32
    %add3A_374 = arith.constant 0 : i32
    %add3A_375 = arith.addi %add3A_373, %add3A_374 : i32
    %dma_start3A_376 = arith.constant 184 : i32
    %dma_start3A_377 = arith.constant 0 : i32
    %dma_start3A_378 = tpu.memref_slice %arg8[%dma_start3A_376, %dma_start3A_377] : memref<200x128xi32, #tpu.memory_space<vmem>> -> memref<8x128xi32, #tpu.memory_space<vmem>>
    %dma_start3A_379 = arith.constant 0 : i32
    %dma_start3A_380 = tpu.memref_slice %arg3[%add3A_375, %dma_start3A_379] : memref<25600x128xi32, #tpu.memory_space<hbm>> -> memref<8x128xi32, #tpu.memory_space<hbm>>
    %dma_start3A_381 = arith.constant 184 : i32
    %dma_start3A_382 = arith.constant 0 : i32
    %dma_start3A_383 = tpu.memref_slice %arg8[%dma_start3A_381, %dma_start3A_382] : memref<200x128xi32, #tpu.memory_space<vmem>> -> memref<8x128xi32, #tpu.memory_space<vmem>>
    %dma_start3A_384 = arith.constant 0 : i32
    %dma_start3A_385 = tpu.memref_slice %arg3[%add3A_375, %dma_start3A_384] : memref<25600x128xi32, #tpu.memory_space<hbm>> -> memref<8x128xi32, #tpu.memory_space<hbm>>
    tpu.enqueue_dma source(%dma_start3A_385 : memref<8x128xi32, #tpu.memory_space<hbm>>) target(%dma_start3A_383 : memref<8x128xi32, #tpu.memory_space<vmem>>) target_semaphore(%arg13 : memref<!tpu.dma_semaphore, #tpu.memory_space<semaphore_mem>>)
    %mul3A_386 = arith.constant 32 : i32
    %mul3A_387 = arith.muli %mul3A_386, %add3A : i32
    %add3A_388 = arith.constant 24576 : i32
    %add3A_389 = arith.addi %add3A_388, %mul3A_387 : i32
    %add3A_390 = arith.constant 0 : i32
    %add3A_391 = arith.addi %add3A_389, %add3A_390 : i32
    %dma_start3A_392 = arith.constant 192 : i32
    %dma_start3A_393 = arith.constant 0 : i32
    %dma_start3A_394 = tpu.memref_slice %arg8[%dma_start3A_392, %dma_start3A_393] : memref<200x128xi32, #tpu.memory_space<vmem>> -> memref<8x128xi32, #tpu.memory_space<vmem>>
    %dma_start3A_395 = arith.constant 0 : i32
    %dma_start3A_396 = tpu.memref_slice %arg3[%add3A_391, %dma_start3A_395] : memref<25600x128xi32, #tpu.memory_space<hbm>> -> memref<8x128xi32, #tpu.memory_space<hbm>>
    %dma_start3A_397 = arith.constant 192 : i32
    %dma_start3A_398 = arith.constant 0 : i32
    %dma_start3A_399 = tpu.memref_slice %arg8[%dma_start3A_397, %dma_start3A_398] : memref<200x128xi32, #tpu.memory_space<vmem>> -> memref<8x128xi32, #tpu.memory_space<vmem>>
    %dma_start3A_400 = arith.constant 0 : i32
    %dma_start3A_401 = tpu.memref_slice %arg3[%add3A_391, %dma_start3A_400] : memref<25600x128xi32, #tpu.memory_space<hbm>> -> memref<8x128xi32, #tpu.memory_space<hbm>>
    tpu.enqueue_dma source(%dma_start3A_401 : memref<8x128xi32, #tpu.memory_space<hbm>>) target(%dma_start3A_399 : memref<8x128xi32, #tpu.memory_space<vmem>>) target_semaphore(%arg13 : memref<!tpu.dma_semaphore, #tpu.memory_space<semaphore_mem>>)
    "tpu.region"() ({
      %run_scoped3A = tpu.sem_alloc : memref<!tpu.dma_semaphore, #tpu.memory_space<semaphore_mem>>
      tpu.enqueue_dma source(%arg2 : memref<7808xf32, #tpu.memory_space<hbm>>) target(%arg7 : memref<7808xf32, #tpu.memory_space<vmem>>) target_semaphore(%run_scoped3A : memref<!tpu.dma_semaphore, #tpu.memory_space<semaphore_mem>>)
      tpu.wait_dma2 semaphore(%run_scoped3A : memref<!tpu.dma_semaphore, #tpu.memory_space<semaphore_mem>>) src(%arg2 : memref<7808xf32, #tpu.memory_space<hbm>>) dst(%arg7 : memref<7808xf32, #tpu.memory_space<vmem>>)
      tpu.yield
    }) : () -> ()
    "tpu.region"() ({
      %run_scoped3A = tpu.sem_alloc : memref<!tpu.dma_semaphore, #tpu.memory_space<semaphore_mem>>
      %dma_start3A_2628 = tpu.memref_slice %arg4[%mul3A_2] : memref<16384xf32, #tpu.memory_space<hbm>> -> memref<512xf32, #tpu.memory_space<hbm>>
      %dma_start3A_2629 = tpu.memref_slice %arg4[%mul3A_2] : memref<16384xf32, #tpu.memory_space<hbm>> -> memref<512xf32, #tpu.memory_space<hbm>>
      tpu.enqueue_dma source(%dma_start3A_2629 : memref<512xf32, #tpu.memory_space<hbm>>) target(%arg10 : memref<512xf32, #tpu.memory_space<vmem>>) target_semaphore(%run_scoped3A : memref<!tpu.dma_semaphore, #tpu.memory_space<semaphore_mem>>)
      %dma_wait3A_2630 = tpu.memref_slice %arg4[%mul3A_2] : memref<16384xf32, #tpu.memory_space<hbm>> -> memref<512xf32, #tpu.memory_space<hbm>>
      %dma_wait3A_2631 = tpu.memref_slice %arg4[%mul3A_2] : memref<16384xf32, #tpu.memory_space<hbm>> -> memref<512xf32, #tpu.memory_space<hbm>>
      tpu.wait_dma2 semaphore(%run_scoped3A : memref<!tpu.dma_semaphore, #tpu.memory_space<semaphore_mem>>) src(%dma_wait3A_2631 : memref<512xf32, #tpu.memory_space<hbm>>) dst(%arg10 : memref<512xf32, #tpu.memory_space<vmem>>)
      tpu.yield
    }) : () -> ()
    "tpu.region"() ({
      %run_scoped3A = tpu.sem_alloc : memref<!tpu.dma_semaphore, #tpu.memory_space<semaphore_mem>>
      tpu.enqueue_dma source(%arg5 : memref<16xf32, #tpu.memory_space<hbm>>) target(%arg11 : memref<16xf32, #tpu.memory_space<vmem>>) target_semaphore(%run_scoped3A : memref<!tpu.dma_semaphore, #tpu.memory_space<semaphore_mem>>)
      tpu.wait_dma2 semaphore(%run_scoped3A : memref<!tpu.dma_semaphore, #tpu.memory_space<semaphore_mem>>) src(%arg5 : memref<16xf32, #tpu.memory_space<hbm>>) dst(%arg11 : memref<16xf32, #tpu.memory_space<vmem>>)
      tpu.yield
    }) : () -> ()
    %iota3A = tpu.iota {dimensions = array<i32: 0>} : vector<16xi32>
    %get3A = arith.constant 0 : index
    %get3A_402 = tpu.vector_load %arg11[%get3A] {strides = array<i32>} : memref<16xf32, #tpu.memory_space<vmem>>, vector<16xf32>,
    %broadcast_in_dim3A = arith.constant 0.000000e+00 : f32
    %broadcast_in_dim3A_403 = vector.broadcast %broadcast_in_dim3A : f32 to vector<16xf32>
    %broadcast_in_dim3A_404 = arith.constant 0 : i32
    %broadcast_in_dim3A_405 = vector.broadcast %broadcast_in_dim3A_404 : i32 to vector<16xi32>
    %dma_wait3A = arith.constant 0 : i32
    %dma_wait3A_406 = arith.constant 0 : i32
    %dma_wait3A_407 = tpu.memref_slice %arg8[%dma_wait3A, %dma_wait3A_406] : memref<200x128xi32, #tpu.memory_space<vmem>> -> memref<8x128xi32, #tpu.memory_space<vmem>>
    %dma_wait3A_408 = arith.constant 0 : i32
    %dma_wait3A_409 = tpu.memref_slice %arg3[%add3A_8, %dma_wait3A_408] : memref<25600x128xi32, #tpu.memory_space<hbm>> -> memref<8x128xi32, #tpu.memory_space<hbm>>
    %dma_wait3A_410 = arith.constant 0 : i32
    %dma_wait3A_411 = arith.constant 0 : i32
    %dma_wait3A_412 = tpu.memref_slice %arg8[%dma_wait3A_410, %dma_wait3A_411] : memref<200x128xi32, #tpu.memory_space<vmem>> -> memref<8x128xi32, #tpu.memory_space<vmem>>
    %dma_wait3A_413 = arith.constant 0 : i32
    %dma_wait3A_414 = tpu.memref_slice %arg3[%add3A_8, %dma_wait3A_413] : memref<25600x128xi32, #tpu.memory_space<hbm>> -> memref<8x128xi32, #tpu.memory_space<hbm>>
    tpu.wait_dma2 semaphore(%arg13 : memref<!tpu.dma_semaphore, #tpu.memory_space<semaphore_mem>>) src(%dma_wait3A_414 : memref<8x128xi32, #tpu.memory_space<hbm>>) dst(%dma_wait3A_412 : memref<8x128xi32, #tpu.memory_space<vmem>>)
    %dma_wait3A_415 = arith.constant 8 : i32
    %dma_wait3A_416 = arith.constant 0 : i32
    %dma_wait3A_417 = tpu.memref_slice %arg8[%dma_wait3A_415, %dma_wait3A_416] : memref<200x128xi32, #tpu.memory_space<vmem>> -> memref<8x128xi32, #tpu.memory_space<vmem>>
    %dma_wait3A_418 = arith.constant 0 : i32
    %dma_wait3A_419 = tpu.memref_slice %arg3[%add3A_23, %dma_wait3A_418] : memref<25600x128xi32, #tpu.memory_space<hbm>> -> memref<8x128xi32, #tpu.memory_space<hbm>>
    %dma_wait3A_420 = arith.constant 8 : i32
    %dma_wait3A_421 = arith.constant 0 : i32
    %dma_wait3A_422 = tpu.memref_slice %arg8[%dma_wait3A_420, %dma_wait3A_421] : memref<200x128xi32, #tpu.memory_space<vmem>> -> memref<8x128xi32, #tpu.memory_space<vmem>>
    %dma_wait3A_423 = arith.constant 0 : i32
    %dma_wait3A_424 = tpu.memref_slice %arg3[%add3A_23, %dma_wait3A_423] : memref<25600x128xi32, #tpu.memory_space<hbm>> -> memref<8x128xi32, #tpu.memory_space<hbm>>
    tpu.wait_dma2 semaphore(%arg13 : memref<!tpu.dma_semaphore, #tpu.memory_space<semaphore_mem>>) src(%dma_wait3A_424 : memref<8x128xi32, #tpu.memory_space<hbm>>) dst(%dma_wait3A_422 : memref<8x128xi32, #tpu.memory_space<vmem>>)
    %dma_wait3A_425 = arith.constant 16 : i32
    %dma_wait3A_426 = arith.constant 0 : i32
    %dma_wait3A_427 = tpu.memref_slice %arg8[%dma_wait3A_425, %dma_wait3A_426] : memref<200x128xi32, #tpu.memory_space<vmem>> -> memref<8x128xi32, #tpu.memory_space<vmem>>
    %dma_wait3A_428 = arith.constant 0 : i32
    %dma_wait3A_429 = tpu.memref_slice %arg3[%add3A_39, %dma_wait3A_428] : memref<25600x128xi32, #tpu.memory_space<hbm>> -> memref<8x128xi32, #tpu.memory_space<hbm>>
    %dma_wait3A_430 = arith.constant 16 : i32
    %dma_wait3A_431 = arith.constant 0 : i32
    %dma_wait3A_432 = tpu.memref_slice %arg8[%dma_wait3A_430, %dma_wait3A_431] : memref<200x128xi32, #tpu.memory_space<vmem>> -> memref<8x128xi32, #tpu.memory_space<vmem>>
    %dma_wait3A_433 = arith.constant 0 : i32
    %dma_wait3A_434 = tpu.memref_slice %arg3[%add3A_39, %dma_wait3A_433] : memref<25600x128xi32, #tpu.memory_space<hbm>> -> memref<8x128xi32, #tpu.memory_space<hbm>>
    tpu.wait_dma2 semaphore(%arg13 : memref<!tpu.dma_semaphore, #tpu.memory_space<semaphore_mem>>) src(%dma_wait3A_434 : memref<8x128xi32, #tpu.memory_space<hbm>>) dst(%dma_wait3A_432 : memref<8x128xi32, #tpu.memory_space<vmem>>)
    %dma_wait3A_435 = arith.constant 24 : i32
    %dma_wait3A_436 = arith.constant 0 : i32
    %dma_wait3A_437 = tpu.memref_slice %arg8[%dma_wait3A_435, %dma_wait3A_436] : memref<200x128xi32, #tpu.memory_space<vmem>> -> memref<8x128xi32, #tpu.memory_space<vmem>>
    %dma_wait3A_438 = arith.constant 0 : i32
    %dma_wait3A_439 = tpu.memref_slice %arg3[%add3A_55, %dma_wait3A_438] : memref<25600x128xi32, #tpu.memory_space<hbm>> -> memref<8x128xi32, #tpu.memory_space<hbm>>
    %dma_wait3A_440 = arith.constant 24 : i32
    %dma_wait3A_441 = arith.constant 0 : i32
    %dma_wait3A_442 = tpu.memref_slice %arg8[%dma_wait3A_440, %dma_wait3A_441] : memref<200x128xi32, #tpu.memory_space<vmem>> -> memref<8x128xi32, #tpu.memory_space<vmem>>
    %dma_wait3A_443 = arith.constant 0 : i32
    %dma_wait3A_444 = tpu.memref_slice %arg3[%add3A_55, %dma_wait3A_443] : memref<25600x128xi32, #tpu.memory_space<hbm>> -> memref<8x128xi32, #tpu.memory_space<hbm>>
    tpu.wait_dma2 semaphore(%arg13 : memref<!tpu.dma_semaphore, #tpu.memory_space<semaphore_mem>>) src(%dma_wait3A_444 : memref<8x128xi32, #tpu.memory_space<hbm>>) dst(%dma_wait3A_442 : memref<8x128xi32, #tpu.memory_space<vmem>>)
    %dma_wait3A_445 = arith.constant 32 : i32
    %dma_wait3A_446 = arith.constant 0 : i32
    %dma_wait3A_447 = tpu.memref_slice %arg8[%dma_wait3A_445, %dma_wait3A_446] : memref<200x128xi32, #tpu.memory_space<vmem>> -> memref<8x128xi32, #tpu.memory_space<vmem>>
    %dma_wait3A_448 = arith.constant 0 : i32
    %dma_wait3A_449 = tpu.memref_slice %arg3[%add3A_71, %dma_wait3A_448] : memref<25600x128xi32, #tpu.memory_space<hbm>> -> memref<8x128xi32, #tpu.memory_space<hbm>>
    %dma_wait3A_450 = arith.constant 32 : i32
    %dma_wait3A_451 = arith.constant 0 : i32
    %dma_wait3A_452 = tpu.memref_slice %arg8[%dma_wait3A_450, %dma_wait3A_451] : memref<200x128xi32, #tpu.memory_space<vmem>> -> memref<8x128xi32, #tpu.memory_space<vmem>>
    %dma_wait3A_453 = arith.constant 0 : i32
    %dma_wait3A_454 = tpu.memref_slice %arg3[%add3A_71, %dma_wait3A_453] : memref<25600x128xi32, #tpu.memory_space<hbm>> -> memref<8x128xi32, #tpu.memory_space<hbm>>
    tpu.wait_dma2 semaphore(%arg13 : memref<!tpu.dma_semaphore, #tpu.memory_space<semaphore_mem>>) src(%dma_wait3A_454 : memref<8x128xi32, #tpu.memory_space<hbm>>) dst(%dma_wait3A_452 : memref<8x128xi32, #tpu.memory_space<vmem>>)
    %dma_wait3A_455 = arith.constant 40 : i32
    %dma_wait3A_456 = arith.constant 0 : i32
    %dma_wait3A_457 = tpu.memref_slice %arg8[%dma_wait3A_455, %dma_wait3A_456] : memref<200x128xi32, #tpu.memory_space<vmem>> -> memref<8x128xi32, #tpu.memory_space<vmem>>
    %dma_wait3A_458 = arith.constant 0 : i32
    %dma_wait3A_459 = tpu.memref_slice %arg3[%add3A_87, %dma_wait3A_458] : memref<25600x128xi32, #tpu.memory_space<hbm>> -> memref<8x128xi32, #tpu.memory_space<hbm>>
    %dma_wait3A_460 = arith.constant 40 : i32
    %dma_wait3A_461 = arith.constant 0 : i32
    %dma_wait3A_462 = tpu.memref_slice %arg8[%dma_wait3A_460, %dma_wait3A_461] : memref<200x128xi32, #tpu.memory_space<vmem>> -> memref<8x128xi32, #tpu.memory_space<vmem>>
    %dma_wait3A_463 = arith.constant 0 : i32
    %dma_wait3A_464 = tpu.memref_slice %arg3[%add3A_87, %dma_wait3A_463] : memref<25600x128xi32, #tpu.memory_space<hbm>> -> memref<8x128xi32, #tpu.memory_space<hbm>>
    tpu.wait_dma2 semaphore(%arg13 : memref<!tpu.dma_semaphore, #tpu.memory_space<semaphore_mem>>) src(%dma_wait3A_464 : memref<8x128xi32, #tpu.memory_space<hbm>>) dst(%dma_wait3A_462 : memref<8x128xi32, #tpu.memory_space<vmem>>)
    %dma_wait3A_465 = arith.constant 48 : i32
    %dma_wait3A_466 = arith.constant 0 : i32
    %dma_wait3A_467 = tpu.memref_slice %arg8[%dma_wait3A_465, %dma_wait3A_466] : memref<200x128xi32, #tpu.memory_space<vmem>> -> memref<8x128xi32, #tpu.memory_space<vmem>>
    %dma_wait3A_468 = arith.constant 0 : i32
    %dma_wait3A_469 = tpu.memref_slice %arg3[%add3A_103, %dma_wait3A_468] : memref<25600x128xi32, #tpu.memory_space<hbm>> -> memref<8x128xi32, #tpu.memory_space<hbm>>
    %dma_wait3A_470 = arith.constant 48 : i32
    %dma_wait3A_471 = arith.constant 0 : i32
    %dma_wait3A_472 = tpu.memref_slice %arg8[%dma_wait3A_470, %dma_wait3A_471] : memref<200x128xi32, #tpu.memory_space<vmem>> -> memref<8x128xi32, #tpu.memory_space<vmem>>
    %dma_wait3A_473 = arith.constant 0 : i32
    %dma_wait3A_474 = tpu.memref_slice %arg3[%add3A_103, %dma_wait3A_473] : memref<25600x128xi32, #tpu.memory_space<hbm>> -> memref<8x128xi32, #tpu.memory_space<hbm>>
    tpu.wait_dma2 semaphore(%arg13 : memref<!tpu.dma_semaphore, #tpu.memory_space<semaphore_mem>>) src(%dma_wait3A_474 : memref<8x128xi32, #tpu.memory_space<hbm>>) dst(%dma_wait3A_472 : memref<8x128xi32, #tpu.memory_space<vmem>>)
    %dma_wait3A_475 = arith.constant 56 : i32
    %dma_wait3A_476 = arith.constant 0 : i32
    %dma_wait3A_477 = tpu.memref_slice %arg8[%dma_wait3A_475, %dma_wait3A_476] : memref<200x128xi32, #tpu.memory_space<vmem>> -> memref<8x128xi32, #tpu.memory_space<vmem>>
    %dma_wait3A_478 = arith.constant 0 : i32
    %dma_wait3A_479 = tpu.memref_slice %arg3[%add3A_119, %dma_wait3A_478] : memref<25600x128xi32, #tpu.memory_space<hbm>> -> memref<8x128xi32, #tpu.memory_space<hbm>>
    %dma_wait3A_480 = arith.constant 56 : i32
    %dma_wait3A_481 = arith.constant 0 : i32
    %dma_wait3A_482 = tpu.memref_slice %arg8[%dma_wait3A_480, %dma_wait3A_481] : memref<200x128xi32, #tpu.memory_space<vmem>> -> memref<8x128xi32, #tpu.memory_space<vmem>>
    %dma_wait3A_483 = arith.constant 0 : i32
    %dma_wait3A_484 = tpu.memref_slice %arg3[%add3A_119, %dma_wait3A_483] : memref<25600x128xi32, #tpu.memory_space<hbm>> -> memref<8x128xi32, #tpu.memory_space<hbm>>
    tpu.wait_dma2 semaphore(%arg13 : memref<!tpu.dma_semaphore, #tpu.memory_space<semaphore_mem>>) src(%dma_wait3A_484 : memref<8x128xi32, #tpu.memory_space<hbm>>) dst(%dma_wait3A_482 : memref<8x128xi32, #tpu.memory_space<vmem>>)
    %dma_wait3A_485 = arith.constant 64 : i32
    %dma_wait3A_486 = arith.constant 0 : i32
    %dma_wait3A_487 = tpu.memref_slice %arg8[%dma_wait3A_485, %dma_wait3A_486] : memref<200x128xi32, #tpu.memory_space<vmem>> -> memref<8x128xi32, #tpu.memory_space<vmem>>
    %dma_wait3A_488 = arith.constant 0 : i32
    %dma_wait3A_489 = tpu.memref_slice %arg3[%add3A_135, %dma_wait3A_488] : memref<25600x128xi32, #tpu.memory_space<hbm>> -> memref<8x128xi32, #tpu.memory_space<hbm>>
    %dma_wait3A_490 = arith.constant 64 : i32
    %dma_wait3A_491 = arith.constant 0 : i32
    %dma_wait3A_492 = tpu.memref_slice %arg8[%dma_wait3A_490, %dma_wait3A_491] : memref<200x128xi32, #tpu.memory_space<vmem>> -> memref<8x128xi32, #tpu.memory_space<vmem>>
    %dma_wait3A_493 = arith.constant 0 : i32
    %dma_wait3A_494 = tpu.memref_slice %arg3[%add3A_135, %dma_wait3A_493] : memref<25600x128xi32, #tpu.memory_space<hbm>> -> memref<8x128xi32, #tpu.memory_space<hbm>>
    tpu.wait_dma2 semaphore(%arg13 : memref<!tpu.dma_semaphore, #tpu.memory_space<semaphore_mem>>) src(%dma_wait3A_494 : memref<8x128xi32, #tpu.memory_space<hbm>>) dst(%dma_wait3A_492 : memref<8x128xi32, #tpu.memory_space<vmem>>)
    %dma_wait3A_495 = arith.constant 72 : i32
    %dma_wait3A_496 = arith.constant 0 : i32
    %dma_wait3A_497 = tpu.memref_slice %arg8[%dma_wait3A_495, %dma_wait3A_496] : memref<200x128xi32, #tpu.memory_space<vmem>> -> memref<8x128xi32, #tpu.memory_space<vmem>>
    %dma_wait3A_498 = arith.constant 0 : i32
    %dma_wait3A_499 = tpu.memref_slice %arg3[%add3A_151, %dma_wait3A_498] : memref<25600x128xi32, #tpu.memory_space<hbm>> -> memref<8x128xi32, #tpu.memory_space<hbm>>
    %dma_wait3A_500 = arith.constant 72 : i32
    %dma_wait3A_501 = arith.constant 0 : i32
    %dma_wait3A_502 = tpu.memref_slice %arg8[%dma_wait3A_500, %dma_wait3A_501] : memref<200x128xi32, #tpu.memory_space<vmem>> -> memref<8x128xi32, #tpu.memory_space<vmem>>
    %dma_wait3A_503 = arith.constant 0 : i32
    %dma_wait3A_504 = tpu.memref_slice %arg3[%add3A_151, %dma_wait3A_503] : memref<25600x128xi32, #tpu.memory_space<hbm>> -> memref<8x128xi32, #tpu.memory_space<hbm>>
    tpu.wait_dma2 semaphore(%arg13 : memref<!tpu.dma_semaphore, #tpu.memory_space<semaphore_mem>>) src(%dma_wait3A_504 : memref<8x128xi32, #tpu.memory_space<hbm>>) dst(%dma_wait3A_502 : memref<8x128xi32, #tpu.memory_space<vmem>>)
    %dma_wait3A_505 = arith.constant 80 : i32
    %dma_wait3A_506 = arith.constant 0 : i32
    %dma_wait3A_507 = tpu.memref_slice %arg8[%dma_wait3A_505, %dma_wait3A_506] : memref<200x128xi32, #tpu.memory_space<vmem>> -> memref<8x128xi32, #tpu.memory_space<vmem>>
    %dma_wait3A_508 = arith.constant 0 : i32
    %dma_wait3A_509 = tpu.memref_slice %arg3[%add3A_167, %dma_wait3A_508] : memref<25600x128xi32, #tpu.memory_space<hbm>> -> memref<8x128xi32, #tpu.memory_space<hbm>>
    %dma_wait3A_510 = arith.constant 80 : i32
    %dma_wait3A_511 = arith.constant 0 : i32
    %dma_wait3A_512 = tpu.memref_slice %arg8[%dma_wait3A_510, %dma_wait3A_511] : memref<200x128xi32, #tpu.memory_space<vmem>> -> memref<8x128xi32, #tpu.memory_space<vmem>>
    %dma_wait3A_513 = arith.constant 0 : i32
    %dma_wait3A_514 = tpu.memref_slice %arg3[%add3A_167, %dma_wait3A_513] : memref<25600x128xi32, #tpu.memory_space<hbm>> -> memref<8x128xi32, #tpu.memory_space<hbm>>
    tpu.wait_dma2 semaphore(%arg13 : memref<!tpu.dma_semaphore, #tpu.memory_space<semaphore_mem>>) src(%dma_wait3A_514 : memref<8x128xi32, #tpu.memory_space<hbm>>) dst(%dma_wait3A_512 : memref<8x128xi32, #tpu.memory_space<vmem>>)
    %dma_wait3A_515 = arith.constant 88 : i32
    %dma_wait3A_516 = arith.constant 0 : i32
    %dma_wait3A_517 = tpu.memref_slice %arg8[%dma_wait3A_515, %dma_wait3A_516] : memref<200x128xi32, #tpu.memory_space<vmem>> -> memref<8x128xi32, #tpu.memory_space<vmem>>
    %dma_wait3A_518 = arith.constant 0 : i32
    %dma_wait3A_519 = tpu.memref_slice %arg3[%add3A_183, %dma_wait3A_518] : memref<25600x128xi32, #tpu.memory_space<hbm>> -> memref<8x128xi32, #tpu.memory_space<hbm>>
    %dma_wait3A_520 = arith.constant 88 : i32
    %dma_wait3A_521 = arith.constant 0 : i32
    %dma_wait3A_522 = tpu.memref_slice %arg8[%dma_wait3A_520, %dma_wait3A_521] : memref<200x128xi32, #tpu.memory_space<vmem>> -> memref<8x128xi32, #tpu.memory_space<vmem>>
    %dma_wait3A_523 = arith.constant 0 : i32
    %dma_wait3A_524 = tpu.memref_slice %arg3[%add3A_183, %dma_wait3A_523] : memref<25600x128xi32, #tpu.memory_space<hbm>> -> memref<8x128xi32, #tpu.memory_space<hbm>>
    tpu.wait_dma2 semaphore(%arg13 : memref<!tpu.dma_semaphore, #tpu.memory_space<semaphore_mem>>) src(%dma_wait3A_524 : memref<8x128xi32, #tpu.memory_space<hbm>>) dst(%dma_wait3A_522 : memref<8x128xi32, #tpu.memory_space<vmem>>)
    %dma_wait3A_525 = arith.constant 96 : i32
    %dma_wait3A_526 = arith.constant 0 : i32
    %dma_wait3A_527 = tpu.memref_slice %arg8[%dma_wait3A_525, %dma_wait3A_526] : memref<200x128xi32, #tpu.memory_space<vmem>> -> memref<8x128xi32, #tpu.memory_space<vmem>>
    %dma_wait3A_528 = arith.constant 0 : i32
    %dma_wait3A_529 = tpu.memref_slice %arg3[%add3A_199, %dma_wait3A_528] : memref<25600x128xi32, #tpu.memory_space<hbm>> -> memref<8x128xi32, #tpu.memory_space<hbm>>
    %dma_wait3A_530 = arith.constant 96 : i32
    %dma_wait3A_531 = arith.constant 0 : i32
    %dma_wait3A_532 = tpu.memref_slice %arg8[%dma_wait3A_530, %dma_wait3A_531] : memref<200x128xi32, #tpu.memory_space<vmem>> -> memref<8x128xi32, #tpu.memory_space<vmem>>
    %dma_wait3A_533 = arith.constant 0 : i32
    %dma_wait3A_534 = tpu.memref_slice %arg3[%add3A_199, %dma_wait3A_533] : memref<25600x128xi32, #tpu.memory_space<hbm>> -> memref<8x128xi32, #tpu.memory_space<hbm>>
    tpu.wait_dma2 semaphore(%arg13 : memref<!tpu.dma_semaphore, #tpu.memory_space<semaphore_mem>>) src(%dma_wait3A_534 : memref<8x128xi32, #tpu.memory_space<hbm>>) dst(%dma_wait3A_532 : memref<8x128xi32, #tpu.memory_space<vmem>>)
    %dma_wait3A_535 = arith.constant 104 : i32
    %dma_wait3A_536 = arith.constant 0 : i32
    %dma_wait3A_537 = tpu.memref_slice %arg8[%dma_wait3A_535, %dma_wait3A_536] : memref<200x128xi32, #tpu.memory_space<vmem>> -> memref<8x128xi32, #tpu.memory_space<vmem>>
    %dma_wait3A_538 = arith.constant 0 : i32
    %dma_wait3A_539 = tpu.memref_slice %arg3[%add3A_215, %dma_wait3A_538] : memref<25600x128xi32, #tpu.memory_space<hbm>> -> memref<8x128xi32, #tpu.memory_space<hbm>>
    %dma_wait3A_540 = arith.constant 104 : i32
    %dma_wait3A_541 = arith.constant 0 : i32
    %dma_wait3A_542 = tpu.memref_slice %arg8[%dma_wait3A_540, %dma_wait3A_541] : memref<200x128xi32, #tpu.memory_space<vmem>> -> memref<8x128xi32, #tpu.memory_space<vmem>>
    %dma_wait3A_543 = arith.constant 0 : i32
    %dma_wait3A_544 = tpu.memref_slice %arg3[%add3A_215, %dma_wait3A_543] : memref<25600x128xi32, #tpu.memory_space<hbm>> -> memref<8x128xi32, #tpu.memory_space<hbm>>
    tpu.wait_dma2 semaphore(%arg13 : memref<!tpu.dma_semaphore, #tpu.memory_space<semaphore_mem>>) src(%dma_wait3A_544 : memref<8x128xi32, #tpu.memory_space<hbm>>) dst(%dma_wait3A_542 : memref<8x128xi32, #tpu.memory_space<vmem>>)
    %dma_wait3A_545 = arith.constant 112 : i32
    %dma_wait3A_546 = arith.constant 0 : i32
    %dma_wait3A_547 = tpu.memref_slice %arg8[%dma_wait3A_545, %dma_wait3A_546] : memref<200x128xi32, #tpu.memory_space<vmem>> -> memref<8x128xi32, #tpu.memory_space<vmem>>
    %dma_wait3A_548 = arith.constant 0 : i32
    %dma_wait3A_549 = tpu.memref_slice %arg3[%add3A_231, %dma_wait3A_548] : memref<25600x128xi32, #tpu.memory_space<hbm>> -> memref<8x128xi32, #tpu.memory_space<hbm>>
    %dma_wait3A_550 = arith.constant 112 : i32
    %dma_wait3A_551 = arith.constant 0 : i32
    %dma_wait3A_552 = tpu.memref_slice %arg8[%dma_wait3A_550, %dma_wait3A_551] : memref<200x128xi32, #tpu.memory_space<vmem>> -> memref<8x128xi32, #tpu.memory_space<vmem>>
    %dma_wait3A_553 = arith.constant 0 : i32
    %dma_wait3A_554 = tpu.memref_slice %arg3[%add3A_231, %dma_wait3A_553] : memref<25600x128xi32, #tpu.memory_space<hbm>> -> memref<8x128xi32, #tpu.memory_space<hbm>>
    tpu.wait_dma2 semaphore(%arg13 : memref<!tpu.dma_semaphore, #tpu.memory_space<semaphore_mem>>) src(%dma_wait3A_554 : memref<8x128xi32, #tpu.memory_space<hbm>>) dst(%dma_wait3A_552 : memref<8x128xi32, #tpu.memory_space<vmem>>)
    %dma_wait3A_555 = arith.constant 120 : i32
    %dma_wait3A_556 = arith.constant 0 : i32
    %dma_wait3A_557 = tpu.memref_slice %arg8[%dma_wait3A_555, %dma_wait3A_556] : memref<200x128xi32, #tpu.memory_space<vmem>> -> memref<8x128xi32, #tpu.memory_space<vmem>>
    %dma_wait3A_558 = arith.constant 0 : i32
    %dma_wait3A_559 = tpu.memref_slice %arg3[%add3A_247, %dma_wait3A_558] : memref<25600x128xi32, #tpu.memory_space<hbm>> -> memref<8x128xi32, #tpu.memory_space<hbm>>
    %dma_wait3A_560 = arith.constant 120 : i32
    %dma_wait3A_561 = arith.constant 0 : i32
    %dma_wait3A_562 = tpu.memref_slice %arg8[%dma_wait3A_560, %dma_wait3A_561] : memref<200x128xi32, #tpu.memory_space<vmem>> -> memref<8x128xi32, #tpu.memory_space<vmem>>
    %dma_wait3A_563 = arith.constant 0 : i32
    %dma_wait3A_564 = tpu.memref_slice %arg3[%add3A_247, %dma_wait3A_563] : memref<25600x128xi32, #tpu.memory_space<hbm>> -> memref<8x128xi32, #tpu.memory_space<hbm>>
    tpu.wait_dma2 semaphore(%arg13 : memref<!tpu.dma_semaphore, #tpu.memory_space<semaphore_mem>>) src(%dma_wait3A_564 : memref<8x128xi32, #tpu.memory_space<hbm>>) dst(%dma_wait3A_562 : memref<8x128xi32, #tpu.memory_space<vmem>>)
    %dma_wait3A_565 = arith.constant 128 : i32
    %dma_wait3A_566 = arith.constant 0 : i32
    %dma_wait3A_567 = tpu.memref_slice %arg8[%dma_wait3A_565, %dma_wait3A_566] : memref<200x128xi32, #tpu.memory_space<vmem>> -> memref<8x128xi32, #tpu.memory_space<vmem>>
    %dma_wait3A_568 = arith.constant 0 : i32
    %dma_wait3A_569 = tpu.memref_slice %arg3[%add3A_263, %dma_wait3A_568] : memref<25600x128xi32, #tpu.memory_space<hbm>> -> memref<8x128xi32, #tpu.memory_space<hbm>>
    %dma_wait3A_570 = arith.constant 128 : i32
    %dma_wait3A_571 = arith.constant 0 : i32
    %dma_wait3A_572 = tpu.memref_slice %arg8[%dma_wait3A_570, %dma_wait3A_571] : memref<200x128xi32, #tpu.memory_space<vmem>> -> memref<8x128xi32, #tpu.memory_space<vmem>>
    %dma_wait3A_573 = arith.constant 0 : i32
    %dma_wait3A_574 = tpu.memref_slice %arg3[%add3A_263, %dma_wait3A_573] : memref<25600x128xi32, #tpu.memory_space<hbm>> -> memref<8x128xi32, #tpu.memory_space<hbm>>
    tpu.wait_dma2 semaphore(%arg13 : memref<!tpu.dma_semaphore, #tpu.memory_space<semaphore_mem>>) src(%dma_wait3A_574 : memref<8x128xi32, #tpu.memory_space<hbm>>) dst(%dma_wait3A_572 : memref<8x128xi32, #tpu.memory_space<vmem>>)
    %dma_wait3A_575 = arith.constant 136 : i32
    %dma_wait3A_576 = arith.constant 0 : i32
    %dma_wait3A_577 = tpu.memref_slice %arg8[%dma_wait3A_575, %dma_wait3A_576] : memref<200x128xi32, #tpu.memory_space<vmem>> -> memref<8x128xi32, #tpu.memory_space<vmem>>
    %dma_wait3A_578 = arith.constant 0 : i32
    %dma_wait3A_579 = tpu.memref_slice %arg3[%add3A_279, %dma_wait3A_578] : memref<25600x128xi32, #tpu.memory_space<hbm>> -> memref<8x128xi32, #tpu.memory_space<hbm>>
    %dma_wait3A_580 = arith.constant 136 : i32
    %dma_wait3A_581 = arith.constant 0 : i32
    %dma_wait3A_582 = tpu.memref_slice %arg8[%dma_wait3A_580, %dma_wait3A_581] : memref<200x128xi32, #tpu.memory_space<vmem>> -> memref<8x128xi32, #tpu.memory_space<vmem>>
    %dma_wait3A_583 = arith.constant 0 : i32
    %dma_wait3A_584 = tpu.memref_slice %arg3[%add3A_279, %dma_wait3A_583] : memref<25600x128xi32, #tpu.memory_space<hbm>> -> memref<8x128xi32, #tpu.memory_space<hbm>>
    tpu.wait_dma2 semaphore(%arg13 : memref<!tpu.dma_semaphore, #tpu.memory_space<semaphore_mem>>) src(%dma_wait3A_584 : memref<8x128xi32, #tpu.memory_space<hbm>>) dst(%dma_wait3A_582 : memref<8x128xi32, #tpu.memory_space<vmem>>)
    %dma_wait3A_585 = arith.constant 144 : i32
    %dma_wait3A_586 = arith.constant 0 : i32
    %dma_wait3A_587 = tpu.memref_slice %arg8[%dma_wait3A_585, %dma_wait3A_586] : memref<200x128xi32, #tpu.memory_space<vmem>> -> memref<8x128xi32, #tpu.memory_space<vmem>>
    %dma_wait3A_588 = arith.constant 0 : i32
    %dma_wait3A_589 = tpu.memref_slice %arg3[%add3A_295, %dma_wait3A_588] : memref<25600x128xi32, #tpu.memory_space<hbm>> -> memref<8x128xi32, #tpu.memory_space<hbm>>
    %dma_wait3A_590 = arith.constant 144 : i32
    %dma_wait3A_591 = arith.constant 0 : i32
    %dma_wait3A_592 = tpu.memref_slice %arg8[%dma_wait3A_590, %dma_wait3A_591] : memref<200x128xi32, #tpu.memory_space<vmem>> -> memref<8x128xi32, #tpu.memory_space<vmem>>
    %dma_wait3A_593 = arith.constant 0 : i32
    %dma_wait3A_594 = tpu.memref_slice %arg3[%add3A_295, %dma_wait3A_593] : memref<25600x128xi32, #tpu.memory_space<hbm>> -> memref<8x128xi32, #tpu.memory_space<hbm>>
    tpu.wait_dma2 semaphore(%arg13 : memref<!tpu.dma_semaphore, #tpu.memory_space<semaphore_mem>>) src(%dma_wait3A_594 : memref<8x128xi32, #tpu.memory_space<hbm>>) dst(%dma_wait3A_592 : memref<8x128xi32, #tpu.memory_space<vmem>>)
    %dma_wait3A_595 = arith.constant 152 : i32
    %dma_wait3A_596 = arith.constant 0 : i32
    %dma_wait3A_597 = tpu.memref_slice %arg8[%dma_wait3A_595, %dma_wait3A_596] : memref<200x128xi32, #tpu.memory_space<vmem>> -> memref<8x128xi32, #tpu.memory_space<vmem>>
    %dma_wait3A_598 = arith.constant 0 : i32
    %dma_wait3A_599 = tpu.memref_slice %arg3[%add3A_311, %dma_wait3A_598] : memref<25600x128xi32, #tpu.memory_space<hbm>> -> memref<8x128xi32, #tpu.memory_space<hbm>>
    %dma_wait3A_600 = arith.constant 152 : i32
    %dma_wait3A_601 = arith.constant 0 : i32
    %dma_wait3A_602 = tpu.memref_slice %arg8[%dma_wait3A_600, %dma_wait3A_601] : memref<200x128xi32, #tpu.memory_space<vmem>> -> memref<8x128xi32, #tpu.memory_space<vmem>>
    %dma_wait3A_603 = arith.constant 0 : i32
    %dma_wait3A_604 = tpu.memref_slice %arg3[%add3A_311, %dma_wait3A_603] : memref<25600x128xi32, #tpu.memory_space<hbm>> -> memref<8x128xi32, #tpu.memory_space<hbm>>
    tpu.wait_dma2 semaphore(%arg13 : memref<!tpu.dma_semaphore, #tpu.memory_space<semaphore_mem>>) src(%dma_wait3A_604 : memref<8x128xi32, #tpu.memory_space<hbm>>) dst(%dma_wait3A_602 : memref<8x128xi32, #tpu.memory_space<vmem>>)
    %dma_wait3A_605 = arith.constant 160 : i32
    %dma_wait3A_606 = arith.constant 0 : i32
    %dma_wait3A_607 = tpu.memref_slice %arg8[%dma_wait3A_605, %dma_wait3A_606] : memref<200x128xi32, #tpu.memory_space<vmem>> -> memref<8x128xi32, #tpu.memory_space<vmem>>
    %dma_wait3A_608 = arith.constant 0 : i32
    %dma_wait3A_609 = tpu.memref_slice %arg3[%add3A_327, %dma_wait3A_608] : memref<25600x128xi32, #tpu.memory_space<hbm>> -> memref<8x128xi32, #tpu.memory_space<hbm>>
    %dma_wait3A_610 = arith.constant 160 : i32
    %dma_wait3A_611 = arith.constant 0 : i32
    %dma_wait3A_612 = tpu.memref_slice %arg8[%dma_wait3A_610, %dma_wait3A_611] : memref<200x128xi32, #tpu.memory_space<vmem>> -> memref<8x128xi32, #tpu.memory_space<vmem>>
    %dma_wait3A_613 = arith.constant 0 : i32
    %dma_wait3A_614 = tpu.memref_slice %arg3[%add3A_327, %dma_wait3A_613] : memref<25600x128xi32, #tpu.memory_space<hbm>> -> memref<8x128xi32, #tpu.memory_space<hbm>>
    tpu.wait_dma2 semaphore(%arg13 : memref<!tpu.dma_semaphore, #tpu.memory_space<semaphore_mem>>) src(%dma_wait3A_614 : memref<8x128xi32, #tpu.memory_space<hbm>>) dst(%dma_wait3A_612 : memref<8x128xi32, #tpu.memory_space<vmem>>)
    %dma_wait3A_615 = arith.constant 168 : i32
    %dma_wait3A_616 = arith.constant 0 : i32
    %dma_wait3A_617 = tpu.memref_slice %arg8[%dma_wait3A_615, %dma_wait3A_616] : memref<200x128xi32, #tpu.memory_space<vmem>> -> memref<8x128xi32, #tpu.memory_space<vmem>>
    %dma_wait3A_618 = arith.constant 0 : i32
    %dma_wait3A_619 = tpu.memref_slice %arg3[%add3A_343, %dma_wait3A_618] : memref<25600x128xi32, #tpu.memory_space<hbm>> -> memref<8x128xi32, #tpu.memory_space<hbm>>
    %dma_wait3A_620 = arith.constant 168 : i32
    %dma_wait3A_621 = arith.constant 0 : i32
    %dma_wait3A_622 = tpu.memref_slice %arg8[%dma_wait3A_620, %dma_wait3A_621] : memref<200x128xi32, #tpu.memory_space<vmem>> -> memref<8x128xi32, #tpu.memory_space<vmem>>
    %dma_wait3A_623 = arith.constant 0 : i32
    %dma_wait3A_624 = tpu.memref_slice %arg3[%add3A_343, %dma_wait3A_623] : memref<25600x128xi32, #tpu.memory_space<hbm>> -> memref<8x128xi32, #tpu.memory_space<hbm>>
    tpu.wait_dma2 semaphore(%arg13 : memref<!tpu.dma_semaphore, #tpu.memory_space<semaphore_mem>>) src(%dma_wait3A_624 : memref<8x128xi32, #tpu.memory_space<hbm>>) dst(%dma_wait3A_622 : memref<8x128xi32, #tpu.memory_space<vmem>>)
    %dma_wait3A_625 = arith.constant 176 : i32
    %dma_wait3A_626 = arith.constant 0 : i32
    %dma_wait3A_627 = tpu.memref_slice %arg8[%dma_wait3A_625, %dma_wait3A_626] : memref<200x128xi32, #tpu.memory_space<vmem>> -> memref<8x128xi32, #tpu.memory_space<vmem>>
    %dma_wait3A_628 = arith.constant 0 : i32
    %dma_wait3A_629 = tpu.memref_slice %arg3[%add3A_359, %dma_wait3A_628] : memref<25600x128xi32, #tpu.memory_space<hbm>> -> memref<8x128xi32, #tpu.memory_space<hbm>>
    %dma_wait3A_630 = arith.constant 176 : i32
    %dma_wait3A_631 = arith.constant 0 : i32
    %dma_wait3A_632 = tpu.memref_slice %arg8[%dma_wait3A_630, %dma_wait3A_631] : memref<200x128xi32, #tpu.memory_space<vmem>> -> memref<8x128xi32, #tpu.memory_space<vmem>>
    %dma_wait3A_633 = arith.constant 0 : i32
    %dma_wait3A_634 = tpu.memref_slice %arg3[%add3A_359, %dma_wait3A_633] : memref<25600x128xi32, #tpu.memory_space<hbm>> -> memref<8x128xi32, #tpu.memory_space<hbm>>
    tpu.wait_dma2 semaphore(%arg13 : memref<!tpu.dma_semaphore, #tpu.memory_space<semaphore_mem>>) src(%dma_wait3A_634 : memref<8x128xi32, #tpu.memory_space<hbm>>) dst(%dma_wait3A_632 : memref<8x128xi32, #tpu.memory_space<vmem>>)
    %dma_wait3A_635 = arith.constant 184 : i32
    %dma_wait3A_636 = arith.constant 0 : i32
    %dma_wait3A_637 = tpu.memref_slice %arg8[%dma_wait3A_635, %dma_wait3A_636] : memref<200x128xi32, #tpu.memory_space<vmem>> -> memref<8x128xi32, #tpu.memory_space<vmem>>
    %dma_wait3A_638 = arith.constant 0 : i32
    %dma_wait3A_639 = tpu.memref_slice %arg3[%add3A_375, %dma_wait3A_638] : memref<25600x128xi32, #tpu.memory_space<hbm>> -> memref<8x128xi32, #tpu.memory_space<hbm>>
    %dma_wait3A_640 = arith.constant 184 : i32
    %dma_wait3A_641 = arith.constant 0 : i32
    %dma_wait3A_642 = tpu.memref_slice %arg8[%dma_wait3A_640, %dma_wait3A_641] : memref<200x128xi32, #tpu.memory_space<vmem>> -> memref<8x128xi32, #tpu.memory_space<vmem>>
    %dma_wait3A_643 = arith.constant 0 : i32
    %dma_wait3A_644 = tpu.memref_slice %arg3[%add3A_375, %dma_wait3A_643] : memref<25600x128xi32, #tpu.memory_space<hbm>> -> memref<8x128xi32, #tpu.memory_space<hbm>>
    tpu.wait_dma2 semaphore(%arg13 : memref<!tpu.dma_semaphore, #tpu.memory_space<semaphore_mem>>) src(%dma_wait3A_644 : memref<8x128xi32, #tpu.memory_space<hbm>>) dst(%dma_wait3A_642 : memref<8x128xi32, #tpu.memory_space<vmem>>)
    %dma_wait3A_645 = arith.constant 192 : i32
    %dma_wait3A_646 = arith.constant 0 : i32
    %dma_wait3A_647 = tpu.memref_slice %arg8[%dma_wait3A_645, %dma_wait3A_646] : memref<200x128xi32, #tpu.memory_space<vmem>> -> memref<8x128xi32, #tpu.memory_space<vmem>>
    %dma_wait3A_648 = arith.constant 0 : i32
    %dma_wait3A_649 = tpu.memref_slice %arg3[%add3A_391, %dma_wait3A_648] : memref<25600x128xi32, #tpu.memory_space<hbm>> -> memref<8x128xi32, #tpu.memory_space<hbm>>
    %dma_wait3A_650 = arith.constant 192 : i32
    %dma_wait3A_651 = arith.constant 0 : i32
    %dma_wait3A_652 = tpu.memref_slice %arg8[%dma_wait3A_650, %dma_wait3A_651] : memref<200x128xi32, #tpu.memory_space<vmem>> -> memref<8x128xi32, #tpu.memory_space<vmem>>
    %dma_wait3A_653 = arith.constant 0 : i32
    %dma_wait3A_654 = tpu.memref_slice %arg3[%add3A_391, %dma_wait3A_653] : memref<25600x128xi32, #tpu.memory_space<hbm>> -> memref<8x128xi32, #tpu.memory_space<hbm>>
    tpu.wait_dma2 semaphore(%arg13 : memref<!tpu.dma_semaphore, #tpu.memory_space<semaphore_mem>>) src(%dma_wait3A_654 : memref<8x128xi32, #tpu.memory_space<hbm>>) dst(%dma_wait3A_652 : memref<8x128xi32, #tpu.memory_space<vmem>>)
    %mul3A_655 = arith.constant 32 : i32
    %mul3A_656 = arith.muli %mul3A_655, %add3A : i32
    %add3A_657 = arith.constant 0 : i32
    %add3A_658 = arith.addi %add3A_657, %mul3A_656 : i32
    %add3A_659 = arith.constant 8 : i32
    %add3A_660 = arith.addi %add3A_658, %add3A_659 : i32
    %dma_start3A_661 = arith.constant 0 : i32
    %dma_start3A_662 = arith.constant 0 : i32
    %dma_start3A_663 = tpu.memref_slice %arg9[%dma_start3A_661, %dma_start3A_662] : memref<200x128xi32, #tpu.memory_space<vmem>> -> memref<8x128xi32, #tpu.memory_space<vmem>>
    %dma_start3A_664 = arith.constant 0 : i32
    %dma_start3A_665 = tpu.memref_slice %arg3[%add3A_660, %dma_start3A_664] : memref<25600x128xi32, #tpu.memory_space<hbm>> -> memref<8x128xi32, #tpu.memory_space<hbm>>
    %dma_start3A_666 = arith.constant 0 : i32
    %dma_start3A_667 = arith.constant 0 : i32
    %dma_start3A_668 = tpu.memref_slice %arg9[%dma_start3A_666, %dma_start3A_667] : memref<200x128xi32, #tpu.memory_space<vmem>> -> memref<8x128xi32, #tpu.memory_space<vmem>>
    %dma_start3A_669 = arith.constant 0 : i32
    %dma_start3A_670 = tpu.memref_slice %arg3[%add3A_660, %dma_start3A_669] : memref<25600x128xi32, #tpu.memory_space<hbm>> -> memref<8x128xi32, #tpu.memory_space<hbm>>
    tpu.enqueue_dma source(%dma_start3A_670 : memref<8x128xi32, #tpu.memory_space<hbm>>) target(%dma_start3A_668 : memref<8x128xi32, #tpu.memory_space<vmem>>) target_semaphore(%arg14 : memref<!tpu.dma_semaphore, #tpu.memory_space<semaphore_mem>>)
    %mul3A_671 = arith.constant 32 : i32
    %mul3A_672 = arith.muli %mul3A_671, %add3A : i32
    %add3A_673 = arith.constant 1024 : i32
    %add3A_674 = arith.addi %add3A_673, %mul3A_672 : i32
    %add3A_675 = arith.constant 8 : i32
    %add3A_676 = arith.addi %add3A_674, %add3A_675 : i32
    %dma_start3A_677 = arith.constant 8 : i32
    %dma_start3A_678 = arith.constant 0 : i32
    %dma_start3A_679 = tpu.memref_slice %arg9[%dma_start3A_677, %dma_start3A_678] : memref<200x128xi32, #tpu.memory_space<vmem>> -> memref<8x128xi32, #tpu.memory_space<vmem>>
    %dma_start3A_680 = arith.constant 0 : i32
    %dma_start3A_681 = tpu.memref_slice %arg3[%add3A_676, %dma_start3A_680] : memref<25600x128xi32, #tpu.memory_space<hbm>> -> memref<8x128xi32, #tpu.memory_space<hbm>>
    %dma_start3A_682 = arith.constant 8 : i32
    %dma_start3A_683 = arith.constant 0 : i32
    %dma_start3A_684 = tpu.memref_slice %arg9[%dma_start3A_682, %dma_start3A_683] : memref<200x128xi32, #tpu.memory_space<vmem>> -> memref<8x128xi32, #tpu.memory_space<vmem>>
    %dma_start3A_685 = arith.constant 0 : i32
    %dma_start3A_686 = tpu.memref_slice %arg3[%add3A_676, %dma_start3A_685] : memref<25600x128xi32, #tpu.memory_space<hbm>> -> memref<8x128xi32, #tpu.memory_space<hbm>>
    tpu.enqueue_dma source(%dma_start3A_686 : memref<8x128xi32, #tpu.memory_space<hbm>>) target(%dma_start3A_684 : memref<8x128xi32, #tpu.memory_space<vmem>>) target_semaphore(%arg14 : memref<!tpu.dma_semaphore, #tpu.memory_space<semaphore_mem>>)
    %mul3A_687 = arith.constant 32 : i32
    %mul3A_688 = arith.muli %mul3A_687, %add3A : i32
    %add3A_689 = arith.constant 2048 : i32
    %add3A_690 = arith.addi %add3A_689, %mul3A_688 : i32
    %add3A_691 = arith.constant 8 : i32
    %add3A_692 = arith.addi %add3A_690, %add3A_691 : i32
    %dma_start3A_693 = arith.constant 16 : i32
    %dma_start3A_694 = arith.constant 0 : i32
    %dma_start3A_695 = tpu.memref_slice %arg9[%dma_start3A_693, %dma_start3A_694] : memref<200x128xi32, #tpu.memory_space<vmem>> -> memref<8x128xi32, #tpu.memory_space<vmem>>
    %dma_start3A_696 = arith.constant 0 : i32
    %dma_start3A_697 = tpu.memref_slice %arg3[%add3A_692, %dma_start3A_696] : memref<25600x128xi32, #tpu.memory_space<hbm>> -> memref<8x128xi32, #tpu.memory_space<hbm>>
    %dma_start3A_698 = arith.constant 16 : i32
    %dma_start3A_699 = arith.constant 0 : i32
    %dma_start3A_700 = tpu.memref_slice %arg9[%dma_start3A_698, %dma_start3A_699] : memref<200x128xi32, #tpu.memory_space<vmem>> -> memref<8x128xi32, #tpu.memory_space<vmem>>
    %dma_start3A_701 = arith.constant 0 : i32
    %dma_start3A_702 = tpu.memref_slice %arg3[%add3A_692, %dma_start3A_701] : memref<25600x128xi32, #tpu.memory_space<hbm>> -> memref<8x128xi32, #tpu.memory_space<hbm>>
    tpu.enqueue_dma source(%dma_start3A_702 : memref<8x128xi32, #tpu.memory_space<hbm>>) target(%dma_start3A_700 : memref<8x128xi32, #tpu.memory_space<vmem>>) target_semaphore(%arg14 : memref<!tpu.dma_semaphore, #tpu.memory_space<semaphore_mem>>)
    %mul3A_703 = arith.constant 32 : i32
    %mul3A_704 = arith.muli %mul3A_703, %add3A : i32
    %add3A_705 = arith.constant 3072 : i32
    %add3A_706 = arith.addi %add3A_705, %mul3A_704 : i32
    %add3A_707 = arith.constant 8 : i32
    %add3A_708 = arith.addi %add3A_706, %add3A_707 : i32
    %dma_start3A_709 = arith.constant 24 : i32
    %dma_start3A_710 = arith.constant 0 : i32
    %dma_start3A_711 = tpu.memref_slice %arg9[%dma_start3A_709, %dma_start3A_710] : memref<200x128xi32, #tpu.memory_space<vmem>> -> memref<8x128xi32, #tpu.memory_space<vmem>>
    %dma_start3A_712 = arith.constant 0 : i32
    %dma_start3A_713 = tpu.memref_slice %arg3[%add3A_708, %dma_start3A_712] : memref<25600x128xi32, #tpu.memory_space<hbm>> -> memref<8x128xi32, #tpu.memory_space<hbm>>
    %dma_start3A_714 = arith.constant 24 : i32
    %dma_start3A_715 = arith.constant 0 : i32
    %dma_start3A_716 = tpu.memref_slice %arg9[%dma_start3A_714, %dma_start3A_715] : memref<200x128xi32, #tpu.memory_space<vmem>> -> memref<8x128xi32, #tpu.memory_space<vmem>>
    %dma_start3A_717 = arith.constant 0 : i32
    %dma_start3A_718 = tpu.memref_slice %arg3[%add3A_708, %dma_start3A_717] : memref<25600x128xi32, #tpu.memory_space<hbm>> -> memref<8x128xi32, #tpu.memory_space<hbm>>
    tpu.enqueue_dma source(%dma_start3A_718 : memref<8x128xi32, #tpu.memory_space<hbm>>) target(%dma_start3A_716 : memref<8x128xi32, #tpu.memory_space<vmem>>) target_semaphore(%arg14 : memref<!tpu.dma_semaphore, #tpu.memory_space<semaphore_mem>>)
    %mul3A_719 = arith.constant 32 : i32
    %mul3A_720 = arith.muli %mul3A_719, %add3A : i32
    %add3A_721 = arith.constant 4096 : i32
    %add3A_722 = arith.addi %add3A_721, %mul3A_720 : i32
    %add3A_723 = arith.constant 8 : i32
    %add3A_724 = arith.addi %add3A_722, %add3A_723 : i32
    %dma_start3A_725 = arith.constant 32 : i32
    %dma_start3A_726 = arith.constant 0 : i32
    %dma_start3A_727 = tpu.memref_slice %arg9[%dma_start3A_725, %dma_start3A_726] : memref<200x128xi32, #tpu.memory_space<vmem>> -> memref<8x128xi32, #tpu.memory_space<vmem>>
    %dma_start3A_728 = arith.constant 0 : i32
    %dma_start3A_729 = tpu.memref_slice %arg3[%add3A_724, %dma_start3A_728] : memref<25600x128xi32, #tpu.memory_space<hbm>> -> memref<8x128xi32, #tpu.memory_space<hbm>>
    %dma_start3A_730 = arith.constant 32 : i32
    %dma_start3A_731 = arith.constant 0 : i32
    %dma_start3A_732 = tpu.memref_slice %arg9[%dma_start3A_730, %dma_start3A_731] : memref<200x128xi32, #tpu.memory_space<vmem>> -> memref<8x128xi32, #tpu.memory_space<vmem>>
    %dma_start3A_733 = arith.constant 0 : i32
    %dma_start3A_734 = tpu.memref_slice %arg3[%add3A_724, %dma_start3A_733] : memref<25600x128xi32, #tpu.memory_space<hbm>> -> memref<8x128xi32, #tpu.memory_space<hbm>>
    tpu.enqueue_dma source(%dma_start3A_734 : memref<8x128xi32, #tpu.memory_space<hbm>>) target(%dma_start3A_732 : memref<8x128xi32, #tpu.memory_space<vmem>>) target_semaphore(%arg14 : memref<!tpu.dma_semaphore, #tpu.memory_space<semaphore_mem>>)
    %mul3A_735 = arith.constant 32 : i32
    %mul3A_736 = arith.muli %mul3A_735, %add3A : i32
    %add3A_737 = arith.constant 5120 : i32
    %add3A_738 = arith.addi %add3A_737, %mul3A_736 : i32
    %add3A_739 = arith.constant 8 : i32
    %add3A_740 = arith.addi %add3A_738, %add3A_739 : i32
    %dma_start3A_741 = arith.constant 40 : i32
    %dma_start3A_742 = arith.constant 0 : i32
    %dma_start3A_743 = tpu.memref_slice %arg9[%dma_start3A_741, %dma_start3A_742] : memref<200x128xi32, #tpu.memory_space<vmem>> -> memref<8x128xi32, #tpu.memory_space<vmem>>
    %dma_start3A_744 = arith.constant 0 : i32
    %dma_start3A_745 = tpu.memref_slice %arg3[%add3A_740, %dma_start3A_744] : memref<25600x128xi32, #tpu.memory_space<hbm>> -> memref<8x128xi32, #tpu.memory_space<hbm>>
    %dma_start3A_746 = arith.constant 40 : i32
    %dma_start3A_747 = arith.constant 0 : i32
    %dma_start3A_748 = tpu.memref_slice %arg9[%dma_start3A_746, %dma_start3A_747] : memref<200x128xi32, #tpu.memory_space<vmem>> -> memref<8x128xi32, #tpu.memory_space<vmem>>
    %dma_start3A_749 = arith.constant 0 : i32
    %dma_start3A_750 = tpu.memref_slice %arg3[%add3A_740, %dma_start3A_749] : memref<25600x128xi32, #tpu.memory_space<hbm>> -> memref<8x128xi32, #tpu.memory_space<hbm>>
    tpu.enqueue_dma source(%dma_start3A_750 : memref<8x128xi32, #tpu.memory_space<hbm>>) target(%dma_start3A_748 : memref<8x128xi32, #tpu.memory_space<vmem>>) target_semaphore(%arg14 : memref<!tpu.dma_semaphore, #tpu.memory_space<semaphore_mem>>)
    %mul3A_751 = arith.constant 32 : i32
    %mul3A_752 = arith.muli %mul3A_751, %add3A : i32
    %add3A_753 = arith.constant 6144 : i32
    %add3A_754 = arith.addi %add3A_753, %mul3A_752 : i32
    %add3A_755 = arith.constant 8 : i32
    %add3A_756 = arith.addi %add3A_754, %add3A_755 : i32
    %dma_start3A_757 = arith.constant 48 : i32
    %dma_start3A_758 = arith.constant 0 : i32
    %dma_start3A_759 = tpu.memref_slice %arg9[%dma_start3A_757, %dma_start3A_758] : memref<200x128xi32, #tpu.memory_space<vmem>> -> memref<8x128xi32, #tpu.memory_space<vmem>>
    %dma_start3A_760 = arith.constant 0 : i32
    %dma_start3A_761 = tpu.memref_slice %arg3[%add3A_756, %dma_start3A_760] : memref<25600x128xi32, #tpu.memory_space<hbm>> -> memref<8x128xi32, #tpu.memory_space<hbm>>
    %dma_start3A_762 = arith.constant 48 : i32
    %dma_start3A_763 = arith.constant 0 : i32
    %dma_start3A_764 = tpu.memref_slice %arg9[%dma_start3A_762, %dma_start3A_763] : memref<200x128xi32, #tpu.memory_space<vmem>> -> memref<8x128xi32, #tpu.memory_space<vmem>>
    %dma_start3A_765 = arith.constant 0 : i32
    %dma_start3A_766 = tpu.memref_slice %arg3[%add3A_756, %dma_start3A_765] : memref<25600x128xi32, #tpu.memory_space<hbm>> -> memref<8x128xi32, #tpu.memory_space<hbm>>
    tpu.enqueue_dma source(%dma_start3A_766 : memref<8x128xi32, #tpu.memory_space<hbm>>) target(%dma_start3A_764 : memref<8x128xi32, #tpu.memory_space<vmem>>) target_semaphore(%arg14 : memref<!tpu.dma_semaphore, #tpu.memory_space<semaphore_mem>>)
    %mul3A_767 = arith.constant 32 : i32
    %mul3A_768 = arith.muli %mul3A_767, %add3A : i32
    %add3A_769 = arith.constant 7168 : i32
    %add3A_770 = arith.addi %add3A_769, %mul3A_768 : i32
    %add3A_771 = arith.constant 8 : i32
    %add3A_772 = arith.addi %add3A_770, %add3A_771 : i32
    %dma_start3A_773 = arith.constant 56 : i32
    %dma_start3A_774 = arith.constant 0 : i32
    %dma_start3A_775 = tpu.memref_slice %arg9[%dma_start3A_773, %dma_start3A_774] : memref<200x128xi32, #tpu.memory_space<vmem>> -> memref<8x128xi32, #tpu.memory_space<vmem>>
    %dma_start3A_776 = arith.constant 0 : i32
    %dma_start3A_777 = tpu.memref_slice %arg3[%add3A_772, %dma_start3A_776] : memref<25600x128xi32, #tpu.memory_space<hbm>> -> memref<8x128xi32, #tpu.memory_space<hbm>>
    %dma_start3A_778 = arith.constant 56 : i32
    %dma_start3A_779 = arith.constant 0 : i32
    %dma_start3A_780 = tpu.memref_slice %arg9[%dma_start3A_778, %dma_start3A_779] : memref<200x128xi32, #tpu.memory_space<vmem>> -> memref<8x128xi32, #tpu.memory_space<vmem>>
    %dma_start3A_781 = arith.constant 0 : i32
    %dma_start3A_782 = tpu.memref_slice %arg3[%add3A_772, %dma_start3A_781] : memref<25600x128xi32, #tpu.memory_space<hbm>> -> memref<8x128xi32, #tpu.memory_space<hbm>>
    tpu.enqueue_dma source(%dma_start3A_782 : memref<8x128xi32, #tpu.memory_space<hbm>>) target(%dma_start3A_780 : memref<8x128xi32, #tpu.memory_space<vmem>>) target_semaphore(%arg14 : memref<!tpu.dma_semaphore, #tpu.memory_space<semaphore_mem>>)
    %mul3A_783 = arith.constant 32 : i32
    %mul3A_784 = arith.muli %mul3A_783, %add3A : i32
    %add3A_785 = arith.constant 8192 : i32
    %add3A_786 = arith.addi %add3A_785, %mul3A_784 : i32
    %add3A_787 = arith.constant 8 : i32
    %add3A_788 = arith.addi %add3A_786, %add3A_787 : i32
    %dma_start3A_789 = arith.constant 64 : i32
    %dma_start3A_790 = arith.constant 0 : i32
    %dma_start3A_791 = tpu.memref_slice %arg9[%dma_start3A_789, %dma_start3A_790] : memref<200x128xi32, #tpu.memory_space<vmem>> -> memref<8x128xi32, #tpu.memory_space<vmem>>
    %dma_start3A_792 = arith.constant 0 : i32
    %dma_start3A_793 = tpu.memref_slice %arg3[%add3A_788, %dma_start3A_792] : memref<25600x128xi32, #tpu.memory_space<hbm>> -> memref<8x128xi32, #tpu.memory_space<hbm>>
    %dma_start3A_794 = arith.constant 64 : i32
    %dma_start3A_795 = arith.constant 0 : i32
    %dma_start3A_796 = tpu.memref_slice %arg9[%dma_start3A_794, %dma_start3A_795] : memref<200x128xi32, #tpu.memory_space<vmem>> -> memref<8x128xi32, #tpu.memory_space<vmem>>
    %dma_start3A_797 = arith.constant 0 : i32
    %dma_start3A_798 = tpu.memref_slice %arg3[%add3A_788, %dma_start3A_797] : memref<25600x128xi32, #tpu.memory_space<hbm>> -> memref<8x128xi32, #tpu.memory_space<hbm>>
    tpu.enqueue_dma source(%dma_start3A_798 : memref<8x128xi32, #tpu.memory_space<hbm>>) target(%dma_start3A_796 : memref<8x128xi32, #tpu.memory_space<vmem>>) target_semaphore(%arg14 : memref<!tpu.dma_semaphore, #tpu.memory_space<semaphore_mem>>)
    %mul3A_799 = arith.constant 32 : i32
    %mul3A_800 = arith.muli %mul3A_799, %add3A : i32
    %add3A_801 = arith.constant 9216 : i32
    %add3A_802 = arith.addi %add3A_801, %mul3A_800 : i32
    %add3A_803 = arith.constant 8 : i32
    %add3A_804 = arith.addi %add3A_802, %add3A_803 : i32
    %dma_start3A_805 = arith.constant 72 : i32
    %dma_start3A_806 = arith.constant 0 : i32
    %dma_start3A_807 = tpu.memref_slice %arg9[%dma_start3A_805, %dma_start3A_806] : memref<200x128xi32, #tpu.memory_space<vmem>> -> memref<8x128xi32, #tpu.memory_space<vmem>>
    %dma_start3A_808 = arith.constant 0 : i32
    %dma_start3A_809 = tpu.memref_slice %arg3[%add3A_804, %dma_start3A_808] : memref<25600x128xi32, #tpu.memory_space<hbm>> -> memref<8x128xi32, #tpu.memory_space<hbm>>
    %dma_start3A_810 = arith.constant 72 : i32
    %dma_start3A_811 = arith.constant 0 : i32
    %dma_start3A_812 = tpu.memref_slice %arg9[%dma_start3A_810, %dma_start3A_811] : memref<200x128xi32, #tpu.memory_space<vmem>> -> memref<8x128xi32, #tpu.memory_space<vmem>>
    %dma_start3A_813 = arith.constant 0 : i32
    %dma_start3A_814 = tpu.memref_slice %arg3[%add3A_804, %dma_start3A_813] : memref<25600x128xi32, #tpu.memory_space<hbm>> -> memref<8x128xi32, #tpu.memory_space<hbm>>
    tpu.enqueue_dma source(%dma_start3A_814 : memref<8x128xi32, #tpu.memory_space<hbm>>) target(%dma_start3A_812 : memref<8x128xi32, #tpu.memory_space<vmem>>) target_semaphore(%arg14 : memref<!tpu.dma_semaphore, #tpu.memory_space<semaphore_mem>>)
    %mul3A_815 = arith.constant 32 : i32
    %mul3A_816 = arith.muli %mul3A_815, %add3A : i32
    %add3A_817 = arith.constant 10240 : i32
    %add3A_818 = arith.addi %add3A_817, %mul3A_816 : i32
    %add3A_819 = arith.constant 8 : i32
    %add3A_820 = arith.addi %add3A_818, %add3A_819 : i32
    %dma_start3A_821 = arith.constant 80 : i32
    %dma_start3A_822 = arith.constant 0 : i32
    %dma_start3A_823 = tpu.memref_slice %arg9[%dma_start3A_821, %dma_start3A_822] : memref<200x128xi32, #tpu.memory_space<vmem>> -> memref<8x128xi32, #tpu.memory_space<vmem>>
    %dma_start3A_824 = arith.constant 0 : i32
    %dma_start3A_825 = tpu.memref_slice %arg3[%add3A_820, %dma_start3A_824] : memref<25600x128xi32, #tpu.memory_space<hbm>> -> memref<8x128xi32, #tpu.memory_space<hbm>>
    %dma_start3A_826 = arith.constant 80 : i32
    %dma_start3A_827 = arith.constant 0 : i32
    %dma_start3A_828 = tpu.memref_slice %arg9[%dma_start3A_826, %dma_start3A_827] : memref<200x128xi32, #tpu.memory_space<vmem>> -> memref<8x128xi32, #tpu.memory_space<vmem>>
    %dma_start3A_829 = arith.constant 0 : i32
    %dma_start3A_830 = tpu.memref_slice %arg3[%add3A_820, %dma_start3A_829] : memref<25600x128xi32, #tpu.memory_space<hbm>> -> memref<8x128xi32, #tpu.memory_space<hbm>>
    tpu.enqueue_dma source(%dma_start3A_830 : memref<8x128xi32, #tpu.memory_space<hbm>>) target(%dma_start3A_828 : memref<8x128xi32, #tpu.memory_space<vmem>>) target_semaphore(%arg14 : memref<!tpu.dma_semaphore, #tpu.memory_space<semaphore_mem>>)
    %mul3A_831 = arith.constant 32 : i32
    %mul3A_832 = arith.muli %mul3A_831, %add3A : i32
    %add3A_833 = arith.constant 11264 : i32
    %add3A_834 = arith.addi %add3A_833, %mul3A_832 : i32
    %add3A_835 = arith.constant 8 : i32
    %add3A_836 = arith.addi %add3A_834, %add3A_835 : i32
    %dma_start3A_837 = arith.constant 88 : i32
    %dma_start3A_838 = arith.constant 0 : i32
    %dma_start3A_839 = tpu.memref_slice %arg9[%dma_start3A_837, %dma_start3A_838] : memref<200x128xi32, #tpu.memory_space<vmem>> -> memref<8x128xi32, #tpu.memory_space<vmem>>
    %dma_start3A_840 = arith.constant 0 : i32
    %dma_start3A_841 = tpu.memref_slice %arg3[%add3A_836, %dma_start3A_840] : memref<25600x128xi32, #tpu.memory_space<hbm>> -> memref<8x128xi32, #tpu.memory_space<hbm>>
    %dma_start3A_842 = arith.constant 88 : i32
    %dma_start3A_843 = arith.constant 0 : i32
    %dma_start3A_844 = tpu.memref_slice %arg9[%dma_start3A_842, %dma_start3A_843] : memref<200x128xi32, #tpu.memory_space<vmem>> -> memref<8x128xi32, #tpu.memory_space<vmem>>
    %dma_start3A_845 = arith.constant 0 : i32
    %dma_start3A_846 = tpu.memref_slice %arg3[%add3A_836, %dma_start3A_845] : memref<25600x128xi32, #tpu.memory_space<hbm>> -> memref<8x128xi32, #tpu.memory_space<hbm>>
    tpu.enqueue_dma source(%dma_start3A_846 : memref<8x128xi32, #tpu.memory_space<hbm>>) target(%dma_start3A_844 : memref<8x128xi32, #tpu.memory_space<vmem>>) target_semaphore(%arg14 : memref<!tpu.dma_semaphore, #tpu.memory_space<semaphore_mem>>)
    %mul3A_847 = arith.constant 32 : i32
    %mul3A_848 = arith.muli %mul3A_847, %add3A : i32
    %add3A_849 = arith.constant 12288 : i32
    %add3A_850 = arith.addi %add3A_849, %mul3A_848 : i32
    %add3A_851 = arith.constant 8 : i32
    %add3A_852 = arith.addi %add3A_850, %add3A_851 : i32
    %dma_start3A_853 = arith.constant 96 : i32
    %dma_start3A_854 = arith.constant 0 : i32
    %dma_start3A_855 = tpu.memref_slice %arg9[%dma_start3A_853, %dma_start3A_854] : memref<200x128xi32, #tpu.memory_space<vmem>> -> memref<8x128xi32, #tpu.memory_space<vmem>>
    %dma_start3A_856 = arith.constant 0 : i32
    %dma_start3A_857 = tpu.memref_slice %arg3[%add3A_852, %dma_start3A_856] : memref<25600x128xi32, #tpu.memory_space<hbm>> -> memref<8x128xi32, #tpu.memory_space<hbm>>
    %dma_start3A_858 = arith.constant 96 : i32
    %dma_start3A_859 = arith.constant 0 : i32
    %dma_start3A_860 = tpu.memref_slice %arg9[%dma_start3A_858, %dma_start3A_859] : memref<200x128xi32, #tpu.memory_space<vmem>> -> memref<8x128xi32, #tpu.memory_space<vmem>>
    %dma_start3A_861 = arith.constant 0 : i32
    %dma_start3A_862 = tpu.memref_slice %arg3[%add3A_852, %dma_start3A_861] : memref<25600x128xi32, #tpu.memory_space<hbm>> -> memref<8x128xi32, #tpu.memory_space<hbm>>
    tpu.enqueue_dma source(%dma_start3A_862 : memref<8x128xi32, #tpu.memory_space<hbm>>) target(%dma_start3A_860 : memref<8x128xi32, #tpu.memory_space<vmem>>) target_semaphore(%arg14 : memref<!tpu.dma_semaphore, #tpu.memory_space<semaphore_mem>>)
    %mul3A_863 = arith.constant 32 : i32
    %mul3A_864 = arith.muli %mul3A_863, %add3A : i32
    %add3A_865 = arith.constant 13312 : i32
    %add3A_866 = arith.addi %add3A_865, %mul3A_864 : i32
    %add3A_867 = arith.constant 8 : i32
    %add3A_868 = arith.addi %add3A_866, %add3A_867 : i32
    %dma_start3A_869 = arith.constant 104 : i32
    %dma_start3A_870 = arith.constant 0 : i32
    %dma_start3A_871 = tpu.memref_slice %arg9[%dma_start3A_869, %dma_start3A_870] : memref<200x128xi32, #tpu.memory_space<vmem>> -> memref<8x128xi32, #tpu.memory_space<vmem>>
    %dma_start3A_872 = arith.constant 0 : i32
    %dma_start3A_873 = tpu.memref_slice %arg3[%add3A_868, %dma_start3A_872] : memref<25600x128xi32, #tpu.memory_space<hbm>> -> memref<8x128xi32, #tpu.memory_space<hbm>>
    %dma_start3A_874 = arith.constant 104 : i32
    %dma_start3A_875 = arith.constant 0 : i32
    %dma_start3A_876 = tpu.memref_slice %arg9[%dma_start3A_874, %dma_start3A_875] : memref<200x128xi32, #tpu.memory_space<vmem>> -> memref<8x128xi32, #tpu.memory_space<vmem>>
    %dma_start3A_877 = arith.constant 0 : i32
    %dma_start3A_878 = tpu.memref_slice %arg3[%add3A_868, %dma_start3A_877] : memref<25600x128xi32, #tpu.memory_space<hbm>> -> memref<8x128xi32, #tpu.memory_space<hbm>>
    tpu.enqueue_dma source(%dma_start3A_878 : memref<8x128xi32, #tpu.memory_space<hbm>>) target(%dma_start3A_876 : memref<8x128xi32, #tpu.memory_space<vmem>>) target_semaphore(%arg14 : memref<!tpu.dma_semaphore, #tpu.memory_space<semaphore_mem>>)
    %mul3A_879 = arith.constant 32 : i32
    %mul3A_880 = arith.muli %mul3A_879, %add3A : i32
    %add3A_881 = arith.constant 14336 : i32
    %add3A_882 = arith.addi %add3A_881, %mul3A_880 : i32
    %add3A_883 = arith.constant 8 : i32
    %add3A_884 = arith.addi %add3A_882, %add3A_883 : i32
    %dma_start3A_885 = arith.constant 112 : i32
    %dma_start3A_886 = arith.constant 0 : i32
    %dma_start3A_887 = tpu.memref_slice %arg9[%dma_start3A_885, %dma_start3A_886] : memref<200x128xi32, #tpu.memory_space<vmem>> -> memref<8x128xi32, #tpu.memory_space<vmem>>
    %dma_start3A_888 = arith.constant 0 : i32
    %dma_start3A_889 = tpu.memref_slice %arg3[%add3A_884, %dma_start3A_888] : memref<25600x128xi32, #tpu.memory_space<hbm>> -> memref<8x128xi32, #tpu.memory_space<hbm>>
    %dma_start3A_890 = arith.constant 112 : i32
    %dma_start3A_891 = arith.constant 0 : i32
    %dma_start3A_892 = tpu.memref_slice %arg9[%dma_start3A_890, %dma_start3A_891] : memref<200x128xi32, #tpu.memory_space<vmem>> -> memref<8x128xi32, #tpu.memory_space<vmem>>
    %dma_start3A_893 = arith.constant 0 : i32
    %dma_start3A_894 = tpu.memref_slice %arg3[%add3A_884, %dma_start3A_893] : memref<25600x128xi32, #tpu.memory_space<hbm>> -> memref<8x128xi32, #tpu.memory_space<hbm>>
    tpu.enqueue_dma source(%dma_start3A_894 : memref<8x128xi32, #tpu.memory_space<hbm>>) target(%dma_start3A_892 : memref<8x128xi32, #tpu.memory_space<vmem>>) target_semaphore(%arg14 : memref<!tpu.dma_semaphore, #tpu.memory_space<semaphore_mem>>)
    %mul3A_895 = arith.constant 32 : i32
    %mul3A_896 = arith.muli %mul3A_895, %add3A : i32
    %add3A_897 = arith.constant 15360 : i32
    %add3A_898 = arith.addi %add3A_897, %mul3A_896 : i32
    %add3A_899 = arith.constant 8 : i32
    %add3A_900 = arith.addi %add3A_898, %add3A_899 : i32
    %dma_start3A_901 = arith.constant 120 : i32
    %dma_start3A_902 = arith.constant 0 : i32
    %dma_start3A_903 = tpu.memref_slice %arg9[%dma_start3A_901, %dma_start3A_902] : memref<200x128xi32, #tpu.memory_space<vmem>> -> memref<8x128xi32, #tpu.memory_space<vmem>>
    %dma_start3A_904 = arith.constant 0 : i32
    %dma_start3A_905 = tpu.memref_slice %arg3[%add3A_900, %dma_start3A_904] : memref<25600x128xi32, #tpu.memory_space<hbm>> -> memref<8x128xi32, #tpu.memory_space<hbm>>
    %dma_start3A_906 = arith.constant 120 : i32
    %dma_start3A_907 = arith.constant 0 : i32
    %dma_start3A_908 = tpu.memref_slice %arg9[%dma_start3A_906, %dma_start3A_907] : memref<200x128xi32, #tpu.memory_space<vmem>> -> memref<8x128xi32, #tpu.memory_space<vmem>>
    %dma_start3A_909 = arith.constant 0 : i32
    %dma_start3A_910 = tpu.memref_slice %arg3[%add3A_900, %dma_start3A_909] : memref<25600x128xi32, #tpu.memory_space<hbm>> -> memref<8x128xi32, #tpu.memory_space<hbm>>
    tpu.enqueue_dma source(%dma_start3A_910 : memref<8x128xi32, #tpu.memory_space<hbm>>) target(%dma_start3A_908 : memref<8x128xi32, #tpu.memory_space<vmem>>) target_semaphore(%arg14 : memref<!tpu.dma_semaphore, #tpu.memory_space<semaphore_mem>>)
    %mul3A_911 = arith.constant 32 : i32
    %mul3A_912 = arith.muli %mul3A_911, %add3A : i32
    %add3A_913 = arith.constant 16384 : i32
    %add3A_914 = arith.addi %add3A_913, %mul3A_912 : i32
    %add3A_915 = arith.constant 8 : i32
    %add3A_916 = arith.addi %add3A_914, %add3A_915 : i32
    %dma_start3A_917 = arith.constant 128 : i32
    %dma_start3A_918 = arith.constant 0 : i32
    %dma_start3A_919 = tpu.memref_slice %arg9[%dma_start3A_917, %dma_start3A_918] : memref<200x128xi32, #tpu.memory_space<vmem>> -> memref<8x128xi32, #tpu.memory_space<vmem>>
    %dma_start3A_920 = arith.constant 0 : i32
    %dma_start3A_921 = tpu.memref_slice %arg3[%add3A_916, %dma_start3A_920] : memref<25600x128xi32, #tpu.memory_space<hbm>> -> memref<8x128xi32, #tpu.memory_space<hbm>>
    %dma_start3A_922 = arith.constant 128 : i32
    %dma_start3A_923 = arith.constant 0 : i32
    %dma_start3A_924 = tpu.memref_slice %arg9[%dma_start3A_922, %dma_start3A_923] : memref<200x128xi32, #tpu.memory_space<vmem>> -> memref<8x128xi32, #tpu.memory_space<vmem>>
    %dma_start3A_925 = arith.constant 0 : i32
    %dma_start3A_926 = tpu.memref_slice %arg3[%add3A_916, %dma_start3A_925] : memref<25600x128xi32, #tpu.memory_space<hbm>> -> memref<8x128xi32, #tpu.memory_space<hbm>>
    tpu.enqueue_dma source(%dma_start3A_926 : memref<8x128xi32, #tpu.memory_space<hbm>>) target(%dma_start3A_924 : memref<8x128xi32, #tpu.memory_space<vmem>>) target_semaphore(%arg14 : memref<!tpu.dma_semaphore, #tpu.memory_space<semaphore_mem>>)
    %mul3A_927 = arith.constant 32 : i32
    %mul3A_928 = arith.muli %mul3A_927, %add3A : i32
    %add3A_929 = arith.constant 17408 : i32
    %add3A_930 = arith.addi %add3A_929, %mul3A_928 : i32
    %add3A_931 = arith.constant 8 : i32
    %add3A_932 = arith.addi %add3A_930, %add3A_931 : i32
    %dma_start3A_933 = arith.constant 136 : i32
    %dma_start3A_934 = arith.constant 0 : i32
    %dma_start3A_935 = tpu.memref_slice %arg9[%dma_start3A_933, %dma_start3A_934] : memref<200x128xi32, #tpu.memory_space<vmem>> -> memref<8x128xi32, #tpu.memory_space<vmem>>
    %dma_start3A_936 = arith.constant 0 : i32
    %dma_start3A_937 = tpu.memref_slice %arg3[%add3A_932, %dma_start3A_936] : memref<25600x128xi32, #tpu.memory_space<hbm>> -> memref<8x128xi32, #tpu.memory_space<hbm>>
    %dma_start3A_938 = arith.constant 136 : i32
    %dma_start3A_939 = arith.constant 0 : i32
    %dma_start3A_940 = tpu.memref_slice %arg9[%dma_start3A_938, %dma_start3A_939] : memref<200x128xi32, #tpu.memory_space<vmem>> -> memref<8x128xi32, #tpu.memory_space<vmem>>
    %dma_start3A_941 = arith.constant 0 : i32
    %dma_start3A_942 = tpu.memref_slice %arg3[%add3A_932, %dma_start3A_941] : memref<25600x128xi32, #tpu.memory_space<hbm>> -> memref<8x128xi32, #tpu.memory_space<hbm>>
    tpu.enqueue_dma source(%dma_start3A_942 : memref<8x128xi32, #tpu.memory_space<hbm>>) target(%dma_start3A_940 : memref<8x128xi32, #tpu.memory_space<vmem>>) target_semaphore(%arg14 : memref<!tpu.dma_semaphore, #tpu.memory_space<semaphore_mem>>)
    %mul3A_943 = arith.constant 32 : i32
    %mul3A_944 = arith.muli %mul3A_943, %add3A : i32
    %add3A_945 = arith.constant 18432 : i32
    %add3A_946 = arith.addi %add3A_945, %mul3A_944 : i32
    %add3A_947 = arith.constant 8 : i32
    %add3A_948 = arith.addi %add3A_946, %add3A_947 : i32
    %dma_start3A_949 = arith.constant 144 : i32
    %dma_start3A_950 = arith.constant 0 : i32
    %dma_start3A_951 = tpu.memref_slice %arg9[%dma_start3A_949, %dma_start3A_950] : memref<200x128xi32, #tpu.memory_space<vmem>> -> memref<8x128xi32, #tpu.memory_space<vmem>>
    %dma_start3A_952 = arith.constant 0 : i32
    %dma_start3A_953 = tpu.memref_slice %arg3[%add3A_948, %dma_start3A_952] : memref<25600x128xi32, #tpu.memory_space<hbm>> -> memref<8x128xi32, #tpu.memory_space<hbm>>
    %dma_start3A_954 = arith.constant 144 : i32
    %dma_start3A_955 = arith.constant 0 : i32
    %dma_start3A_956 = tpu.memref_slice %arg9[%dma_start3A_954, %dma_start3A_955] : memref<200x128xi32, #tpu.memory_space<vmem>> -> memref<8x128xi32, #tpu.memory_space<vmem>>
    %dma_start3A_957 = arith.constant 0 : i32
    %dma_start3A_958 = tpu.memref_slice %arg3[%add3A_948, %dma_start3A_957] : memref<25600x128xi32, #tpu.memory_space<hbm>> -> memref<8x128xi32, #tpu.memory_space<hbm>>
    tpu.enqueue_dma source(%dma_start3A_958 : memref<8x128xi32, #tpu.memory_space<hbm>>) target(%dma_start3A_956 : memref<8x128xi32, #tpu.memory_space<vmem>>) target_semaphore(%arg14 : memref<!tpu.dma_semaphore, #tpu.memory_space<semaphore_mem>>)
    %mul3A_959 = arith.constant 32 : i32
    %mul3A_960 = arith.muli %mul3A_959, %add3A : i32
    %add3A_961 = arith.constant 19456 : i32
    %add3A_962 = arith.addi %add3A_961, %mul3A_960 : i32
    %add3A_963 = arith.constant 8 : i32
    %add3A_964 = arith.addi %add3A_962, %add3A_963 : i32
    %dma_start3A_965 = arith.constant 152 : i32
    %dma_start3A_966 = arith.constant 0 : i32
    %dma_start3A_967 = tpu.memref_slice %arg9[%dma_start3A_965, %dma_start3A_966] : memref<200x128xi32, #tpu.memory_space<vmem>> -> memref<8x128xi32, #tpu.memory_space<vmem>>
    %dma_start3A_968 = arith.constant 0 : i32
    %dma_start3A_969 = tpu.memref_slice %arg3[%add3A_964, %dma_start3A_968] : memref<25600x128xi32, #tpu.memory_space<hbm>> -> memref<8x128xi32, #tpu.memory_space<hbm>>
    %dma_start3A_970 = arith.constant 152 : i32
    %dma_start3A_971 = arith.constant 0 : i32
    %dma_start3A_972 = tpu.memref_slice %arg9[%dma_start3A_970, %dma_start3A_971] : memref<200x128xi32, #tpu.memory_space<vmem>> -> memref<8x128xi32, #tpu.memory_space<vmem>>
    %dma_start3A_973 = arith.constant 0 : i32
    %dma_start3A_974 = tpu.memref_slice %arg3[%add3A_964, %dma_start3A_973] : memref<25600x128xi32, #tpu.memory_space<hbm>> -> memref<8x128xi32, #tpu.memory_space<hbm>>
    tpu.enqueue_dma source(%dma_start3A_974 : memref<8x128xi32, #tpu.memory_space<hbm>>) target(%dma_start3A_972 : memref<8x128xi32, #tpu.memory_space<vmem>>) target_semaphore(%arg14 : memref<!tpu.dma_semaphore, #tpu.memory_space<semaphore_mem>>)
    %mul3A_975 = arith.constant 32 : i32
    %mul3A_976 = arith.muli %mul3A_975, %add3A : i32
    %add3A_977 = arith.constant 20480 : i32
    %add3A_978 = arith.addi %add3A_977, %mul3A_976 : i32
    %add3A_979 = arith.constant 8 : i32
    %add3A_980 = arith.addi %add3A_978, %add3A_979 : i32
    %dma_start3A_981 = arith.constant 160 : i32
    %dma_start3A_982 = arith.constant 0 : i32
    %dma_start3A_983 = tpu.memref_slice %arg9[%dma_start3A_981, %dma_start3A_982] : memref<200x128xi32, #tpu.memory_space<vmem>> -> memref<8x128xi32, #tpu.memory_space<vmem>>
    %dma_start3A_984 = arith.constant 0 : i32
    %dma_start3A_985 = tpu.memref_slice %arg3[%add3A_980, %dma_start3A_984] : memref<25600x128xi32, #tpu.memory_space<hbm>> -> memref<8x128xi32, #tpu.memory_space<hbm>>
    %dma_start3A_986 = arith.constant 160 : i32
    %dma_start3A_987 = arith.constant 0 : i32
    %dma_start3A_988 = tpu.memref_slice %arg9[%dma_start3A_986, %dma_start3A_987] : memref<200x128xi32, #tpu.memory_space<vmem>> -> memref<8x128xi32, #tpu.memory_space<vmem>>
    %dma_start3A_989 = arith.constant 0 : i32
    %dma_start3A_990 = tpu.memref_slice %arg3[%add3A_980, %dma_start3A_989] : memref<25600x128xi32, #tpu.memory_space<hbm>> -> memref<8x128xi32, #tpu.memory_space<hbm>>
    tpu.enqueue_dma source(%dma_start3A_990 : memref<8x128xi32, #tpu.memory_space<hbm>>) target(%dma_start3A_988 : memref<8x128xi32, #tpu.memory_space<vmem>>) target_semaphore(%arg14 : memref<!tpu.dma_semaphore, #tpu.memory_space<semaphore_mem>>)
    %mul3A_991 = arith.constant 32 : i32
    %mul3A_992 = arith.muli %mul3A_991, %add3A : i32
    %add3A_993 = arith.constant 21504 : i32
    %add3A_994 = arith.addi %add3A_993, %mul3A_992 : i32
    %add3A_995 = arith.constant 8 : i32
    %add3A_996 = arith.addi %add3A_994, %add3A_995 : i32
    %dma_start3A_997 = arith.constant 168 : i32
    %dma_start3A_998 = arith.constant 0 : i32
    %dma_start3A_999 = tpu.memref_slice %arg9[%dma_start3A_997, %dma_start3A_998] : memref<200x128xi32, #tpu.memory_space<vmem>> -> memref<8x128xi32, #tpu.memory_space<vmem>>
    %dma_start3A_1000 = arith.constant 0 : i32
    %dma_start3A_1001 = tpu.memref_slice %arg3[%add3A_996, %dma_start3A_1000] : memref<25600x128xi32, #tpu.memory_space<hbm>> -> memref<8x128xi32, #tpu.memory_space<hbm>>
    %dma_start3A_1002 = arith.constant 168 : i32
    %dma_start3A_1003 = arith.constant 0 : i32
    %dma_start3A_1004 = tpu.memref_slice %arg9[%dma_start3A_1002, %dma_start3A_1003] : memref<200x128xi32, #tpu.memory_space<vmem>> -> memref<8x128xi32, #tpu.memory_space<vmem>>
    %dma_start3A_1005 = arith.constant 0 : i32
    %dma_start3A_1006 = tpu.memref_slice %arg3[%add3A_996, %dma_start3A_1005] : memref<25600x128xi32, #tpu.memory_space<hbm>> -> memref<8x128xi32, #tpu.memory_space<hbm>>
    tpu.enqueue_dma source(%dma_start3A_1006 : memref<8x128xi32, #tpu.memory_space<hbm>>) target(%dma_start3A_1004 : memref<8x128xi32, #tpu.memory_space<vmem>>) target_semaphore(%arg14 : memref<!tpu.dma_semaphore, #tpu.memory_space<semaphore_mem>>)
    %mul3A_1007 = arith.constant 32 : i32
    %mul3A_1008 = arith.muli %mul3A_1007, %add3A : i32
    %add3A_1009 = arith.constant 22528 : i32
    %add3A_1010 = arith.addi %add3A_1009, %mul3A_1008 : i32
    %add3A_1011 = arith.constant 8 : i32
    %add3A_1012 = arith.addi %add3A_1010, %add3A_1011 : i32
    %dma_start3A_1013 = arith.constant 176 : i32
    %dma_start3A_1014 = arith.constant 0 : i32
    %dma_start3A_1015 = tpu.memref_slice %arg9[%dma_start3A_1013, %dma_start3A_1014] : memref<200x128xi32, #tpu.memory_space<vmem>> -> memref<8x128xi32, #tpu.memory_space<vmem>>
    %dma_start3A_1016 = arith.constant 0 : i32
    %dma_start3A_1017 = tpu.memref_slice %arg3[%add3A_1012, %dma_start3A_1016] : memref<25600x128xi32, #tpu.memory_space<hbm>> -> memref<8x128xi32, #tpu.memory_space<hbm>>
    %dma_start3A_1018 = arith.constant 176 : i32
    %dma_start3A_1019 = arith.constant 0 : i32
    %dma_start3A_1020 = tpu.memref_slice %arg9[%dma_start3A_1018, %dma_start3A_1019] : memref<200x128xi32, #tpu.memory_space<vmem>> -> memref<8x128xi32, #tpu.memory_space<vmem>>
    %dma_start3A_1021 = arith.constant 0 : i32
    %dma_start3A_1022 = tpu.memref_slice %arg3[%add3A_1012, %dma_start3A_1021] : memref<25600x128xi32, #tpu.memory_space<hbm>> -> memref<8x128xi32, #tpu.memory_space<hbm>>
    tpu.enqueue_dma source(%dma_start3A_1022 : memref<8x128xi32, #tpu.memory_space<hbm>>) target(%dma_start3A_1020 : memref<8x128xi32, #tpu.memory_space<vmem>>) target_semaphore(%arg14 : memref<!tpu.dma_semaphore, #tpu.memory_space<semaphore_mem>>)
    %mul3A_1023 = arith.constant 32 : i32
    %mul3A_1024 = arith.muli %mul3A_1023, %add3A : i32
    %add3A_1025 = arith.constant 23552 : i32
    %add3A_1026 = arith.addi %add3A_1025, %mul3A_1024 : i32
    %add3A_1027 = arith.constant 8 : i32
    %add3A_1028 = arith.addi %add3A_1026, %add3A_1027 : i32
    %dma_start3A_1029 = arith.constant 184 : i32
    %dma_start3A_1030 = arith.constant 0 : i32
    %dma_start3A_1031 = tpu.memref_slice %arg9[%dma_start3A_1029, %dma_start3A_1030] : memref<200x128xi32, #tpu.memory_space<vmem>> -> memref<8x128xi32, #tpu.memory_space<vmem>>
    %dma_start3A_1032 = arith.constant 0 : i32
    %dma_start3A_1033 = tpu.memref_slice %arg3[%add3A_1028, %dma_start3A_1032] : memref<25600x128xi32, #tpu.memory_space<hbm>> -> memref<8x128xi32, #tpu.memory_space<hbm>>
    %dma_start3A_1034 = arith.constant 184 : i32
    %dma_start3A_1035 = arith.constant 0 : i32
    %dma_start3A_1036 = tpu.memref_slice %arg9[%dma_start3A_1034, %dma_start3A_1035] : memref<200x128xi32, #tpu.memory_space<vmem>> -> memref<8x128xi32, #tpu.memory_space<vmem>>
    %dma_start3A_1037 = arith.constant 0 : i32
    %dma_start3A_1038 = tpu.memref_slice %arg3[%add3A_1028, %dma_start3A_1037] : memref<25600x128xi32, #tpu.memory_space<hbm>> -> memref<8x128xi32, #tpu.memory_space<hbm>>
    tpu.enqueue_dma source(%dma_start3A_1038 : memref<8x128xi32, #tpu.memory_space<hbm>>) target(%dma_start3A_1036 : memref<8x128xi32, #tpu.memory_space<vmem>>) target_semaphore(%arg14 : memref<!tpu.dma_semaphore, #tpu.memory_space<semaphore_mem>>)
    %mul3A_1039 = arith.constant 32 : i32
    %mul3A_1040 = arith.muli %mul3A_1039, %add3A : i32
    %add3A_1041 = arith.constant 24576 : i32
    %add3A_1042 = arith.addi %add3A_1041, %mul3A_1040 : i32
    %add3A_1043 = arith.constant 8 : i32
    %add3A_1044 = arith.addi %add3A_1042, %add3A_1043 : i32
    %dma_start3A_1045 = arith.constant 192 : i32
    %dma_start3A_1046 = arith.constant 0 : i32
    %dma_start3A_1047 = tpu.memref_slice %arg9[%dma_start3A_1045, %dma_start3A_1046] : memref<200x128xi32, #tpu.memory_space<vmem>> -> memref<8x128xi32, #tpu.memory_space<vmem>>
    %dma_start3A_1048 = arith.constant 0 : i32
    %dma_start3A_1049 = tpu.memref_slice %arg3[%add3A_1044, %dma_start3A_1048] : memref<25600x128xi32, #tpu.memory_space<hbm>> -> memref<8x128xi32, #tpu.memory_space<hbm>>
    %dma_start3A_1050 = arith.constant 192 : i32
    %dma_start3A_1051 = arith.constant 0 : i32
    %dma_start3A_1052 = tpu.memref_slice %arg9[%dma_start3A_1050, %dma_start3A_1051] : memref<200x128xi32, #tpu.memory_space<vmem>> -> memref<8x128xi32, #tpu.memory_space<vmem>>
    %dma_start3A_1053 = arith.constant 0 : i32
    %dma_start3A_1054 = tpu.memref_slice %arg3[%add3A_1044, %dma_start3A_1053] : memref<25600x128xi32, #tpu.memory_space<hbm>> -> memref<8x128xi32, #tpu.memory_space<hbm>>
    tpu.enqueue_dma source(%dma_start3A_1054 : memref<8x128xi32, #tpu.memory_space<hbm>>) target(%dma_start3A_1052 : memref<8x128xi32, #tpu.memory_space<vmem>>) target_semaphore(%arg14 : memref<!tpu.dma_semaphore, #tpu.memory_space<semaphore_mem>>)
    %scan3A = arith.constant 0 : i32
    %scan3A_1055 = arith.constant 0 : i32
    %scan3A_1056 = arith.constant 8 : i32
    %scan3A_1057 = arith.addi %scan3A_1055, %scan3A_1056 : i32
    %scan3A_1058 = arith.constant 1 : i32
    scf.for %scan3A_2628 = %scan3A_1055 to %scan3A_1057 step %scan3A_1058  : i32 {
      %mul3A_2629 = arith.constant 16 : i32
      %mul3A_2630 = arith.muli %scan3A_2628, %mul3A_2629 : i32
      %add3A_2631 = vector.broadcast %mul3A_2630 : i32 to vector<16xi32>
      %add3A_2632 = arith.addi %add3A_2631, %iota3A : vector<16xi32>
      %scan3A_2633 = arith.constant 0 : i32
      %scan3A_2634 = arith.constant 25 : i32
      %scan3A_2635 = arith.addi %scan3A_2633, %scan3A_2634 : i32
      %scan3A_2636 = arith.constant 1 : i32
      %scan3A_2637:3 = scf.for %scan3A_2656 = %scan3A_2633 to %scan3A_2635 step %scan3A_2636 iter_args(%scan3A_2657 = %broadcast_in_dim3A_403, %scan3A_2658 = %broadcast_in_dim3A_403, %scan3A_2659 = %broadcast_in_dim3A_405) -> (vector<16xf32>, vector<16xf32>, vector<16xi32>)  : i32 {
        %add3A_2660 = arith.constant 0 : i32
        %add3A_2661 = vector.broadcast %add3A_2660 : i32 to vector<16xi32>
        %add3A_2662 = arith.addi %scan3A_2659, %add3A_2661 : vector<16xi32>
        %gather3A = tpu.vector_load_idx %arg8[%add3A_2662, %add3A_2632] : memref<200x128xi32, #tpu.memory_space<vmem>>[vector<16xi32>, vector<16xi32>], vector<16xi32>,
        %gather3A_2663 = tpu.vector_load_idx %arg7[%gather3A] : memref<7808xf32, #tpu.memory_space<vmem>>[vector<16xi32>], vector<16xf32>,
        %add3A_2664 = arith.addf %scan3A_2657, %gather3A_2663 : vector<16xf32>
        %add3A_2665 = arith.constant 1 : i32
        %add3A_2666 = vector.broadcast %add3A_2665 : i32 to vector<16xi32>
        %add3A_2667 = arith.addi %scan3A_2659, %add3A_2666 : vector<16xi32>
        %gather3A_2668 = tpu.vector_load_idx %arg8[%add3A_2667, %add3A_2632] : memref<200x128xi32, #tpu.memory_space<vmem>>[vector<16xi32>, vector<16xi32>], vector<16xi32>,
        %gather3A_2669 = tpu.vector_load_idx %arg7[%gather3A_2668] : memref<7808xf32, #tpu.memory_space<vmem>>[vector<16xi32>], vector<16xf32>,
        %add3A_2670 = arith.addf %scan3A_2658, %gather3A_2669 : vector<16xf32>
        %add3A_2671 = arith.constant 2 : i32
        %add3A_2672 = vector.broadcast %add3A_2671 : i32 to vector<16xi32>
        %add3A_2673 = arith.addi %scan3A_2659, %add3A_2672 : vector<16xi32>
        %gather3A_2674 = tpu.vector_load_idx %arg8[%add3A_2673, %add3A_2632] : memref<200x128xi32, #tpu.memory_space<vmem>>[vector<16xi32>, vector<16xi32>], vector<16xi32>,
        %gather3A_2675 = tpu.vector_load_idx %arg7[%gather3A_2674] : memref<7808xf32, #tpu.memory_space<vmem>>[vector<16xi32>], vector<16xf32>,
        %add3A_2676 = arith.addf %add3A_2664, %gather3A_2675 : vector<16xf32>
        %add3A_2677 = arith.constant 3 : i32
        %add3A_2678 = vector.broadcast %add3A_2677 : i32 to vector<16xi32>
        %add3A_2679 = arith.addi %scan3A_2659, %add3A_2678 : vector<16xi32>
        %gather3A_2680 = tpu.vector_load_idx %arg8[%add3A_2679, %add3A_2632] : memref<200x128xi32, #tpu.memory_space<vmem>>[vector<16xi32>, vector<16xi32>], vector<16xi32>,
        %gather3A_2681 = tpu.vector_load_idx %arg7[%gather3A_2680] : memref<7808xf32, #tpu.memory_space<vmem>>[vector<16xi32>], vector<16xf32>,
        %add3A_2682 = arith.addf %add3A_2670, %gather3A_2681 : vector<16xf32>
        %add3A_2683 = arith.constant 4 : i32
        %add3A_2684 = vector.broadcast %add3A_2683 : i32 to vector<16xi32>
        %add3A_2685 = arith.addi %scan3A_2659, %add3A_2684 : vector<16xi32>
        %gather3A_2686 = tpu.vector_load_idx %arg8[%add3A_2685, %add3A_2632] : memref<200x128xi32, #tpu.memory_space<vmem>>[vector<16xi32>, vector<16xi32>], vector<16xi32>,
        %gather3A_2687 = tpu.vector_load_idx %arg7[%gather3A_2686] : memref<7808xf32, #tpu.memory_space<vmem>>[vector<16xi32>], vector<16xf32>,
        %add3A_2688 = arith.addf %add3A_2676, %gather3A_2687 : vector<16xf32>
        %add3A_2689 = arith.constant 5 : i32
        %add3A_2690 = vector.broadcast %add3A_2689 : i32 to vector<16xi32>
        %add3A_2691 = arith.addi %scan3A_2659, %add3A_2690 : vector<16xi32>
        %gather3A_2692 = tpu.vector_load_idx %arg8[%add3A_2691, %add3A_2632] : memref<200x128xi32, #tpu.memory_space<vmem>>[vector<16xi32>, vector<16xi32>], vector<16xi32>,
        %gather3A_2693 = tpu.vector_load_idx %arg7[%gather3A_2692] : memref<7808xf32, #tpu.memory_space<vmem>>[vector<16xi32>], vector<16xf32>,
        %add3A_2694 = arith.addf %add3A_2682, %gather3A_2693 : vector<16xf32>
        %add3A_2695 = arith.constant 6 : i32
        %add3A_2696 = vector.broadcast %add3A_2695 : i32 to vector<16xi32>
        %add3A_2697 = arith.addi %scan3A_2659, %add3A_2696 : vector<16xi32>
        %gather3A_2698 = tpu.vector_load_idx %arg8[%add3A_2697, %add3A_2632] : memref<200x128xi32, #tpu.memory_space<vmem>>[vector<16xi32>, vector<16xi32>], vector<16xi32>,
        %gather3A_2699 = tpu.vector_load_idx %arg7[%gather3A_2698] : memref<7808xf32, #tpu.memory_space<vmem>>[vector<16xi32>], vector<16xf32>,
        %add3A_2700 = arith.addf %add3A_2688, %gather3A_2699 : vector<16xf32>
        %add3A_2701 = arith.constant 7 : i32
        %add3A_2702 = vector.broadcast %add3A_2701 : i32 to vector<16xi32>
        %add3A_2703 = arith.addi %scan3A_2659, %add3A_2702 : vector<16xi32>
        %gather3A_2704 = tpu.vector_load_idx %arg8[%add3A_2703, %add3A_2632] : memref<200x128xi32, #tpu.memory_space<vmem>>[vector<16xi32>, vector<16xi32>], vector<16xi32>,
        %gather3A_2705 = tpu.vector_load_idx %arg7[%gather3A_2704] : memref<7808xf32, #tpu.memory_space<vmem>>[vector<16xi32>], vector<16xf32>,
        %add3A_2706 = arith.addf %add3A_2694, %gather3A_2705 : vector<16xf32>
        %add3A_2707 = arith.constant 8 : i32
        %add3A_2708 = vector.broadcast %add3A_2707 : i32 to vector<16xi32>
        %add3A_2709 = arith.addi %scan3A_2659, %add3A_2708 : vector<16xi32>
        scf.yield %add3A_2700, %add3A_2706, %add3A_2709 : vector<16xf32>, vector<16xf32>, vector<16xi32>
      }
      %scan3A_2638 = arith.constant 25 : i32
      %mul3A_2639 = arith.constant 16 : i32
      %mul3A_2640 = arith.muli %scan3A_2628, %mul3A_2639 : i32
      %add3A_2641 = arith.constant 0 : i32
      %add3A_2642 = arith.addi %add3A_2641, %mul3A_2640 : i32
      %add3A_2643 = arith.addf %scan3A_2637#0, %scan3A_2637#1 : vector<16xf32>
      %get3A_2644 = arith.index_cast %add3A_2642 : i32 to index
      %get3A_2645 = tpu.vector_load %arg10[%get3A_2644] {strides = array<i32>} : memref<512xf32, #tpu.memory_space<vmem>>, vector<16xf32>,
      %div3A = arith.divf %add3A_2643, %get3A_2645 : vector<16xf32>
      %add3A_2646 = arith.addf %div3A, %get3A_402 : vector<16xf32>
      %neg3A = arith.constant 0.000000e+00 : f32
      %neg3A_2647 = vector.broadcast %neg3A : f32 to vector<16xf32>
      %neg3A_2648 = arith.subf %neg3A_2647, %add3A_2646 : vector<16xf32>
      %exp3A = math.exp %neg3A_2648 : vector<16xf32>
      %add3A_2649 = arith.constant 1.000000e+00 : f32
      %add3A_2650 = vector.broadcast %add3A_2649 : f32 to vector<16xf32>
      %add3A_2651 = arith.addf %add3A_2650, %exp3A : vector<16xf32>
      %div3A_2652 = arith.constant 1.000000e+00 : f32
      %div3A_2653 = vector.broadcast %div3A_2652 : f32 to vector<16xf32>
      %div3A_2654 = arith.divf %div3A_2653, %add3A_2651 : vector<16xf32>
      %swap3A = arith.index_cast %add3A_2642 : i32 to index
      %swap3A_2655 = tpu.vector_load %arg12[%swap3A] {strides = array<i32>} : memref<512xf32, #tpu.memory_space<vmem>>, vector<16xf32>,
      tpu.vector_store %arg12[%swap3A], %div3A_2654 {strides = array<i32>} : memref<512xf32, #tpu.memory_space<vmem>>, vector<16xf32>,
    }
    %scan3A_1059 = arith.constant 8 : i32
    %dma_wait3A_1060 = arith.constant 0 : i32
    %dma_wait3A_1061 = arith.constant 0 : i32
    %dma_wait3A_1062 = tpu.memref_slice %arg9[%dma_wait3A_1060, %dma_wait3A_1061] : memref<200x128xi32, #tpu.memory_space<vmem>> -> memref<8x128xi32, #tpu.memory_space<vmem>>
    %dma_wait3A_1063 = arith.constant 0 : i32
    %dma_wait3A_1064 = tpu.memref_slice %arg3[%add3A_660, %dma_wait3A_1063] : memref<25600x128xi32, #tpu.memory_space<hbm>> -> memref<8x128xi32, #tpu.memory_space<hbm>>
    %dma_wait3A_1065 = arith.constant 0 : i32
    %dma_wait3A_1066 = arith.constant 0 : i32
    %dma_wait3A_1067 = tpu.memref_slice %arg9[%dma_wait3A_1065, %dma_wait3A_1066] : memref<200x128xi32, #tpu.memory_space<vmem>> -> memref<8x128xi32, #tpu.memory_space<vmem>>
    %dma_wait3A_1068 = arith.constant 0 : i32
    %dma_wait3A_1069 = tpu.memref_slice %arg3[%add3A_660, %dma_wait3A_1068] : memref<25600x128xi32, #tpu.memory_space<hbm>> -> memref<8x128xi32, #tpu.memory_space<hbm>>
    tpu.wait_dma2 semaphore(%arg14 : memref<!tpu.dma_semaphore, #tpu.memory_space<semaphore_mem>>) src(%dma_wait3A_1069 : memref<8x128xi32, #tpu.memory_space<hbm>>) dst(%dma_wait3A_1067 : memref<8x128xi32, #tpu.memory_space<vmem>>)
    %dma_wait3A_1070 = arith.constant 8 : i32
    %dma_wait3A_1071 = arith.constant 0 : i32
    %dma_wait3A_1072 = tpu.memref_slice %arg9[%dma_wait3A_1070, %dma_wait3A_1071] : memref<200x128xi32, #tpu.memory_space<vmem>> -> memref<8x128xi32, #tpu.memory_space<vmem>>
    %dma_wait3A_1073 = arith.constant 0 : i32
    %dma_wait3A_1074 = tpu.memref_slice %arg3[%add3A_676, %dma_wait3A_1073] : memref<25600x128xi32, #tpu.memory_space<hbm>> -> memref<8x128xi32, #tpu.memory_space<hbm>>
    %dma_wait3A_1075 = arith.constant 8 : i32
    %dma_wait3A_1076 = arith.constant 0 : i32
    %dma_wait3A_1077 = tpu.memref_slice %arg9[%dma_wait3A_1075, %dma_wait3A_1076] : memref<200x128xi32, #tpu.memory_space<vmem>> -> memref<8x128xi32, #tpu.memory_space<vmem>>
    %dma_wait3A_1078 = arith.constant 0 : i32
    %dma_wait3A_1079 = tpu.memref_slice %arg3[%add3A_676, %dma_wait3A_1078] : memref<25600x128xi32, #tpu.memory_space<hbm>> -> memref<8x128xi32, #tpu.memory_space<hbm>>
    tpu.wait_dma2 semaphore(%arg14 : memref<!tpu.dma_semaphore, #tpu.memory_space<semaphore_mem>>) src(%dma_wait3A_1079 : memref<8x128xi32, #tpu.memory_space<hbm>>) dst(%dma_wait3A_1077 : memref<8x128xi32, #tpu.memory_space<vmem>>)
    %dma_wait3A_1080 = arith.constant 16 : i32
    %dma_wait3A_1081 = arith.constant 0 : i32
    %dma_wait3A_1082 = tpu.memref_slice %arg9[%dma_wait3A_1080, %dma_wait3A_1081] : memref<200x128xi32, #tpu.memory_space<vmem>> -> memref<8x128xi32, #tpu.memory_space<vmem>>
    %dma_wait3A_1083 = arith.constant 0 : i32
    %dma_wait3A_1084 = tpu.memref_slice %arg3[%add3A_692, %dma_wait3A_1083] : memref<25600x128xi32, #tpu.memory_space<hbm>> -> memref<8x128xi32, #tpu.memory_space<hbm>>
    %dma_wait3A_1085 = arith.constant 16 : i32
    %dma_wait3A_1086 = arith.constant 0 : i32
    %dma_wait3A_1087 = tpu.memref_slice %arg9[%dma_wait3A_1085, %dma_wait3A_1086] : memref<200x128xi32, #tpu.memory_space<vmem>> -> memref<8x128xi32, #tpu.memory_space<vmem>>
    %dma_wait3A_1088 = arith.constant 0 : i32
    %dma_wait3A_1089 = tpu.memref_slice %arg3[%add3A_692, %dma_wait3A_1088] : memref<25600x128xi32, #tpu.memory_space<hbm>> -> memref<8x128xi32, #tpu.memory_space<hbm>>
    tpu.wait_dma2 semaphore(%arg14 : memref<!tpu.dma_semaphore, #tpu.memory_space<semaphore_mem>>) src(%dma_wait3A_1089 : memref<8x128xi32, #tpu.memory_space<hbm>>) dst(%dma_wait3A_1087 : memref<8x128xi32, #tpu.memory_space<vmem>>)
    %dma_wait3A_1090 = arith.constant 24 : i32
    %dma_wait3A_1091 = arith.constant 0 : i32
    %dma_wait3A_1092 = tpu.memref_slice %arg9[%dma_wait3A_1090, %dma_wait3A_1091] : memref<200x128xi32, #tpu.memory_space<vmem>> -> memref<8x128xi32, #tpu.memory_space<vmem>>
    %dma_wait3A_1093 = arith.constant 0 : i32
    %dma_wait3A_1094 = tpu.memref_slice %arg3[%add3A_708, %dma_wait3A_1093] : memref<25600x128xi32, #tpu.memory_space<hbm>> -> memref<8x128xi32, #tpu.memory_space<hbm>>
    %dma_wait3A_1095 = arith.constant 24 : i32
    %dma_wait3A_1096 = arith.constant 0 : i32
    %dma_wait3A_1097 = tpu.memref_slice %arg9[%dma_wait3A_1095, %dma_wait3A_1096] : memref<200x128xi32, #tpu.memory_space<vmem>> -> memref<8x128xi32, #tpu.memory_space<vmem>>
    %dma_wait3A_1098 = arith.constant 0 : i32
    %dma_wait3A_1099 = tpu.memref_slice %arg3[%add3A_708, %dma_wait3A_1098] : memref<25600x128xi32, #tpu.memory_space<hbm>> -> memref<8x128xi32, #tpu.memory_space<hbm>>
    tpu.wait_dma2 semaphore(%arg14 : memref<!tpu.dma_semaphore, #tpu.memory_space<semaphore_mem>>) src(%dma_wait3A_1099 : memref<8x128xi32, #tpu.memory_space<hbm>>) dst(%dma_wait3A_1097 : memref<8x128xi32, #tpu.memory_space<vmem>>)
    %dma_wait3A_1100 = arith.constant 32 : i32
    %dma_wait3A_1101 = arith.constant 0 : i32
    %dma_wait3A_1102 = tpu.memref_slice %arg9[%dma_wait3A_1100, %dma_wait3A_1101] : memref<200x128xi32, #tpu.memory_space<vmem>> -> memref<8x128xi32, #tpu.memory_space<vmem>>
    %dma_wait3A_1103 = arith.constant 0 : i32
    %dma_wait3A_1104 = tpu.memref_slice %arg3[%add3A_724, %dma_wait3A_1103] : memref<25600x128xi32, #tpu.memory_space<hbm>> -> memref<8x128xi32, #tpu.memory_space<hbm>>
    %dma_wait3A_1105 = arith.constant 32 : i32
    %dma_wait3A_1106 = arith.constant 0 : i32
    %dma_wait3A_1107 = tpu.memref_slice %arg9[%dma_wait3A_1105, %dma_wait3A_1106] : memref<200x128xi32, #tpu.memory_space<vmem>> -> memref<8x128xi32, #tpu.memory_space<vmem>>
    %dma_wait3A_1108 = arith.constant 0 : i32
    %dma_wait3A_1109 = tpu.memref_slice %arg3[%add3A_724, %dma_wait3A_1108] : memref<25600x128xi32, #tpu.memory_space<hbm>> -> memref<8x128xi32, #tpu.memory_space<hbm>>
    tpu.wait_dma2 semaphore(%arg14 : memref<!tpu.dma_semaphore, #tpu.memory_space<semaphore_mem>>) src(%dma_wait3A_1109 : memref<8x128xi32, #tpu.memory_space<hbm>>) dst(%dma_wait3A_1107 : memref<8x128xi32, #tpu.memory_space<vmem>>)
    %dma_wait3A_1110 = arith.constant 40 : i32
    %dma_wait3A_1111 = arith.constant 0 : i32
    %dma_wait3A_1112 = tpu.memref_slice %arg9[%dma_wait3A_1110, %dma_wait3A_1111] : memref<200x128xi32, #tpu.memory_space<vmem>> -> memref<8x128xi32, #tpu.memory_space<vmem>>
    %dma_wait3A_1113 = arith.constant 0 : i32
    %dma_wait3A_1114 = tpu.memref_slice %arg3[%add3A_740, %dma_wait3A_1113] : memref<25600x128xi32, #tpu.memory_space<hbm>> -> memref<8x128xi32, #tpu.memory_space<hbm>>
    %dma_wait3A_1115 = arith.constant 40 : i32
    %dma_wait3A_1116 = arith.constant 0 : i32
    %dma_wait3A_1117 = tpu.memref_slice %arg9[%dma_wait3A_1115, %dma_wait3A_1116] : memref<200x128xi32, #tpu.memory_space<vmem>> -> memref<8x128xi32, #tpu.memory_space<vmem>>
    %dma_wait3A_1118 = arith.constant 0 : i32
    %dma_wait3A_1119 = tpu.memref_slice %arg3[%add3A_740, %dma_wait3A_1118] : memref<25600x128xi32, #tpu.memory_space<hbm>> -> memref<8x128xi32, #tpu.memory_space<hbm>>
    tpu.wait_dma2 semaphore(%arg14 : memref<!tpu.dma_semaphore, #tpu.memory_space<semaphore_mem>>) src(%dma_wait3A_1119 : memref<8x128xi32, #tpu.memory_space<hbm>>) dst(%dma_wait3A_1117 : memref<8x128xi32, #tpu.memory_space<vmem>>)
    %dma_wait3A_1120 = arith.constant 48 : i32
    %dma_wait3A_1121 = arith.constant 0 : i32
    %dma_wait3A_1122 = tpu.memref_slice %arg9[%dma_wait3A_1120, %dma_wait3A_1121] : memref<200x128xi32, #tpu.memory_space<vmem>> -> memref<8x128xi32, #tpu.memory_space<vmem>>
    %dma_wait3A_1123 = arith.constant 0 : i32
    %dma_wait3A_1124 = tpu.memref_slice %arg3[%add3A_756, %dma_wait3A_1123] : memref<25600x128xi32, #tpu.memory_space<hbm>> -> memref<8x128xi32, #tpu.memory_space<hbm>>
    %dma_wait3A_1125 = arith.constant 48 : i32
    %dma_wait3A_1126 = arith.constant 0 : i32
    %dma_wait3A_1127 = tpu.memref_slice %arg9[%dma_wait3A_1125, %dma_wait3A_1126] : memref<200x128xi32, #tpu.memory_space<vmem>> -> memref<8x128xi32, #tpu.memory_space<vmem>>
    %dma_wait3A_1128 = arith.constant 0 : i32
    %dma_wait3A_1129 = tpu.memref_slice %arg3[%add3A_756, %dma_wait3A_1128] : memref<25600x128xi32, #tpu.memory_space<hbm>> -> memref<8x128xi32, #tpu.memory_space<hbm>>
    tpu.wait_dma2 semaphore(%arg14 : memref<!tpu.dma_semaphore, #tpu.memory_space<semaphore_mem>>) src(%dma_wait3A_1129 : memref<8x128xi32, #tpu.memory_space<hbm>>) dst(%dma_wait3A_1127 : memref<8x128xi32, #tpu.memory_space<vmem>>)
    %dma_wait3A_1130 = arith.constant 56 : i32
    %dma_wait3A_1131 = arith.constant 0 : i32
    %dma_wait3A_1132 = tpu.memref_slice %arg9[%dma_wait3A_1130, %dma_wait3A_1131] : memref<200x128xi32, #tpu.memory_space<vmem>> -> memref<8x128xi32, #tpu.memory_space<vmem>>
    %dma_wait3A_1133 = arith.constant 0 : i32
    %dma_wait3A_1134 = tpu.memref_slice %arg3[%add3A_772, %dma_wait3A_1133] : memref<25600x128xi32, #tpu.memory_space<hbm>> -> memref<8x128xi32, #tpu.memory_space<hbm>>
    %dma_wait3A_1135 = arith.constant 56 : i32
    %dma_wait3A_1136 = arith.constant 0 : i32
    %dma_wait3A_1137 = tpu.memref_slice %arg9[%dma_wait3A_1135, %dma_wait3A_1136] : memref<200x128xi32, #tpu.memory_space<vmem>> -> memref<8x128xi32, #tpu.memory_space<vmem>>
    %dma_wait3A_1138 = arith.constant 0 : i32
    %dma_wait3A_1139 = tpu.memref_slice %arg3[%add3A_772, %dma_wait3A_1138] : memref<25600x128xi32, #tpu.memory_space<hbm>> -> memref<8x128xi32, #tpu.memory_space<hbm>>
    tpu.wait_dma2 semaphore(%arg14 : memref<!tpu.dma_semaphore, #tpu.memory_space<semaphore_mem>>) src(%dma_wait3A_1139 : memref<8x128xi32, #tpu.memory_space<hbm>>) dst(%dma_wait3A_1137 : memref<8x128xi32, #tpu.memory_space<vmem>>)
    %dma_wait3A_1140 = arith.constant 64 : i32
    %dma_wait3A_1141 = arith.constant 0 : i32
    %dma_wait3A_1142 = tpu.memref_slice %arg9[%dma_wait3A_1140, %dma_wait3A_1141] : memref<200x128xi32, #tpu.memory_space<vmem>> -> memref<8x128xi32, #tpu.memory_space<vmem>>
    %dma_wait3A_1143 = arith.constant 0 : i32
    %dma_wait3A_1144 = tpu.memref_slice %arg3[%add3A_788, %dma_wait3A_1143] : memref<25600x128xi32, #tpu.memory_space<hbm>> -> memref<8x128xi32, #tpu.memory_space<hbm>>
    %dma_wait3A_1145 = arith.constant 64 : i32
    %dma_wait3A_1146 = arith.constant 0 : i32
    %dma_wait3A_1147 = tpu.memref_slice %arg9[%dma_wait3A_1145, %dma_wait3A_1146] : memref<200x128xi32, #tpu.memory_space<vmem>> -> memref<8x128xi32, #tpu.memory_space<vmem>>
    %dma_wait3A_1148 = arith.constant 0 : i32
    %dma_wait3A_1149 = tpu.memref_slice %arg3[%add3A_788, %dma_wait3A_1148] : memref<25600x128xi32, #tpu.memory_space<hbm>> -> memref<8x128xi32, #tpu.memory_space<hbm>>
    tpu.wait_dma2 semaphore(%arg14 : memref<!tpu.dma_semaphore, #tpu.memory_space<semaphore_mem>>) src(%dma_wait3A_1149 : memref<8x128xi32, #tpu.memory_space<hbm>>) dst(%dma_wait3A_1147 : memref<8x128xi32, #tpu.memory_space<vmem>>)
    %dma_wait3A_1150 = arith.constant 72 : i32
    %dma_wait3A_1151 = arith.constant 0 : i32
    %dma_wait3A_1152 = tpu.memref_slice %arg9[%dma_wait3A_1150, %dma_wait3A_1151] : memref<200x128xi32, #tpu.memory_space<vmem>> -> memref<8x128xi32, #tpu.memory_space<vmem>>
    %dma_wait3A_1153 = arith.constant 0 : i32
    %dma_wait3A_1154 = tpu.memref_slice %arg3[%add3A_804, %dma_wait3A_1153] : memref<25600x128xi32, #tpu.memory_space<hbm>> -> memref<8x128xi32, #tpu.memory_space<hbm>>
    %dma_wait3A_1155 = arith.constant 72 : i32
    %dma_wait3A_1156 = arith.constant 0 : i32
    %dma_wait3A_1157 = tpu.memref_slice %arg9[%dma_wait3A_1155, %dma_wait3A_1156] : memref<200x128xi32, #tpu.memory_space<vmem>> -> memref<8x128xi32, #tpu.memory_space<vmem>>
    %dma_wait3A_1158 = arith.constant 0 : i32
    %dma_wait3A_1159 = tpu.memref_slice %arg3[%add3A_804, %dma_wait3A_1158] : memref<25600x128xi32, #tpu.memory_space<hbm>> -> memref<8x128xi32, #tpu.memory_space<hbm>>
    tpu.wait_dma2 semaphore(%arg14 : memref<!tpu.dma_semaphore, #tpu.memory_space<semaphore_mem>>) src(%dma_wait3A_1159 : memref<8x128xi32, #tpu.memory_space<hbm>>) dst(%dma_wait3A_1157 : memref<8x128xi32, #tpu.memory_space<vmem>>)
    %dma_wait3A_1160 = arith.constant 80 : i32
    %dma_wait3A_1161 = arith.constant 0 : i32
    %dma_wait3A_1162 = tpu.memref_slice %arg9[%dma_wait3A_1160, %dma_wait3A_1161] : memref<200x128xi32, #tpu.memory_space<vmem>> -> memref<8x128xi32, #tpu.memory_space<vmem>>
    %dma_wait3A_1163 = arith.constant 0 : i32
    %dma_wait3A_1164 = tpu.memref_slice %arg3[%add3A_820, %dma_wait3A_1163] : memref<25600x128xi32, #tpu.memory_space<hbm>> -> memref<8x128xi32, #tpu.memory_space<hbm>>
    %dma_wait3A_1165 = arith.constant 80 : i32
    %dma_wait3A_1166 = arith.constant 0 : i32
    %dma_wait3A_1167 = tpu.memref_slice %arg9[%dma_wait3A_1165, %dma_wait3A_1166] : memref<200x128xi32, #tpu.memory_space<vmem>> -> memref<8x128xi32, #tpu.memory_space<vmem>>
    %dma_wait3A_1168 = arith.constant 0 : i32
    %dma_wait3A_1169 = tpu.memref_slice %arg3[%add3A_820, %dma_wait3A_1168] : memref<25600x128xi32, #tpu.memory_space<hbm>> -> memref<8x128xi32, #tpu.memory_space<hbm>>
    tpu.wait_dma2 semaphore(%arg14 : memref<!tpu.dma_semaphore, #tpu.memory_space<semaphore_mem>>) src(%dma_wait3A_1169 : memref<8x128xi32, #tpu.memory_space<hbm>>) dst(%dma_wait3A_1167 : memref<8x128xi32, #tpu.memory_space<vmem>>)
    %dma_wait3A_1170 = arith.constant 88 : i32
    %dma_wait3A_1171 = arith.constant 0 : i32
    %dma_wait3A_1172 = tpu.memref_slice %arg9[%dma_wait3A_1170, %dma_wait3A_1171] : memref<200x128xi32, #tpu.memory_space<vmem>> -> memref<8x128xi32, #tpu.memory_space<vmem>>
    %dma_wait3A_1173 = arith.constant 0 : i32
    %dma_wait3A_1174 = tpu.memref_slice %arg3[%add3A_836, %dma_wait3A_1173] : memref<25600x128xi32, #tpu.memory_space<hbm>> -> memref<8x128xi32, #tpu.memory_space<hbm>>
    %dma_wait3A_1175 = arith.constant 88 : i32
    %dma_wait3A_1176 = arith.constant 0 : i32
    %dma_wait3A_1177 = tpu.memref_slice %arg9[%dma_wait3A_1175, %dma_wait3A_1176] : memref<200x128xi32, #tpu.memory_space<vmem>> -> memref<8x128xi32, #tpu.memory_space<vmem>>
    %dma_wait3A_1178 = arith.constant 0 : i32
    %dma_wait3A_1179 = tpu.memref_slice %arg3[%add3A_836, %dma_wait3A_1178] : memref<25600x128xi32, #tpu.memory_space<hbm>> -> memref<8x128xi32, #tpu.memory_space<hbm>>
    tpu.wait_dma2 semaphore(%arg14 : memref<!tpu.dma_semaphore, #tpu.memory_space<semaphore_mem>>) src(%dma_wait3A_1179 : memref<8x128xi32, #tpu.memory_space<hbm>>) dst(%dma_wait3A_1177 : memref<8x128xi32, #tpu.memory_space<vmem>>)
    %dma_wait3A_1180 = arith.constant 96 : i32
    %dma_wait3A_1181 = arith.constant 0 : i32
    %dma_wait3A_1182 = tpu.memref_slice %arg9[%dma_wait3A_1180, %dma_wait3A_1181] : memref<200x128xi32, #tpu.memory_space<vmem>> -> memref<8x128xi32, #tpu.memory_space<vmem>>
    %dma_wait3A_1183 = arith.constant 0 : i32
    %dma_wait3A_1184 = tpu.memref_slice %arg3[%add3A_852, %dma_wait3A_1183] : memref<25600x128xi32, #tpu.memory_space<hbm>> -> memref<8x128xi32, #tpu.memory_space<hbm>>
    %dma_wait3A_1185 = arith.constant 96 : i32
    %dma_wait3A_1186 = arith.constant 0 : i32
    %dma_wait3A_1187 = tpu.memref_slice %arg9[%dma_wait3A_1185, %dma_wait3A_1186] : memref<200x128xi32, #tpu.memory_space<vmem>> -> memref<8x128xi32, #tpu.memory_space<vmem>>
    %dma_wait3A_1188 = arith.constant 0 : i32
    %dma_wait3A_1189 = tpu.memref_slice %arg3[%add3A_852, %dma_wait3A_1188] : memref<25600x128xi32, #tpu.memory_space<hbm>> -> memref<8x128xi32, #tpu.memory_space<hbm>>
    tpu.wait_dma2 semaphore(%arg14 : memref<!tpu.dma_semaphore, #tpu.memory_space<semaphore_mem>>) src(%dma_wait3A_1189 : memref<8x128xi32, #tpu.memory_space<hbm>>) dst(%dma_wait3A_1187 : memref<8x128xi32, #tpu.memory_space<vmem>>)
    %dma_wait3A_1190 = arith.constant 104 : i32
    %dma_wait3A_1191 = arith.constant 0 : i32
    %dma_wait3A_1192 = tpu.memref_slice %arg9[%dma_wait3A_1190, %dma_wait3A_1191] : memref<200x128xi32, #tpu.memory_space<vmem>> -> memref<8x128xi32, #tpu.memory_space<vmem>>
    %dma_wait3A_1193 = arith.constant 0 : i32
    %dma_wait3A_1194 = tpu.memref_slice %arg3[%add3A_868, %dma_wait3A_1193] : memref<25600x128xi32, #tpu.memory_space<hbm>> -> memref<8x128xi32, #tpu.memory_space<hbm>>
    %dma_wait3A_1195 = arith.constant 104 : i32
    %dma_wait3A_1196 = arith.constant 0 : i32
    %dma_wait3A_1197 = tpu.memref_slice %arg9[%dma_wait3A_1195, %dma_wait3A_1196] : memref<200x128xi32, #tpu.memory_space<vmem>> -> memref<8x128xi32, #tpu.memory_space<vmem>>
    %dma_wait3A_1198 = arith.constant 0 : i32
    %dma_wait3A_1199 = tpu.memref_slice %arg3[%add3A_868, %dma_wait3A_1198] : memref<25600x128xi32, #tpu.memory_space<hbm>> -> memref<8x128xi32, #tpu.memory_space<hbm>>
    tpu.wait_dma2 semaphore(%arg14 : memref<!tpu.dma_semaphore, #tpu.memory_space<semaphore_mem>>) src(%dma_wait3A_1199 : memref<8x128xi32, #tpu.memory_space<hbm>>) dst(%dma_wait3A_1197 : memref<8x128xi32, #tpu.memory_space<vmem>>)
    %dma_wait3A_1200 = arith.constant 112 : i32
    %dma_wait3A_1201 = arith.constant 0 : i32
    %dma_wait3A_1202 = tpu.memref_slice %arg9[%dma_wait3A_1200, %dma_wait3A_1201] : memref<200x128xi32, #tpu.memory_space<vmem>> -> memref<8x128xi32, #tpu.memory_space<vmem>>
    %dma_wait3A_1203 = arith.constant 0 : i32
    %dma_wait3A_1204 = tpu.memref_slice %arg3[%add3A_884, %dma_wait3A_1203] : memref<25600x128xi32, #tpu.memory_space<hbm>> -> memref<8x128xi32, #tpu.memory_space<hbm>>
    %dma_wait3A_1205 = arith.constant 112 : i32
    %dma_wait3A_1206 = arith.constant 0 : i32
    %dma_wait3A_1207 = tpu.memref_slice %arg9[%dma_wait3A_1205, %dma_wait3A_1206] : memref<200x128xi32, #tpu.memory_space<vmem>> -> memref<8x128xi32, #tpu.memory_space<vmem>>
    %dma_wait3A_1208 = arith.constant 0 : i32
    %dma_wait3A_1209 = tpu.memref_slice %arg3[%add3A_884, %dma_wait3A_1208] : memref<25600x128xi32, #tpu.memory_space<hbm>> -> memref<8x128xi32, #tpu.memory_space<hbm>>
    tpu.wait_dma2 semaphore(%arg14 : memref<!tpu.dma_semaphore, #tpu.memory_space<semaphore_mem>>) src(%dma_wait3A_1209 : memref<8x128xi32, #tpu.memory_space<hbm>>) dst(%dma_wait3A_1207 : memref<8x128xi32, #tpu.memory_space<vmem>>)
    %dma_wait3A_1210 = arith.constant 120 : i32
    %dma_wait3A_1211 = arith.constant 0 : i32
    %dma_wait3A_1212 = tpu.memref_slice %arg9[%dma_wait3A_1210, %dma_wait3A_1211] : memref<200x128xi32, #tpu.memory_space<vmem>> -> memref<8x128xi32, #tpu.memory_space<vmem>>
    %dma_wait3A_1213 = arith.constant 0 : i32
    %dma_wait3A_1214 = tpu.memref_slice %arg3[%add3A_900, %dma_wait3A_1213] : memref<25600x128xi32, #tpu.memory_space<hbm>> -> memref<8x128xi32, #tpu.memory_space<hbm>>
    %dma_wait3A_1215 = arith.constant 120 : i32
    %dma_wait3A_1216 = arith.constant 0 : i32
    %dma_wait3A_1217 = tpu.memref_slice %arg9[%dma_wait3A_1215, %dma_wait3A_1216] : memref<200x128xi32, #tpu.memory_space<vmem>> -> memref<8x128xi32, #tpu.memory_space<vmem>>
    %dma_wait3A_1218 = arith.constant 0 : i32
    %dma_wait3A_1219 = tpu.memref_slice %arg3[%add3A_900, %dma_wait3A_1218] : memref<25600x128xi32, #tpu.memory_space<hbm>> -> memref<8x128xi32, #tpu.memory_space<hbm>>
    tpu.wait_dma2 semaphore(%arg14 : memref<!tpu.dma_semaphore, #tpu.memory_space<semaphore_mem>>) src(%dma_wait3A_1219 : memref<8x128xi32, #tpu.memory_space<hbm>>) dst(%dma_wait3A_1217 : memref<8x128xi32, #tpu.memory_space<vmem>>)
    %dma_wait3A_1220 = arith.constant 128 : i32
    %dma_wait3A_1221 = arith.constant 0 : i32
    %dma_wait3A_1222 = tpu.memref_slice %arg9[%dma_wait3A_1220, %dma_wait3A_1221] : memref<200x128xi32, #tpu.memory_space<vmem>> -> memref<8x128xi32, #tpu.memory_space<vmem>>
    %dma_wait3A_1223 = arith.constant 0 : i32
    %dma_wait3A_1224 = tpu.memref_slice %arg3[%add3A_916, %dma_wait3A_1223] : memref<25600x128xi32, #tpu.memory_space<hbm>> -> memref<8x128xi32, #tpu.memory_space<hbm>>
    %dma_wait3A_1225 = arith.constant 128 : i32
    %dma_wait3A_1226 = arith.constant 0 : i32
    %dma_wait3A_1227 = tpu.memref_slice %arg9[%dma_wait3A_1225, %dma_wait3A_1226] : memref<200x128xi32, #tpu.memory_space<vmem>> -> memref<8x128xi32, #tpu.memory_space<vmem>>
    %dma_wait3A_1228 = arith.constant 0 : i32
    %dma_wait3A_1229 = tpu.memref_slice %arg3[%add3A_916, %dma_wait3A_1228] : memref<25600x128xi32, #tpu.memory_space<hbm>> -> memref<8x128xi32, #tpu.memory_space<hbm>>
    tpu.wait_dma2 semaphore(%arg14 : memref<!tpu.dma_semaphore, #tpu.memory_space<semaphore_mem>>) src(%dma_wait3A_1229 : memref<8x128xi32, #tpu.memory_space<hbm>>) dst(%dma_wait3A_1227 : memref<8x128xi32, #tpu.memory_space<vmem>>)
    %dma_wait3A_1230 = arith.constant 136 : i32
    %dma_wait3A_1231 = arith.constant 0 : i32
    %dma_wait3A_1232 = tpu.memref_slice %arg9[%dma_wait3A_1230, %dma_wait3A_1231] : memref<200x128xi32, #tpu.memory_space<vmem>> -> memref<8x128xi32, #tpu.memory_space<vmem>>
    %dma_wait3A_1233 = arith.constant 0 : i32
    %dma_wait3A_1234 = tpu.memref_slice %arg3[%add3A_932, %dma_wait3A_1233] : memref<25600x128xi32, #tpu.memory_space<hbm>> -> memref<8x128xi32, #tpu.memory_space<hbm>>
    %dma_wait3A_1235 = arith.constant 136 : i32
    %dma_wait3A_1236 = arith.constant 0 : i32
    %dma_wait3A_1237 = tpu.memref_slice %arg9[%dma_wait3A_1235, %dma_wait3A_1236] : memref<200x128xi32, #tpu.memory_space<vmem>> -> memref<8x128xi32, #tpu.memory_space<vmem>>
    %dma_wait3A_1238 = arith.constant 0 : i32
    %dma_wait3A_1239 = tpu.memref_slice %arg3[%add3A_932, %dma_wait3A_1238] : memref<25600x128xi32, #tpu.memory_space<hbm>> -> memref<8x128xi32, #tpu.memory_space<hbm>>
    tpu.wait_dma2 semaphore(%arg14 : memref<!tpu.dma_semaphore, #tpu.memory_space<semaphore_mem>>) src(%dma_wait3A_1239 : memref<8x128xi32, #tpu.memory_space<hbm>>) dst(%dma_wait3A_1237 : memref<8x128xi32, #tpu.memory_space<vmem>>)
    %dma_wait3A_1240 = arith.constant 144 : i32
    %dma_wait3A_1241 = arith.constant 0 : i32
    %dma_wait3A_1242 = tpu.memref_slice %arg9[%dma_wait3A_1240, %dma_wait3A_1241] : memref<200x128xi32, #tpu.memory_space<vmem>> -> memref<8x128xi32, #tpu.memory_space<vmem>>
    %dma_wait3A_1243 = arith.constant 0 : i32
    %dma_wait3A_1244 = tpu.memref_slice %arg3[%add3A_948, %dma_wait3A_1243] : memref<25600x128xi32, #tpu.memory_space<hbm>> -> memref<8x128xi32, #tpu.memory_space<hbm>>
    %dma_wait3A_1245 = arith.constant 144 : i32
    %dma_wait3A_1246 = arith.constant 0 : i32
    %dma_wait3A_1247 = tpu.memref_slice %arg9[%dma_wait3A_1245, %dma_wait3A_1246] : memref<200x128xi32, #tpu.memory_space<vmem>> -> memref<8x128xi32, #tpu.memory_space<vmem>>
    %dma_wait3A_1248 = arith.constant 0 : i32
    %dma_wait3A_1249 = tpu.memref_slice %arg3[%add3A_948, %dma_wait3A_1248] : memref<25600x128xi32, #tpu.memory_space<hbm>> -> memref<8x128xi32, #tpu.memory_space<hbm>>
    tpu.wait_dma2 semaphore(%arg14 : memref<!tpu.dma_semaphore, #tpu.memory_space<semaphore_mem>>) src(%dma_wait3A_1249 : memref<8x128xi32, #tpu.memory_space<hbm>>) dst(%dma_wait3A_1247 : memref<8x128xi32, #tpu.memory_space<vmem>>)
    %dma_wait3A_1250 = arith.constant 152 : i32
    %dma_wait3A_1251 = arith.constant 0 : i32
    %dma_wait3A_1252 = tpu.memref_slice %arg9[%dma_wait3A_1250, %dma_wait3A_1251] : memref<200x128xi32, #tpu.memory_space<vmem>> -> memref<8x128xi32, #tpu.memory_space<vmem>>
    %dma_wait3A_1253 = arith.constant 0 : i32
    %dma_wait3A_1254 = tpu.memref_slice %arg3[%add3A_964, %dma_wait3A_1253] : memref<25600x128xi32, #tpu.memory_space<hbm>> -> memref<8x128xi32, #tpu.memory_space<hbm>>
    %dma_wait3A_1255 = arith.constant 152 : i32
    %dma_wait3A_1256 = arith.constant 0 : i32
    %dma_wait3A_1257 = tpu.memref_slice %arg9[%dma_wait3A_1255, %dma_wait3A_1256] : memref<200x128xi32, #tpu.memory_space<vmem>> -> memref<8x128xi32, #tpu.memory_space<vmem>>
    %dma_wait3A_1258 = arith.constant 0 : i32
    %dma_wait3A_1259 = tpu.memref_slice %arg3[%add3A_964, %dma_wait3A_1258] : memref<25600x128xi32, #tpu.memory_space<hbm>> -> memref<8x128xi32, #tpu.memory_space<hbm>>
    tpu.wait_dma2 semaphore(%arg14 : memref<!tpu.dma_semaphore, #tpu.memory_space<semaphore_mem>>) src(%dma_wait3A_1259 : memref<8x128xi32, #tpu.memory_space<hbm>>) dst(%dma_wait3A_1257 : memref<8x128xi32, #tpu.memory_space<vmem>>)
    %dma_wait3A_1260 = arith.constant 160 : i32
    %dma_wait3A_1261 = arith.constant 0 : i32
    %dma_wait3A_1262 = tpu.memref_slice %arg9[%dma_wait3A_1260, %dma_wait3A_1261] : memref<200x128xi32, #tpu.memory_space<vmem>> -> memref<8x128xi32, #tpu.memory_space<vmem>>
    %dma_wait3A_1263 = arith.constant 0 : i32
    %dma_wait3A_1264 = tpu.memref_slice %arg3[%add3A_980, %dma_wait3A_1263] : memref<25600x128xi32, #tpu.memory_space<hbm>> -> memref<8x128xi32, #tpu.memory_space<hbm>>
    %dma_wait3A_1265 = arith.constant 160 : i32
    %dma_wait3A_1266 = arith.constant 0 : i32
    %dma_wait3A_1267 = tpu.memref_slice %arg9[%dma_wait3A_1265, %dma_wait3A_1266] : memref<200x128xi32, #tpu.memory_space<vmem>> -> memref<8x128xi32, #tpu.memory_space<vmem>>
    %dma_wait3A_1268 = arith.constant 0 : i32
    %dma_wait3A_1269 = tpu.memref_slice %arg3[%add3A_980, %dma_wait3A_1268] : memref<25600x128xi32, #tpu.memory_space<hbm>> -> memref<8x128xi32, #tpu.memory_space<hbm>>
    tpu.wait_dma2 semaphore(%arg14 : memref<!tpu.dma_semaphore, #tpu.memory_space<semaphore_mem>>) src(%dma_wait3A_1269 : memref<8x128xi32, #tpu.memory_space<hbm>>) dst(%dma_wait3A_1267 : memref<8x128xi32, #tpu.memory_space<vmem>>)
    %dma_wait3A_1270 = arith.constant 168 : i32
    %dma_wait3A_1271 = arith.constant 0 : i32
    %dma_wait3A_1272 = tpu.memref_slice %arg9[%dma_wait3A_1270, %dma_wait3A_1271] : memref<200x128xi32, #tpu.memory_space<vmem>> -> memref<8x128xi32, #tpu.memory_space<vmem>>
    %dma_wait3A_1273 = arith.constant 0 : i32
    %dma_wait3A_1274 = tpu.memref_slice %arg3[%add3A_996, %dma_wait3A_1273] : memref<25600x128xi32, #tpu.memory_space<hbm>> -> memref<8x128xi32, #tpu.memory_space<hbm>>
    %dma_wait3A_1275 = arith.constant 168 : i32
    %dma_wait3A_1276 = arith.constant 0 : i32
    %dma_wait3A_1277 = tpu.memref_slice %arg9[%dma_wait3A_1275, %dma_wait3A_1276] : memref<200x128xi32, #tpu.memory_space<vmem>> -> memref<8x128xi32, #tpu.memory_space<vmem>>
    %dma_wait3A_1278 = arith.constant 0 : i32
    %dma_wait3A_1279 = tpu.memref_slice %arg3[%add3A_996, %dma_wait3A_1278] : memref<25600x128xi32, #tpu.memory_space<hbm>> -> memref<8x128xi32, #tpu.memory_space<hbm>>
    tpu.wait_dma2 semaphore(%arg14 : memref<!tpu.dma_semaphore, #tpu.memory_space<semaphore_mem>>) src(%dma_wait3A_1279 : memref<8x128xi32, #tpu.memory_space<hbm>>) dst(%dma_wait3A_1277 : memref<8x128xi32, #tpu.memory_space<vmem>>)
    %dma_wait3A_1280 = arith.constant 176 : i32
    %dma_wait3A_1281 = arith.constant 0 : i32
    %dma_wait3A_1282 = tpu.memref_slice %arg9[%dma_wait3A_1280, %dma_wait3A_1281] : memref<200x128xi32, #tpu.memory_space<vmem>> -> memref<8x128xi32, #tpu.memory_space<vmem>>
    %dma_wait3A_1283 = arith.constant 0 : i32
    %dma_wait3A_1284 = tpu.memref_slice %arg3[%add3A_1012, %dma_wait3A_1283] : memref<25600x128xi32, #tpu.memory_space<hbm>> -> memref<8x128xi32, #tpu.memory_space<hbm>>
    %dma_wait3A_1285 = arith.constant 176 : i32
    %dma_wait3A_1286 = arith.constant 0 : i32
    %dma_wait3A_1287 = tpu.memref_slice %arg9[%dma_wait3A_1285, %dma_wait3A_1286] : memref<200x128xi32, #tpu.memory_space<vmem>> -> memref<8x128xi32, #tpu.memory_space<vmem>>
    %dma_wait3A_1288 = arith.constant 0 : i32
    %dma_wait3A_1289 = tpu.memref_slice %arg3[%add3A_1012, %dma_wait3A_1288] : memref<25600x128xi32, #tpu.memory_space<hbm>> -> memref<8x128xi32, #tpu.memory_space<hbm>>
    tpu.wait_dma2 semaphore(%arg14 : memref<!tpu.dma_semaphore, #tpu.memory_space<semaphore_mem>>) src(%dma_wait3A_1289 : memref<8x128xi32, #tpu.memory_space<hbm>>) dst(%dma_wait3A_1287 : memref<8x128xi32, #tpu.memory_space<vmem>>)
    %dma_wait3A_1290 = arith.constant 184 : i32
    %dma_wait3A_1291 = arith.constant 0 : i32
    %dma_wait3A_1292 = tpu.memref_slice %arg9[%dma_wait3A_1290, %dma_wait3A_1291] : memref<200x128xi32, #tpu.memory_space<vmem>> -> memref<8x128xi32, #tpu.memory_space<vmem>>
    %dma_wait3A_1293 = arith.constant 0 : i32
    %dma_wait3A_1294 = tpu.memref_slice %arg3[%add3A_1028, %dma_wait3A_1293] : memref<25600x128xi32, #tpu.memory_space<hbm>> -> memref<8x128xi32, #tpu.memory_space<hbm>>
    %dma_wait3A_1295 = arith.constant 184 : i32
    %dma_wait3A_1296 = arith.constant 0 : i32
    %dma_wait3A_1297 = tpu.memref_slice %arg9[%dma_wait3A_1295, %dma_wait3A_1296] : memref<200x128xi32, #tpu.memory_space<vmem>> -> memref<8x128xi32, #tpu.memory_space<vmem>>
    %dma_wait3A_1298 = arith.constant 0 : i32
    %dma_wait3A_1299 = tpu.memref_slice %arg3[%add3A_1028, %dma_wait3A_1298] : memref<25600x128xi32, #tpu.memory_space<hbm>> -> memref<8x128xi32, #tpu.memory_space<hbm>>
    tpu.wait_dma2 semaphore(%arg14 : memref<!tpu.dma_semaphore, #tpu.memory_space<semaphore_mem>>) src(%dma_wait3A_1299 : memref<8x128xi32, #tpu.memory_space<hbm>>) dst(%dma_wait3A_1297 : memref<8x128xi32, #tpu.memory_space<vmem>>)
    %dma_wait3A_1300 = arith.constant 192 : i32
    %dma_wait3A_1301 = arith.constant 0 : i32
    %dma_wait3A_1302 = tpu.memref_slice %arg9[%dma_wait3A_1300, %dma_wait3A_1301] : memref<200x128xi32, #tpu.memory_space<vmem>> -> memref<8x128xi32, #tpu.memory_space<vmem>>
    %dma_wait3A_1303 = arith.constant 0 : i32
    %dma_wait3A_1304 = tpu.memref_slice %arg3[%add3A_1044, %dma_wait3A_1303] : memref<25600x128xi32, #tpu.memory_space<hbm>> -> memref<8x128xi32, #tpu.memory_space<hbm>>
    %dma_wait3A_1305 = arith.constant 192 : i32
    %dma_wait3A_1306 = arith.constant 0 : i32
    %dma_wait3A_1307 = tpu.memref_slice %arg9[%dma_wait3A_1305, %dma_wait3A_1306] : memref<200x128xi32, #tpu.memory_space<vmem>> -> memref<8x128xi32, #tpu.memory_space<vmem>>
    %dma_wait3A_1308 = arith.constant 0 : i32
    %dma_wait3A_1309 = tpu.memref_slice %arg3[%add3A_1044, %dma_wait3A_1308] : memref<25600x128xi32, #tpu.memory_space<hbm>> -> memref<8x128xi32, #tpu.memory_space<hbm>>
    tpu.wait_dma2 semaphore(%arg14 : memref<!tpu.dma_semaphore, #tpu.memory_space<semaphore_mem>>) src(%dma_wait3A_1309 : memref<8x128xi32, #tpu.memory_space<hbm>>) dst(%dma_wait3A_1307 : memref<8x128xi32, #tpu.memory_space<vmem>>)
    %mul3A_1310 = arith.constant 32 : i32
    %mul3A_1311 = arith.muli %mul3A_1310, %add3A : i32
    %add3A_1312 = arith.constant 0 : i32
    %add3A_1313 = arith.addi %add3A_1312, %mul3A_1311 : i32
    %add3A_1314 = arith.constant 16 : i32
    %add3A_1315 = arith.addi %add3A_1313, %add3A_1314 : i32
    %dma_start3A_1316 = arith.constant 0 : i32
    %dma_start3A_1317 = arith.constant 0 : i32
    %dma_start3A_1318 = tpu.memref_slice %arg8[%dma_start3A_1316, %dma_start3A_1317] : memref<200x128xi32, #tpu.memory_space<vmem>> -> memref<8x128xi32, #tpu.memory_space<vmem>>
    %dma_start3A_1319 = arith.constant 0 : i32
    %dma_start3A_1320 = tpu.memref_slice %arg3[%add3A_1315, %dma_start3A_1319] : memref<25600x128xi32, #tpu.memory_space<hbm>> -> memref<8x128xi32, #tpu.memory_space<hbm>>
    %dma_start3A_1321 = arith.constant 0 : i32
    %dma_start3A_1322 = arith.constant 0 : i32
    %dma_start3A_1323 = tpu.memref_slice %arg8[%dma_start3A_1321, %dma_start3A_1322] : memref<200x128xi32, #tpu.memory_space<vmem>> -> memref<8x128xi32, #tpu.memory_space<vmem>>
    %dma_start3A_1324 = arith.constant 0 : i32
    %dma_start3A_1325 = tpu.memref_slice %arg3[%add3A_1315, %dma_start3A_1324] : memref<25600x128xi32, #tpu.memory_space<hbm>> -> memref<8x128xi32, #tpu.memory_space<hbm>>
    tpu.enqueue_dma source(%dma_start3A_1325 : memref<8x128xi32, #tpu.memory_space<hbm>>) target(%dma_start3A_1323 : memref<8x128xi32, #tpu.memory_space<vmem>>) target_semaphore(%arg13 : memref<!tpu.dma_semaphore, #tpu.memory_space<semaphore_mem>>)
    %mul3A_1326 = arith.constant 32 : i32
    %mul3A_1327 = arith.muli %mul3A_1326, %add3A : i32
    %add3A_1328 = arith.constant 1024 : i32
    %add3A_1329 = arith.addi %add3A_1328, %mul3A_1327 : i32
    %add3A_1330 = arith.constant 16 : i32
    %add3A_1331 = arith.addi %add3A_1329, %add3A_1330 : i32
    %dma_start3A_1332 = arith.constant 8 : i32
    %dma_start3A_1333 = arith.constant 0 : i32
    %dma_start3A_1334 = tpu.memref_slice %arg8[%dma_start3A_1332, %dma_start3A_1333] : memref<200x128xi32, #tpu.memory_space<vmem>> -> memref<8x128xi32, #tpu.memory_space<vmem>>
    %dma_start3A_1335 = arith.constant 0 : i32
    %dma_start3A_1336 = tpu.memref_slice %arg3[%add3A_1331, %dma_start3A_1335] : memref<25600x128xi32, #tpu.memory_space<hbm>> -> memref<8x128xi32, #tpu.memory_space<hbm>>
    %dma_start3A_1337 = arith.constant 8 : i32
    %dma_start3A_1338 = arith.constant 0 : i32
    %dma_start3A_1339 = tpu.memref_slice %arg8[%dma_start3A_1337, %dma_start3A_1338] : memref<200x128xi32, #tpu.memory_space<vmem>> -> memref<8x128xi32, #tpu.memory_space<vmem>>
    %dma_start3A_1340 = arith.constant 0 : i32
    %dma_start3A_1341 = tpu.memref_slice %arg3[%add3A_1331, %dma_start3A_1340] : memref<25600x128xi32, #tpu.memory_space<hbm>> -> memref<8x128xi32, #tpu.memory_space<hbm>>
    tpu.enqueue_dma source(%dma_start3A_1341 : memref<8x128xi32, #tpu.memory_space<hbm>>) target(%dma_start3A_1339 : memref<8x128xi32, #tpu.memory_space<vmem>>) target_semaphore(%arg13 : memref<!tpu.dma_semaphore, #tpu.memory_space<semaphore_mem>>)
    %mul3A_1342 = arith.constant 32 : i32
    %mul3A_1343 = arith.muli %mul3A_1342, %add3A : i32
    %add3A_1344 = arith.constant 2048 : i32
    %add3A_1345 = arith.addi %add3A_1344, %mul3A_1343 : i32
    %add3A_1346 = arith.constant 16 : i32
    %add3A_1347 = arith.addi %add3A_1345, %add3A_1346 : i32
    %dma_start3A_1348 = arith.constant 16 : i32
    %dma_start3A_1349 = arith.constant 0 : i32
    %dma_start3A_1350 = tpu.memref_slice %arg8[%dma_start3A_1348, %dma_start3A_1349] : memref<200x128xi32, #tpu.memory_space<vmem>> -> memref<8x128xi32, #tpu.memory_space<vmem>>
    %dma_start3A_1351 = arith.constant 0 : i32
    %dma_start3A_1352 = tpu.memref_slice %arg3[%add3A_1347, %dma_start3A_1351] : memref<25600x128xi32, #tpu.memory_space<hbm>> -> memref<8x128xi32, #tpu.memory_space<hbm>>
    %dma_start3A_1353 = arith.constant 16 : i32
    %dma_start3A_1354 = arith.constant 0 : i32
    %dma_start3A_1355 = tpu.memref_slice %arg8[%dma_start3A_1353, %dma_start3A_1354] : memref<200x128xi32, #tpu.memory_space<vmem>> -> memref<8x128xi32, #tpu.memory_space<vmem>>
    %dma_start3A_1356 = arith.constant 0 : i32
    %dma_start3A_1357 = tpu.memref_slice %arg3[%add3A_1347, %dma_start3A_1356] : memref<25600x128xi32, #tpu.memory_space<hbm>> -> memref<8x128xi32, #tpu.memory_space<hbm>>
    tpu.enqueue_dma source(%dma_start3A_1357 : memref<8x128xi32, #tpu.memory_space<hbm>>) target(%dma_start3A_1355 : memref<8x128xi32, #tpu.memory_space<vmem>>) target_semaphore(%arg13 : memref<!tpu.dma_semaphore, #tpu.memory_space<semaphore_mem>>)
    %mul3A_1358 = arith.constant 32 : i32
    %mul3A_1359 = arith.muli %mul3A_1358, %add3A : i32
    %add3A_1360 = arith.constant 3072 : i32
    %add3A_1361 = arith.addi %add3A_1360, %mul3A_1359 : i32
    %add3A_1362 = arith.constant 16 : i32
    %add3A_1363 = arith.addi %add3A_1361, %add3A_1362 : i32
    %dma_start3A_1364 = arith.constant 24 : i32
    %dma_start3A_1365 = arith.constant 0 : i32
    %dma_start3A_1366 = tpu.memref_slice %arg8[%dma_start3A_1364, %dma_start3A_1365] : memref<200x128xi32, #tpu.memory_space<vmem>> -> memref<8x128xi32, #tpu.memory_space<vmem>>
    %dma_start3A_1367 = arith.constant 0 : i32
    %dma_start3A_1368 = tpu.memref_slice %arg3[%add3A_1363, %dma_start3A_1367] : memref<25600x128xi32, #tpu.memory_space<hbm>> -> memref<8x128xi32, #tpu.memory_space<hbm>>
    %dma_start3A_1369 = arith.constant 24 : i32
    %dma_start3A_1370 = arith.constant 0 : i32
    %dma_start3A_1371 = tpu.memref_slice %arg8[%dma_start3A_1369, %dma_start3A_1370] : memref<200x128xi32, #tpu.memory_space<vmem>> -> memref<8x128xi32, #tpu.memory_space<vmem>>
    %dma_start3A_1372 = arith.constant 0 : i32
    %dma_start3A_1373 = tpu.memref_slice %arg3[%add3A_1363, %dma_start3A_1372] : memref<25600x128xi32, #tpu.memory_space<hbm>> -> memref<8x128xi32, #tpu.memory_space<hbm>>
    tpu.enqueue_dma source(%dma_start3A_1373 : memref<8x128xi32, #tpu.memory_space<hbm>>) target(%dma_start3A_1371 : memref<8x128xi32, #tpu.memory_space<vmem>>) target_semaphore(%arg13 : memref<!tpu.dma_semaphore, #tpu.memory_space<semaphore_mem>>)
    %mul3A_1374 = arith.constant 32 : i32
    %mul3A_1375 = arith.muli %mul3A_1374, %add3A : i32
    %add3A_1376 = arith.constant 4096 : i32
    %add3A_1377 = arith.addi %add3A_1376, %mul3A_1375 : i32
    %add3A_1378 = arith.constant 16 : i32
    %add3A_1379 = arith.addi %add3A_1377, %add3A_1378 : i32
    %dma_start3A_1380 = arith.constant 32 : i32
    %dma_start3A_1381 = arith.constant 0 : i32
    %dma_start3A_1382 = tpu.memref_slice %arg8[%dma_start3A_1380, %dma_start3A_1381] : memref<200x128xi32, #tpu.memory_space<vmem>> -> memref<8x128xi32, #tpu.memory_space<vmem>>
    %dma_start3A_1383 = arith.constant 0 : i32
    %dma_start3A_1384 = tpu.memref_slice %arg3[%add3A_1379, %dma_start3A_1383] : memref<25600x128xi32, #tpu.memory_space<hbm>> -> memref<8x128xi32, #tpu.memory_space<hbm>>
    %dma_start3A_1385 = arith.constant 32 : i32
    %dma_start3A_1386 = arith.constant 0 : i32
    %dma_start3A_1387 = tpu.memref_slice %arg8[%dma_start3A_1385, %dma_start3A_1386] : memref<200x128xi32, #tpu.memory_space<vmem>> -> memref<8x128xi32, #tpu.memory_space<vmem>>
    %dma_start3A_1388 = arith.constant 0 : i32
    %dma_start3A_1389 = tpu.memref_slice %arg3[%add3A_1379, %dma_start3A_1388] : memref<25600x128xi32, #tpu.memory_space<hbm>> -> memref<8x128xi32, #tpu.memory_space<hbm>>
    tpu.enqueue_dma source(%dma_start3A_1389 : memref<8x128xi32, #tpu.memory_space<hbm>>) target(%dma_start3A_1387 : memref<8x128xi32, #tpu.memory_space<vmem>>) target_semaphore(%arg13 : memref<!tpu.dma_semaphore, #tpu.memory_space<semaphore_mem>>)
    %mul3A_1390 = arith.constant 32 : i32
    %mul3A_1391 = arith.muli %mul3A_1390, %add3A : i32
    %add3A_1392 = arith.constant 5120 : i32
    %add3A_1393 = arith.addi %add3A_1392, %mul3A_1391 : i32
    %add3A_1394 = arith.constant 16 : i32
    %add3A_1395 = arith.addi %add3A_1393, %add3A_1394 : i32
    %dma_start3A_1396 = arith.constant 40 : i32
    %dma_start3A_1397 = arith.constant 0 : i32
    %dma_start3A_1398 = tpu.memref_slice %arg8[%dma_start3A_1396, %dma_start3A_1397] : memref<200x128xi32, #tpu.memory_space<vmem>> -> memref<8x128xi32, #tpu.memory_space<vmem>>
    %dma_start3A_1399 = arith.constant 0 : i32
    %dma_start3A_1400 = tpu.memref_slice %arg3[%add3A_1395, %dma_start3A_1399] : memref<25600x128xi32, #tpu.memory_space<hbm>> -> memref<8x128xi32, #tpu.memory_space<hbm>>
    %dma_start3A_1401 = arith.constant 40 : i32
    %dma_start3A_1402 = arith.constant 0 : i32
    %dma_start3A_1403 = tpu.memref_slice %arg8[%dma_start3A_1401, %dma_start3A_1402] : memref<200x128xi32, #tpu.memory_space<vmem>> -> memref<8x128xi32, #tpu.memory_space<vmem>>
    %dma_start3A_1404 = arith.constant 0 : i32
    %dma_start3A_1405 = tpu.memref_slice %arg3[%add3A_1395, %dma_start3A_1404] : memref<25600x128xi32, #tpu.memory_space<hbm>> -> memref<8x128xi32, #tpu.memory_space<hbm>>
    tpu.enqueue_dma source(%dma_start3A_1405 : memref<8x128xi32, #tpu.memory_space<hbm>>) target(%dma_start3A_1403 : memref<8x128xi32, #tpu.memory_space<vmem>>) target_semaphore(%arg13 : memref<!tpu.dma_semaphore, #tpu.memory_space<semaphore_mem>>)
    %mul3A_1406 = arith.constant 32 : i32
    %mul3A_1407 = arith.muli %mul3A_1406, %add3A : i32
    %add3A_1408 = arith.constant 6144 : i32
    %add3A_1409 = arith.addi %add3A_1408, %mul3A_1407 : i32
    %add3A_1410 = arith.constant 16 : i32
    %add3A_1411 = arith.addi %add3A_1409, %add3A_1410 : i32
    %dma_start3A_1412 = arith.constant 48 : i32
    %dma_start3A_1413 = arith.constant 0 : i32
    %dma_start3A_1414 = tpu.memref_slice %arg8[%dma_start3A_1412, %dma_start3A_1413] : memref<200x128xi32, #tpu.memory_space<vmem>> -> memref<8x128xi32, #tpu.memory_space<vmem>>
    %dma_start3A_1415 = arith.constant 0 : i32
    %dma_start3A_1416 = tpu.memref_slice %arg3[%add3A_1411, %dma_start3A_1415] : memref<25600x128xi32, #tpu.memory_space<hbm>> -> memref<8x128xi32, #tpu.memory_space<hbm>>
    %dma_start3A_1417 = arith.constant 48 : i32
    %dma_start3A_1418 = arith.constant 0 : i32
    %dma_start3A_1419 = tpu.memref_slice %arg8[%dma_start3A_1417, %dma_start3A_1418] : memref<200x128xi32, #tpu.memory_space<vmem>> -> memref<8x128xi32, #tpu.memory_space<vmem>>
    %dma_start3A_1420 = arith.constant 0 : i32
    %dma_start3A_1421 = tpu.memref_slice %arg3[%add3A_1411, %dma_start3A_1420] : memref<25600x128xi32, #tpu.memory_space<hbm>> -> memref<8x128xi32, #tpu.memory_space<hbm>>
    tpu.enqueue_dma source(%dma_start3A_1421 : memref<8x128xi32, #tpu.memory_space<hbm>>) target(%dma_start3A_1419 : memref<8x128xi32, #tpu.memory_space<vmem>>) target_semaphore(%arg13 : memref<!tpu.dma_semaphore, #tpu.memory_space<semaphore_mem>>)
    %mul3A_1422 = arith.constant 32 : i32
    %mul3A_1423 = arith.muli %mul3A_1422, %add3A : i32
    %add3A_1424 = arith.constant 7168 : i32
    %add3A_1425 = arith.addi %add3A_1424, %mul3A_1423 : i32
    %add3A_1426 = arith.constant 16 : i32
    %add3A_1427 = arith.addi %add3A_1425, %add3A_1426 : i32
    %dma_start3A_1428 = arith.constant 56 : i32
    %dma_start3A_1429 = arith.constant 0 : i32
    %dma_start3A_1430 = tpu.memref_slice %arg8[%dma_start3A_1428, %dma_start3A_1429] : memref<200x128xi32, #tpu.memory_space<vmem>> -> memref<8x128xi32, #tpu.memory_space<vmem>>
    %dma_start3A_1431 = arith.constant 0 : i32
    %dma_start3A_1432 = tpu.memref_slice %arg3[%add3A_1427, %dma_start3A_1431] : memref<25600x128xi32, #tpu.memory_space<hbm>> -> memref<8x128xi32, #tpu.memory_space<hbm>>
    %dma_start3A_1433 = arith.constant 56 : i32
    %dma_start3A_1434 = arith.constant 0 : i32
    %dma_start3A_1435 = tpu.memref_slice %arg8[%dma_start3A_1433, %dma_start3A_1434] : memref<200x128xi32, #tpu.memory_space<vmem>> -> memref<8x128xi32, #tpu.memory_space<vmem>>
    %dma_start3A_1436 = arith.constant 0 : i32
    %dma_start3A_1437 = tpu.memref_slice %arg3[%add3A_1427, %dma_start3A_1436] : memref<25600x128xi32, #tpu.memory_space<hbm>> -> memref<8x128xi32, #tpu.memory_space<hbm>>
    tpu.enqueue_dma source(%dma_start3A_1437 : memref<8x128xi32, #tpu.memory_space<hbm>>) target(%dma_start3A_1435 : memref<8x128xi32, #tpu.memory_space<vmem>>) target_semaphore(%arg13 : memref<!tpu.dma_semaphore, #tpu.memory_space<semaphore_mem>>)
    %mul3A_1438 = arith.constant 32 : i32
    %mul3A_1439 = arith.muli %mul3A_1438, %add3A : i32
    %add3A_1440 = arith.constant 8192 : i32
    %add3A_1441 = arith.addi %add3A_1440, %mul3A_1439 : i32
    %add3A_1442 = arith.constant 16 : i32
    %add3A_1443 = arith.addi %add3A_1441, %add3A_1442 : i32
    %dma_start3A_1444 = arith.constant 64 : i32
    %dma_start3A_1445 = arith.constant 0 : i32
    %dma_start3A_1446 = tpu.memref_slice %arg8[%dma_start3A_1444, %dma_start3A_1445] : memref<200x128xi32, #tpu.memory_space<vmem>> -> memref<8x128xi32, #tpu.memory_space<vmem>>
    %dma_start3A_1447 = arith.constant 0 : i32
    %dma_start3A_1448 = tpu.memref_slice %arg3[%add3A_1443, %dma_start3A_1447] : memref<25600x128xi32, #tpu.memory_space<hbm>> -> memref<8x128xi32, #tpu.memory_space<hbm>>
    %dma_start3A_1449 = arith.constant 64 : i32
    %dma_start3A_1450 = arith.constant 0 : i32
    %dma_start3A_1451 = tpu.memref_slice %arg8[%dma_start3A_1449, %dma_start3A_1450] : memref<200x128xi32, #tpu.memory_space<vmem>> -> memref<8x128xi32, #tpu.memory_space<vmem>>
    %dma_start3A_1452 = arith.constant 0 : i32
    %dma_start3A_1453 = tpu.memref_slice %arg3[%add3A_1443, %dma_start3A_1452] : memref<25600x128xi32, #tpu.memory_space<hbm>> -> memref<8x128xi32, #tpu.memory_space<hbm>>
    tpu.enqueue_dma source(%dma_start3A_1453 : memref<8x128xi32, #tpu.memory_space<hbm>>) target(%dma_start3A_1451 : memref<8x128xi32, #tpu.memory_space<vmem>>) target_semaphore(%arg13 : memref<!tpu.dma_semaphore, #tpu.memory_space<semaphore_mem>>)
    %mul3A_1454 = arith.constant 32 : i32
    %mul3A_1455 = arith.muli %mul3A_1454, %add3A : i32
    %add3A_1456 = arith.constant 9216 : i32
    %add3A_1457 = arith.addi %add3A_1456, %mul3A_1455 : i32
    %add3A_1458 = arith.constant 16 : i32
    %add3A_1459 = arith.addi %add3A_1457, %add3A_1458 : i32
    %dma_start3A_1460 = arith.constant 72 : i32
    %dma_start3A_1461 = arith.constant 0 : i32
    %dma_start3A_1462 = tpu.memref_slice %arg8[%dma_start3A_1460, %dma_start3A_1461] : memref<200x128xi32, #tpu.memory_space<vmem>> -> memref<8x128xi32, #tpu.memory_space<vmem>>
    %dma_start3A_1463 = arith.constant 0 : i32
    %dma_start3A_1464 = tpu.memref_slice %arg3[%add3A_1459, %dma_start3A_1463] : memref<25600x128xi32, #tpu.memory_space<hbm>> -> memref<8x128xi32, #tpu.memory_space<hbm>>
    %dma_start3A_1465 = arith.constant 72 : i32
    %dma_start3A_1466 = arith.constant 0 : i32
    %dma_start3A_1467 = tpu.memref_slice %arg8[%dma_start3A_1465, %dma_start3A_1466] : memref<200x128xi32, #tpu.memory_space<vmem>> -> memref<8x128xi32, #tpu.memory_space<vmem>>
    %dma_start3A_1468 = arith.constant 0 : i32
    %dma_start3A_1469 = tpu.memref_slice %arg3[%add3A_1459, %dma_start3A_1468] : memref<25600x128xi32, #tpu.memory_space<hbm>> -> memref<8x128xi32, #tpu.memory_space<hbm>>
    tpu.enqueue_dma source(%dma_start3A_1469 : memref<8x128xi32, #tpu.memory_space<hbm>>) target(%dma_start3A_1467 : memref<8x128xi32, #tpu.memory_space<vmem>>) target_semaphore(%arg13 : memref<!tpu.dma_semaphore, #tpu.memory_space<semaphore_mem>>)
    %mul3A_1470 = arith.constant 32 : i32
    %mul3A_1471 = arith.muli %mul3A_1470, %add3A : i32
    %add3A_1472 = arith.constant 10240 : i32
    %add3A_1473 = arith.addi %add3A_1472, %mul3A_1471 : i32
    %add3A_1474 = arith.constant 16 : i32
    %add3A_1475 = arith.addi %add3A_1473, %add3A_1474 : i32
    %dma_start3A_1476 = arith.constant 80 : i32
    %dma_start3A_1477 = arith.constant 0 : i32
    %dma_start3A_1478 = tpu.memref_slice %arg8[%dma_start3A_1476, %dma_start3A_1477] : memref<200x128xi32, #tpu.memory_space<vmem>> -> memref<8x128xi32, #tpu.memory_space<vmem>>
    %dma_start3A_1479 = arith.constant 0 : i32
    %dma_start3A_1480 = tpu.memref_slice %arg3[%add3A_1475, %dma_start3A_1479] : memref<25600x128xi32, #tpu.memory_space<hbm>> -> memref<8x128xi32, #tpu.memory_space<hbm>>
    %dma_start3A_1481 = arith.constant 80 : i32
    %dma_start3A_1482 = arith.constant 0 : i32
    %dma_start3A_1483 = tpu.memref_slice %arg8[%dma_start3A_1481, %dma_start3A_1482] : memref<200x128xi32, #tpu.memory_space<vmem>> -> memref<8x128xi32, #tpu.memory_space<vmem>>
    %dma_start3A_1484 = arith.constant 0 : i32
    %dma_start3A_1485 = tpu.memref_slice %arg3[%add3A_1475, %dma_start3A_1484] : memref<25600x128xi32, #tpu.memory_space<hbm>> -> memref<8x128xi32, #tpu.memory_space<hbm>>
    tpu.enqueue_dma source(%dma_start3A_1485 : memref<8x128xi32, #tpu.memory_space<hbm>>) target(%dma_start3A_1483 : memref<8x128xi32, #tpu.memory_space<vmem>>) target_semaphore(%arg13 : memref<!tpu.dma_semaphore, #tpu.memory_space<semaphore_mem>>)
    %mul3A_1486 = arith.constant 32 : i32
    %mul3A_1487 = arith.muli %mul3A_1486, %add3A : i32
    %add3A_1488 = arith.constant 11264 : i32
    %add3A_1489 = arith.addi %add3A_1488, %mul3A_1487 : i32
    %add3A_1490 = arith.constant 16 : i32
    %add3A_1491 = arith.addi %add3A_1489, %add3A_1490 : i32
    %dma_start3A_1492 = arith.constant 88 : i32
    %dma_start3A_1493 = arith.constant 0 : i32
    %dma_start3A_1494 = tpu.memref_slice %arg8[%dma_start3A_1492, %dma_start3A_1493] : memref<200x128xi32, #tpu.memory_space<vmem>> -> memref<8x128xi32, #tpu.memory_space<vmem>>
    %dma_start3A_1495 = arith.constant 0 : i32
    %dma_start3A_1496 = tpu.memref_slice %arg3[%add3A_1491, %dma_start3A_1495] : memref<25600x128xi32, #tpu.memory_space<hbm>> -> memref<8x128xi32, #tpu.memory_space<hbm>>
    %dma_start3A_1497 = arith.constant 88 : i32
    %dma_start3A_1498 = arith.constant 0 : i32
    %dma_start3A_1499 = tpu.memref_slice %arg8[%dma_start3A_1497, %dma_start3A_1498] : memref<200x128xi32, #tpu.memory_space<vmem>> -> memref<8x128xi32, #tpu.memory_space<vmem>>
    %dma_start3A_1500 = arith.constant 0 : i32
    %dma_start3A_1501 = tpu.memref_slice %arg3[%add3A_1491, %dma_start3A_1500] : memref<25600x128xi32, #tpu.memory_space<hbm>> -> memref<8x128xi32, #tpu.memory_space<hbm>>
    tpu.enqueue_dma source(%dma_start3A_1501 : memref<8x128xi32, #tpu.memory_space<hbm>>) target(%dma_start3A_1499 : memref<8x128xi32, #tpu.memory_space<vmem>>) target_semaphore(%arg13 : memref<!tpu.dma_semaphore, #tpu.memory_space<semaphore_mem>>)
    %mul3A_1502 = arith.constant 32 : i32
    %mul3A_1503 = arith.muli %mul3A_1502, %add3A : i32
    %add3A_1504 = arith.constant 12288 : i32
    %add3A_1505 = arith.addi %add3A_1504, %mul3A_1503 : i32
    %add3A_1506 = arith.constant 16 : i32
    %add3A_1507 = arith.addi %add3A_1505, %add3A_1506 : i32
    %dma_start3A_1508 = arith.constant 96 : i32
    %dma_start3A_1509 = arith.constant 0 : i32
    %dma_start3A_1510 = tpu.memref_slice %arg8[%dma_start3A_1508, %dma_start3A_1509] : memref<200x128xi32, #tpu.memory_space<vmem>> -> memref<8x128xi32, #tpu.memory_space<vmem>>
    %dma_start3A_1511 = arith.constant 0 : i32
    %dma_start3A_1512 = tpu.memref_slice %arg3[%add3A_1507, %dma_start3A_1511] : memref<25600x128xi32, #tpu.memory_space<hbm>> -> memref<8x128xi32, #tpu.memory_space<hbm>>
    %dma_start3A_1513 = arith.constant 96 : i32
    %dma_start3A_1514 = arith.constant 0 : i32
    %dma_start3A_1515 = tpu.memref_slice %arg8[%dma_start3A_1513, %dma_start3A_1514] : memref<200x128xi32, #tpu.memory_space<vmem>> -> memref<8x128xi32, #tpu.memory_space<vmem>>
    %dma_start3A_1516 = arith.constant 0 : i32
    %dma_start3A_1517 = tpu.memref_slice %arg3[%add3A_1507, %dma_start3A_1516] : memref<25600x128xi32, #tpu.memory_space<hbm>> -> memref<8x128xi32, #tpu.memory_space<hbm>>
    tpu.enqueue_dma source(%dma_start3A_1517 : memref<8x128xi32, #tpu.memory_space<hbm>>) target(%dma_start3A_1515 : memref<8x128xi32, #tpu.memory_space<vmem>>) target_semaphore(%arg13 : memref<!tpu.dma_semaphore, #tpu.memory_space<semaphore_mem>>)
    %mul3A_1518 = arith.constant 32 : i32
    %mul3A_1519 = arith.muli %mul3A_1518, %add3A : i32
    %add3A_1520 = arith.constant 13312 : i32
    %add3A_1521 = arith.addi %add3A_1520, %mul3A_1519 : i32
    %add3A_1522 = arith.constant 16 : i32
    %add3A_1523 = arith.addi %add3A_1521, %add3A_1522 : i32
    %dma_start3A_1524 = arith.constant 104 : i32
    %dma_start3A_1525 = arith.constant 0 : i32
    %dma_start3A_1526 = tpu.memref_slice %arg8[%dma_start3A_1524, %dma_start3A_1525] : memref<200x128xi32, #tpu.memory_space<vmem>> -> memref<8x128xi32, #tpu.memory_space<vmem>>
    %dma_start3A_1527 = arith.constant 0 : i32
    %dma_start3A_1528 = tpu.memref_slice %arg3[%add3A_1523, %dma_start3A_1527] : memref<25600x128xi32, #tpu.memory_space<hbm>> -> memref<8x128xi32, #tpu.memory_space<hbm>>
    %dma_start3A_1529 = arith.constant 104 : i32
    %dma_start3A_1530 = arith.constant 0 : i32
    %dma_start3A_1531 = tpu.memref_slice %arg8[%dma_start3A_1529, %dma_start3A_1530] : memref<200x128xi32, #tpu.memory_space<vmem>> -> memref<8x128xi32, #tpu.memory_space<vmem>>
    %dma_start3A_1532 = arith.constant 0 : i32
    %dma_start3A_1533 = tpu.memref_slice %arg3[%add3A_1523, %dma_start3A_1532] : memref<25600x128xi32, #tpu.memory_space<hbm>> -> memref<8x128xi32, #tpu.memory_space<hbm>>
    tpu.enqueue_dma source(%dma_start3A_1533 : memref<8x128xi32, #tpu.memory_space<hbm>>) target(%dma_start3A_1531 : memref<8x128xi32, #tpu.memory_space<vmem>>) target_semaphore(%arg13 : memref<!tpu.dma_semaphore, #tpu.memory_space<semaphore_mem>>)
    %mul3A_1534 = arith.constant 32 : i32
    %mul3A_1535 = arith.muli %mul3A_1534, %add3A : i32
    %add3A_1536 = arith.constant 14336 : i32
    %add3A_1537 = arith.addi %add3A_1536, %mul3A_1535 : i32
    %add3A_1538 = arith.constant 16 : i32
    %add3A_1539 = arith.addi %add3A_1537, %add3A_1538 : i32
    %dma_start3A_1540 = arith.constant 112 : i32
    %dma_start3A_1541 = arith.constant 0 : i32
    %dma_start3A_1542 = tpu.memref_slice %arg8[%dma_start3A_1540, %dma_start3A_1541] : memref<200x128xi32, #tpu.memory_space<vmem>> -> memref<8x128xi32, #tpu.memory_space<vmem>>
    %dma_start3A_1543 = arith.constant 0 : i32
    %dma_start3A_1544 = tpu.memref_slice %arg3[%add3A_1539, %dma_start3A_1543] : memref<25600x128xi32, #tpu.memory_space<hbm>> -> memref<8x128xi32, #tpu.memory_space<hbm>>
    %dma_start3A_1545 = arith.constant 112 : i32
    %dma_start3A_1546 = arith.constant 0 : i32
    %dma_start3A_1547 = tpu.memref_slice %arg8[%dma_start3A_1545, %dma_start3A_1546] : memref<200x128xi32, #tpu.memory_space<vmem>> -> memref<8x128xi32, #tpu.memory_space<vmem>>
    %dma_start3A_1548 = arith.constant 0 : i32
    %dma_start3A_1549 = tpu.memref_slice %arg3[%add3A_1539, %dma_start3A_1548] : memref<25600x128xi32, #tpu.memory_space<hbm>> -> memref<8x128xi32, #tpu.memory_space<hbm>>
    tpu.enqueue_dma source(%dma_start3A_1549 : memref<8x128xi32, #tpu.memory_space<hbm>>) target(%dma_start3A_1547 : memref<8x128xi32, #tpu.memory_space<vmem>>) target_semaphore(%arg13 : memref<!tpu.dma_semaphore, #tpu.memory_space<semaphore_mem>>)
    %mul3A_1550 = arith.constant 32 : i32
    %mul3A_1551 = arith.muli %mul3A_1550, %add3A : i32
    %add3A_1552 = arith.constant 15360 : i32
    %add3A_1553 = arith.addi %add3A_1552, %mul3A_1551 : i32
    %add3A_1554 = arith.constant 16 : i32
    %add3A_1555 = arith.addi %add3A_1553, %add3A_1554 : i32
    %dma_start3A_1556 = arith.constant 120 : i32
    %dma_start3A_1557 = arith.constant 0 : i32
    %dma_start3A_1558 = tpu.memref_slice %arg8[%dma_start3A_1556, %dma_start3A_1557] : memref<200x128xi32, #tpu.memory_space<vmem>> -> memref<8x128xi32, #tpu.memory_space<vmem>>
    %dma_start3A_1559 = arith.constant 0 : i32
    %dma_start3A_1560 = tpu.memref_slice %arg3[%add3A_1555, %dma_start3A_1559] : memref<25600x128xi32, #tpu.memory_space<hbm>> -> memref<8x128xi32, #tpu.memory_space<hbm>>
    %dma_start3A_1561 = arith.constant 120 : i32
    %dma_start3A_1562 = arith.constant 0 : i32
    %dma_start3A_1563 = tpu.memref_slice %arg8[%dma_start3A_1561, %dma_start3A_1562] : memref<200x128xi32, #tpu.memory_space<vmem>> -> memref<8x128xi32, #tpu.memory_space<vmem>>
    %dma_start3A_1564 = arith.constant 0 : i32
    %dma_start3A_1565 = tpu.memref_slice %arg3[%add3A_1555, %dma_start3A_1564] : memref<25600x128xi32, #tpu.memory_space<hbm>> -> memref<8x128xi32, #tpu.memory_space<hbm>>
    tpu.enqueue_dma source(%dma_start3A_1565 : memref<8x128xi32, #tpu.memory_space<hbm>>) target(%dma_start3A_1563 : memref<8x128xi32, #tpu.memory_space<vmem>>) target_semaphore(%arg13 : memref<!tpu.dma_semaphore, #tpu.memory_space<semaphore_mem>>)
    %mul3A_1566 = arith.constant 32 : i32
    %mul3A_1567 = arith.muli %mul3A_1566, %add3A : i32
    %add3A_1568 = arith.constant 16384 : i32
    %add3A_1569 = arith.addi %add3A_1568, %mul3A_1567 : i32
    %add3A_1570 = arith.constant 16 : i32
    %add3A_1571 = arith.addi %add3A_1569, %add3A_1570 : i32
    %dma_start3A_1572 = arith.constant 128 : i32
    %dma_start3A_1573 = arith.constant 0 : i32
    %dma_start3A_1574 = tpu.memref_slice %arg8[%dma_start3A_1572, %dma_start3A_1573] : memref<200x128xi32, #tpu.memory_space<vmem>> -> memref<8x128xi32, #tpu.memory_space<vmem>>
    %dma_start3A_1575 = arith.constant 0 : i32
    %dma_start3A_1576 = tpu.memref_slice %arg3[%add3A_1571, %dma_start3A_1575] : memref<25600x128xi32, #tpu.memory_space<hbm>> -> memref<8x128xi32, #tpu.memory_space<hbm>>
    %dma_start3A_1577 = arith.constant 128 : i32
    %dma_start3A_1578 = arith.constant 0 : i32
    %dma_start3A_1579 = tpu.memref_slice %arg8[%dma_start3A_1577, %dma_start3A_1578] : memref<200x128xi32, #tpu.memory_space<vmem>> -> memref<8x128xi32, #tpu.memory_space<vmem>>
    %dma_start3A_1580 = arith.constant 0 : i32
    %dma_start3A_1581 = tpu.memref_slice %arg3[%add3A_1571, %dma_start3A_1580] : memref<25600x128xi32, #tpu.memory_space<hbm>> -> memref<8x128xi32, #tpu.memory_space<hbm>>
    tpu.enqueue_dma source(%dma_start3A_1581 : memref<8x128xi32, #tpu.memory_space<hbm>>) target(%dma_start3A_1579 : memref<8x128xi32, #tpu.memory_space<vmem>>) target_semaphore(%arg13 : memref<!tpu.dma_semaphore, #tpu.memory_space<semaphore_mem>>)
    %mul3A_1582 = arith.constant 32 : i32
    %mul3A_1583 = arith.muli %mul3A_1582, %add3A : i32
    %add3A_1584 = arith.constant 17408 : i32
    %add3A_1585 = arith.addi %add3A_1584, %mul3A_1583 : i32
    %add3A_1586 = arith.constant 16 : i32
    %add3A_1587 = arith.addi %add3A_1585, %add3A_1586 : i32
    %dma_start3A_1588 = arith.constant 136 : i32
    %dma_start3A_1589 = arith.constant 0 : i32
    %dma_start3A_1590 = tpu.memref_slice %arg8[%dma_start3A_1588, %dma_start3A_1589] : memref<200x128xi32, #tpu.memory_space<vmem>> -> memref<8x128xi32, #tpu.memory_space<vmem>>
    %dma_start3A_1591 = arith.constant 0 : i32
    %dma_start3A_1592 = tpu.memref_slice %arg3[%add3A_1587, %dma_start3A_1591] : memref<25600x128xi32, #tpu.memory_space<hbm>> -> memref<8x128xi32, #tpu.memory_space<hbm>>
    %dma_start3A_1593 = arith.constant 136 : i32
    %dma_start3A_1594 = arith.constant 0 : i32
    %dma_start3A_1595 = tpu.memref_slice %arg8[%dma_start3A_1593, %dma_start3A_1594] : memref<200x128xi32, #tpu.memory_space<vmem>> -> memref<8x128xi32, #tpu.memory_space<vmem>>
    %dma_start3A_1596 = arith.constant 0 : i32
    %dma_start3A_1597 = tpu.memref_slice %arg3[%add3A_1587, %dma_start3A_1596] : memref<25600x128xi32, #tpu.memory_space<hbm>> -> memref<8x128xi32, #tpu.memory_space<hbm>>
    tpu.enqueue_dma source(%dma_start3A_1597 : memref<8x128xi32, #tpu.memory_space<hbm>>) target(%dma_start3A_1595 : memref<8x128xi32, #tpu.memory_space<vmem>>) target_semaphore(%arg13 : memref<!tpu.dma_semaphore, #tpu.memory_space<semaphore_mem>>)
    %mul3A_1598 = arith.constant 32 : i32
    %mul3A_1599 = arith.muli %mul3A_1598, %add3A : i32
    %add3A_1600 = arith.constant 18432 : i32
    %add3A_1601 = arith.addi %add3A_1600, %mul3A_1599 : i32
    %add3A_1602 = arith.constant 16 : i32
    %add3A_1603 = arith.addi %add3A_1601, %add3A_1602 : i32
    %dma_start3A_1604 = arith.constant 144 : i32
    %dma_start3A_1605 = arith.constant 0 : i32
    %dma_start3A_1606 = tpu.memref_slice %arg8[%dma_start3A_1604, %dma_start3A_1605] : memref<200x128xi32, #tpu.memory_space<vmem>> -> memref<8x128xi32, #tpu.memory_space<vmem>>
    %dma_start3A_1607 = arith.constant 0 : i32
    %dma_start3A_1608 = tpu.memref_slice %arg3[%add3A_1603, %dma_start3A_1607] : memref<25600x128xi32, #tpu.memory_space<hbm>> -> memref<8x128xi32, #tpu.memory_space<hbm>>
    %dma_start3A_1609 = arith.constant 144 : i32
    %dma_start3A_1610 = arith.constant 0 : i32
    %dma_start3A_1611 = tpu.memref_slice %arg8[%dma_start3A_1609, %dma_start3A_1610] : memref<200x128xi32, #tpu.memory_space<vmem>> -> memref<8x128xi32, #tpu.memory_space<vmem>>
    %dma_start3A_1612 = arith.constant 0 : i32
    %dma_start3A_1613 = tpu.memref_slice %arg3[%add3A_1603, %dma_start3A_1612] : memref<25600x128xi32, #tpu.memory_space<hbm>> -> memref<8x128xi32, #tpu.memory_space<hbm>>
    tpu.enqueue_dma source(%dma_start3A_1613 : memref<8x128xi32, #tpu.memory_space<hbm>>) target(%dma_start3A_1611 : memref<8x128xi32, #tpu.memory_space<vmem>>) target_semaphore(%arg13 : memref<!tpu.dma_semaphore, #tpu.memory_space<semaphore_mem>>)
    %mul3A_1614 = arith.constant 32 : i32
    %mul3A_1615 = arith.muli %mul3A_1614, %add3A : i32
    %add3A_1616 = arith.constant 19456 : i32
    %add3A_1617 = arith.addi %add3A_1616, %mul3A_1615 : i32
    %add3A_1618 = arith.constant 16 : i32
    %add3A_1619 = arith.addi %add3A_1617, %add3A_1618 : i32
    %dma_start3A_1620 = arith.constant 152 : i32
    %dma_start3A_1621 = arith.constant 0 : i32
    %dma_start3A_1622 = tpu.memref_slice %arg8[%dma_start3A_1620, %dma_start3A_1621] : memref<200x128xi32, #tpu.memory_space<vmem>> -> memref<8x128xi32, #tpu.memory_space<vmem>>
    %dma_start3A_1623 = arith.constant 0 : i32
    %dma_start3A_1624 = tpu.memref_slice %arg3[%add3A_1619, %dma_start3A_1623] : memref<25600x128xi32, #tpu.memory_space<hbm>> -> memref<8x128xi32, #tpu.memory_space<hbm>>
    %dma_start3A_1625 = arith.constant 152 : i32
    %dma_start3A_1626 = arith.constant 0 : i32
    %dma_start3A_1627 = tpu.memref_slice %arg8[%dma_start3A_1625, %dma_start3A_1626] : memref<200x128xi32, #tpu.memory_space<vmem>> -> memref<8x128xi32, #tpu.memory_space<vmem>>
    %dma_start3A_1628 = arith.constant 0 : i32
    %dma_start3A_1629 = tpu.memref_slice %arg3[%add3A_1619, %dma_start3A_1628] : memref<25600x128xi32, #tpu.memory_space<hbm>> -> memref<8x128xi32, #tpu.memory_space<hbm>>
    tpu.enqueue_dma source(%dma_start3A_1629 : memref<8x128xi32, #tpu.memory_space<hbm>>) target(%dma_start3A_1627 : memref<8x128xi32, #tpu.memory_space<vmem>>) target_semaphore(%arg13 : memref<!tpu.dma_semaphore, #tpu.memory_space<semaphore_mem>>)
    %mul3A_1630 = arith.constant 32 : i32
    %mul3A_1631 = arith.muli %mul3A_1630, %add3A : i32
    %add3A_1632 = arith.constant 20480 : i32
    %add3A_1633 = arith.addi %add3A_1632, %mul3A_1631 : i32
    %add3A_1634 = arith.constant 16 : i32
    %add3A_1635 = arith.addi %add3A_1633, %add3A_1634 : i32
    %dma_start3A_1636 = arith.constant 160 : i32
    %dma_start3A_1637 = arith.constant 0 : i32
    %dma_start3A_1638 = tpu.memref_slice %arg8[%dma_start3A_1636, %dma_start3A_1637] : memref<200x128xi32, #tpu.memory_space<vmem>> -> memref<8x128xi32, #tpu.memory_space<vmem>>
    %dma_start3A_1639 = arith.constant 0 : i32
    %dma_start3A_1640 = tpu.memref_slice %arg3[%add3A_1635, %dma_start3A_1639] : memref<25600x128xi32, #tpu.memory_space<hbm>> -> memref<8x128xi32, #tpu.memory_space<hbm>>
    %dma_start3A_1641 = arith.constant 160 : i32
    %dma_start3A_1642 = arith.constant 0 : i32
    %dma_start3A_1643 = tpu.memref_slice %arg8[%dma_start3A_1641, %dma_start3A_1642] : memref<200x128xi32, #tpu.memory_space<vmem>> -> memref<8x128xi32, #tpu.memory_space<vmem>>
    %dma_start3A_1644 = arith.constant 0 : i32
    %dma_start3A_1645 = tpu.memref_slice %arg3[%add3A_1635, %dma_start3A_1644] : memref<25600x128xi32, #tpu.memory_space<hbm>> -> memref<8x128xi32, #tpu.memory_space<hbm>>
    tpu.enqueue_dma source(%dma_start3A_1645 : memref<8x128xi32, #tpu.memory_space<hbm>>) target(%dma_start3A_1643 : memref<8x128xi32, #tpu.memory_space<vmem>>) target_semaphore(%arg13 : memref<!tpu.dma_semaphore, #tpu.memory_space<semaphore_mem>>)
    %mul3A_1646 = arith.constant 32 : i32
    %mul3A_1647 = arith.muli %mul3A_1646, %add3A : i32
    %add3A_1648 = arith.constant 21504 : i32
    %add3A_1649 = arith.addi %add3A_1648, %mul3A_1647 : i32
    %add3A_1650 = arith.constant 16 : i32
    %add3A_1651 = arith.addi %add3A_1649, %add3A_1650 : i32
    %dma_start3A_1652 = arith.constant 168 : i32
    %dma_start3A_1653 = arith.constant 0 : i32
    %dma_start3A_1654 = tpu.memref_slice %arg8[%dma_start3A_1652, %dma_start3A_1653] : memref<200x128xi32, #tpu.memory_space<vmem>> -> memref<8x128xi32, #tpu.memory_space<vmem>>
    %dma_start3A_1655 = arith.constant 0 : i32
    %dma_start3A_1656 = tpu.memref_slice %arg3[%add3A_1651, %dma_start3A_1655] : memref<25600x128xi32, #tpu.memory_space<hbm>> -> memref<8x128xi32, #tpu.memory_space<hbm>>
    %dma_start3A_1657 = arith.constant 168 : i32
    %dma_start3A_1658 = arith.constant 0 : i32
    %dma_start3A_1659 = tpu.memref_slice %arg8[%dma_start3A_1657, %dma_start3A_1658] : memref<200x128xi32, #tpu.memory_space<vmem>> -> memref<8x128xi32, #tpu.memory_space<vmem>>
    %dma_start3A_1660 = arith.constant 0 : i32
    %dma_start3A_1661 = tpu.memref_slice %arg3[%add3A_1651, %dma_start3A_1660] : memref<25600x128xi32, #tpu.memory_space<hbm>> -> memref<8x128xi32, #tpu.memory_space<hbm>>
    tpu.enqueue_dma source(%dma_start3A_1661 : memref<8x128xi32, #tpu.memory_space<hbm>>) target(%dma_start3A_1659 : memref<8x128xi32, #tpu.memory_space<vmem>>) target_semaphore(%arg13 : memref<!tpu.dma_semaphore, #tpu.memory_space<semaphore_mem>>)
    %mul3A_1662 = arith.constant 32 : i32
    %mul3A_1663 = arith.muli %mul3A_1662, %add3A : i32
    %add3A_1664 = arith.constant 22528 : i32
    %add3A_1665 = arith.addi %add3A_1664, %mul3A_1663 : i32
    %add3A_1666 = arith.constant 16 : i32
    %add3A_1667 = arith.addi %add3A_1665, %add3A_1666 : i32
    %dma_start3A_1668 = arith.constant 176 : i32
    %dma_start3A_1669 = arith.constant 0 : i32
    %dma_start3A_1670 = tpu.memref_slice %arg8[%dma_start3A_1668, %dma_start3A_1669] : memref<200x128xi32, #tpu.memory_space<vmem>> -> memref<8x128xi32, #tpu.memory_space<vmem>>
    %dma_start3A_1671 = arith.constant 0 : i32
    %dma_start3A_1672 = tpu.memref_slice %arg3[%add3A_1667, %dma_start3A_1671] : memref<25600x128xi32, #tpu.memory_space<hbm>> -> memref<8x128xi32, #tpu.memory_space<hbm>>
    %dma_start3A_1673 = arith.constant 176 : i32
    %dma_start3A_1674 = arith.constant 0 : i32
    %dma_start3A_1675 = tpu.memref_slice %arg8[%dma_start3A_1673, %dma_start3A_1674] : memref<200x128xi32, #tpu.memory_space<vmem>> -> memref<8x128xi32, #tpu.memory_space<vmem>>
    %dma_start3A_1676 = arith.constant 0 : i32
    %dma_start3A_1677 = tpu.memref_slice %arg3[%add3A_1667, %dma_start3A_1676] : memref<25600x128xi32, #tpu.memory_space<hbm>> -> memref<8x128xi32, #tpu.memory_space<hbm>>
    tpu.enqueue_dma source(%dma_start3A_1677 : memref<8x128xi32, #tpu.memory_space<hbm>>) target(%dma_start3A_1675 : memref<8x128xi32, #tpu.memory_space<vmem>>) target_semaphore(%arg13 : memref<!tpu.dma_semaphore, #tpu.memory_space<semaphore_mem>>)
    %mul3A_1678 = arith.constant 32 : i32
    %mul3A_1679 = arith.muli %mul3A_1678, %add3A : i32
    %add3A_1680 = arith.constant 23552 : i32
    %add3A_1681 = arith.addi %add3A_1680, %mul3A_1679 : i32
    %add3A_1682 = arith.constant 16 : i32
    %add3A_1683 = arith.addi %add3A_1681, %add3A_1682 : i32
    %dma_start3A_1684 = arith.constant 184 : i32
    %dma_start3A_1685 = arith.constant 0 : i32
    %dma_start3A_1686 = tpu.memref_slice %arg8[%dma_start3A_1684, %dma_start3A_1685] : memref<200x128xi32, #tpu.memory_space<vmem>> -> memref<8x128xi32, #tpu.memory_space<vmem>>
    %dma_start3A_1687 = arith.constant 0 : i32
    %dma_start3A_1688 = tpu.memref_slice %arg3[%add3A_1683, %dma_start3A_1687] : memref<25600x128xi32, #tpu.memory_space<hbm>> -> memref<8x128xi32, #tpu.memory_space<hbm>>
    %dma_start3A_1689 = arith.constant 184 : i32
    %dma_start3A_1690 = arith.constant 0 : i32
    %dma_start3A_1691 = tpu.memref_slice %arg8[%dma_start3A_1689, %dma_start3A_1690] : memref<200x128xi32, #tpu.memory_space<vmem>> -> memref<8x128xi32, #tpu.memory_space<vmem>>
    %dma_start3A_1692 = arith.constant 0 : i32
    %dma_start3A_1693 = tpu.memref_slice %arg3[%add3A_1683, %dma_start3A_1692] : memref<25600x128xi32, #tpu.memory_space<hbm>> -> memref<8x128xi32, #tpu.memory_space<hbm>>
    tpu.enqueue_dma source(%dma_start3A_1693 : memref<8x128xi32, #tpu.memory_space<hbm>>) target(%dma_start3A_1691 : memref<8x128xi32, #tpu.memory_space<vmem>>) target_semaphore(%arg13 : memref<!tpu.dma_semaphore, #tpu.memory_space<semaphore_mem>>)
    %mul3A_1694 = arith.constant 32 : i32
    %mul3A_1695 = arith.muli %mul3A_1694, %add3A : i32
    %add3A_1696 = arith.constant 24576 : i32
    %add3A_1697 = arith.addi %add3A_1696, %mul3A_1695 : i32
    %add3A_1698 = arith.constant 16 : i32
    %add3A_1699 = arith.addi %add3A_1697, %add3A_1698 : i32
    %dma_start3A_1700 = arith.constant 192 : i32
    %dma_start3A_1701 = arith.constant 0 : i32
    %dma_start3A_1702 = tpu.memref_slice %arg8[%dma_start3A_1700, %dma_start3A_1701] : memref<200x128xi32, #tpu.memory_space<vmem>> -> memref<8x128xi32, #tpu.memory_space<vmem>>
    %dma_start3A_1703 = arith.constant 0 : i32
    %dma_start3A_1704 = tpu.memref_slice %arg3[%add3A_1699, %dma_start3A_1703] : memref<25600x128xi32, #tpu.memory_space<hbm>> -> memref<8x128xi32, #tpu.memory_space<hbm>>
    %dma_start3A_1705 = arith.constant 192 : i32
    %dma_start3A_1706 = arith.constant 0 : i32
    %dma_start3A_1707 = tpu.memref_slice %arg8[%dma_start3A_1705, %dma_start3A_1706] : memref<200x128xi32, #tpu.memory_space<vmem>> -> memref<8x128xi32, #tpu.memory_space<vmem>>
    %dma_start3A_1708 = arith.constant 0 : i32
    %dma_start3A_1709 = tpu.memref_slice %arg3[%add3A_1699, %dma_start3A_1708] : memref<25600x128xi32, #tpu.memory_space<hbm>> -> memref<8x128xi32, #tpu.memory_space<hbm>>
    tpu.enqueue_dma source(%dma_start3A_1709 : memref<8x128xi32, #tpu.memory_space<hbm>>) target(%dma_start3A_1707 : memref<8x128xi32, #tpu.memory_space<vmem>>) target_semaphore(%arg13 : memref<!tpu.dma_semaphore, #tpu.memory_space<semaphore_mem>>)
    %scan3A_1710 = arith.constant 0 : i32
    %scan3A_1711 = arith.constant 0 : i32
    %scan3A_1712 = arith.constant 8 : i32
    %scan3A_1713 = arith.addi %scan3A_1711, %scan3A_1712 : i32
    %scan3A_1714 = arith.constant 1 : i32
    scf.for %scan3A_2628 = %scan3A_1711 to %scan3A_1713 step %scan3A_1714  : i32 {
      %mul3A_2629 = arith.constant 16 : i32
      %mul3A_2630 = arith.muli %scan3A_2628, %mul3A_2629 : i32
      %add3A_2631 = vector.broadcast %mul3A_2630 : i32 to vector<16xi32>
      %add3A_2632 = arith.addi %add3A_2631, %iota3A : vector<16xi32>
      %scan3A_2633 = arith.constant 0 : i32
      %scan3A_2634 = arith.constant 25 : i32
      %scan3A_2635 = arith.addi %scan3A_2633, %scan3A_2634 : i32
      %scan3A_2636 = arith.constant 1 : i32
      %scan3A_2637:3 = scf.for %scan3A_2656 = %scan3A_2633 to %scan3A_2635 step %scan3A_2636 iter_args(%scan3A_2657 = %broadcast_in_dim3A_403, %scan3A_2658 = %broadcast_in_dim3A_403, %scan3A_2659 = %broadcast_in_dim3A_405) -> (vector<16xf32>, vector<16xf32>, vector<16xi32>)  : i32 {
        %add3A_2660 = arith.constant 0 : i32
        %add3A_2661 = vector.broadcast %add3A_2660 : i32 to vector<16xi32>
        %add3A_2662 = arith.addi %scan3A_2659, %add3A_2661 : vector<16xi32>
        %gather3A = tpu.vector_load_idx %arg9[%add3A_2662, %add3A_2632] : memref<200x128xi32, #tpu.memory_space<vmem>>[vector<16xi32>, vector<16xi32>], vector<16xi32>,
        %gather3A_2663 = tpu.vector_load_idx %arg7[%gather3A] : memref<7808xf32, #tpu.memory_space<vmem>>[vector<16xi32>], vector<16xf32>,
        %add3A_2664 = arith.addf %scan3A_2657, %gather3A_2663 : vector<16xf32>
        %add3A_2665 = arith.constant 1 : i32
        %add3A_2666 = vector.broadcast %add3A_2665 : i32 to vector<16xi32>
        %add3A_2667 = arith.addi %scan3A_2659, %add3A_2666 : vector<16xi32>
        %gather3A_2668 = tpu.vector_load_idx %arg9[%add3A_2667, %add3A_2632] : memref<200x128xi32, #tpu.memory_space<vmem>>[vector<16xi32>, vector<16xi32>], vector<16xi32>,
        %gather3A_2669 = tpu.vector_load_idx %arg7[%gather3A_2668] : memref<7808xf32, #tpu.memory_space<vmem>>[vector<16xi32>], vector<16xf32>,
        %add3A_2670 = arith.addf %scan3A_2658, %gather3A_2669 : vector<16xf32>
        %add3A_2671 = arith.constant 2 : i32
        %add3A_2672 = vector.broadcast %add3A_2671 : i32 to vector<16xi32>
        %add3A_2673 = arith.addi %scan3A_2659, %add3A_2672 : vector<16xi32>
        %gather3A_2674 = tpu.vector_load_idx %arg9[%add3A_2673, %add3A_2632] : memref<200x128xi32, #tpu.memory_space<vmem>>[vector<16xi32>, vector<16xi32>], vector<16xi32>,
        %gather3A_2675 = tpu.vector_load_idx %arg7[%gather3A_2674] : memref<7808xf32, #tpu.memory_space<vmem>>[vector<16xi32>], vector<16xf32>,
        %add3A_2676 = arith.addf %add3A_2664, %gather3A_2675 : vector<16xf32>
        %add3A_2677 = arith.constant 3 : i32
        %add3A_2678 = vector.broadcast %add3A_2677 : i32 to vector<16xi32>
        %add3A_2679 = arith.addi %scan3A_2659, %add3A_2678 : vector<16xi32>
        %gather3A_2680 = tpu.vector_load_idx %arg9[%add3A_2679, %add3A_2632] : memref<200x128xi32, #tpu.memory_space<vmem>>[vector<16xi32>, vector<16xi32>], vector<16xi32>,
        %gather3A_2681 = tpu.vector_load_idx %arg7[%gather3A_2680] : memref<7808xf32, #tpu.memory_space<vmem>>[vector<16xi32>], vector<16xf32>,
        %add3A_2682 = arith.addf %add3A_2670, %gather3A_2681 : vector<16xf32>
        %add3A_2683 = arith.constant 4 : i32
        %add3A_2684 = vector.broadcast %add3A_2683 : i32 to vector<16xi32>
        %add3A_2685 = arith.addi %scan3A_2659, %add3A_2684 : vector<16xi32>
        %gather3A_2686 = tpu.vector_load_idx %arg9[%add3A_2685, %add3A_2632] : memref<200x128xi32, #tpu.memory_space<vmem>>[vector<16xi32>, vector<16xi32>], vector<16xi32>,
        %gather3A_2687 = tpu.vector_load_idx %arg7[%gather3A_2686] : memref<7808xf32, #tpu.memory_space<vmem>>[vector<16xi32>], vector<16xf32>,
        %add3A_2688 = arith.addf %add3A_2676, %gather3A_2687 : vector<16xf32>
        %add3A_2689 = arith.constant 5 : i32
        %add3A_2690 = vector.broadcast %add3A_2689 : i32 to vector<16xi32>
        %add3A_2691 = arith.addi %scan3A_2659, %add3A_2690 : vector<16xi32>
        %gather3A_2692 = tpu.vector_load_idx %arg9[%add3A_2691, %add3A_2632] : memref<200x128xi32, #tpu.memory_space<vmem>>[vector<16xi32>, vector<16xi32>], vector<16xi32>,
        %gather3A_2693 = tpu.vector_load_idx %arg7[%gather3A_2692] : memref<7808xf32, #tpu.memory_space<vmem>>[vector<16xi32>], vector<16xf32>,
        %add3A_2694 = arith.addf %add3A_2682, %gather3A_2693 : vector<16xf32>
        %add3A_2695 = arith.constant 6 : i32
        %add3A_2696 = vector.broadcast %add3A_2695 : i32 to vector<16xi32>
        %add3A_2697 = arith.addi %scan3A_2659, %add3A_2696 : vector<16xi32>
        %gather3A_2698 = tpu.vector_load_idx %arg9[%add3A_2697, %add3A_2632] : memref<200x128xi32, #tpu.memory_space<vmem>>[vector<16xi32>, vector<16xi32>], vector<16xi32>,
        %gather3A_2699 = tpu.vector_load_idx %arg7[%gather3A_2698] : memref<7808xf32, #tpu.memory_space<vmem>>[vector<16xi32>], vector<16xf32>,
        %add3A_2700 = arith.addf %add3A_2688, %gather3A_2699 : vector<16xf32>
        %add3A_2701 = arith.constant 7 : i32
        %add3A_2702 = vector.broadcast %add3A_2701 : i32 to vector<16xi32>
        %add3A_2703 = arith.addi %scan3A_2659, %add3A_2702 : vector<16xi32>
        %gather3A_2704 = tpu.vector_load_idx %arg9[%add3A_2703, %add3A_2632] : memref<200x128xi32, #tpu.memory_space<vmem>>[vector<16xi32>, vector<16xi32>], vector<16xi32>,
        %gather3A_2705 = tpu.vector_load_idx %arg7[%gather3A_2704] : memref<7808xf32, #tpu.memory_space<vmem>>[vector<16xi32>], vector<16xf32>,
        %add3A_2706 = arith.addf %add3A_2694, %gather3A_2705 : vector<16xf32>
        %add3A_2707 = arith.constant 8 : i32
        %add3A_2708 = vector.broadcast %add3A_2707 : i32 to vector<16xi32>
        %add3A_2709 = arith.addi %scan3A_2659, %add3A_2708 : vector<16xi32>
        scf.yield %add3A_2700, %add3A_2706, %add3A_2709 : vector<16xf32>, vector<16xf32>, vector<16xi32>
      }
      %scan3A_2638 = arith.constant 25 : i32
      %mul3A_2639 = arith.constant 16 : i32
      %mul3A_2640 = arith.muli %scan3A_2628, %mul3A_2639 : i32
      %add3A_2641 = arith.constant 128 : i32
      %add3A_2642 = arith.addi %add3A_2641, %mul3A_2640 : i32
      %add3A_2643 = arith.addf %scan3A_2637#0, %scan3A_2637#1 : vector<16xf32>
      %get3A_2644 = arith.index_cast %add3A_2642 : i32 to index
      %get3A_2645 = tpu.vector_load %arg10[%get3A_2644] {strides = array<i32>} : memref<512xf32, #tpu.memory_space<vmem>>, vector<16xf32>,
      %div3A = arith.divf %add3A_2643, %get3A_2645 : vector<16xf32>
      %add3A_2646 = arith.addf %div3A, %get3A_402 : vector<16xf32>
      %neg3A = arith.constant 0.000000e+00 : f32
      %neg3A_2647 = vector.broadcast %neg3A : f32 to vector<16xf32>
      %neg3A_2648 = arith.subf %neg3A_2647, %add3A_2646 : vector<16xf32>
      %exp3A = math.exp %neg3A_2648 : vector<16xf32>
      %add3A_2649 = arith.constant 1.000000e+00 : f32
      %add3A_2650 = vector.broadcast %add3A_2649 : f32 to vector<16xf32>
      %add3A_2651 = arith.addf %add3A_2650, %exp3A : vector<16xf32>
      %div3A_2652 = arith.constant 1.000000e+00 : f32
      %div3A_2653 = vector.broadcast %div3A_2652 : f32 to vector<16xf32>
      %div3A_2654 = arith.divf %div3A_2653, %add3A_2651 : vector<16xf32>
      %swap3A = arith.index_cast %add3A_2642 : i32 to index
      %swap3A_2655 = tpu.vector_load %arg12[%swap3A] {strides = array<i32>} : memref<512xf32, #tpu.memory_space<vmem>>, vector<16xf32>,
      tpu.vector_store %arg12[%swap3A], %div3A_2654 {strides = array<i32>} : memref<512xf32, #tpu.memory_space<vmem>>, vector<16xf32>,
    }
    %scan3A_1715 = arith.constant 8 : i32
    %dma_wait3A_1716 = arith.constant 0 : i32
    %dma_wait3A_1717 = arith.constant 0 : i32
    %dma_wait3A_1718 = tpu.memref_slice %arg8[%dma_wait3A_1716, %dma_wait3A_1717] : memref<200x128xi32, #tpu.memory_space<vmem>> -> memref<8x128xi32, #tpu.memory_space<vmem>>
    %dma_wait3A_1719 = arith.constant 0 : i32
    %dma_wait3A_1720 = tpu.memref_slice %arg3[%add3A_1315, %dma_wait3A_1719] : memref<25600x128xi32, #tpu.memory_space<hbm>> -> memref<8x128xi32, #tpu.memory_space<hbm>>
    %dma_wait3A_1721 = arith.constant 0 : i32
    %dma_wait3A_1722 = arith.constant 0 : i32
    %dma_wait3A_1723 = tpu.memref_slice %arg8[%dma_wait3A_1721, %dma_wait3A_1722] : memref<200x128xi32, #tpu.memory_space<vmem>> -> memref<8x128xi32, #tpu.memory_space<vmem>>
    %dma_wait3A_1724 = arith.constant 0 : i32
    %dma_wait3A_1725 = tpu.memref_slice %arg3[%add3A_1315, %dma_wait3A_1724] : memref<25600x128xi32, #tpu.memory_space<hbm>> -> memref<8x128xi32, #tpu.memory_space<hbm>>
    tpu.wait_dma2 semaphore(%arg13 : memref<!tpu.dma_semaphore, #tpu.memory_space<semaphore_mem>>) src(%dma_wait3A_1725 : memref<8x128xi32, #tpu.memory_space<hbm>>) dst(%dma_wait3A_1723 : memref<8x128xi32, #tpu.memory_space<vmem>>)
    %dma_wait3A_1726 = arith.constant 8 : i32
    %dma_wait3A_1727 = arith.constant 0 : i32
    %dma_wait3A_1728 = tpu.memref_slice %arg8[%dma_wait3A_1726, %dma_wait3A_1727] : memref<200x128xi32, #tpu.memory_space<vmem>> -> memref<8x128xi32, #tpu.memory_space<vmem>>
    %dma_wait3A_1729 = arith.constant 0 : i32
    %dma_wait3A_1730 = tpu.memref_slice %arg3[%add3A_1331, %dma_wait3A_1729] : memref<25600x128xi32, #tpu.memory_space<hbm>> -> memref<8x128xi32, #tpu.memory_space<hbm>>
    %dma_wait3A_1731 = arith.constant 8 : i32
    %dma_wait3A_1732 = arith.constant 0 : i32
    %dma_wait3A_1733 = tpu.memref_slice %arg8[%dma_wait3A_1731, %dma_wait3A_1732] : memref<200x128xi32, #tpu.memory_space<vmem>> -> memref<8x128xi32, #tpu.memory_space<vmem>>
    %dma_wait3A_1734 = arith.constant 0 : i32
    %dma_wait3A_1735 = tpu.memref_slice %arg3[%add3A_1331, %dma_wait3A_1734] : memref<25600x128xi32, #tpu.memory_space<hbm>> -> memref<8x128xi32, #tpu.memory_space<hbm>>
    tpu.wait_dma2 semaphore(%arg13 : memref<!tpu.dma_semaphore, #tpu.memory_space<semaphore_mem>>) src(%dma_wait3A_1735 : memref<8x128xi32, #tpu.memory_space<hbm>>) dst(%dma_wait3A_1733 : memref<8x128xi32, #tpu.memory_space<vmem>>)
    %dma_wait3A_1736 = arith.constant 16 : i32
    %dma_wait3A_1737 = arith.constant 0 : i32
    %dma_wait3A_1738 = tpu.memref_slice %arg8[%dma_wait3A_1736, %dma_wait3A_1737] : memref<200x128xi32, #tpu.memory_space<vmem>> -> memref<8x128xi32, #tpu.memory_space<vmem>>
    %dma_wait3A_1739 = arith.constant 0 : i32
    %dma_wait3A_1740 = tpu.memref_slice %arg3[%add3A_1347, %dma_wait3A_1739] : memref<25600x128xi32, #tpu.memory_space<hbm>> -> memref<8x128xi32, #tpu.memory_space<hbm>>
    %dma_wait3A_1741 = arith.constant 16 : i32
    %dma_wait3A_1742 = arith.constant 0 : i32
    %dma_wait3A_1743 = tpu.memref_slice %arg8[%dma_wait3A_1741, %dma_wait3A_1742] : memref<200x128xi32, #tpu.memory_space<vmem>> -> memref<8x128xi32, #tpu.memory_space<vmem>>
    %dma_wait3A_1744 = arith.constant 0 : i32
    %dma_wait3A_1745 = tpu.memref_slice %arg3[%add3A_1347, %dma_wait3A_1744] : memref<25600x128xi32, #tpu.memory_space<hbm>> -> memref<8x128xi32, #tpu.memory_space<hbm>>
    tpu.wait_dma2 semaphore(%arg13 : memref<!tpu.dma_semaphore, #tpu.memory_space<semaphore_mem>>) src(%dma_wait3A_1745 : memref<8x128xi32, #tpu.memory_space<hbm>>) dst(%dma_wait3A_1743 : memref<8x128xi32, #tpu.memory_space<vmem>>)
    %dma_wait3A_1746 = arith.constant 24 : i32
    %dma_wait3A_1747 = arith.constant 0 : i32
    %dma_wait3A_1748 = tpu.memref_slice %arg8[%dma_wait3A_1746, %dma_wait3A_1747] : memref<200x128xi32, #tpu.memory_space<vmem>> -> memref<8x128xi32, #tpu.memory_space<vmem>>
    %dma_wait3A_1749 = arith.constant 0 : i32
    %dma_wait3A_1750 = tpu.memref_slice %arg3[%add3A_1363, %dma_wait3A_1749] : memref<25600x128xi32, #tpu.memory_space<hbm>> -> memref<8x128xi32, #tpu.memory_space<hbm>>
    %dma_wait3A_1751 = arith.constant 24 : i32
    %dma_wait3A_1752 = arith.constant 0 : i32
    %dma_wait3A_1753 = tpu.memref_slice %arg8[%dma_wait3A_1751, %dma_wait3A_1752] : memref<200x128xi32, #tpu.memory_space<vmem>> -> memref<8x128xi32, #tpu.memory_space<vmem>>
    %dma_wait3A_1754 = arith.constant 0 : i32
    %dma_wait3A_1755 = tpu.memref_slice %arg3[%add3A_1363, %dma_wait3A_1754] : memref<25600x128xi32, #tpu.memory_space<hbm>> -> memref<8x128xi32, #tpu.memory_space<hbm>>
    tpu.wait_dma2 semaphore(%arg13 : memref<!tpu.dma_semaphore, #tpu.memory_space<semaphore_mem>>) src(%dma_wait3A_1755 : memref<8x128xi32, #tpu.memory_space<hbm>>) dst(%dma_wait3A_1753 : memref<8x128xi32, #tpu.memory_space<vmem>>)
    %dma_wait3A_1756 = arith.constant 32 : i32
    %dma_wait3A_1757 = arith.constant 0 : i32
    %dma_wait3A_1758 = tpu.memref_slice %arg8[%dma_wait3A_1756, %dma_wait3A_1757] : memref<200x128xi32, #tpu.memory_space<vmem>> -> memref<8x128xi32, #tpu.memory_space<vmem>>
    %dma_wait3A_1759 = arith.constant 0 : i32
    %dma_wait3A_1760 = tpu.memref_slice %arg3[%add3A_1379, %dma_wait3A_1759] : memref<25600x128xi32, #tpu.memory_space<hbm>> -> memref<8x128xi32, #tpu.memory_space<hbm>>
    %dma_wait3A_1761 = arith.constant 32 : i32
    %dma_wait3A_1762 = arith.constant 0 : i32
    %dma_wait3A_1763 = tpu.memref_slice %arg8[%dma_wait3A_1761, %dma_wait3A_1762] : memref<200x128xi32, #tpu.memory_space<vmem>> -> memref<8x128xi32, #tpu.memory_space<vmem>>
    %dma_wait3A_1764 = arith.constant 0 : i32
    %dma_wait3A_1765 = tpu.memref_slice %arg3[%add3A_1379, %dma_wait3A_1764] : memref<25600x128xi32, #tpu.memory_space<hbm>> -> memref<8x128xi32, #tpu.memory_space<hbm>>
    tpu.wait_dma2 semaphore(%arg13 : memref<!tpu.dma_semaphore, #tpu.memory_space<semaphore_mem>>) src(%dma_wait3A_1765 : memref<8x128xi32, #tpu.memory_space<hbm>>) dst(%dma_wait3A_1763 : memref<8x128xi32, #tpu.memory_space<vmem>>)
    %dma_wait3A_1766 = arith.constant 40 : i32
    %dma_wait3A_1767 = arith.constant 0 : i32
    %dma_wait3A_1768 = tpu.memref_slice %arg8[%dma_wait3A_1766, %dma_wait3A_1767] : memref<200x128xi32, #tpu.memory_space<vmem>> -> memref<8x128xi32, #tpu.memory_space<vmem>>
    %dma_wait3A_1769 = arith.constant 0 : i32
    %dma_wait3A_1770 = tpu.memref_slice %arg3[%add3A_1395, %dma_wait3A_1769] : memref<25600x128xi32, #tpu.memory_space<hbm>> -> memref<8x128xi32, #tpu.memory_space<hbm>>
    %dma_wait3A_1771 = arith.constant 40 : i32
    %dma_wait3A_1772 = arith.constant 0 : i32
    %dma_wait3A_1773 = tpu.memref_slice %arg8[%dma_wait3A_1771, %dma_wait3A_1772] : memref<200x128xi32, #tpu.memory_space<vmem>> -> memref<8x128xi32, #tpu.memory_space<vmem>>
    %dma_wait3A_1774 = arith.constant 0 : i32
    %dma_wait3A_1775 = tpu.memref_slice %arg3[%add3A_1395, %dma_wait3A_1774] : memref<25600x128xi32, #tpu.memory_space<hbm>> -> memref<8x128xi32, #tpu.memory_space<hbm>>
    tpu.wait_dma2 semaphore(%arg13 : memref<!tpu.dma_semaphore, #tpu.memory_space<semaphore_mem>>) src(%dma_wait3A_1775 : memref<8x128xi32, #tpu.memory_space<hbm>>) dst(%dma_wait3A_1773 : memref<8x128xi32, #tpu.memory_space<vmem>>)
    %dma_wait3A_1776 = arith.constant 48 : i32
    %dma_wait3A_1777 = arith.constant 0 : i32
    %dma_wait3A_1778 = tpu.memref_slice %arg8[%dma_wait3A_1776, %dma_wait3A_1777] : memref<200x128xi32, #tpu.memory_space<vmem>> -> memref<8x128xi32, #tpu.memory_space<vmem>>
    %dma_wait3A_1779 = arith.constant 0 : i32
    %dma_wait3A_1780 = tpu.memref_slice %arg3[%add3A_1411, %dma_wait3A_1779] : memref<25600x128xi32, #tpu.memory_space<hbm>> -> memref<8x128xi32, #tpu.memory_space<hbm>>
    %dma_wait3A_1781 = arith.constant 48 : i32
    %dma_wait3A_1782 = arith.constant 0 : i32
    %dma_wait3A_1783 = tpu.memref_slice %arg8[%dma_wait3A_1781, %dma_wait3A_1782] : memref<200x128xi32, #tpu.memory_space<vmem>> -> memref<8x128xi32, #tpu.memory_space<vmem>>
    %dma_wait3A_1784 = arith.constant 0 : i32
    %dma_wait3A_1785 = tpu.memref_slice %arg3[%add3A_1411, %dma_wait3A_1784] : memref<25600x128xi32, #tpu.memory_space<hbm>> -> memref<8x128xi32, #tpu.memory_space<hbm>>
    tpu.wait_dma2 semaphore(%arg13 : memref<!tpu.dma_semaphore, #tpu.memory_space<semaphore_mem>>) src(%dma_wait3A_1785 : memref<8x128xi32, #tpu.memory_space<hbm>>) dst(%dma_wait3A_1783 : memref<8x128xi32, #tpu.memory_space<vmem>>)
    %dma_wait3A_1786 = arith.constant 56 : i32
    %dma_wait3A_1787 = arith.constant 0 : i32
    %dma_wait3A_1788 = tpu.memref_slice %arg8[%dma_wait3A_1786, %dma_wait3A_1787] : memref<200x128xi32, #tpu.memory_space<vmem>> -> memref<8x128xi32, #tpu.memory_space<vmem>>
    %dma_wait3A_1789 = arith.constant 0 : i32
    %dma_wait3A_1790 = tpu.memref_slice %arg3[%add3A_1427, %dma_wait3A_1789] : memref<25600x128xi32, #tpu.memory_space<hbm>> -> memref<8x128xi32, #tpu.memory_space<hbm>>
    %dma_wait3A_1791 = arith.constant 56 : i32
    %dma_wait3A_1792 = arith.constant 0 : i32
    %dma_wait3A_1793 = tpu.memref_slice %arg8[%dma_wait3A_1791, %dma_wait3A_1792] : memref<200x128xi32, #tpu.memory_space<vmem>> -> memref<8x128xi32, #tpu.memory_space<vmem>>
    %dma_wait3A_1794 = arith.constant 0 : i32
    %dma_wait3A_1795 = tpu.memref_slice %arg3[%add3A_1427, %dma_wait3A_1794] : memref<25600x128xi32, #tpu.memory_space<hbm>> -> memref<8x128xi32, #tpu.memory_space<hbm>>
    tpu.wait_dma2 semaphore(%arg13 : memref<!tpu.dma_semaphore, #tpu.memory_space<semaphore_mem>>) src(%dma_wait3A_1795 : memref<8x128xi32, #tpu.memory_space<hbm>>) dst(%dma_wait3A_1793 : memref<8x128xi32, #tpu.memory_space<vmem>>)
    %dma_wait3A_1796 = arith.constant 64 : i32
    %dma_wait3A_1797 = arith.constant 0 : i32
    %dma_wait3A_1798 = tpu.memref_slice %arg8[%dma_wait3A_1796, %dma_wait3A_1797] : memref<200x128xi32, #tpu.memory_space<vmem>> -> memref<8x128xi32, #tpu.memory_space<vmem>>
    %dma_wait3A_1799 = arith.constant 0 : i32
    %dma_wait3A_1800 = tpu.memref_slice %arg3[%add3A_1443, %dma_wait3A_1799] : memref<25600x128xi32, #tpu.memory_space<hbm>> -> memref<8x128xi32, #tpu.memory_space<hbm>>
    %dma_wait3A_1801 = arith.constant 64 : i32
    %dma_wait3A_1802 = arith.constant 0 : i32
    %dma_wait3A_1803 = tpu.memref_slice %arg8[%dma_wait3A_1801, %dma_wait3A_1802] : memref<200x128xi32, #tpu.memory_space<vmem>> -> memref<8x128xi32, #tpu.memory_space<vmem>>
    %dma_wait3A_1804 = arith.constant 0 : i32
    %dma_wait3A_1805 = tpu.memref_slice %arg3[%add3A_1443, %dma_wait3A_1804] : memref<25600x128xi32, #tpu.memory_space<hbm>> -> memref<8x128xi32, #tpu.memory_space<hbm>>
    tpu.wait_dma2 semaphore(%arg13 : memref<!tpu.dma_semaphore, #tpu.memory_space<semaphore_mem>>) src(%dma_wait3A_1805 : memref<8x128xi32, #tpu.memory_space<hbm>>) dst(%dma_wait3A_1803 : memref<8x128xi32, #tpu.memory_space<vmem>>)
    %dma_wait3A_1806 = arith.constant 72 : i32
    %dma_wait3A_1807 = arith.constant 0 : i32
    %dma_wait3A_1808 = tpu.memref_slice %arg8[%dma_wait3A_1806, %dma_wait3A_1807] : memref<200x128xi32, #tpu.memory_space<vmem>> -> memref<8x128xi32, #tpu.memory_space<vmem>>
    %dma_wait3A_1809 = arith.constant 0 : i32
    %dma_wait3A_1810 = tpu.memref_slice %arg3[%add3A_1459, %dma_wait3A_1809] : memref<25600x128xi32, #tpu.memory_space<hbm>> -> memref<8x128xi32, #tpu.memory_space<hbm>>
    %dma_wait3A_1811 = arith.constant 72 : i32
    %dma_wait3A_1812 = arith.constant 0 : i32
    %dma_wait3A_1813 = tpu.memref_slice %arg8[%dma_wait3A_1811, %dma_wait3A_1812] : memref<200x128xi32, #tpu.memory_space<vmem>> -> memref<8x128xi32, #tpu.memory_space<vmem>>
    %dma_wait3A_1814 = arith.constant 0 : i32
    %dma_wait3A_1815 = tpu.memref_slice %arg3[%add3A_1459, %dma_wait3A_1814] : memref<25600x128xi32, #tpu.memory_space<hbm>> -> memref<8x128xi32, #tpu.memory_space<hbm>>
    tpu.wait_dma2 semaphore(%arg13 : memref<!tpu.dma_semaphore, #tpu.memory_space<semaphore_mem>>) src(%dma_wait3A_1815 : memref<8x128xi32, #tpu.memory_space<hbm>>) dst(%dma_wait3A_1813 : memref<8x128xi32, #tpu.memory_space<vmem>>)
    %dma_wait3A_1816 = arith.constant 80 : i32
    %dma_wait3A_1817 = arith.constant 0 : i32
    %dma_wait3A_1818 = tpu.memref_slice %arg8[%dma_wait3A_1816, %dma_wait3A_1817] : memref<200x128xi32, #tpu.memory_space<vmem>> -> memref<8x128xi32, #tpu.memory_space<vmem>>
    %dma_wait3A_1819 = arith.constant 0 : i32
    %dma_wait3A_1820 = tpu.memref_slice %arg3[%add3A_1475, %dma_wait3A_1819] : memref<25600x128xi32, #tpu.memory_space<hbm>> -> memref<8x128xi32, #tpu.memory_space<hbm>>
    %dma_wait3A_1821 = arith.constant 80 : i32
    %dma_wait3A_1822 = arith.constant 0 : i32
    %dma_wait3A_1823 = tpu.memref_slice %arg8[%dma_wait3A_1821, %dma_wait3A_1822] : memref<200x128xi32, #tpu.memory_space<vmem>> -> memref<8x128xi32, #tpu.memory_space<vmem>>
    %dma_wait3A_1824 = arith.constant 0 : i32
    %dma_wait3A_1825 = tpu.memref_slice %arg3[%add3A_1475, %dma_wait3A_1824] : memref<25600x128xi32, #tpu.memory_space<hbm>> -> memref<8x128xi32, #tpu.memory_space<hbm>>
    tpu.wait_dma2 semaphore(%arg13 : memref<!tpu.dma_semaphore, #tpu.memory_space<semaphore_mem>>) src(%dma_wait3A_1825 : memref<8x128xi32, #tpu.memory_space<hbm>>) dst(%dma_wait3A_1823 : memref<8x128xi32, #tpu.memory_space<vmem>>)
    %dma_wait3A_1826 = arith.constant 88 : i32
    %dma_wait3A_1827 = arith.constant 0 : i32
    %dma_wait3A_1828 = tpu.memref_slice %arg8[%dma_wait3A_1826, %dma_wait3A_1827] : memref<200x128xi32, #tpu.memory_space<vmem>> -> memref<8x128xi32, #tpu.memory_space<vmem>>
    %dma_wait3A_1829 = arith.constant 0 : i32
    %dma_wait3A_1830 = tpu.memref_slice %arg3[%add3A_1491, %dma_wait3A_1829] : memref<25600x128xi32, #tpu.memory_space<hbm>> -> memref<8x128xi32, #tpu.memory_space<hbm>>
    %dma_wait3A_1831 = arith.constant 88 : i32
    %dma_wait3A_1832 = arith.constant 0 : i32
    %dma_wait3A_1833 = tpu.memref_slice %arg8[%dma_wait3A_1831, %dma_wait3A_1832] : memref<200x128xi32, #tpu.memory_space<vmem>> -> memref<8x128xi32, #tpu.memory_space<vmem>>
    %dma_wait3A_1834 = arith.constant 0 : i32
    %dma_wait3A_1835 = tpu.memref_slice %arg3[%add3A_1491, %dma_wait3A_1834] : memref<25600x128xi32, #tpu.memory_space<hbm>> -> memref<8x128xi32, #tpu.memory_space<hbm>>
    tpu.wait_dma2 semaphore(%arg13 : memref<!tpu.dma_semaphore, #tpu.memory_space<semaphore_mem>>) src(%dma_wait3A_1835 : memref<8x128xi32, #tpu.memory_space<hbm>>) dst(%dma_wait3A_1833 : memref<8x128xi32, #tpu.memory_space<vmem>>)
    %dma_wait3A_1836 = arith.constant 96 : i32
    %dma_wait3A_1837 = arith.constant 0 : i32
    %dma_wait3A_1838 = tpu.memref_slice %arg8[%dma_wait3A_1836, %dma_wait3A_1837] : memref<200x128xi32, #tpu.memory_space<vmem>> -> memref<8x128xi32, #tpu.memory_space<vmem>>
    %dma_wait3A_1839 = arith.constant 0 : i32
    %dma_wait3A_1840 = tpu.memref_slice %arg3[%add3A_1507, %dma_wait3A_1839] : memref<25600x128xi32, #tpu.memory_space<hbm>> -> memref<8x128xi32, #tpu.memory_space<hbm>>
    %dma_wait3A_1841 = arith.constant 96 : i32
    %dma_wait3A_1842 = arith.constant 0 : i32
    %dma_wait3A_1843 = tpu.memref_slice %arg8[%dma_wait3A_1841, %dma_wait3A_1842] : memref<200x128xi32, #tpu.memory_space<vmem>> -> memref<8x128xi32, #tpu.memory_space<vmem>>
    %dma_wait3A_1844 = arith.constant 0 : i32
    %dma_wait3A_1845 = tpu.memref_slice %arg3[%add3A_1507, %dma_wait3A_1844] : memref<25600x128xi32, #tpu.memory_space<hbm>> -> memref<8x128xi32, #tpu.memory_space<hbm>>
    tpu.wait_dma2 semaphore(%arg13 : memref<!tpu.dma_semaphore, #tpu.memory_space<semaphore_mem>>) src(%dma_wait3A_1845 : memref<8x128xi32, #tpu.memory_space<hbm>>) dst(%dma_wait3A_1843 : memref<8x128xi32, #tpu.memory_space<vmem>>)
    %dma_wait3A_1846 = arith.constant 104 : i32
    %dma_wait3A_1847 = arith.constant 0 : i32
    %dma_wait3A_1848 = tpu.memref_slice %arg8[%dma_wait3A_1846, %dma_wait3A_1847] : memref<200x128xi32, #tpu.memory_space<vmem>> -> memref<8x128xi32, #tpu.memory_space<vmem>>
    %dma_wait3A_1849 = arith.constant 0 : i32
    %dma_wait3A_1850 = tpu.memref_slice %arg3[%add3A_1523, %dma_wait3A_1849] : memref<25600x128xi32, #tpu.memory_space<hbm>> -> memref<8x128xi32, #tpu.memory_space<hbm>>
    %dma_wait3A_1851 = arith.constant 104 : i32
    %dma_wait3A_1852 = arith.constant 0 : i32
    %dma_wait3A_1853 = tpu.memref_slice %arg8[%dma_wait3A_1851, %dma_wait3A_1852] : memref<200x128xi32, #tpu.memory_space<vmem>> -> memref<8x128xi32, #tpu.memory_space<vmem>>
    %dma_wait3A_1854 = arith.constant 0 : i32
    %dma_wait3A_1855 = tpu.memref_slice %arg3[%add3A_1523, %dma_wait3A_1854] : memref<25600x128xi32, #tpu.memory_space<hbm>> -> memref<8x128xi32, #tpu.memory_space<hbm>>
    tpu.wait_dma2 semaphore(%arg13 : memref<!tpu.dma_semaphore, #tpu.memory_space<semaphore_mem>>) src(%dma_wait3A_1855 : memref<8x128xi32, #tpu.memory_space<hbm>>) dst(%dma_wait3A_1853 : memref<8x128xi32, #tpu.memory_space<vmem>>)
    %dma_wait3A_1856 = arith.constant 112 : i32
    %dma_wait3A_1857 = arith.constant 0 : i32
    %dma_wait3A_1858 = tpu.memref_slice %arg8[%dma_wait3A_1856, %dma_wait3A_1857] : memref<200x128xi32, #tpu.memory_space<vmem>> -> memref<8x128xi32, #tpu.memory_space<vmem>>
    %dma_wait3A_1859 = arith.constant 0 : i32
    %dma_wait3A_1860 = tpu.memref_slice %arg3[%add3A_1539, %dma_wait3A_1859] : memref<25600x128xi32, #tpu.memory_space<hbm>> -> memref<8x128xi32, #tpu.memory_space<hbm>>
    %dma_wait3A_1861 = arith.constant 112 : i32
    %dma_wait3A_1862 = arith.constant 0 : i32
    %dma_wait3A_1863 = tpu.memref_slice %arg8[%dma_wait3A_1861, %dma_wait3A_1862] : memref<200x128xi32, #tpu.memory_space<vmem>> -> memref<8x128xi32, #tpu.memory_space<vmem>>
    %dma_wait3A_1864 = arith.constant 0 : i32
    %dma_wait3A_1865 = tpu.memref_slice %arg3[%add3A_1539, %dma_wait3A_1864] : memref<25600x128xi32, #tpu.memory_space<hbm>> -> memref<8x128xi32, #tpu.memory_space<hbm>>
    tpu.wait_dma2 semaphore(%arg13 : memref<!tpu.dma_semaphore, #tpu.memory_space<semaphore_mem>>) src(%dma_wait3A_1865 : memref<8x128xi32, #tpu.memory_space<hbm>>) dst(%dma_wait3A_1863 : memref<8x128xi32, #tpu.memory_space<vmem>>)
    %dma_wait3A_1866 = arith.constant 120 : i32
    %dma_wait3A_1867 = arith.constant 0 : i32
    %dma_wait3A_1868 = tpu.memref_slice %arg8[%dma_wait3A_1866, %dma_wait3A_1867] : memref<200x128xi32, #tpu.memory_space<vmem>> -> memref<8x128xi32, #tpu.memory_space<vmem>>
    %dma_wait3A_1869 = arith.constant 0 : i32
    %dma_wait3A_1870 = tpu.memref_slice %arg3[%add3A_1555, %dma_wait3A_1869] : memref<25600x128xi32, #tpu.memory_space<hbm>> -> memref<8x128xi32, #tpu.memory_space<hbm>>
    %dma_wait3A_1871 = arith.constant 120 : i32
    %dma_wait3A_1872 = arith.constant 0 : i32
    %dma_wait3A_1873 = tpu.memref_slice %arg8[%dma_wait3A_1871, %dma_wait3A_1872] : memref<200x128xi32, #tpu.memory_space<vmem>> -> memref<8x128xi32, #tpu.memory_space<vmem>>
    %dma_wait3A_1874 = arith.constant 0 : i32
    %dma_wait3A_1875 = tpu.memref_slice %arg3[%add3A_1555, %dma_wait3A_1874] : memref<25600x128xi32, #tpu.memory_space<hbm>> -> memref<8x128xi32, #tpu.memory_space<hbm>>
    tpu.wait_dma2 semaphore(%arg13 : memref<!tpu.dma_semaphore, #tpu.memory_space<semaphore_mem>>) src(%dma_wait3A_1875 : memref<8x128xi32, #tpu.memory_space<hbm>>) dst(%dma_wait3A_1873 : memref<8x128xi32, #tpu.memory_space<vmem>>)
    %dma_wait3A_1876 = arith.constant 128 : i32
    %dma_wait3A_1877 = arith.constant 0 : i32
    %dma_wait3A_1878 = tpu.memref_slice %arg8[%dma_wait3A_1876, %dma_wait3A_1877] : memref<200x128xi32, #tpu.memory_space<vmem>> -> memref<8x128xi32, #tpu.memory_space<vmem>>
    %dma_wait3A_1879 = arith.constant 0 : i32
    %dma_wait3A_1880 = tpu.memref_slice %arg3[%add3A_1571, %dma_wait3A_1879] : memref<25600x128xi32, #tpu.memory_space<hbm>> -> memref<8x128xi32, #tpu.memory_space<hbm>>
    %dma_wait3A_1881 = arith.constant 128 : i32
    %dma_wait3A_1882 = arith.constant 0 : i32
    %dma_wait3A_1883 = tpu.memref_slice %arg8[%dma_wait3A_1881, %dma_wait3A_1882] : memref<200x128xi32, #tpu.memory_space<vmem>> -> memref<8x128xi32, #tpu.memory_space<vmem>>
    %dma_wait3A_1884 = arith.constant 0 : i32
    %dma_wait3A_1885 = tpu.memref_slice %arg3[%add3A_1571, %dma_wait3A_1884] : memref<25600x128xi32, #tpu.memory_space<hbm>> -> memref<8x128xi32, #tpu.memory_space<hbm>>
    tpu.wait_dma2 semaphore(%arg13 : memref<!tpu.dma_semaphore, #tpu.memory_space<semaphore_mem>>) src(%dma_wait3A_1885 : memref<8x128xi32, #tpu.memory_space<hbm>>) dst(%dma_wait3A_1883 : memref<8x128xi32, #tpu.memory_space<vmem>>)
    %dma_wait3A_1886 = arith.constant 136 : i32
    %dma_wait3A_1887 = arith.constant 0 : i32
    %dma_wait3A_1888 = tpu.memref_slice %arg8[%dma_wait3A_1886, %dma_wait3A_1887] : memref<200x128xi32, #tpu.memory_space<vmem>> -> memref<8x128xi32, #tpu.memory_space<vmem>>
    %dma_wait3A_1889 = arith.constant 0 : i32
    %dma_wait3A_1890 = tpu.memref_slice %arg3[%add3A_1587, %dma_wait3A_1889] : memref<25600x128xi32, #tpu.memory_space<hbm>> -> memref<8x128xi32, #tpu.memory_space<hbm>>
    %dma_wait3A_1891 = arith.constant 136 : i32
    %dma_wait3A_1892 = arith.constant 0 : i32
    %dma_wait3A_1893 = tpu.memref_slice %arg8[%dma_wait3A_1891, %dma_wait3A_1892] : memref<200x128xi32, #tpu.memory_space<vmem>> -> memref<8x128xi32, #tpu.memory_space<vmem>>
    %dma_wait3A_1894 = arith.constant 0 : i32
    %dma_wait3A_1895 = tpu.memref_slice %arg3[%add3A_1587, %dma_wait3A_1894] : memref<25600x128xi32, #tpu.memory_space<hbm>> -> memref<8x128xi32, #tpu.memory_space<hbm>>
    tpu.wait_dma2 semaphore(%arg13 : memref<!tpu.dma_semaphore, #tpu.memory_space<semaphore_mem>>) src(%dma_wait3A_1895 : memref<8x128xi32, #tpu.memory_space<hbm>>) dst(%dma_wait3A_1893 : memref<8x128xi32, #tpu.memory_space<vmem>>)
    %dma_wait3A_1896 = arith.constant 144 : i32
    %dma_wait3A_1897 = arith.constant 0 : i32
    %dma_wait3A_1898 = tpu.memref_slice %arg8[%dma_wait3A_1896, %dma_wait3A_1897] : memref<200x128xi32, #tpu.memory_space<vmem>> -> memref<8x128xi32, #tpu.memory_space<vmem>>
    %dma_wait3A_1899 = arith.constant 0 : i32
    %dma_wait3A_1900 = tpu.memref_slice %arg3[%add3A_1603, %dma_wait3A_1899] : memref<25600x128xi32, #tpu.memory_space<hbm>> -> memref<8x128xi32, #tpu.memory_space<hbm>>
    %dma_wait3A_1901 = arith.constant 144 : i32
    %dma_wait3A_1902 = arith.constant 0 : i32
    %dma_wait3A_1903 = tpu.memref_slice %arg8[%dma_wait3A_1901, %dma_wait3A_1902] : memref<200x128xi32, #tpu.memory_space<vmem>> -> memref<8x128xi32, #tpu.memory_space<vmem>>
    %dma_wait3A_1904 = arith.constant 0 : i32
    %dma_wait3A_1905 = tpu.memref_slice %arg3[%add3A_1603, %dma_wait3A_1904] : memref<25600x128xi32, #tpu.memory_space<hbm>> -> memref<8x128xi32, #tpu.memory_space<hbm>>
    tpu.wait_dma2 semaphore(%arg13 : memref<!tpu.dma_semaphore, #tpu.memory_space<semaphore_mem>>) src(%dma_wait3A_1905 : memref<8x128xi32, #tpu.memory_space<hbm>>) dst(%dma_wait3A_1903 : memref<8x128xi32, #tpu.memory_space<vmem>>)
    %dma_wait3A_1906 = arith.constant 152 : i32
    %dma_wait3A_1907 = arith.constant 0 : i32
    %dma_wait3A_1908 = tpu.memref_slice %arg8[%dma_wait3A_1906, %dma_wait3A_1907] : memref<200x128xi32, #tpu.memory_space<vmem>> -> memref<8x128xi32, #tpu.memory_space<vmem>>
    %dma_wait3A_1909 = arith.constant 0 : i32
    %dma_wait3A_1910 = tpu.memref_slice %arg3[%add3A_1619, %dma_wait3A_1909] : memref<25600x128xi32, #tpu.memory_space<hbm>> -> memref<8x128xi32, #tpu.memory_space<hbm>>
    %dma_wait3A_1911 = arith.constant 152 : i32
    %dma_wait3A_1912 = arith.constant 0 : i32
    %dma_wait3A_1913 = tpu.memref_slice %arg8[%dma_wait3A_1911, %dma_wait3A_1912] : memref<200x128xi32, #tpu.memory_space<vmem>> -> memref<8x128xi32, #tpu.memory_space<vmem>>
    %dma_wait3A_1914 = arith.constant 0 : i32
    %dma_wait3A_1915 = tpu.memref_slice %arg3[%add3A_1619, %dma_wait3A_1914] : memref<25600x128xi32, #tpu.memory_space<hbm>> -> memref<8x128xi32, #tpu.memory_space<hbm>>
    tpu.wait_dma2 semaphore(%arg13 : memref<!tpu.dma_semaphore, #tpu.memory_space<semaphore_mem>>) src(%dma_wait3A_1915 : memref<8x128xi32, #tpu.memory_space<hbm>>) dst(%dma_wait3A_1913 : memref<8x128xi32, #tpu.memory_space<vmem>>)
    %dma_wait3A_1916 = arith.constant 160 : i32
    %dma_wait3A_1917 = arith.constant 0 : i32
    %dma_wait3A_1918 = tpu.memref_slice %arg8[%dma_wait3A_1916, %dma_wait3A_1917] : memref<200x128xi32, #tpu.memory_space<vmem>> -> memref<8x128xi32, #tpu.memory_space<vmem>>
    %dma_wait3A_1919 = arith.constant 0 : i32
    %dma_wait3A_1920 = tpu.memref_slice %arg3[%add3A_1635, %dma_wait3A_1919] : memref<25600x128xi32, #tpu.memory_space<hbm>> -> memref<8x128xi32, #tpu.memory_space<hbm>>
    %dma_wait3A_1921 = arith.constant 160 : i32
    %dma_wait3A_1922 = arith.constant 0 : i32
    %dma_wait3A_1923 = tpu.memref_slice %arg8[%dma_wait3A_1921, %dma_wait3A_1922] : memref<200x128xi32, #tpu.memory_space<vmem>> -> memref<8x128xi32, #tpu.memory_space<vmem>>
    %dma_wait3A_1924 = arith.constant 0 : i32
    %dma_wait3A_1925 = tpu.memref_slice %arg3[%add3A_1635, %dma_wait3A_1924] : memref<25600x128xi32, #tpu.memory_space<hbm>> -> memref<8x128xi32, #tpu.memory_space<hbm>>
    tpu.wait_dma2 semaphore(%arg13 : memref<!tpu.dma_semaphore, #tpu.memory_space<semaphore_mem>>) src(%dma_wait3A_1925 : memref<8x128xi32, #tpu.memory_space<hbm>>) dst(%dma_wait3A_1923 : memref<8x128xi32, #tpu.memory_space<vmem>>)
    %dma_wait3A_1926 = arith.constant 168 : i32
    %dma_wait3A_1927 = arith.constant 0 : i32
    %dma_wait3A_1928 = tpu.memref_slice %arg8[%dma_wait3A_1926, %dma_wait3A_1927] : memref<200x128xi32, #tpu.memory_space<vmem>> -> memref<8x128xi32, #tpu.memory_space<vmem>>
    %dma_wait3A_1929 = arith.constant 0 : i32
    %dma_wait3A_1930 = tpu.memref_slice %arg3[%add3A_1651, %dma_wait3A_1929] : memref<25600x128xi32, #tpu.memory_space<hbm>> -> memref<8x128xi32, #tpu.memory_space<hbm>>
    %dma_wait3A_1931 = arith.constant 168 : i32
    %dma_wait3A_1932 = arith.constant 0 : i32
    %dma_wait3A_1933 = tpu.memref_slice %arg8[%dma_wait3A_1931, %dma_wait3A_1932] : memref<200x128xi32, #tpu.memory_space<vmem>> -> memref<8x128xi32, #tpu.memory_space<vmem>>
    %dma_wait3A_1934 = arith.constant 0 : i32
    %dma_wait3A_1935 = tpu.memref_slice %arg3[%add3A_1651, %dma_wait3A_1934] : memref<25600x128xi32, #tpu.memory_space<hbm>> -> memref<8x128xi32, #tpu.memory_space<hbm>>
    tpu.wait_dma2 semaphore(%arg13 : memref<!tpu.dma_semaphore, #tpu.memory_space<semaphore_mem>>) src(%dma_wait3A_1935 : memref<8x128xi32, #tpu.memory_space<hbm>>) dst(%dma_wait3A_1933 : memref<8x128xi32, #tpu.memory_space<vmem>>)
    %dma_wait3A_1936 = arith.constant 176 : i32
    %dma_wait3A_1937 = arith.constant 0 : i32
    %dma_wait3A_1938 = tpu.memref_slice %arg8[%dma_wait3A_1936, %dma_wait3A_1937] : memref<200x128xi32, #tpu.memory_space<vmem>> -> memref<8x128xi32, #tpu.memory_space<vmem>>
    %dma_wait3A_1939 = arith.constant 0 : i32
    %dma_wait3A_1940 = tpu.memref_slice %arg3[%add3A_1667, %dma_wait3A_1939] : memref<25600x128xi32, #tpu.memory_space<hbm>> -> memref<8x128xi32, #tpu.memory_space<hbm>>
    %dma_wait3A_1941 = arith.constant 176 : i32
    %dma_wait3A_1942 = arith.constant 0 : i32
    %dma_wait3A_1943 = tpu.memref_slice %arg8[%dma_wait3A_1941, %dma_wait3A_1942] : memref<200x128xi32, #tpu.memory_space<vmem>> -> memref<8x128xi32, #tpu.memory_space<vmem>>
    %dma_wait3A_1944 = arith.constant 0 : i32
    %dma_wait3A_1945 = tpu.memref_slice %arg3[%add3A_1667, %dma_wait3A_1944] : memref<25600x128xi32, #tpu.memory_space<hbm>> -> memref<8x128xi32, #tpu.memory_space<hbm>>
    tpu.wait_dma2 semaphore(%arg13 : memref<!tpu.dma_semaphore, #tpu.memory_space<semaphore_mem>>) src(%dma_wait3A_1945 : memref<8x128xi32, #tpu.memory_space<hbm>>) dst(%dma_wait3A_1943 : memref<8x128xi32, #tpu.memory_space<vmem>>)
    %dma_wait3A_1946 = arith.constant 184 : i32
    %dma_wait3A_1947 = arith.constant 0 : i32
    %dma_wait3A_1948 = tpu.memref_slice %arg8[%dma_wait3A_1946, %dma_wait3A_1947] : memref<200x128xi32, #tpu.memory_space<vmem>> -> memref<8x128xi32, #tpu.memory_space<vmem>>
    %dma_wait3A_1949 = arith.constant 0 : i32
    %dma_wait3A_1950 = tpu.memref_slice %arg3[%add3A_1683, %dma_wait3A_1949] : memref<25600x128xi32, #tpu.memory_space<hbm>> -> memref<8x128xi32, #tpu.memory_space<hbm>>
    %dma_wait3A_1951 = arith.constant 184 : i32
    %dma_wait3A_1952 = arith.constant 0 : i32
    %dma_wait3A_1953 = tpu.memref_slice %arg8[%dma_wait3A_1951, %dma_wait3A_1952] : memref<200x128xi32, #tpu.memory_space<vmem>> -> memref<8x128xi32, #tpu.memory_space<vmem>>
    %dma_wait3A_1954 = arith.constant 0 : i32
    %dma_wait3A_1955 = tpu.memref_slice %arg3[%add3A_1683, %dma_wait3A_1954] : memref<25600x128xi32, #tpu.memory_space<hbm>> -> memref<8x128xi32, #tpu.memory_space<hbm>>
    tpu.wait_dma2 semaphore(%arg13 : memref<!tpu.dma_semaphore, #tpu.memory_space<semaphore_mem>>) src(%dma_wait3A_1955 : memref<8x128xi32, #tpu.memory_space<hbm>>) dst(%dma_wait3A_1953 : memref<8x128xi32, #tpu.memory_space<vmem>>)
    %dma_wait3A_1956 = arith.constant 192 : i32
    %dma_wait3A_1957 = arith.constant 0 : i32
    %dma_wait3A_1958 = tpu.memref_slice %arg8[%dma_wait3A_1956, %dma_wait3A_1957] : memref<200x128xi32, #tpu.memory_space<vmem>> -> memref<8x128xi32, #tpu.memory_space<vmem>>
    %dma_wait3A_1959 = arith.constant 0 : i32
    %dma_wait3A_1960 = tpu.memref_slice %arg3[%add3A_1699, %dma_wait3A_1959] : memref<25600x128xi32, #tpu.memory_space<hbm>> -> memref<8x128xi32, #tpu.memory_space<hbm>>
    %dma_wait3A_1961 = arith.constant 192 : i32
    %dma_wait3A_1962 = arith.constant 0 : i32
    %dma_wait3A_1963 = tpu.memref_slice %arg8[%dma_wait3A_1961, %dma_wait3A_1962] : memref<200x128xi32, #tpu.memory_space<vmem>> -> memref<8x128xi32, #tpu.memory_space<vmem>>
    %dma_wait3A_1964 = arith.constant 0 : i32
    %dma_wait3A_1965 = tpu.memref_slice %arg3[%add3A_1699, %dma_wait3A_1964] : memref<25600x128xi32, #tpu.memory_space<hbm>> -> memref<8x128xi32, #tpu.memory_space<hbm>>
    tpu.wait_dma2 semaphore(%arg13 : memref<!tpu.dma_semaphore, #tpu.memory_space<semaphore_mem>>) src(%dma_wait3A_1965 : memref<8x128xi32, #tpu.memory_space<hbm>>) dst(%dma_wait3A_1963 : memref<8x128xi32, #tpu.memory_space<vmem>>)
    %mul3A_1966 = arith.constant 32 : i32
    %mul3A_1967 = arith.muli %mul3A_1966, %add3A : i32
    %add3A_1968 = arith.constant 0 : i32
    %add3A_1969 = arith.addi %add3A_1968, %mul3A_1967 : i32
    %add3A_1970 = arith.constant 24 : i32
    %add3A_1971 = arith.addi %add3A_1969, %add3A_1970 : i32
    %dma_start3A_1972 = arith.constant 0 : i32
    %dma_start3A_1973 = arith.constant 0 : i32
    %dma_start3A_1974 = tpu.memref_slice %arg9[%dma_start3A_1972, %dma_start3A_1973] : memref<200x128xi32, #tpu.memory_space<vmem>> -> memref<8x128xi32, #tpu.memory_space<vmem>>
    %dma_start3A_1975 = arith.constant 0 : i32
    %dma_start3A_1976 = tpu.memref_slice %arg3[%add3A_1971, %dma_start3A_1975] : memref<25600x128xi32, #tpu.memory_space<hbm>> -> memref<8x128xi32, #tpu.memory_space<hbm>>
    %dma_start3A_1977 = arith.constant 0 : i32
    %dma_start3A_1978 = arith.constant 0 : i32
    %dma_start3A_1979 = tpu.memref_slice %arg9[%dma_start3A_1977, %dma_start3A_1978] : memref<200x128xi32, #tpu.memory_space<vmem>> -> memref<8x128xi32, #tpu.memory_space<vmem>>
    %dma_start3A_1980 = arith.constant 0 : i32
    %dma_start3A_1981 = tpu.memref_slice %arg3[%add3A_1971, %dma_start3A_1980] : memref<25600x128xi32, #tpu.memory_space<hbm>> -> memref<8x128xi32, #tpu.memory_space<hbm>>
    tpu.enqueue_dma source(%dma_start3A_1981 : memref<8x128xi32, #tpu.memory_space<hbm>>) target(%dma_start3A_1979 : memref<8x128xi32, #tpu.memory_space<vmem>>) target_semaphore(%arg14 : memref<!tpu.dma_semaphore, #tpu.memory_space<semaphore_mem>>)
    %mul3A_1982 = arith.constant 32 : i32
    %mul3A_1983 = arith.muli %mul3A_1982, %add3A : i32
    %add3A_1984 = arith.constant 1024 : i32
    %add3A_1985 = arith.addi %add3A_1984, %mul3A_1983 : i32
    %add3A_1986 = arith.constant 24 : i32
    %add3A_1987 = arith.addi %add3A_1985, %add3A_1986 : i32
    %dma_start3A_1988 = arith.constant 8 : i32
    %dma_start3A_1989 = arith.constant 0 : i32
    %dma_start3A_1990 = tpu.memref_slice %arg9[%dma_start3A_1988, %dma_start3A_1989] : memref<200x128xi32, #tpu.memory_space<vmem>> -> memref<8x128xi32, #tpu.memory_space<vmem>>
    %dma_start3A_1991 = arith.constant 0 : i32
    %dma_start3A_1992 = tpu.memref_slice %arg3[%add3A_1987, %dma_start3A_1991] : memref<25600x128xi32, #tpu.memory_space<hbm>> -> memref<8x128xi32, #tpu.memory_space<hbm>>
    %dma_start3A_1993 = arith.constant 8 : i32
    %dma_start3A_1994 = arith.constant 0 : i32
    %dma_start3A_1995 = tpu.memref_slice %arg9[%dma_start3A_1993, %dma_start3A_1994] : memref<200x128xi32, #tpu.memory_space<vmem>> -> memref<8x128xi32, #tpu.memory_space<vmem>>
    %dma_start3A_1996 = arith.constant 0 : i32
    %dma_start3A_1997 = tpu.memref_slice %arg3[%add3A_1987, %dma_start3A_1996] : memref<25600x128xi32, #tpu.memory_space<hbm>> -> memref<8x128xi32, #tpu.memory_space<hbm>>
    tpu.enqueue_dma source(%dma_start3A_1997 : memref<8x128xi32, #tpu.memory_space<hbm>>) target(%dma_start3A_1995 : memref<8x128xi32, #tpu.memory_space<vmem>>) target_semaphore(%arg14 : memref<!tpu.dma_semaphore, #tpu.memory_space<semaphore_mem>>)
    %mul3A_1998 = arith.constant 32 : i32
    %mul3A_1999 = arith.muli %mul3A_1998, %add3A : i32
    %add3A_2000 = arith.constant 2048 : i32
    %add3A_2001 = arith.addi %add3A_2000, %mul3A_1999 : i32
    %add3A_2002 = arith.constant 24 : i32
    %add3A_2003 = arith.addi %add3A_2001, %add3A_2002 : i32
    %dma_start3A_2004 = arith.constant 16 : i32
    %dma_start3A_2005 = arith.constant 0 : i32
    %dma_start3A_2006 = tpu.memref_slice %arg9[%dma_start3A_2004, %dma_start3A_2005] : memref<200x128xi32, #tpu.memory_space<vmem>> -> memref<8x128xi32, #tpu.memory_space<vmem>>
    %dma_start3A_2007 = arith.constant 0 : i32
    %dma_start3A_2008 = tpu.memref_slice %arg3[%add3A_2003, %dma_start3A_2007] : memref<25600x128xi32, #tpu.memory_space<hbm>> -> memref<8x128xi32, #tpu.memory_space<hbm>>
    %dma_start3A_2009 = arith.constant 16 : i32
    %dma_start3A_2010 = arith.constant 0 : i32
    %dma_start3A_2011 = tpu.memref_slice %arg9[%dma_start3A_2009, %dma_start3A_2010] : memref<200x128xi32, #tpu.memory_space<vmem>> -> memref<8x128xi32, #tpu.memory_space<vmem>>
    %dma_start3A_2012 = arith.constant 0 : i32
    %dma_start3A_2013 = tpu.memref_slice %arg3[%add3A_2003, %dma_start3A_2012] : memref<25600x128xi32, #tpu.memory_space<hbm>> -> memref<8x128xi32, #tpu.memory_space<hbm>>
    tpu.enqueue_dma source(%dma_start3A_2013 : memref<8x128xi32, #tpu.memory_space<hbm>>) target(%dma_start3A_2011 : memref<8x128xi32, #tpu.memory_space<vmem>>) target_semaphore(%arg14 : memref<!tpu.dma_semaphore, #tpu.memory_space<semaphore_mem>>)
    %mul3A_2014 = arith.constant 32 : i32
    %mul3A_2015 = arith.muli %mul3A_2014, %add3A : i32
    %add3A_2016 = arith.constant 3072 : i32
    %add3A_2017 = arith.addi %add3A_2016, %mul3A_2015 : i32
    %add3A_2018 = arith.constant 24 : i32
    %add3A_2019 = arith.addi %add3A_2017, %add3A_2018 : i32
    %dma_start3A_2020 = arith.constant 24 : i32
    %dma_start3A_2021 = arith.constant 0 : i32
    %dma_start3A_2022 = tpu.memref_slice %arg9[%dma_start3A_2020, %dma_start3A_2021] : memref<200x128xi32, #tpu.memory_space<vmem>> -> memref<8x128xi32, #tpu.memory_space<vmem>>
    %dma_start3A_2023 = arith.constant 0 : i32
    %dma_start3A_2024 = tpu.memref_slice %arg3[%add3A_2019, %dma_start3A_2023] : memref<25600x128xi32, #tpu.memory_space<hbm>> -> memref<8x128xi32, #tpu.memory_space<hbm>>
    %dma_start3A_2025 = arith.constant 24 : i32
    %dma_start3A_2026 = arith.constant 0 : i32
    %dma_start3A_2027 = tpu.memref_slice %arg9[%dma_start3A_2025, %dma_start3A_2026] : memref<200x128xi32, #tpu.memory_space<vmem>> -> memref<8x128xi32, #tpu.memory_space<vmem>>
    %dma_start3A_2028 = arith.constant 0 : i32
    %dma_start3A_2029 = tpu.memref_slice %arg3[%add3A_2019, %dma_start3A_2028] : memref<25600x128xi32, #tpu.memory_space<hbm>> -> memref<8x128xi32, #tpu.memory_space<hbm>>
    tpu.enqueue_dma source(%dma_start3A_2029 : memref<8x128xi32, #tpu.memory_space<hbm>>) target(%dma_start3A_2027 : memref<8x128xi32, #tpu.memory_space<vmem>>) target_semaphore(%arg14 : memref<!tpu.dma_semaphore, #tpu.memory_space<semaphore_mem>>)
    %mul3A_2030 = arith.constant 32 : i32
    %mul3A_2031 = arith.muli %mul3A_2030, %add3A : i32
    %add3A_2032 = arith.constant 4096 : i32
    %add3A_2033 = arith.addi %add3A_2032, %mul3A_2031 : i32
    %add3A_2034 = arith.constant 24 : i32
    %add3A_2035 = arith.addi %add3A_2033, %add3A_2034 : i32
    %dma_start3A_2036 = arith.constant 32 : i32
    %dma_start3A_2037 = arith.constant 0 : i32
    %dma_start3A_2038 = tpu.memref_slice %arg9[%dma_start3A_2036, %dma_start3A_2037] : memref<200x128xi32, #tpu.memory_space<vmem>> -> memref<8x128xi32, #tpu.memory_space<vmem>>
    %dma_start3A_2039 = arith.constant 0 : i32
    %dma_start3A_2040 = tpu.memref_slice %arg3[%add3A_2035, %dma_start3A_2039] : memref<25600x128xi32, #tpu.memory_space<hbm>> -> memref<8x128xi32, #tpu.memory_space<hbm>>
    %dma_start3A_2041 = arith.constant 32 : i32
    %dma_start3A_2042 = arith.constant 0 : i32
    %dma_start3A_2043 = tpu.memref_slice %arg9[%dma_start3A_2041, %dma_start3A_2042] : memref<200x128xi32, #tpu.memory_space<vmem>> -> memref<8x128xi32, #tpu.memory_space<vmem>>
    %dma_start3A_2044 = arith.constant 0 : i32
    %dma_start3A_2045 = tpu.memref_slice %arg3[%add3A_2035, %dma_start3A_2044] : memref<25600x128xi32, #tpu.memory_space<hbm>> -> memref<8x128xi32, #tpu.memory_space<hbm>>
    tpu.enqueue_dma source(%dma_start3A_2045 : memref<8x128xi32, #tpu.memory_space<hbm>>) target(%dma_start3A_2043 : memref<8x128xi32, #tpu.memory_space<vmem>>) target_semaphore(%arg14 : memref<!tpu.dma_semaphore, #tpu.memory_space<semaphore_mem>>)
    %mul3A_2046 = arith.constant 32 : i32
    %mul3A_2047 = arith.muli %mul3A_2046, %add3A : i32
    %add3A_2048 = arith.constant 5120 : i32
    %add3A_2049 = arith.addi %add3A_2048, %mul3A_2047 : i32
    %add3A_2050 = arith.constant 24 : i32
    %add3A_2051 = arith.addi %add3A_2049, %add3A_2050 : i32
    %dma_start3A_2052 = arith.constant 40 : i32
    %dma_start3A_2053 = arith.constant 0 : i32
    %dma_start3A_2054 = tpu.memref_slice %arg9[%dma_start3A_2052, %dma_start3A_2053] : memref<200x128xi32, #tpu.memory_space<vmem>> -> memref<8x128xi32, #tpu.memory_space<vmem>>
    %dma_start3A_2055 = arith.constant 0 : i32
    %dma_start3A_2056 = tpu.memref_slice %arg3[%add3A_2051, %dma_start3A_2055] : memref<25600x128xi32, #tpu.memory_space<hbm>> -> memref<8x128xi32, #tpu.memory_space<hbm>>
    %dma_start3A_2057 = arith.constant 40 : i32
    %dma_start3A_2058 = arith.constant 0 : i32
    %dma_start3A_2059 = tpu.memref_slice %arg9[%dma_start3A_2057, %dma_start3A_2058] : memref<200x128xi32, #tpu.memory_space<vmem>> -> memref<8x128xi32, #tpu.memory_space<vmem>>
    %dma_start3A_2060 = arith.constant 0 : i32
    %dma_start3A_2061 = tpu.memref_slice %arg3[%add3A_2051, %dma_start3A_2060] : memref<25600x128xi32, #tpu.memory_space<hbm>> -> memref<8x128xi32, #tpu.memory_space<hbm>>
    tpu.enqueue_dma source(%dma_start3A_2061 : memref<8x128xi32, #tpu.memory_space<hbm>>) target(%dma_start3A_2059 : memref<8x128xi32, #tpu.memory_space<vmem>>) target_semaphore(%arg14 : memref<!tpu.dma_semaphore, #tpu.memory_space<semaphore_mem>>)
    %mul3A_2062 = arith.constant 32 : i32
    %mul3A_2063 = arith.muli %mul3A_2062, %add3A : i32
    %add3A_2064 = arith.constant 6144 : i32
    %add3A_2065 = arith.addi %add3A_2064, %mul3A_2063 : i32
    %add3A_2066 = arith.constant 24 : i32
    %add3A_2067 = arith.addi %add3A_2065, %add3A_2066 : i32
    %dma_start3A_2068 = arith.constant 48 : i32
    %dma_start3A_2069 = arith.constant 0 : i32
    %dma_start3A_2070 = tpu.memref_slice %arg9[%dma_start3A_2068, %dma_start3A_2069] : memref<200x128xi32, #tpu.memory_space<vmem>> -> memref<8x128xi32, #tpu.memory_space<vmem>>
    %dma_start3A_2071 = arith.constant 0 : i32
    %dma_start3A_2072 = tpu.memref_slice %arg3[%add3A_2067, %dma_start3A_2071] : memref<25600x128xi32, #tpu.memory_space<hbm>> -> memref<8x128xi32, #tpu.memory_space<hbm>>
    %dma_start3A_2073 = arith.constant 48 : i32
    %dma_start3A_2074 = arith.constant 0 : i32
    %dma_start3A_2075 = tpu.memref_slice %arg9[%dma_start3A_2073, %dma_start3A_2074] : memref<200x128xi32, #tpu.memory_space<vmem>> -> memref<8x128xi32, #tpu.memory_space<vmem>>
    %dma_start3A_2076 = arith.constant 0 : i32
    %dma_start3A_2077 = tpu.memref_slice %arg3[%add3A_2067, %dma_start3A_2076] : memref<25600x128xi32, #tpu.memory_space<hbm>> -> memref<8x128xi32, #tpu.memory_space<hbm>>
    tpu.enqueue_dma source(%dma_start3A_2077 : memref<8x128xi32, #tpu.memory_space<hbm>>) target(%dma_start3A_2075 : memref<8x128xi32, #tpu.memory_space<vmem>>) target_semaphore(%arg14 : memref<!tpu.dma_semaphore, #tpu.memory_space<semaphore_mem>>)
    %mul3A_2078 = arith.constant 32 : i32
    %mul3A_2079 = arith.muli %mul3A_2078, %add3A : i32
    %add3A_2080 = arith.constant 7168 : i32
    %add3A_2081 = arith.addi %add3A_2080, %mul3A_2079 : i32
    %add3A_2082 = arith.constant 24 : i32
    %add3A_2083 = arith.addi %add3A_2081, %add3A_2082 : i32
    %dma_start3A_2084 = arith.constant 56 : i32
    %dma_start3A_2085 = arith.constant 0 : i32
    %dma_start3A_2086 = tpu.memref_slice %arg9[%dma_start3A_2084, %dma_start3A_2085] : memref<200x128xi32, #tpu.memory_space<vmem>> -> memref<8x128xi32, #tpu.memory_space<vmem>>
    %dma_start3A_2087 = arith.constant 0 : i32
    %dma_start3A_2088 = tpu.memref_slice %arg3[%add3A_2083, %dma_start3A_2087] : memref<25600x128xi32, #tpu.memory_space<hbm>> -> memref<8x128xi32, #tpu.memory_space<hbm>>
    %dma_start3A_2089 = arith.constant 56 : i32
    %dma_start3A_2090 = arith.constant 0 : i32
    %dma_start3A_2091 = tpu.memref_slice %arg9[%dma_start3A_2089, %dma_start3A_2090] : memref<200x128xi32, #tpu.memory_space<vmem>> -> memref<8x128xi32, #tpu.memory_space<vmem>>
    %dma_start3A_2092 = arith.constant 0 : i32
    %dma_start3A_2093 = tpu.memref_slice %arg3[%add3A_2083, %dma_start3A_2092] : memref<25600x128xi32, #tpu.memory_space<hbm>> -> memref<8x128xi32, #tpu.memory_space<hbm>>
    tpu.enqueue_dma source(%dma_start3A_2093 : memref<8x128xi32, #tpu.memory_space<hbm>>) target(%dma_start3A_2091 : memref<8x128xi32, #tpu.memory_space<vmem>>) target_semaphore(%arg14 : memref<!tpu.dma_semaphore, #tpu.memory_space<semaphore_mem>>)
    %mul3A_2094 = arith.constant 32 : i32
    %mul3A_2095 = arith.muli %mul3A_2094, %add3A : i32
    %add3A_2096 = arith.constant 8192 : i32
    %add3A_2097 = arith.addi %add3A_2096, %mul3A_2095 : i32
    %add3A_2098 = arith.constant 24 : i32
    %add3A_2099 = arith.addi %add3A_2097, %add3A_2098 : i32
    %dma_start3A_2100 = arith.constant 64 : i32
    %dma_start3A_2101 = arith.constant 0 : i32
    %dma_start3A_2102 = tpu.memref_slice %arg9[%dma_start3A_2100, %dma_start3A_2101] : memref<200x128xi32, #tpu.memory_space<vmem>> -> memref<8x128xi32, #tpu.memory_space<vmem>>
    %dma_start3A_2103 = arith.constant 0 : i32
    %dma_start3A_2104 = tpu.memref_slice %arg3[%add3A_2099, %dma_start3A_2103] : memref<25600x128xi32, #tpu.memory_space<hbm>> -> memref<8x128xi32, #tpu.memory_space<hbm>>
    %dma_start3A_2105 = arith.constant 64 : i32
    %dma_start3A_2106 = arith.constant 0 : i32
    %dma_start3A_2107 = tpu.memref_slice %arg9[%dma_start3A_2105, %dma_start3A_2106] : memref<200x128xi32, #tpu.memory_space<vmem>> -> memref<8x128xi32, #tpu.memory_space<vmem>>
    %dma_start3A_2108 = arith.constant 0 : i32
    %dma_start3A_2109 = tpu.memref_slice %arg3[%add3A_2099, %dma_start3A_2108] : memref<25600x128xi32, #tpu.memory_space<hbm>> -> memref<8x128xi32, #tpu.memory_space<hbm>>
    tpu.enqueue_dma source(%dma_start3A_2109 : memref<8x128xi32, #tpu.memory_space<hbm>>) target(%dma_start3A_2107 : memref<8x128xi32, #tpu.memory_space<vmem>>) target_semaphore(%arg14 : memref<!tpu.dma_semaphore, #tpu.memory_space<semaphore_mem>>)
    %mul3A_2110 = arith.constant 32 : i32
    %mul3A_2111 = arith.muli %mul3A_2110, %add3A : i32
    %add3A_2112 = arith.constant 9216 : i32
    %add3A_2113 = arith.addi %add3A_2112, %mul3A_2111 : i32
    %add3A_2114 = arith.constant 24 : i32
    %add3A_2115 = arith.addi %add3A_2113, %add3A_2114 : i32
    %dma_start3A_2116 = arith.constant 72 : i32
    %dma_start3A_2117 = arith.constant 0 : i32
    %dma_start3A_2118 = tpu.memref_slice %arg9[%dma_start3A_2116, %dma_start3A_2117] : memref<200x128xi32, #tpu.memory_space<vmem>> -> memref<8x128xi32, #tpu.memory_space<vmem>>
    %dma_start3A_2119 = arith.constant 0 : i32
    %dma_start3A_2120 = tpu.memref_slice %arg3[%add3A_2115, %dma_start3A_2119] : memref<25600x128xi32, #tpu.memory_space<hbm>> -> memref<8x128xi32, #tpu.memory_space<hbm>>
    %dma_start3A_2121 = arith.constant 72 : i32
    %dma_start3A_2122 = arith.constant 0 : i32
    %dma_start3A_2123 = tpu.memref_slice %arg9[%dma_start3A_2121, %dma_start3A_2122] : memref<200x128xi32, #tpu.memory_space<vmem>> -> memref<8x128xi32, #tpu.memory_space<vmem>>
    %dma_start3A_2124 = arith.constant 0 : i32
    %dma_start3A_2125 = tpu.memref_slice %arg3[%add3A_2115, %dma_start3A_2124] : memref<25600x128xi32, #tpu.memory_space<hbm>> -> memref<8x128xi32, #tpu.memory_space<hbm>>
    tpu.enqueue_dma source(%dma_start3A_2125 : memref<8x128xi32, #tpu.memory_space<hbm>>) target(%dma_start3A_2123 : memref<8x128xi32, #tpu.memory_space<vmem>>) target_semaphore(%arg14 : memref<!tpu.dma_semaphore, #tpu.memory_space<semaphore_mem>>)
    %mul3A_2126 = arith.constant 32 : i32
    %mul3A_2127 = arith.muli %mul3A_2126, %add3A : i32
    %add3A_2128 = arith.constant 10240 : i32
    %add3A_2129 = arith.addi %add3A_2128, %mul3A_2127 : i32
    %add3A_2130 = arith.constant 24 : i32
    %add3A_2131 = arith.addi %add3A_2129, %add3A_2130 : i32
    %dma_start3A_2132 = arith.constant 80 : i32
    %dma_start3A_2133 = arith.constant 0 : i32
    %dma_start3A_2134 = tpu.memref_slice %arg9[%dma_start3A_2132, %dma_start3A_2133] : memref<200x128xi32, #tpu.memory_space<vmem>> -> memref<8x128xi32, #tpu.memory_space<vmem>>
    %dma_start3A_2135 = arith.constant 0 : i32
    %dma_start3A_2136 = tpu.memref_slice %arg3[%add3A_2131, %dma_start3A_2135] : memref<25600x128xi32, #tpu.memory_space<hbm>> -> memref<8x128xi32, #tpu.memory_space<hbm>>
    %dma_start3A_2137 = arith.constant 80 : i32
    %dma_start3A_2138 = arith.constant 0 : i32
    %dma_start3A_2139 = tpu.memref_slice %arg9[%dma_start3A_2137, %dma_start3A_2138] : memref<200x128xi32, #tpu.memory_space<vmem>> -> memref<8x128xi32, #tpu.memory_space<vmem>>
    %dma_start3A_2140 = arith.constant 0 : i32
    %dma_start3A_2141 = tpu.memref_slice %arg3[%add3A_2131, %dma_start3A_2140] : memref<25600x128xi32, #tpu.memory_space<hbm>> -> memref<8x128xi32, #tpu.memory_space<hbm>>
    tpu.enqueue_dma source(%dma_start3A_2141 : memref<8x128xi32, #tpu.memory_space<hbm>>) target(%dma_start3A_2139 : memref<8x128xi32, #tpu.memory_space<vmem>>) target_semaphore(%arg14 : memref<!tpu.dma_semaphore, #tpu.memory_space<semaphore_mem>>)
    %mul3A_2142 = arith.constant 32 : i32
    %mul3A_2143 = arith.muli %mul3A_2142, %add3A : i32
    %add3A_2144 = arith.constant 11264 : i32
    %add3A_2145 = arith.addi %add3A_2144, %mul3A_2143 : i32
    %add3A_2146 = arith.constant 24 : i32
    %add3A_2147 = arith.addi %add3A_2145, %add3A_2146 : i32
    %dma_start3A_2148 = arith.constant 88 : i32
    %dma_start3A_2149 = arith.constant 0 : i32
    %dma_start3A_2150 = tpu.memref_slice %arg9[%dma_start3A_2148, %dma_start3A_2149] : memref<200x128xi32, #tpu.memory_space<vmem>> -> memref<8x128xi32, #tpu.memory_space<vmem>>
    %dma_start3A_2151 = arith.constant 0 : i32
    %dma_start3A_2152 = tpu.memref_slice %arg3[%add3A_2147, %dma_start3A_2151] : memref<25600x128xi32, #tpu.memory_space<hbm>> -> memref<8x128xi32, #tpu.memory_space<hbm>>
    %dma_start3A_2153 = arith.constant 88 : i32
    %dma_start3A_2154 = arith.constant 0 : i32
    %dma_start3A_2155 = tpu.memref_slice %arg9[%dma_start3A_2153, %dma_start3A_2154] : memref<200x128xi32, #tpu.memory_space<vmem>> -> memref<8x128xi32, #tpu.memory_space<vmem>>
    %dma_start3A_2156 = arith.constant 0 : i32
    %dma_start3A_2157 = tpu.memref_slice %arg3[%add3A_2147, %dma_start3A_2156] : memref<25600x128xi32, #tpu.memory_space<hbm>> -> memref<8x128xi32, #tpu.memory_space<hbm>>
    tpu.enqueue_dma source(%dma_start3A_2157 : memref<8x128xi32, #tpu.memory_space<hbm>>) target(%dma_start3A_2155 : memref<8x128xi32, #tpu.memory_space<vmem>>) target_semaphore(%arg14 : memref<!tpu.dma_semaphore, #tpu.memory_space<semaphore_mem>>)
    %mul3A_2158 = arith.constant 32 : i32
    %mul3A_2159 = arith.muli %mul3A_2158, %add3A : i32
    %add3A_2160 = arith.constant 12288 : i32
    %add3A_2161 = arith.addi %add3A_2160, %mul3A_2159 : i32
    %add3A_2162 = arith.constant 24 : i32
    %add3A_2163 = arith.addi %add3A_2161, %add3A_2162 : i32
    %dma_start3A_2164 = arith.constant 96 : i32
    %dma_start3A_2165 = arith.constant 0 : i32
    %dma_start3A_2166 = tpu.memref_slice %arg9[%dma_start3A_2164, %dma_start3A_2165] : memref<200x128xi32, #tpu.memory_space<vmem>> -> memref<8x128xi32, #tpu.memory_space<vmem>>
    %dma_start3A_2167 = arith.constant 0 : i32
    %dma_start3A_2168 = tpu.memref_slice %arg3[%add3A_2163, %dma_start3A_2167] : memref<25600x128xi32, #tpu.memory_space<hbm>> -> memref<8x128xi32, #tpu.memory_space<hbm>>
    %dma_start3A_2169 = arith.constant 96 : i32
    %dma_start3A_2170 = arith.constant 0 : i32
    %dma_start3A_2171 = tpu.memref_slice %arg9[%dma_start3A_2169, %dma_start3A_2170] : memref<200x128xi32, #tpu.memory_space<vmem>> -> memref<8x128xi32, #tpu.memory_space<vmem>>
    %dma_start3A_2172 = arith.constant 0 : i32
    %dma_start3A_2173 = tpu.memref_slice %arg3[%add3A_2163, %dma_start3A_2172] : memref<25600x128xi32, #tpu.memory_space<hbm>> -> memref<8x128xi32, #tpu.memory_space<hbm>>
    tpu.enqueue_dma source(%dma_start3A_2173 : memref<8x128xi32, #tpu.memory_space<hbm>>) target(%dma_start3A_2171 : memref<8x128xi32, #tpu.memory_space<vmem>>) target_semaphore(%arg14 : memref<!tpu.dma_semaphore, #tpu.memory_space<semaphore_mem>>)
    %mul3A_2174 = arith.constant 32 : i32
    %mul3A_2175 = arith.muli %mul3A_2174, %add3A : i32
    %add3A_2176 = arith.constant 13312 : i32
    %add3A_2177 = arith.addi %add3A_2176, %mul3A_2175 : i32
    %add3A_2178 = arith.constant 24 : i32
    %add3A_2179 = arith.addi %add3A_2177, %add3A_2178 : i32
    %dma_start3A_2180 = arith.constant 104 : i32
    %dma_start3A_2181 = arith.constant 0 : i32
    %dma_start3A_2182 = tpu.memref_slice %arg9[%dma_start3A_2180, %dma_start3A_2181] : memref<200x128xi32, #tpu.memory_space<vmem>> -> memref<8x128xi32, #tpu.memory_space<vmem>>
    %dma_start3A_2183 = arith.constant 0 : i32
    %dma_start3A_2184 = tpu.memref_slice %arg3[%add3A_2179, %dma_start3A_2183] : memref<25600x128xi32, #tpu.memory_space<hbm>> -> memref<8x128xi32, #tpu.memory_space<hbm>>
    %dma_start3A_2185 = arith.constant 104 : i32
    %dma_start3A_2186 = arith.constant 0 : i32
    %dma_start3A_2187 = tpu.memref_slice %arg9[%dma_start3A_2185, %dma_start3A_2186] : memref<200x128xi32, #tpu.memory_space<vmem>> -> memref<8x128xi32, #tpu.memory_space<vmem>>
    %dma_start3A_2188 = arith.constant 0 : i32
    %dma_start3A_2189 = tpu.memref_slice %arg3[%add3A_2179, %dma_start3A_2188] : memref<25600x128xi32, #tpu.memory_space<hbm>> -> memref<8x128xi32, #tpu.memory_space<hbm>>
    tpu.enqueue_dma source(%dma_start3A_2189 : memref<8x128xi32, #tpu.memory_space<hbm>>) target(%dma_start3A_2187 : memref<8x128xi32, #tpu.memory_space<vmem>>) target_semaphore(%arg14 : memref<!tpu.dma_semaphore, #tpu.memory_space<semaphore_mem>>)
    %mul3A_2190 = arith.constant 32 : i32
    %mul3A_2191 = arith.muli %mul3A_2190, %add3A : i32
    %add3A_2192 = arith.constant 14336 : i32
    %add3A_2193 = arith.addi %add3A_2192, %mul3A_2191 : i32
    %add3A_2194 = arith.constant 24 : i32
    %add3A_2195 = arith.addi %add3A_2193, %add3A_2194 : i32
    %dma_start3A_2196 = arith.constant 112 : i32
    %dma_start3A_2197 = arith.constant 0 : i32
    %dma_start3A_2198 = tpu.memref_slice %arg9[%dma_start3A_2196, %dma_start3A_2197] : memref<200x128xi32, #tpu.memory_space<vmem>> -> memref<8x128xi32, #tpu.memory_space<vmem>>
    %dma_start3A_2199 = arith.constant 0 : i32
    %dma_start3A_2200 = tpu.memref_slice %arg3[%add3A_2195, %dma_start3A_2199] : memref<25600x128xi32, #tpu.memory_space<hbm>> -> memref<8x128xi32, #tpu.memory_space<hbm>>
    %dma_start3A_2201 = arith.constant 112 : i32
    %dma_start3A_2202 = arith.constant 0 : i32
    %dma_start3A_2203 = tpu.memref_slice %arg9[%dma_start3A_2201, %dma_start3A_2202] : memref<200x128xi32, #tpu.memory_space<vmem>> -> memref<8x128xi32, #tpu.memory_space<vmem>>
    %dma_start3A_2204 = arith.constant 0 : i32
    %dma_start3A_2205 = tpu.memref_slice %arg3[%add3A_2195, %dma_start3A_2204] : memref<25600x128xi32, #tpu.memory_space<hbm>> -> memref<8x128xi32, #tpu.memory_space<hbm>>
    tpu.enqueue_dma source(%dma_start3A_2205 : memref<8x128xi32, #tpu.memory_space<hbm>>) target(%dma_start3A_2203 : memref<8x128xi32, #tpu.memory_space<vmem>>) target_semaphore(%arg14 : memref<!tpu.dma_semaphore, #tpu.memory_space<semaphore_mem>>)
    %mul3A_2206 = arith.constant 32 : i32
    %mul3A_2207 = arith.muli %mul3A_2206, %add3A : i32
    %add3A_2208 = arith.constant 15360 : i32
    %add3A_2209 = arith.addi %add3A_2208, %mul3A_2207 : i32
    %add3A_2210 = arith.constant 24 : i32
    %add3A_2211 = arith.addi %add3A_2209, %add3A_2210 : i32
    %dma_start3A_2212 = arith.constant 120 : i32
    %dma_start3A_2213 = arith.constant 0 : i32
    %dma_start3A_2214 = tpu.memref_slice %arg9[%dma_start3A_2212, %dma_start3A_2213] : memref<200x128xi32, #tpu.memory_space<vmem>> -> memref<8x128xi32, #tpu.memory_space<vmem>>
    %dma_start3A_2215 = arith.constant 0 : i32
    %dma_start3A_2216 = tpu.memref_slice %arg3[%add3A_2211, %dma_start3A_2215] : memref<25600x128xi32, #tpu.memory_space<hbm>> -> memref<8x128xi32, #tpu.memory_space<hbm>>
    %dma_start3A_2217 = arith.constant 120 : i32
    %dma_start3A_2218 = arith.constant 0 : i32
    %dma_start3A_2219 = tpu.memref_slice %arg9[%dma_start3A_2217, %dma_start3A_2218] : memref<200x128xi32, #tpu.memory_space<vmem>> -> memref<8x128xi32, #tpu.memory_space<vmem>>
    %dma_start3A_2220 = arith.constant 0 : i32
    %dma_start3A_2221 = tpu.memref_slice %arg3[%add3A_2211, %dma_start3A_2220] : memref<25600x128xi32, #tpu.memory_space<hbm>> -> memref<8x128xi32, #tpu.memory_space<hbm>>
    tpu.enqueue_dma source(%dma_start3A_2221 : memref<8x128xi32, #tpu.memory_space<hbm>>) target(%dma_start3A_2219 : memref<8x128xi32, #tpu.memory_space<vmem>>) target_semaphore(%arg14 : memref<!tpu.dma_semaphore, #tpu.memory_space<semaphore_mem>>)
    %mul3A_2222 = arith.constant 32 : i32
    %mul3A_2223 = arith.muli %mul3A_2222, %add3A : i32
    %add3A_2224 = arith.constant 16384 : i32
    %add3A_2225 = arith.addi %add3A_2224, %mul3A_2223 : i32
    %add3A_2226 = arith.constant 24 : i32
    %add3A_2227 = arith.addi %add3A_2225, %add3A_2226 : i32
    %dma_start3A_2228 = arith.constant 128 : i32
    %dma_start3A_2229 = arith.constant 0 : i32
    %dma_start3A_2230 = tpu.memref_slice %arg9[%dma_start3A_2228, %dma_start3A_2229] : memref<200x128xi32, #tpu.memory_space<vmem>> -> memref<8x128xi32, #tpu.memory_space<vmem>>
    %dma_start3A_2231 = arith.constant 0 : i32
    %dma_start3A_2232 = tpu.memref_slice %arg3[%add3A_2227, %dma_start3A_2231] : memref<25600x128xi32, #tpu.memory_space<hbm>> -> memref<8x128xi32, #tpu.memory_space<hbm>>
    %dma_start3A_2233 = arith.constant 128 : i32
    %dma_start3A_2234 = arith.constant 0 : i32
    %dma_start3A_2235 = tpu.memref_slice %arg9[%dma_start3A_2233, %dma_start3A_2234] : memref<200x128xi32, #tpu.memory_space<vmem>> -> memref<8x128xi32, #tpu.memory_space<vmem>>
    %dma_start3A_2236 = arith.constant 0 : i32
    %dma_start3A_2237 = tpu.memref_slice %arg3[%add3A_2227, %dma_start3A_2236] : memref<25600x128xi32, #tpu.memory_space<hbm>> -> memref<8x128xi32, #tpu.memory_space<hbm>>
    tpu.enqueue_dma source(%dma_start3A_2237 : memref<8x128xi32, #tpu.memory_space<hbm>>) target(%dma_start3A_2235 : memref<8x128xi32, #tpu.memory_space<vmem>>) target_semaphore(%arg14 : memref<!tpu.dma_semaphore, #tpu.memory_space<semaphore_mem>>)
    %mul3A_2238 = arith.constant 32 : i32
    %mul3A_2239 = arith.muli %mul3A_2238, %add3A : i32
    %add3A_2240 = arith.constant 17408 : i32
    %add3A_2241 = arith.addi %add3A_2240, %mul3A_2239 : i32
    %add3A_2242 = arith.constant 24 : i32
    %add3A_2243 = arith.addi %add3A_2241, %add3A_2242 : i32
    %dma_start3A_2244 = arith.constant 136 : i32
    %dma_start3A_2245 = arith.constant 0 : i32
    %dma_start3A_2246 = tpu.memref_slice %arg9[%dma_start3A_2244, %dma_start3A_2245] : memref<200x128xi32, #tpu.memory_space<vmem>> -> memref<8x128xi32, #tpu.memory_space<vmem>>
    %dma_start3A_2247 = arith.constant 0 : i32
    %dma_start3A_2248 = tpu.memref_slice %arg3[%add3A_2243, %dma_start3A_2247] : memref<25600x128xi32, #tpu.memory_space<hbm>> -> memref<8x128xi32, #tpu.memory_space<hbm>>
    %dma_start3A_2249 = arith.constant 136 : i32
    %dma_start3A_2250 = arith.constant 0 : i32
    %dma_start3A_2251 = tpu.memref_slice %arg9[%dma_start3A_2249, %dma_start3A_2250] : memref<200x128xi32, #tpu.memory_space<vmem>> -> memref<8x128xi32, #tpu.memory_space<vmem>>
    %dma_start3A_2252 = arith.constant 0 : i32
    %dma_start3A_2253 = tpu.memref_slice %arg3[%add3A_2243, %dma_start3A_2252] : memref<25600x128xi32, #tpu.memory_space<hbm>> -> memref<8x128xi32, #tpu.memory_space<hbm>>
    tpu.enqueue_dma source(%dma_start3A_2253 : memref<8x128xi32, #tpu.memory_space<hbm>>) target(%dma_start3A_2251 : memref<8x128xi32, #tpu.memory_space<vmem>>) target_semaphore(%arg14 : memref<!tpu.dma_semaphore, #tpu.memory_space<semaphore_mem>>)
    %mul3A_2254 = arith.constant 32 : i32
    %mul3A_2255 = arith.muli %mul3A_2254, %add3A : i32
    %add3A_2256 = arith.constant 18432 : i32
    %add3A_2257 = arith.addi %add3A_2256, %mul3A_2255 : i32
    %add3A_2258 = arith.constant 24 : i32
    %add3A_2259 = arith.addi %add3A_2257, %add3A_2258 : i32
    %dma_start3A_2260 = arith.constant 144 : i32
    %dma_start3A_2261 = arith.constant 0 : i32
    %dma_start3A_2262 = tpu.memref_slice %arg9[%dma_start3A_2260, %dma_start3A_2261] : memref<200x128xi32, #tpu.memory_space<vmem>> -> memref<8x128xi32, #tpu.memory_space<vmem>>
    %dma_start3A_2263 = arith.constant 0 : i32
    %dma_start3A_2264 = tpu.memref_slice %arg3[%add3A_2259, %dma_start3A_2263] : memref<25600x128xi32, #tpu.memory_space<hbm>> -> memref<8x128xi32, #tpu.memory_space<hbm>>
    %dma_start3A_2265 = arith.constant 144 : i32
    %dma_start3A_2266 = arith.constant 0 : i32
    %dma_start3A_2267 = tpu.memref_slice %arg9[%dma_start3A_2265, %dma_start3A_2266] : memref<200x128xi32, #tpu.memory_space<vmem>> -> memref<8x128xi32, #tpu.memory_space<vmem>>
    %dma_start3A_2268 = arith.constant 0 : i32
    %dma_start3A_2269 = tpu.memref_slice %arg3[%add3A_2259, %dma_start3A_2268] : memref<25600x128xi32, #tpu.memory_space<hbm>> -> memref<8x128xi32, #tpu.memory_space<hbm>>
    tpu.enqueue_dma source(%dma_start3A_2269 : memref<8x128xi32, #tpu.memory_space<hbm>>) target(%dma_start3A_2267 : memref<8x128xi32, #tpu.memory_space<vmem>>) target_semaphore(%arg14 : memref<!tpu.dma_semaphore, #tpu.memory_space<semaphore_mem>>)
    %mul3A_2270 = arith.constant 32 : i32
    %mul3A_2271 = arith.muli %mul3A_2270, %add3A : i32
    %add3A_2272 = arith.constant 19456 : i32
    %add3A_2273 = arith.addi %add3A_2272, %mul3A_2271 : i32
    %add3A_2274 = arith.constant 24 : i32
    %add3A_2275 = arith.addi %add3A_2273, %add3A_2274 : i32
    %dma_start3A_2276 = arith.constant 152 : i32
    %dma_start3A_2277 = arith.constant 0 : i32
    %dma_start3A_2278 = tpu.memref_slice %arg9[%dma_start3A_2276, %dma_start3A_2277] : memref<200x128xi32, #tpu.memory_space<vmem>> -> memref<8x128xi32, #tpu.memory_space<vmem>>
    %dma_start3A_2279 = arith.constant 0 : i32
    %dma_start3A_2280 = tpu.memref_slice %arg3[%add3A_2275, %dma_start3A_2279] : memref<25600x128xi32, #tpu.memory_space<hbm>> -> memref<8x128xi32, #tpu.memory_space<hbm>>
    %dma_start3A_2281 = arith.constant 152 : i32
    %dma_start3A_2282 = arith.constant 0 : i32
    %dma_start3A_2283 = tpu.memref_slice %arg9[%dma_start3A_2281, %dma_start3A_2282] : memref<200x128xi32, #tpu.memory_space<vmem>> -> memref<8x128xi32, #tpu.memory_space<vmem>>
    %dma_start3A_2284 = arith.constant 0 : i32
    %dma_start3A_2285 = tpu.memref_slice %arg3[%add3A_2275, %dma_start3A_2284] : memref<25600x128xi32, #tpu.memory_space<hbm>> -> memref<8x128xi32, #tpu.memory_space<hbm>>
    tpu.enqueue_dma source(%dma_start3A_2285 : memref<8x128xi32, #tpu.memory_space<hbm>>) target(%dma_start3A_2283 : memref<8x128xi32, #tpu.memory_space<vmem>>) target_semaphore(%arg14 : memref<!tpu.dma_semaphore, #tpu.memory_space<semaphore_mem>>)
    %mul3A_2286 = arith.constant 32 : i32
    %mul3A_2287 = arith.muli %mul3A_2286, %add3A : i32
    %add3A_2288 = arith.constant 20480 : i32
    %add3A_2289 = arith.addi %add3A_2288, %mul3A_2287 : i32
    %add3A_2290 = arith.constant 24 : i32
    %add3A_2291 = arith.addi %add3A_2289, %add3A_2290 : i32
    %dma_start3A_2292 = arith.constant 160 : i32
    %dma_start3A_2293 = arith.constant 0 : i32
    %dma_start3A_2294 = tpu.memref_slice %arg9[%dma_start3A_2292, %dma_start3A_2293] : memref<200x128xi32, #tpu.memory_space<vmem>> -> memref<8x128xi32, #tpu.memory_space<vmem>>
    %dma_start3A_2295 = arith.constant 0 : i32
    %dma_start3A_2296 = tpu.memref_slice %arg3[%add3A_2291, %dma_start3A_2295] : memref<25600x128xi32, #tpu.memory_space<hbm>> -> memref<8x128xi32, #tpu.memory_space<hbm>>
    %dma_start3A_2297 = arith.constant 160 : i32
    %dma_start3A_2298 = arith.constant 0 : i32
    %dma_start3A_2299 = tpu.memref_slice %arg9[%dma_start3A_2297, %dma_start3A_2298] : memref<200x128xi32, #tpu.memory_space<vmem>> -> memref<8x128xi32, #tpu.memory_space<vmem>>
    %dma_start3A_2300 = arith.constant 0 : i32
    %dma_start3A_2301 = tpu.memref_slice %arg3[%add3A_2291, %dma_start3A_2300] : memref<25600x128xi32, #tpu.memory_space<hbm>> -> memref<8x128xi32, #tpu.memory_space<hbm>>
    tpu.enqueue_dma source(%dma_start3A_2301 : memref<8x128xi32, #tpu.memory_space<hbm>>) target(%dma_start3A_2299 : memref<8x128xi32, #tpu.memory_space<vmem>>) target_semaphore(%arg14 : memref<!tpu.dma_semaphore, #tpu.memory_space<semaphore_mem>>)
    %mul3A_2302 = arith.constant 32 : i32
    %mul3A_2303 = arith.muli %mul3A_2302, %add3A : i32
    %add3A_2304 = arith.constant 21504 : i32
    %add3A_2305 = arith.addi %add3A_2304, %mul3A_2303 : i32
    %add3A_2306 = arith.constant 24 : i32
    %add3A_2307 = arith.addi %add3A_2305, %add3A_2306 : i32
    %dma_start3A_2308 = arith.constant 168 : i32
    %dma_start3A_2309 = arith.constant 0 : i32
    %dma_start3A_2310 = tpu.memref_slice %arg9[%dma_start3A_2308, %dma_start3A_2309] : memref<200x128xi32, #tpu.memory_space<vmem>> -> memref<8x128xi32, #tpu.memory_space<vmem>>
    %dma_start3A_2311 = arith.constant 0 : i32
    %dma_start3A_2312 = tpu.memref_slice %arg3[%add3A_2307, %dma_start3A_2311] : memref<25600x128xi32, #tpu.memory_space<hbm>> -> memref<8x128xi32, #tpu.memory_space<hbm>>
    %dma_start3A_2313 = arith.constant 168 : i32
    %dma_start3A_2314 = arith.constant 0 : i32
    %dma_start3A_2315 = tpu.memref_slice %arg9[%dma_start3A_2313, %dma_start3A_2314] : memref<200x128xi32, #tpu.memory_space<vmem>> -> memref<8x128xi32, #tpu.memory_space<vmem>>
    %dma_start3A_2316 = arith.constant 0 : i32
    %dma_start3A_2317 = tpu.memref_slice %arg3[%add3A_2307, %dma_start3A_2316] : memref<25600x128xi32, #tpu.memory_space<hbm>> -> memref<8x128xi32, #tpu.memory_space<hbm>>
    tpu.enqueue_dma source(%dma_start3A_2317 : memref<8x128xi32, #tpu.memory_space<hbm>>) target(%dma_start3A_2315 : memref<8x128xi32, #tpu.memory_space<vmem>>) target_semaphore(%arg14 : memref<!tpu.dma_semaphore, #tpu.memory_space<semaphore_mem>>)
    %mul3A_2318 = arith.constant 32 : i32
    %mul3A_2319 = arith.muli %mul3A_2318, %add3A : i32
    %add3A_2320 = arith.constant 22528 : i32
    %add3A_2321 = arith.addi %add3A_2320, %mul3A_2319 : i32
    %add3A_2322 = arith.constant 24 : i32
    %add3A_2323 = arith.addi %add3A_2321, %add3A_2322 : i32
    %dma_start3A_2324 = arith.constant 176 : i32
    %dma_start3A_2325 = arith.constant 0 : i32
    %dma_start3A_2326 = tpu.memref_slice %arg9[%dma_start3A_2324, %dma_start3A_2325] : memref<200x128xi32, #tpu.memory_space<vmem>> -> memref<8x128xi32, #tpu.memory_space<vmem>>
    %dma_start3A_2327 = arith.constant 0 : i32
    %dma_start3A_2328 = tpu.memref_slice %arg3[%add3A_2323, %dma_start3A_2327] : memref<25600x128xi32, #tpu.memory_space<hbm>> -> memref<8x128xi32, #tpu.memory_space<hbm>>
    %dma_start3A_2329 = arith.constant 176 : i32
    %dma_start3A_2330 = arith.constant 0 : i32
    %dma_start3A_2331 = tpu.memref_slice %arg9[%dma_start3A_2329, %dma_start3A_2330] : memref<200x128xi32, #tpu.memory_space<vmem>> -> memref<8x128xi32, #tpu.memory_space<vmem>>
    %dma_start3A_2332 = arith.constant 0 : i32
    %dma_start3A_2333 = tpu.memref_slice %arg3[%add3A_2323, %dma_start3A_2332] : memref<25600x128xi32, #tpu.memory_space<hbm>> -> memref<8x128xi32, #tpu.memory_space<hbm>>
    tpu.enqueue_dma source(%dma_start3A_2333 : memref<8x128xi32, #tpu.memory_space<hbm>>) target(%dma_start3A_2331 : memref<8x128xi32, #tpu.memory_space<vmem>>) target_semaphore(%arg14 : memref<!tpu.dma_semaphore, #tpu.memory_space<semaphore_mem>>)
    %mul3A_2334 = arith.constant 32 : i32
    %mul3A_2335 = arith.muli %mul3A_2334, %add3A : i32
    %add3A_2336 = arith.constant 23552 : i32
    %add3A_2337 = arith.addi %add3A_2336, %mul3A_2335 : i32
    %add3A_2338 = arith.constant 24 : i32
    %add3A_2339 = arith.addi %add3A_2337, %add3A_2338 : i32
    %dma_start3A_2340 = arith.constant 184 : i32
    %dma_start3A_2341 = arith.constant 0 : i32
    %dma_start3A_2342 = tpu.memref_slice %arg9[%dma_start3A_2340, %dma_start3A_2341] : memref<200x128xi32, #tpu.memory_space<vmem>> -> memref<8x128xi32, #tpu.memory_space<vmem>>
    %dma_start3A_2343 = arith.constant 0 : i32
    %dma_start3A_2344 = tpu.memref_slice %arg3[%add3A_2339, %dma_start3A_2343] : memref<25600x128xi32, #tpu.memory_space<hbm>> -> memref<8x128xi32, #tpu.memory_space<hbm>>
    %dma_start3A_2345 = arith.constant 184 : i32
    %dma_start3A_2346 = arith.constant 0 : i32
    %dma_start3A_2347 = tpu.memref_slice %arg9[%dma_start3A_2345, %dma_start3A_2346] : memref<200x128xi32, #tpu.memory_space<vmem>> -> memref<8x128xi32, #tpu.memory_space<vmem>>
    %dma_start3A_2348 = arith.constant 0 : i32
    %dma_start3A_2349 = tpu.memref_slice %arg3[%add3A_2339, %dma_start3A_2348] : memref<25600x128xi32, #tpu.memory_space<hbm>> -> memref<8x128xi32, #tpu.memory_space<hbm>>
    tpu.enqueue_dma source(%dma_start3A_2349 : memref<8x128xi32, #tpu.memory_space<hbm>>) target(%dma_start3A_2347 : memref<8x128xi32, #tpu.memory_space<vmem>>) target_semaphore(%arg14 : memref<!tpu.dma_semaphore, #tpu.memory_space<semaphore_mem>>)
    %mul3A_2350 = arith.constant 32 : i32
    %mul3A_2351 = arith.muli %mul3A_2350, %add3A : i32
    %add3A_2352 = arith.constant 24576 : i32
    %add3A_2353 = arith.addi %add3A_2352, %mul3A_2351 : i32
    %add3A_2354 = arith.constant 24 : i32
    %add3A_2355 = arith.addi %add3A_2353, %add3A_2354 : i32
    %dma_start3A_2356 = arith.constant 192 : i32
    %dma_start3A_2357 = arith.constant 0 : i32
    %dma_start3A_2358 = tpu.memref_slice %arg9[%dma_start3A_2356, %dma_start3A_2357] : memref<200x128xi32, #tpu.memory_space<vmem>> -> memref<8x128xi32, #tpu.memory_space<vmem>>
    %dma_start3A_2359 = arith.constant 0 : i32
    %dma_start3A_2360 = tpu.memref_slice %arg3[%add3A_2355, %dma_start3A_2359] : memref<25600x128xi32, #tpu.memory_space<hbm>> -> memref<8x128xi32, #tpu.memory_space<hbm>>
    %dma_start3A_2361 = arith.constant 192 : i32
    %dma_start3A_2362 = arith.constant 0 : i32
    %dma_start3A_2363 = tpu.memref_slice %arg9[%dma_start3A_2361, %dma_start3A_2362] : memref<200x128xi32, #tpu.memory_space<vmem>> -> memref<8x128xi32, #tpu.memory_space<vmem>>
    %dma_start3A_2364 = arith.constant 0 : i32
    %dma_start3A_2365 = tpu.memref_slice %arg3[%add3A_2355, %dma_start3A_2364] : memref<25600x128xi32, #tpu.memory_space<hbm>> -> memref<8x128xi32, #tpu.memory_space<hbm>>
    tpu.enqueue_dma source(%dma_start3A_2365 : memref<8x128xi32, #tpu.memory_space<hbm>>) target(%dma_start3A_2363 : memref<8x128xi32, #tpu.memory_space<vmem>>) target_semaphore(%arg14 : memref<!tpu.dma_semaphore, #tpu.memory_space<semaphore_mem>>)
    %scan3A_2366 = arith.constant 0 : i32
    %scan3A_2367 = arith.constant 0 : i32
    %scan3A_2368 = arith.constant 8 : i32
    %scan3A_2369 = arith.addi %scan3A_2367, %scan3A_2368 : i32
    %scan3A_2370 = arith.constant 1 : i32
    scf.for %scan3A_2628 = %scan3A_2367 to %scan3A_2369 step %scan3A_2370  : i32 {
      %mul3A_2629 = arith.constant 16 : i32
      %mul3A_2630 = arith.muli %scan3A_2628, %mul3A_2629 : i32
      %add3A_2631 = vector.broadcast %mul3A_2630 : i32 to vector<16xi32>
      %add3A_2632 = arith.addi %add3A_2631, %iota3A : vector<16xi32>
      %scan3A_2633 = arith.constant 0 : i32
      %scan3A_2634 = arith.constant 25 : i32
      %scan3A_2635 = arith.addi %scan3A_2633, %scan3A_2634 : i32
      %scan3A_2636 = arith.constant 1 : i32
      %scan3A_2637:3 = scf.for %scan3A_2656 = %scan3A_2633 to %scan3A_2635 step %scan3A_2636 iter_args(%scan3A_2657 = %broadcast_in_dim3A_403, %scan3A_2658 = %broadcast_in_dim3A_403, %scan3A_2659 = %broadcast_in_dim3A_405) -> (vector<16xf32>, vector<16xf32>, vector<16xi32>)  : i32 {
        %add3A_2660 = arith.constant 0 : i32
        %add3A_2661 = vector.broadcast %add3A_2660 : i32 to vector<16xi32>
        %add3A_2662 = arith.addi %scan3A_2659, %add3A_2661 : vector<16xi32>
        %gather3A = tpu.vector_load_idx %arg8[%add3A_2662, %add3A_2632] : memref<200x128xi32, #tpu.memory_space<vmem>>[vector<16xi32>, vector<16xi32>], vector<16xi32>,
        %gather3A_2663 = tpu.vector_load_idx %arg7[%gather3A] : memref<7808xf32, #tpu.memory_space<vmem>>[vector<16xi32>], vector<16xf32>,
        %add3A_2664 = arith.addf %scan3A_2657, %gather3A_2663 : vector<16xf32>
        %add3A_2665 = arith.constant 1 : i32
        %add3A_2666 = vector.broadcast %add3A_2665 : i32 to vector<16xi32>
        %add3A_2667 = arith.addi %scan3A_2659, %add3A_2666 : vector<16xi32>
        %gather3A_2668 = tpu.vector_load_idx %arg8[%add3A_2667, %add3A_2632] : memref<200x128xi32, #tpu.memory_space<vmem>>[vector<16xi32>, vector<16xi32>], vector<16xi32>,
        %gather3A_2669 = tpu.vector_load_idx %arg7[%gather3A_2668] : memref<7808xf32, #tpu.memory_space<vmem>>[vector<16xi32>], vector<16xf32>,
        %add3A_2670 = arith.addf %scan3A_2658, %gather3A_2669 : vector<16xf32>
        %add3A_2671 = arith.constant 2 : i32
        %add3A_2672 = vector.broadcast %add3A_2671 : i32 to vector<16xi32>
        %add3A_2673 = arith.addi %scan3A_2659, %add3A_2672 : vector<16xi32>
        %gather3A_2674 = tpu.vector_load_idx %arg8[%add3A_2673, %add3A_2632] : memref<200x128xi32, #tpu.memory_space<vmem>>[vector<16xi32>, vector<16xi32>], vector<16xi32>,
        %gather3A_2675 = tpu.vector_load_idx %arg7[%gather3A_2674] : memref<7808xf32, #tpu.memory_space<vmem>>[vector<16xi32>], vector<16xf32>,
        %add3A_2676 = arith.addf %add3A_2664, %gather3A_2675 : vector<16xf32>
        %add3A_2677 = arith.constant 3 : i32
        %add3A_2678 = vector.broadcast %add3A_2677 : i32 to vector<16xi32>
        %add3A_2679 = arith.addi %scan3A_2659, %add3A_2678 : vector<16xi32>
        %gather3A_2680 = tpu.vector_load_idx %arg8[%add3A_2679, %add3A_2632] : memref<200x128xi32, #tpu.memory_space<vmem>>[vector<16xi32>, vector<16xi32>], vector<16xi32>,
        %gather3A_2681 = tpu.vector_load_idx %arg7[%gather3A_2680] : memref<7808xf32, #tpu.memory_space<vmem>>[vector<16xi32>], vector<16xf32>,
        %add3A_2682 = arith.addf %add3A_2670, %gather3A_2681 : vector<16xf32>
        %add3A_2683 = arith.constant 4 : i32
        %add3A_2684 = vector.broadcast %add3A_2683 : i32 to vector<16xi32>
        %add3A_2685 = arith.addi %scan3A_2659, %add3A_2684 : vector<16xi32>
        %gather3A_2686 = tpu.vector_load_idx %arg8[%add3A_2685, %add3A_2632] : memref<200x128xi32, #tpu.memory_space<vmem>>[vector<16xi32>, vector<16xi32>], vector<16xi32>,
        %gather3A_2687 = tpu.vector_load_idx %arg7[%gather3A_2686] : memref<7808xf32, #tpu.memory_space<vmem>>[vector<16xi32>], vector<16xf32>,
        %add3A_2688 = arith.addf %add3A_2676, %gather3A_2687 : vector<16xf32>
        %add3A_2689 = arith.constant 5 : i32
        %add3A_2690 = vector.broadcast %add3A_2689 : i32 to vector<16xi32>
        %add3A_2691 = arith.addi %scan3A_2659, %add3A_2690 : vector<16xi32>
        %gather3A_2692 = tpu.vector_load_idx %arg8[%add3A_2691, %add3A_2632] : memref<200x128xi32, #tpu.memory_space<vmem>>[vector<16xi32>, vector<16xi32>], vector<16xi32>,
        %gather3A_2693 = tpu.vector_load_idx %arg7[%gather3A_2692] : memref<7808xf32, #tpu.memory_space<vmem>>[vector<16xi32>], vector<16xf32>,
        %add3A_2694 = arith.addf %add3A_2682, %gather3A_2693 : vector<16xf32>
        %add3A_2695 = arith.constant 6 : i32
        %add3A_2696 = vector.broadcast %add3A_2695 : i32 to vector<16xi32>
        %add3A_2697 = arith.addi %scan3A_2659, %add3A_2696 : vector<16xi32>
        %gather3A_2698 = tpu.vector_load_idx %arg8[%add3A_2697, %add3A_2632] : memref<200x128xi32, #tpu.memory_space<vmem>>[vector<16xi32>, vector<16xi32>], vector<16xi32>,
        %gather3A_2699 = tpu.vector_load_idx %arg7[%gather3A_2698] : memref<7808xf32, #tpu.memory_space<vmem>>[vector<16xi32>], vector<16xf32>,
        %add3A_2700 = arith.addf %add3A_2688, %gather3A_2699 : vector<16xf32>
        %add3A_2701 = arith.constant 7 : i32
        %add3A_2702 = vector.broadcast %add3A_2701 : i32 to vector<16xi32>
        %add3A_2703 = arith.addi %scan3A_2659, %add3A_2702 : vector<16xi32>
        %gather3A_2704 = tpu.vector_load_idx %arg8[%add3A_2703, %add3A_2632] : memref<200x128xi32, #tpu.memory_space<vmem>>[vector<16xi32>, vector<16xi32>], vector<16xi32>,
        %gather3A_2705 = tpu.vector_load_idx %arg7[%gather3A_2704] : memref<7808xf32, #tpu.memory_space<vmem>>[vector<16xi32>], vector<16xf32>,
        %add3A_2706 = arith.addf %add3A_2694, %gather3A_2705 : vector<16xf32>
        %add3A_2707 = arith.constant 8 : i32
        %add3A_2708 = vector.broadcast %add3A_2707 : i32 to vector<16xi32>
        %add3A_2709 = arith.addi %scan3A_2659, %add3A_2708 : vector<16xi32>
        scf.yield %add3A_2700, %add3A_2706, %add3A_2709 : vector<16xf32>, vector<16xf32>, vector<16xi32>
      }
      %scan3A_2638 = arith.constant 25 : i32
      %mul3A_2639 = arith.constant 16 : i32
      %mul3A_2640 = arith.muli %scan3A_2628, %mul3A_2639 : i32
      %add3A_2641 = arith.constant 256 : i32
      %add3A_2642 = arith.addi %add3A_2641, %mul3A_2640 : i32
      %add3A_2643 = arith.addf %scan3A_2637#0, %scan3A_2637#1 : vector<16xf32>
      %get3A_2644 = arith.index_cast %add3A_2642 : i32 to index
      %get3A_2645 = tpu.vector_load %arg10[%get3A_2644] {strides = array<i32>} : memref<512xf32, #tpu.memory_space<vmem>>, vector<16xf32>,
      %div3A = arith.divf %add3A_2643, %get3A_2645 : vector<16xf32>
      %add3A_2646 = arith.addf %div3A, %get3A_402 : vector<16xf32>
      %neg3A = arith.constant 0.000000e+00 : f32
      %neg3A_2647 = vector.broadcast %neg3A : f32 to vector<16xf32>
      %neg3A_2648 = arith.subf %neg3A_2647, %add3A_2646 : vector<16xf32>
      %exp3A = math.exp %neg3A_2648 : vector<16xf32>
      %add3A_2649 = arith.constant 1.000000e+00 : f32
      %add3A_2650 = vector.broadcast %add3A_2649 : f32 to vector<16xf32>
      %add3A_2651 = arith.addf %add3A_2650, %exp3A : vector<16xf32>
      %div3A_2652 = arith.constant 1.000000e+00 : f32
      %div3A_2653 = vector.broadcast %div3A_2652 : f32 to vector<16xf32>
      %div3A_2654 = arith.divf %div3A_2653, %add3A_2651 : vector<16xf32>
      %swap3A = arith.index_cast %add3A_2642 : i32 to index
      %swap3A_2655 = tpu.vector_load %arg12[%swap3A] {strides = array<i32>} : memref<512xf32, #tpu.memory_space<vmem>>, vector<16xf32>,
      tpu.vector_store %arg12[%swap3A], %div3A_2654 {strides = array<i32>} : memref<512xf32, #tpu.memory_space<vmem>>, vector<16xf32>,
    }
    %scan3A_2371 = arith.constant 8 : i32
    %dma_wait3A_2372 = arith.constant 0 : i32
    %dma_wait3A_2373 = arith.constant 0 : i32
    %dma_wait3A_2374 = tpu.memref_slice %arg9[%dma_wait3A_2372, %dma_wait3A_2373] : memref<200x128xi32, #tpu.memory_space<vmem>> -> memref<8x128xi32, #tpu.memory_space<vmem>>
    %dma_wait3A_2375 = arith.constant 0 : i32
    %dma_wait3A_2376 = tpu.memref_slice %arg3[%add3A_1971, %dma_wait3A_2375] : memref<25600x128xi32, #tpu.memory_space<hbm>> -> memref<8x128xi32, #tpu.memory_space<hbm>>
    %dma_wait3A_2377 = arith.constant 0 : i32
    %dma_wait3A_2378 = arith.constant 0 : i32
    %dma_wait3A_2379 = tpu.memref_slice %arg9[%dma_wait3A_2377, %dma_wait3A_2378] : memref<200x128xi32, #tpu.memory_space<vmem>> -> memref<8x128xi32, #tpu.memory_space<vmem>>
    %dma_wait3A_2380 = arith.constant 0 : i32
    %dma_wait3A_2381 = tpu.memref_slice %arg3[%add3A_1971, %dma_wait3A_2380] : memref<25600x128xi32, #tpu.memory_space<hbm>> -> memref<8x128xi32, #tpu.memory_space<hbm>>
    tpu.wait_dma2 semaphore(%arg14 : memref<!tpu.dma_semaphore, #tpu.memory_space<semaphore_mem>>) src(%dma_wait3A_2381 : memref<8x128xi32, #tpu.memory_space<hbm>>) dst(%dma_wait3A_2379 : memref<8x128xi32, #tpu.memory_space<vmem>>)
    %dma_wait3A_2382 = arith.constant 8 : i32
    %dma_wait3A_2383 = arith.constant 0 : i32
    %dma_wait3A_2384 = tpu.memref_slice %arg9[%dma_wait3A_2382, %dma_wait3A_2383] : memref<200x128xi32, #tpu.memory_space<vmem>> -> memref<8x128xi32, #tpu.memory_space<vmem>>
    %dma_wait3A_2385 = arith.constant 0 : i32
    %dma_wait3A_2386 = tpu.memref_slice %arg3[%add3A_1987, %dma_wait3A_2385] : memref<25600x128xi32, #tpu.memory_space<hbm>> -> memref<8x128xi32, #tpu.memory_space<hbm>>
    %dma_wait3A_2387 = arith.constant 8 : i32
    %dma_wait3A_2388 = arith.constant 0 : i32
    %dma_wait3A_2389 = tpu.memref_slice %arg9[%dma_wait3A_2387, %dma_wait3A_2388] : memref<200x128xi32, #tpu.memory_space<vmem>> -> memref<8x128xi32, #tpu.memory_space<vmem>>
    %dma_wait3A_2390 = arith.constant 0 : i32
    %dma_wait3A_2391 = tpu.memref_slice %arg3[%add3A_1987, %dma_wait3A_2390] : memref<25600x128xi32, #tpu.memory_space<hbm>> -> memref<8x128xi32, #tpu.memory_space<hbm>>
    tpu.wait_dma2 semaphore(%arg14 : memref<!tpu.dma_semaphore, #tpu.memory_space<semaphore_mem>>) src(%dma_wait3A_2391 : memref<8x128xi32, #tpu.memory_space<hbm>>) dst(%dma_wait3A_2389 : memref<8x128xi32, #tpu.memory_space<vmem>>)
    %dma_wait3A_2392 = arith.constant 16 : i32
    %dma_wait3A_2393 = arith.constant 0 : i32
    %dma_wait3A_2394 = tpu.memref_slice %arg9[%dma_wait3A_2392, %dma_wait3A_2393] : memref<200x128xi32, #tpu.memory_space<vmem>> -> memref<8x128xi32, #tpu.memory_space<vmem>>
    %dma_wait3A_2395 = arith.constant 0 : i32
    %dma_wait3A_2396 = tpu.memref_slice %arg3[%add3A_2003, %dma_wait3A_2395] : memref<25600x128xi32, #tpu.memory_space<hbm>> -> memref<8x128xi32, #tpu.memory_space<hbm>>
    %dma_wait3A_2397 = arith.constant 16 : i32
    %dma_wait3A_2398 = arith.constant 0 : i32
    %dma_wait3A_2399 = tpu.memref_slice %arg9[%dma_wait3A_2397, %dma_wait3A_2398] : memref<200x128xi32, #tpu.memory_space<vmem>> -> memref<8x128xi32, #tpu.memory_space<vmem>>
    %dma_wait3A_2400 = arith.constant 0 : i32
    %dma_wait3A_2401 = tpu.memref_slice %arg3[%add3A_2003, %dma_wait3A_2400] : memref<25600x128xi32, #tpu.memory_space<hbm>> -> memref<8x128xi32, #tpu.memory_space<hbm>>
    tpu.wait_dma2 semaphore(%arg14 : memref<!tpu.dma_semaphore, #tpu.memory_space<semaphore_mem>>) src(%dma_wait3A_2401 : memref<8x128xi32, #tpu.memory_space<hbm>>) dst(%dma_wait3A_2399 : memref<8x128xi32, #tpu.memory_space<vmem>>)
    %dma_wait3A_2402 = arith.constant 24 : i32
    %dma_wait3A_2403 = arith.constant 0 : i32
    %dma_wait3A_2404 = tpu.memref_slice %arg9[%dma_wait3A_2402, %dma_wait3A_2403] : memref<200x128xi32, #tpu.memory_space<vmem>> -> memref<8x128xi32, #tpu.memory_space<vmem>>
    %dma_wait3A_2405 = arith.constant 0 : i32
    %dma_wait3A_2406 = tpu.memref_slice %arg3[%add3A_2019, %dma_wait3A_2405] : memref<25600x128xi32, #tpu.memory_space<hbm>> -> memref<8x128xi32, #tpu.memory_space<hbm>>
    %dma_wait3A_2407 = arith.constant 24 : i32
    %dma_wait3A_2408 = arith.constant 0 : i32
    %dma_wait3A_2409 = tpu.memref_slice %arg9[%dma_wait3A_2407, %dma_wait3A_2408] : memref<200x128xi32, #tpu.memory_space<vmem>> -> memref<8x128xi32, #tpu.memory_space<vmem>>
    %dma_wait3A_2410 = arith.constant 0 : i32
    %dma_wait3A_2411 = tpu.memref_slice %arg3[%add3A_2019, %dma_wait3A_2410] : memref<25600x128xi32, #tpu.memory_space<hbm>> -> memref<8x128xi32, #tpu.memory_space<hbm>>
    tpu.wait_dma2 semaphore(%arg14 : memref<!tpu.dma_semaphore, #tpu.memory_space<semaphore_mem>>) src(%dma_wait3A_2411 : memref<8x128xi32, #tpu.memory_space<hbm>>) dst(%dma_wait3A_2409 : memref<8x128xi32, #tpu.memory_space<vmem>>)
    %dma_wait3A_2412 = arith.constant 32 : i32
    %dma_wait3A_2413 = arith.constant 0 : i32
    %dma_wait3A_2414 = tpu.memref_slice %arg9[%dma_wait3A_2412, %dma_wait3A_2413] : memref<200x128xi32, #tpu.memory_space<vmem>> -> memref<8x128xi32, #tpu.memory_space<vmem>>
    %dma_wait3A_2415 = arith.constant 0 : i32
    %dma_wait3A_2416 = tpu.memref_slice %arg3[%add3A_2035, %dma_wait3A_2415] : memref<25600x128xi32, #tpu.memory_space<hbm>> -> memref<8x128xi32, #tpu.memory_space<hbm>>
    %dma_wait3A_2417 = arith.constant 32 : i32
    %dma_wait3A_2418 = arith.constant 0 : i32
    %dma_wait3A_2419 = tpu.memref_slice %arg9[%dma_wait3A_2417, %dma_wait3A_2418] : memref<200x128xi32, #tpu.memory_space<vmem>> -> memref<8x128xi32, #tpu.memory_space<vmem>>
    %dma_wait3A_2420 = arith.constant 0 : i32
    %dma_wait3A_2421 = tpu.memref_slice %arg3[%add3A_2035, %dma_wait3A_2420] : memref<25600x128xi32, #tpu.memory_space<hbm>> -> memref<8x128xi32, #tpu.memory_space<hbm>>
    tpu.wait_dma2 semaphore(%arg14 : memref<!tpu.dma_semaphore, #tpu.memory_space<semaphore_mem>>) src(%dma_wait3A_2421 : memref<8x128xi32, #tpu.memory_space<hbm>>) dst(%dma_wait3A_2419 : memref<8x128xi32, #tpu.memory_space<vmem>>)
    %dma_wait3A_2422 = arith.constant 40 : i32
    %dma_wait3A_2423 = arith.constant 0 : i32
    %dma_wait3A_2424 = tpu.memref_slice %arg9[%dma_wait3A_2422, %dma_wait3A_2423] : memref<200x128xi32, #tpu.memory_space<vmem>> -> memref<8x128xi32, #tpu.memory_space<vmem>>
    %dma_wait3A_2425 = arith.constant 0 : i32
    %dma_wait3A_2426 = tpu.memref_slice %arg3[%add3A_2051, %dma_wait3A_2425] : memref<25600x128xi32, #tpu.memory_space<hbm>> -> memref<8x128xi32, #tpu.memory_space<hbm>>
    %dma_wait3A_2427 = arith.constant 40 : i32
    %dma_wait3A_2428 = arith.constant 0 : i32
    %dma_wait3A_2429 = tpu.memref_slice %arg9[%dma_wait3A_2427, %dma_wait3A_2428] : memref<200x128xi32, #tpu.memory_space<vmem>> -> memref<8x128xi32, #tpu.memory_space<vmem>>
    %dma_wait3A_2430 = arith.constant 0 : i32
    %dma_wait3A_2431 = tpu.memref_slice %arg3[%add3A_2051, %dma_wait3A_2430] : memref<25600x128xi32, #tpu.memory_space<hbm>> -> memref<8x128xi32, #tpu.memory_space<hbm>>
    tpu.wait_dma2 semaphore(%arg14 : memref<!tpu.dma_semaphore, #tpu.memory_space<semaphore_mem>>) src(%dma_wait3A_2431 : memref<8x128xi32, #tpu.memory_space<hbm>>) dst(%dma_wait3A_2429 : memref<8x128xi32, #tpu.memory_space<vmem>>)
    %dma_wait3A_2432 = arith.constant 48 : i32
    %dma_wait3A_2433 = arith.constant 0 : i32
    %dma_wait3A_2434 = tpu.memref_slice %arg9[%dma_wait3A_2432, %dma_wait3A_2433] : memref<200x128xi32, #tpu.memory_space<vmem>> -> memref<8x128xi32, #tpu.memory_space<vmem>>
    %dma_wait3A_2435 = arith.constant 0 : i32
    %dma_wait3A_2436 = tpu.memref_slice %arg3[%add3A_2067, %dma_wait3A_2435] : memref<25600x128xi32, #tpu.memory_space<hbm>> -> memref<8x128xi32, #tpu.memory_space<hbm>>
    %dma_wait3A_2437 = arith.constant 48 : i32
    %dma_wait3A_2438 = arith.constant 0 : i32
    %dma_wait3A_2439 = tpu.memref_slice %arg9[%dma_wait3A_2437, %dma_wait3A_2438] : memref<200x128xi32, #tpu.memory_space<vmem>> -> memref<8x128xi32, #tpu.memory_space<vmem>>
    %dma_wait3A_2440 = arith.constant 0 : i32
    %dma_wait3A_2441 = tpu.memref_slice %arg3[%add3A_2067, %dma_wait3A_2440] : memref<25600x128xi32, #tpu.memory_space<hbm>> -> memref<8x128xi32, #tpu.memory_space<hbm>>
    tpu.wait_dma2 semaphore(%arg14 : memref<!tpu.dma_semaphore, #tpu.memory_space<semaphore_mem>>) src(%dma_wait3A_2441 : memref<8x128xi32, #tpu.memory_space<hbm>>) dst(%dma_wait3A_2439 : memref<8x128xi32, #tpu.memory_space<vmem>>)
    %dma_wait3A_2442 = arith.constant 56 : i32
    %dma_wait3A_2443 = arith.constant 0 : i32
    %dma_wait3A_2444 = tpu.memref_slice %arg9[%dma_wait3A_2442, %dma_wait3A_2443] : memref<200x128xi32, #tpu.memory_space<vmem>> -> memref<8x128xi32, #tpu.memory_space<vmem>>
    %dma_wait3A_2445 = arith.constant 0 : i32
    %dma_wait3A_2446 = tpu.memref_slice %arg3[%add3A_2083, %dma_wait3A_2445] : memref<25600x128xi32, #tpu.memory_space<hbm>> -> memref<8x128xi32, #tpu.memory_space<hbm>>
    %dma_wait3A_2447 = arith.constant 56 : i32
    %dma_wait3A_2448 = arith.constant 0 : i32
    %dma_wait3A_2449 = tpu.memref_slice %arg9[%dma_wait3A_2447, %dma_wait3A_2448] : memref<200x128xi32, #tpu.memory_space<vmem>> -> memref<8x128xi32, #tpu.memory_space<vmem>>
    %dma_wait3A_2450 = arith.constant 0 : i32
    %dma_wait3A_2451 = tpu.memref_slice %arg3[%add3A_2083, %dma_wait3A_2450] : memref<25600x128xi32, #tpu.memory_space<hbm>> -> memref<8x128xi32, #tpu.memory_space<hbm>>
    tpu.wait_dma2 semaphore(%arg14 : memref<!tpu.dma_semaphore, #tpu.memory_space<semaphore_mem>>) src(%dma_wait3A_2451 : memref<8x128xi32, #tpu.memory_space<hbm>>) dst(%dma_wait3A_2449 : memref<8x128xi32, #tpu.memory_space<vmem>>)
    %dma_wait3A_2452 = arith.constant 64 : i32
    %dma_wait3A_2453 = arith.constant 0 : i32
    %dma_wait3A_2454 = tpu.memref_slice %arg9[%dma_wait3A_2452, %dma_wait3A_2453] : memref<200x128xi32, #tpu.memory_space<vmem>> -> memref<8x128xi32, #tpu.memory_space<vmem>>
    %dma_wait3A_2455 = arith.constant 0 : i32
    %dma_wait3A_2456 = tpu.memref_slice %arg3[%add3A_2099, %dma_wait3A_2455] : memref<25600x128xi32, #tpu.memory_space<hbm>> -> memref<8x128xi32, #tpu.memory_space<hbm>>
    %dma_wait3A_2457 = arith.constant 64 : i32
    %dma_wait3A_2458 = arith.constant 0 : i32
    %dma_wait3A_2459 = tpu.memref_slice %arg9[%dma_wait3A_2457, %dma_wait3A_2458] : memref<200x128xi32, #tpu.memory_space<vmem>> -> memref<8x128xi32, #tpu.memory_space<vmem>>
    %dma_wait3A_2460 = arith.constant 0 : i32
    %dma_wait3A_2461 = tpu.memref_slice %arg3[%add3A_2099, %dma_wait3A_2460] : memref<25600x128xi32, #tpu.memory_space<hbm>> -> memref<8x128xi32, #tpu.memory_space<hbm>>
    tpu.wait_dma2 semaphore(%arg14 : memref<!tpu.dma_semaphore, #tpu.memory_space<semaphore_mem>>) src(%dma_wait3A_2461 : memref<8x128xi32, #tpu.memory_space<hbm>>) dst(%dma_wait3A_2459 : memref<8x128xi32, #tpu.memory_space<vmem>>)
    %dma_wait3A_2462 = arith.constant 72 : i32
    %dma_wait3A_2463 = arith.constant 0 : i32
    %dma_wait3A_2464 = tpu.memref_slice %arg9[%dma_wait3A_2462, %dma_wait3A_2463] : memref<200x128xi32, #tpu.memory_space<vmem>> -> memref<8x128xi32, #tpu.memory_space<vmem>>
    %dma_wait3A_2465 = arith.constant 0 : i32
    %dma_wait3A_2466 = tpu.memref_slice %arg3[%add3A_2115, %dma_wait3A_2465] : memref<25600x128xi32, #tpu.memory_space<hbm>> -> memref<8x128xi32, #tpu.memory_space<hbm>>
    %dma_wait3A_2467 = arith.constant 72 : i32
    %dma_wait3A_2468 = arith.constant 0 : i32
    %dma_wait3A_2469 = tpu.memref_slice %arg9[%dma_wait3A_2467, %dma_wait3A_2468] : memref<200x128xi32, #tpu.memory_space<vmem>> -> memref<8x128xi32, #tpu.memory_space<vmem>>
    %dma_wait3A_2470 = arith.constant 0 : i32
    %dma_wait3A_2471 = tpu.memref_slice %arg3[%add3A_2115, %dma_wait3A_2470] : memref<25600x128xi32, #tpu.memory_space<hbm>> -> memref<8x128xi32, #tpu.memory_space<hbm>>
    tpu.wait_dma2 semaphore(%arg14 : memref<!tpu.dma_semaphore, #tpu.memory_space<semaphore_mem>>) src(%dma_wait3A_2471 : memref<8x128xi32, #tpu.memory_space<hbm>>) dst(%dma_wait3A_2469 : memref<8x128xi32, #tpu.memory_space<vmem>>)
    %dma_wait3A_2472 = arith.constant 80 : i32
    %dma_wait3A_2473 = arith.constant 0 : i32
    %dma_wait3A_2474 = tpu.memref_slice %arg9[%dma_wait3A_2472, %dma_wait3A_2473] : memref<200x128xi32, #tpu.memory_space<vmem>> -> memref<8x128xi32, #tpu.memory_space<vmem>>
    %dma_wait3A_2475 = arith.constant 0 : i32
    %dma_wait3A_2476 = tpu.memref_slice %arg3[%add3A_2131, %dma_wait3A_2475] : memref<25600x128xi32, #tpu.memory_space<hbm>> -> memref<8x128xi32, #tpu.memory_space<hbm>>
    %dma_wait3A_2477 = arith.constant 80 : i32
    %dma_wait3A_2478 = arith.constant 0 : i32
    %dma_wait3A_2479 = tpu.memref_slice %arg9[%dma_wait3A_2477, %dma_wait3A_2478] : memref<200x128xi32, #tpu.memory_space<vmem>> -> memref<8x128xi32, #tpu.memory_space<vmem>>
    %dma_wait3A_2480 = arith.constant 0 : i32
    %dma_wait3A_2481 = tpu.memref_slice %arg3[%add3A_2131, %dma_wait3A_2480] : memref<25600x128xi32, #tpu.memory_space<hbm>> -> memref<8x128xi32, #tpu.memory_space<hbm>>
    tpu.wait_dma2 semaphore(%arg14 : memref<!tpu.dma_semaphore, #tpu.memory_space<semaphore_mem>>) src(%dma_wait3A_2481 : memref<8x128xi32, #tpu.memory_space<hbm>>) dst(%dma_wait3A_2479 : memref<8x128xi32, #tpu.memory_space<vmem>>)
    %dma_wait3A_2482 = arith.constant 88 : i32
    %dma_wait3A_2483 = arith.constant 0 : i32
    %dma_wait3A_2484 = tpu.memref_slice %arg9[%dma_wait3A_2482, %dma_wait3A_2483] : memref<200x128xi32, #tpu.memory_space<vmem>> -> memref<8x128xi32, #tpu.memory_space<vmem>>
    %dma_wait3A_2485 = arith.constant 0 : i32
    %dma_wait3A_2486 = tpu.memref_slice %arg3[%add3A_2147, %dma_wait3A_2485] : memref<25600x128xi32, #tpu.memory_space<hbm>> -> memref<8x128xi32, #tpu.memory_space<hbm>>
    %dma_wait3A_2487 = arith.constant 88 : i32
    %dma_wait3A_2488 = arith.constant 0 : i32
    %dma_wait3A_2489 = tpu.memref_slice %arg9[%dma_wait3A_2487, %dma_wait3A_2488] : memref<200x128xi32, #tpu.memory_space<vmem>> -> memref<8x128xi32, #tpu.memory_space<vmem>>
    %dma_wait3A_2490 = arith.constant 0 : i32
    %dma_wait3A_2491 = tpu.memref_slice %arg3[%add3A_2147, %dma_wait3A_2490] : memref<25600x128xi32, #tpu.memory_space<hbm>> -> memref<8x128xi32, #tpu.memory_space<hbm>>
    tpu.wait_dma2 semaphore(%arg14 : memref<!tpu.dma_semaphore, #tpu.memory_space<semaphore_mem>>) src(%dma_wait3A_2491 : memref<8x128xi32, #tpu.memory_space<hbm>>) dst(%dma_wait3A_2489 : memref<8x128xi32, #tpu.memory_space<vmem>>)
    %dma_wait3A_2492 = arith.constant 96 : i32
    %dma_wait3A_2493 = arith.constant 0 : i32
    %dma_wait3A_2494 = tpu.memref_slice %arg9[%dma_wait3A_2492, %dma_wait3A_2493] : memref<200x128xi32, #tpu.memory_space<vmem>> -> memref<8x128xi32, #tpu.memory_space<vmem>>
    %dma_wait3A_2495 = arith.constant 0 : i32
    %dma_wait3A_2496 = tpu.memref_slice %arg3[%add3A_2163, %dma_wait3A_2495] : memref<25600x128xi32, #tpu.memory_space<hbm>> -> memref<8x128xi32, #tpu.memory_space<hbm>>
    %dma_wait3A_2497 = arith.constant 96 : i32
    %dma_wait3A_2498 = arith.constant 0 : i32
    %dma_wait3A_2499 = tpu.memref_slice %arg9[%dma_wait3A_2497, %dma_wait3A_2498] : memref<200x128xi32, #tpu.memory_space<vmem>> -> memref<8x128xi32, #tpu.memory_space<vmem>>
    %dma_wait3A_2500 = arith.constant 0 : i32
    %dma_wait3A_2501 = tpu.memref_slice %arg3[%add3A_2163, %dma_wait3A_2500] : memref<25600x128xi32, #tpu.memory_space<hbm>> -> memref<8x128xi32, #tpu.memory_space<hbm>>
    tpu.wait_dma2 semaphore(%arg14 : memref<!tpu.dma_semaphore, #tpu.memory_space<semaphore_mem>>) src(%dma_wait3A_2501 : memref<8x128xi32, #tpu.memory_space<hbm>>) dst(%dma_wait3A_2499 : memref<8x128xi32, #tpu.memory_space<vmem>>)
    %dma_wait3A_2502 = arith.constant 104 : i32
    %dma_wait3A_2503 = arith.constant 0 : i32
    %dma_wait3A_2504 = tpu.memref_slice %arg9[%dma_wait3A_2502, %dma_wait3A_2503] : memref<200x128xi32, #tpu.memory_space<vmem>> -> memref<8x128xi32, #tpu.memory_space<vmem>>
    %dma_wait3A_2505 = arith.constant 0 : i32
    %dma_wait3A_2506 = tpu.memref_slice %arg3[%add3A_2179, %dma_wait3A_2505] : memref<25600x128xi32, #tpu.memory_space<hbm>> -> memref<8x128xi32, #tpu.memory_space<hbm>>
    %dma_wait3A_2507 = arith.constant 104 : i32
    %dma_wait3A_2508 = arith.constant 0 : i32
    %dma_wait3A_2509 = tpu.memref_slice %arg9[%dma_wait3A_2507, %dma_wait3A_2508] : memref<200x128xi32, #tpu.memory_space<vmem>> -> memref<8x128xi32, #tpu.memory_space<vmem>>
    %dma_wait3A_2510 = arith.constant 0 : i32
    %dma_wait3A_2511 = tpu.memref_slice %arg3[%add3A_2179, %dma_wait3A_2510] : memref<25600x128xi32, #tpu.memory_space<hbm>> -> memref<8x128xi32, #tpu.memory_space<hbm>>
    tpu.wait_dma2 semaphore(%arg14 : memref<!tpu.dma_semaphore, #tpu.memory_space<semaphore_mem>>) src(%dma_wait3A_2511 : memref<8x128xi32, #tpu.memory_space<hbm>>) dst(%dma_wait3A_2509 : memref<8x128xi32, #tpu.memory_space<vmem>>)
    %dma_wait3A_2512 = arith.constant 112 : i32
    %dma_wait3A_2513 = arith.constant 0 : i32
    %dma_wait3A_2514 = tpu.memref_slice %arg9[%dma_wait3A_2512, %dma_wait3A_2513] : memref<200x128xi32, #tpu.memory_space<vmem>> -> memref<8x128xi32, #tpu.memory_space<vmem>>
    %dma_wait3A_2515 = arith.constant 0 : i32
    %dma_wait3A_2516 = tpu.memref_slice %arg3[%add3A_2195, %dma_wait3A_2515] : memref<25600x128xi32, #tpu.memory_space<hbm>> -> memref<8x128xi32, #tpu.memory_space<hbm>>
    %dma_wait3A_2517 = arith.constant 112 : i32
    %dma_wait3A_2518 = arith.constant 0 : i32
    %dma_wait3A_2519 = tpu.memref_slice %arg9[%dma_wait3A_2517, %dma_wait3A_2518] : memref<200x128xi32, #tpu.memory_space<vmem>> -> memref<8x128xi32, #tpu.memory_space<vmem>>
    %dma_wait3A_2520 = arith.constant 0 : i32
    %dma_wait3A_2521 = tpu.memref_slice %arg3[%add3A_2195, %dma_wait3A_2520] : memref<25600x128xi32, #tpu.memory_space<hbm>> -> memref<8x128xi32, #tpu.memory_space<hbm>>
    tpu.wait_dma2 semaphore(%arg14 : memref<!tpu.dma_semaphore, #tpu.memory_space<semaphore_mem>>) src(%dma_wait3A_2521 : memref<8x128xi32, #tpu.memory_space<hbm>>) dst(%dma_wait3A_2519 : memref<8x128xi32, #tpu.memory_space<vmem>>)
    %dma_wait3A_2522 = arith.constant 120 : i32
    %dma_wait3A_2523 = arith.constant 0 : i32
    %dma_wait3A_2524 = tpu.memref_slice %arg9[%dma_wait3A_2522, %dma_wait3A_2523] : memref<200x128xi32, #tpu.memory_space<vmem>> -> memref<8x128xi32, #tpu.memory_space<vmem>>
    %dma_wait3A_2525 = arith.constant 0 : i32
    %dma_wait3A_2526 = tpu.memref_slice %arg3[%add3A_2211, %dma_wait3A_2525] : memref<25600x128xi32, #tpu.memory_space<hbm>> -> memref<8x128xi32, #tpu.memory_space<hbm>>
    %dma_wait3A_2527 = arith.constant 120 : i32
    %dma_wait3A_2528 = arith.constant 0 : i32
    %dma_wait3A_2529 = tpu.memref_slice %arg9[%dma_wait3A_2527, %dma_wait3A_2528] : memref<200x128xi32, #tpu.memory_space<vmem>> -> memref<8x128xi32, #tpu.memory_space<vmem>>
    %dma_wait3A_2530 = arith.constant 0 : i32
    %dma_wait3A_2531 = tpu.memref_slice %arg3[%add3A_2211, %dma_wait3A_2530] : memref<25600x128xi32, #tpu.memory_space<hbm>> -> memref<8x128xi32, #tpu.memory_space<hbm>>
    tpu.wait_dma2 semaphore(%arg14 : memref<!tpu.dma_semaphore, #tpu.memory_space<semaphore_mem>>) src(%dma_wait3A_2531 : memref<8x128xi32, #tpu.memory_space<hbm>>) dst(%dma_wait3A_2529 : memref<8x128xi32, #tpu.memory_space<vmem>>)
    %dma_wait3A_2532 = arith.constant 128 : i32
    %dma_wait3A_2533 = arith.constant 0 : i32
    %dma_wait3A_2534 = tpu.memref_slice %arg9[%dma_wait3A_2532, %dma_wait3A_2533] : memref<200x128xi32, #tpu.memory_space<vmem>> -> memref<8x128xi32, #tpu.memory_space<vmem>>
    %dma_wait3A_2535 = arith.constant 0 : i32
    %dma_wait3A_2536 = tpu.memref_slice %arg3[%add3A_2227, %dma_wait3A_2535] : memref<25600x128xi32, #tpu.memory_space<hbm>> -> memref<8x128xi32, #tpu.memory_space<hbm>>
    %dma_wait3A_2537 = arith.constant 128 : i32
    %dma_wait3A_2538 = arith.constant 0 : i32
    %dma_wait3A_2539 = tpu.memref_slice %arg9[%dma_wait3A_2537, %dma_wait3A_2538] : memref<200x128xi32, #tpu.memory_space<vmem>> -> memref<8x128xi32, #tpu.memory_space<vmem>>
    %dma_wait3A_2540 = arith.constant 0 : i32
    %dma_wait3A_2541 = tpu.memref_slice %arg3[%add3A_2227, %dma_wait3A_2540] : memref<25600x128xi32, #tpu.memory_space<hbm>> -> memref<8x128xi32, #tpu.memory_space<hbm>>
    tpu.wait_dma2 semaphore(%arg14 : memref<!tpu.dma_semaphore, #tpu.memory_space<semaphore_mem>>) src(%dma_wait3A_2541 : memref<8x128xi32, #tpu.memory_space<hbm>>) dst(%dma_wait3A_2539 : memref<8x128xi32, #tpu.memory_space<vmem>>)
    %dma_wait3A_2542 = arith.constant 136 : i32
    %dma_wait3A_2543 = arith.constant 0 : i32
    %dma_wait3A_2544 = tpu.memref_slice %arg9[%dma_wait3A_2542, %dma_wait3A_2543] : memref<200x128xi32, #tpu.memory_space<vmem>> -> memref<8x128xi32, #tpu.memory_space<vmem>>
    %dma_wait3A_2545 = arith.constant 0 : i32
    %dma_wait3A_2546 = tpu.memref_slice %arg3[%add3A_2243, %dma_wait3A_2545] : memref<25600x128xi32, #tpu.memory_space<hbm>> -> memref<8x128xi32, #tpu.memory_space<hbm>>
    %dma_wait3A_2547 = arith.constant 136 : i32
    %dma_wait3A_2548 = arith.constant 0 : i32
    %dma_wait3A_2549 = tpu.memref_slice %arg9[%dma_wait3A_2547, %dma_wait3A_2548] : memref<200x128xi32, #tpu.memory_space<vmem>> -> memref<8x128xi32, #tpu.memory_space<vmem>>
    %dma_wait3A_2550 = arith.constant 0 : i32
    %dma_wait3A_2551 = tpu.memref_slice %arg3[%add3A_2243, %dma_wait3A_2550] : memref<25600x128xi32, #tpu.memory_space<hbm>> -> memref<8x128xi32, #tpu.memory_space<hbm>>
    tpu.wait_dma2 semaphore(%arg14 : memref<!tpu.dma_semaphore, #tpu.memory_space<semaphore_mem>>) src(%dma_wait3A_2551 : memref<8x128xi32, #tpu.memory_space<hbm>>) dst(%dma_wait3A_2549 : memref<8x128xi32, #tpu.memory_space<vmem>>)
    %dma_wait3A_2552 = arith.constant 144 : i32
    %dma_wait3A_2553 = arith.constant 0 : i32
    %dma_wait3A_2554 = tpu.memref_slice %arg9[%dma_wait3A_2552, %dma_wait3A_2553] : memref<200x128xi32, #tpu.memory_space<vmem>> -> memref<8x128xi32, #tpu.memory_space<vmem>>
    %dma_wait3A_2555 = arith.constant 0 : i32
    %dma_wait3A_2556 = tpu.memref_slice %arg3[%add3A_2259, %dma_wait3A_2555] : memref<25600x128xi32, #tpu.memory_space<hbm>> -> memref<8x128xi32, #tpu.memory_space<hbm>>
    %dma_wait3A_2557 = arith.constant 144 : i32
    %dma_wait3A_2558 = arith.constant 0 : i32
    %dma_wait3A_2559 = tpu.memref_slice %arg9[%dma_wait3A_2557, %dma_wait3A_2558] : memref<200x128xi32, #tpu.memory_space<vmem>> -> memref<8x128xi32, #tpu.memory_space<vmem>>
    %dma_wait3A_2560 = arith.constant 0 : i32
    %dma_wait3A_2561 = tpu.memref_slice %arg3[%add3A_2259, %dma_wait3A_2560] : memref<25600x128xi32, #tpu.memory_space<hbm>> -> memref<8x128xi32, #tpu.memory_space<hbm>>
    tpu.wait_dma2 semaphore(%arg14 : memref<!tpu.dma_semaphore, #tpu.memory_space<semaphore_mem>>) src(%dma_wait3A_2561 : memref<8x128xi32, #tpu.memory_space<hbm>>) dst(%dma_wait3A_2559 : memref<8x128xi32, #tpu.memory_space<vmem>>)
    %dma_wait3A_2562 = arith.constant 152 : i32
    %dma_wait3A_2563 = arith.constant 0 : i32
    %dma_wait3A_2564 = tpu.memref_slice %arg9[%dma_wait3A_2562, %dma_wait3A_2563] : memref<200x128xi32, #tpu.memory_space<vmem>> -> memref<8x128xi32, #tpu.memory_space<vmem>>
    %dma_wait3A_2565 = arith.constant 0 : i32
    %dma_wait3A_2566 = tpu.memref_slice %arg3[%add3A_2275, %dma_wait3A_2565] : memref<25600x128xi32, #tpu.memory_space<hbm>> -> memref<8x128xi32, #tpu.memory_space<hbm>>
    %dma_wait3A_2567 = arith.constant 152 : i32
    %dma_wait3A_2568 = arith.constant 0 : i32
    %dma_wait3A_2569 = tpu.memref_slice %arg9[%dma_wait3A_2567, %dma_wait3A_2568] : memref<200x128xi32, #tpu.memory_space<vmem>> -> memref<8x128xi32, #tpu.memory_space<vmem>>
    %dma_wait3A_2570 = arith.constant 0 : i32
    %dma_wait3A_2571 = tpu.memref_slice %arg3[%add3A_2275, %dma_wait3A_2570] : memref<25600x128xi32, #tpu.memory_space<hbm>> -> memref<8x128xi32, #tpu.memory_space<hbm>>
    tpu.wait_dma2 semaphore(%arg14 : memref<!tpu.dma_semaphore, #tpu.memory_space<semaphore_mem>>) src(%dma_wait3A_2571 : memref<8x128xi32, #tpu.memory_space<hbm>>) dst(%dma_wait3A_2569 : memref<8x128xi32, #tpu.memory_space<vmem>>)
    %dma_wait3A_2572 = arith.constant 160 : i32
    %dma_wait3A_2573 = arith.constant 0 : i32
    %dma_wait3A_2574 = tpu.memref_slice %arg9[%dma_wait3A_2572, %dma_wait3A_2573] : memref<200x128xi32, #tpu.memory_space<vmem>> -> memref<8x128xi32, #tpu.memory_space<vmem>>
    %dma_wait3A_2575 = arith.constant 0 : i32
    %dma_wait3A_2576 = tpu.memref_slice %arg3[%add3A_2291, %dma_wait3A_2575] : memref<25600x128xi32, #tpu.memory_space<hbm>> -> memref<8x128xi32, #tpu.memory_space<hbm>>
    %dma_wait3A_2577 = arith.constant 160 : i32
    %dma_wait3A_2578 = arith.constant 0 : i32
    %dma_wait3A_2579 = tpu.memref_slice %arg9[%dma_wait3A_2577, %dma_wait3A_2578] : memref<200x128xi32, #tpu.memory_space<vmem>> -> memref<8x128xi32, #tpu.memory_space<vmem>>
    %dma_wait3A_2580 = arith.constant 0 : i32
    %dma_wait3A_2581 = tpu.memref_slice %arg3[%add3A_2291, %dma_wait3A_2580] : memref<25600x128xi32, #tpu.memory_space<hbm>> -> memref<8x128xi32, #tpu.memory_space<hbm>>
    tpu.wait_dma2 semaphore(%arg14 : memref<!tpu.dma_semaphore, #tpu.memory_space<semaphore_mem>>) src(%dma_wait3A_2581 : memref<8x128xi32, #tpu.memory_space<hbm>>) dst(%dma_wait3A_2579 : memref<8x128xi32, #tpu.memory_space<vmem>>)
    %dma_wait3A_2582 = arith.constant 168 : i32
    %dma_wait3A_2583 = arith.constant 0 : i32
    %dma_wait3A_2584 = tpu.memref_slice %arg9[%dma_wait3A_2582, %dma_wait3A_2583] : memref<200x128xi32, #tpu.memory_space<vmem>> -> memref<8x128xi32, #tpu.memory_space<vmem>>
    %dma_wait3A_2585 = arith.constant 0 : i32
    %dma_wait3A_2586 = tpu.memref_slice %arg3[%add3A_2307, %dma_wait3A_2585] : memref<25600x128xi32, #tpu.memory_space<hbm>> -> memref<8x128xi32, #tpu.memory_space<hbm>>
    %dma_wait3A_2587 = arith.constant 168 : i32
    %dma_wait3A_2588 = arith.constant 0 : i32
    %dma_wait3A_2589 = tpu.memref_slice %arg9[%dma_wait3A_2587, %dma_wait3A_2588] : memref<200x128xi32, #tpu.memory_space<vmem>> -> memref<8x128xi32, #tpu.memory_space<vmem>>
    %dma_wait3A_2590 = arith.constant 0 : i32
    %dma_wait3A_2591 = tpu.memref_slice %arg3[%add3A_2307, %dma_wait3A_2590] : memref<25600x128xi32, #tpu.memory_space<hbm>> -> memref<8x128xi32, #tpu.memory_space<hbm>>
    tpu.wait_dma2 semaphore(%arg14 : memref<!tpu.dma_semaphore, #tpu.memory_space<semaphore_mem>>) src(%dma_wait3A_2591 : memref<8x128xi32, #tpu.memory_space<hbm>>) dst(%dma_wait3A_2589 : memref<8x128xi32, #tpu.memory_space<vmem>>)
    %dma_wait3A_2592 = arith.constant 176 : i32
    %dma_wait3A_2593 = arith.constant 0 : i32
    %dma_wait3A_2594 = tpu.memref_slice %arg9[%dma_wait3A_2592, %dma_wait3A_2593] : memref<200x128xi32, #tpu.memory_space<vmem>> -> memref<8x128xi32, #tpu.memory_space<vmem>>
    %dma_wait3A_2595 = arith.constant 0 : i32
    %dma_wait3A_2596 = tpu.memref_slice %arg3[%add3A_2323, %dma_wait3A_2595] : memref<25600x128xi32, #tpu.memory_space<hbm>> -> memref<8x128xi32, #tpu.memory_space<hbm>>
    %dma_wait3A_2597 = arith.constant 176 : i32
    %dma_wait3A_2598 = arith.constant 0 : i32
    %dma_wait3A_2599 = tpu.memref_slice %arg9[%dma_wait3A_2597, %dma_wait3A_2598] : memref<200x128xi32, #tpu.memory_space<vmem>> -> memref<8x128xi32, #tpu.memory_space<vmem>>
    %dma_wait3A_2600 = arith.constant 0 : i32
    %dma_wait3A_2601 = tpu.memref_slice %arg3[%add3A_2323, %dma_wait3A_2600] : memref<25600x128xi32, #tpu.memory_space<hbm>> -> memref<8x128xi32, #tpu.memory_space<hbm>>
    tpu.wait_dma2 semaphore(%arg14 : memref<!tpu.dma_semaphore, #tpu.memory_space<semaphore_mem>>) src(%dma_wait3A_2601 : memref<8x128xi32, #tpu.memory_space<hbm>>) dst(%dma_wait3A_2599 : memref<8x128xi32, #tpu.memory_space<vmem>>)
    %dma_wait3A_2602 = arith.constant 184 : i32
    %dma_wait3A_2603 = arith.constant 0 : i32
    %dma_wait3A_2604 = tpu.memref_slice %arg9[%dma_wait3A_2602, %dma_wait3A_2603] : memref<200x128xi32, #tpu.memory_space<vmem>> -> memref<8x128xi32, #tpu.memory_space<vmem>>
    %dma_wait3A_2605 = arith.constant 0 : i32
    %dma_wait3A_2606 = tpu.memref_slice %arg3[%add3A_2339, %dma_wait3A_2605] : memref<25600x128xi32, #tpu.memory_space<hbm>> -> memref<8x128xi32, #tpu.memory_space<hbm>>
    %dma_wait3A_2607 = arith.constant 184 : i32
    %dma_wait3A_2608 = arith.constant 0 : i32
    %dma_wait3A_2609 = tpu.memref_slice %arg9[%dma_wait3A_2607, %dma_wait3A_2608] : memref<200x128xi32, #tpu.memory_space<vmem>> -> memref<8x128xi32, #tpu.memory_space<vmem>>
    %dma_wait3A_2610 = arith.constant 0 : i32
    %dma_wait3A_2611 = tpu.memref_slice %arg3[%add3A_2339, %dma_wait3A_2610] : memref<25600x128xi32, #tpu.memory_space<hbm>> -> memref<8x128xi32, #tpu.memory_space<hbm>>
    tpu.wait_dma2 semaphore(%arg14 : memref<!tpu.dma_semaphore, #tpu.memory_space<semaphore_mem>>) src(%dma_wait3A_2611 : memref<8x128xi32, #tpu.memory_space<hbm>>) dst(%dma_wait3A_2609 : memref<8x128xi32, #tpu.memory_space<vmem>>)
    %dma_wait3A_2612 = arith.constant 192 : i32
    %dma_wait3A_2613 = arith.constant 0 : i32
    %dma_wait3A_2614 = tpu.memref_slice %arg9[%dma_wait3A_2612, %dma_wait3A_2613] : memref<200x128xi32, #tpu.memory_space<vmem>> -> memref<8x128xi32, #tpu.memory_space<vmem>>
    %dma_wait3A_2615 = arith.constant 0 : i32
    %dma_wait3A_2616 = tpu.memref_slice %arg3[%add3A_2355, %dma_wait3A_2615] : memref<25600x128xi32, #tpu.memory_space<hbm>> -> memref<8x128xi32, #tpu.memory_space<hbm>>
    %dma_wait3A_2617 = arith.constant 192 : i32
    %dma_wait3A_2618 = arith.constant 0 : i32
    %dma_wait3A_2619 = tpu.memref_slice %arg9[%dma_wait3A_2617, %dma_wait3A_2618] : memref<200x128xi32, #tpu.memory_space<vmem>> -> memref<8x128xi32, #tpu.memory_space<vmem>>
    %dma_wait3A_2620 = arith.constant 0 : i32
    %dma_wait3A_2621 = tpu.memref_slice %arg3[%add3A_2355, %dma_wait3A_2620] : memref<25600x128xi32, #tpu.memory_space<hbm>> -> memref<8x128xi32, #tpu.memory_space<hbm>>
    tpu.wait_dma2 semaphore(%arg14 : memref<!tpu.dma_semaphore, #tpu.memory_space<semaphore_mem>>) src(%dma_wait3A_2621 : memref<8x128xi32, #tpu.memory_space<hbm>>) dst(%dma_wait3A_2619 : memref<8x128xi32, #tpu.memory_space<vmem>>)
    %scan3A_2622 = arith.constant 0 : i32
    %scan3A_2623 = arith.constant 0 : i32
    %scan3A_2624 = arith.constant 8 : i32
    %scan3A_2625 = arith.addi %scan3A_2623, %scan3A_2624 : i32
    %scan3A_2626 = arith.constant 1 : i32
    scf.for %scan3A_2628 = %scan3A_2623 to %scan3A_2625 step %scan3A_2626  : i32 {
      %mul3A_2629 = arith.constant 16 : i32
      %mul3A_2630 = arith.muli %scan3A_2628, %mul3A_2629 : i32
      %add3A_2631 = vector.broadcast %mul3A_2630 : i32 to vector<16xi32>
      %add3A_2632 = arith.addi %add3A_2631, %iota3A : vector<16xi32>
      %scan3A_2633 = arith.constant 0 : i32
      %scan3A_2634 = arith.constant 25 : i32
      %scan3A_2635 = arith.addi %scan3A_2633, %scan3A_2634 : i32
      %scan3A_2636 = arith.constant 1 : i32
      %scan3A_2637:3 = scf.for %scan3A_2656 = %scan3A_2633 to %scan3A_2635 step %scan3A_2636 iter_args(%scan3A_2657 = %broadcast_in_dim3A_403, %scan3A_2658 = %broadcast_in_dim3A_403, %scan3A_2659 = %broadcast_in_dim3A_405) -> (vector<16xf32>, vector<16xf32>, vector<16xi32>)  : i32 {
        %add3A_2660 = arith.constant 0 : i32
        %add3A_2661 = vector.broadcast %add3A_2660 : i32 to vector<16xi32>
        %add3A_2662 = arith.addi %scan3A_2659, %add3A_2661 : vector<16xi32>
        %gather3A = tpu.vector_load_idx %arg9[%add3A_2662, %add3A_2632] : memref<200x128xi32, #tpu.memory_space<vmem>>[vector<16xi32>, vector<16xi32>], vector<16xi32>,
        %gather3A_2663 = tpu.vector_load_idx %arg7[%gather3A] : memref<7808xf32, #tpu.memory_space<vmem>>[vector<16xi32>], vector<16xf32>,
        %add3A_2664 = arith.addf %scan3A_2657, %gather3A_2663 : vector<16xf32>
        %add3A_2665 = arith.constant 1 : i32
        %add3A_2666 = vector.broadcast %add3A_2665 : i32 to vector<16xi32>
        %add3A_2667 = arith.addi %scan3A_2659, %add3A_2666 : vector<16xi32>
        %gather3A_2668 = tpu.vector_load_idx %arg9[%add3A_2667, %add3A_2632] : memref<200x128xi32, #tpu.memory_space<vmem>>[vector<16xi32>, vector<16xi32>], vector<16xi32>,
        %gather3A_2669 = tpu.vector_load_idx %arg7[%gather3A_2668] : memref<7808xf32, #tpu.memory_space<vmem>>[vector<16xi32>], vector<16xf32>,
        %add3A_2670 = arith.addf %scan3A_2658, %gather3A_2669 : vector<16xf32>
        %add3A_2671 = arith.constant 2 : i32
        %add3A_2672 = vector.broadcast %add3A_2671 : i32 to vector<16xi32>
        %add3A_2673 = arith.addi %scan3A_2659, %add3A_2672 : vector<16xi32>
        %gather3A_2674 = tpu.vector_load_idx %arg9[%add3A_2673, %add3A_2632] : memref<200x128xi32, #tpu.memory_space<vmem>>[vector<16xi32>, vector<16xi32>], vector<16xi32>,
        %gather3A_2675 = tpu.vector_load_idx %arg7[%gather3A_2674] : memref<7808xf32, #tpu.memory_space<vmem>>[vector<16xi32>], vector<16xf32>,
        %add3A_2676 = arith.addf %add3A_2664, %gather3A_2675 : vector<16xf32>
        %add3A_2677 = arith.constant 3 : i32
        %add3A_2678 = vector.broadcast %add3A_2677 : i32 to vector<16xi32>
        %add3A_2679 = arith.addi %scan3A_2659, %add3A_2678 : vector<16xi32>
        %gather3A_2680 = tpu.vector_load_idx %arg9[%add3A_2679, %add3A_2632] : memref<200x128xi32, #tpu.memory_space<vmem>>[vector<16xi32>, vector<16xi32>], vector<16xi32>,
        %gather3A_2681 = tpu.vector_load_idx %arg7[%gather3A_2680] : memref<7808xf32, #tpu.memory_space<vmem>>[vector<16xi32>], vector<16xf32>,
        %add3A_2682 = arith.addf %add3A_2670, %gather3A_2681 : vector<16xf32>
        %add3A_2683 = arith.constant 4 : i32
        %add3A_2684 = vector.broadcast %add3A_2683 : i32 to vector<16xi32>
        %add3A_2685 = arith.addi %scan3A_2659, %add3A_2684 : vector<16xi32>
        %gather3A_2686 = tpu.vector_load_idx %arg9[%add3A_2685, %add3A_2632] : memref<200x128xi32, #tpu.memory_space<vmem>>[vector<16xi32>, vector<16xi32>], vector<16xi32>,
        %gather3A_2687 = tpu.vector_load_idx %arg7[%gather3A_2686] : memref<7808xf32, #tpu.memory_space<vmem>>[vector<16xi32>], vector<16xf32>,
        %add3A_2688 = arith.addf %add3A_2676, %gather3A_2687 : vector<16xf32>
        %add3A_2689 = arith.constant 5 : i32
        %add3A_2690 = vector.broadcast %add3A_2689 : i32 to vector<16xi32>
        %add3A_2691 = arith.addi %scan3A_2659, %add3A_2690 : vector<16xi32>
        %gather3A_2692 = tpu.vector_load_idx %arg9[%add3A_2691, %add3A_2632] : memref<200x128xi32, #tpu.memory_space<vmem>>[vector<16xi32>, vector<16xi32>], vector<16xi32>,
        %gather3A_2693 = tpu.vector_load_idx %arg7[%gather3A_2692] : memref<7808xf32, #tpu.memory_space<vmem>>[vector<16xi32>], vector<16xf32>,
        %add3A_2694 = arith.addf %add3A_2682, %gather3A_2693 : vector<16xf32>
        %add3A_2695 = arith.constant 6 : i32
        %add3A_2696 = vector.broadcast %add3A_2695 : i32 to vector<16xi32>
        %add3A_2697 = arith.addi %scan3A_2659, %add3A_2696 : vector<16xi32>
        %gather3A_2698 = tpu.vector_load_idx %arg9[%add3A_2697, %add3A_2632] : memref<200x128xi32, #tpu.memory_space<vmem>>[vector<16xi32>, vector<16xi32>], vector<16xi32>,
        %gather3A_2699 = tpu.vector_load_idx %arg7[%gather3A_2698] : memref<7808xf32, #tpu.memory_space<vmem>>[vector<16xi32>], vector<16xf32>,
        %add3A_2700 = arith.addf %add3A_2688, %gather3A_2699 : vector<16xf32>
        %add3A_2701 = arith.constant 7 : i32
        %add3A_2702 = vector.broadcast %add3A_2701 : i32 to vector<16xi32>
        %add3A_2703 = arith.addi %scan3A_2659, %add3A_2702 : vector<16xi32>
        %gather3A_2704 = tpu.vector_load_idx %arg9[%add3A_2703, %add3A_2632] : memref<200x128xi32, #tpu.memory_space<vmem>>[vector<16xi32>, vector<16xi32>], vector<16xi32>,
        %gather3A_2705 = tpu.vector_load_idx %arg7[%gather3A_2704] : memref<7808xf32, #tpu.memory_space<vmem>>[vector<16xi32>], vector<16xf32>,
        %add3A_2706 = arith.addf %add3A_2694, %gather3A_2705 : vector<16xf32>
        %add3A_2707 = arith.constant 8 : i32
        %add3A_2708 = vector.broadcast %add3A_2707 : i32 to vector<16xi32>
        %add3A_2709 = arith.addi %scan3A_2659, %add3A_2708 : vector<16xi32>
        scf.yield %add3A_2700, %add3A_2706, %add3A_2709 : vector<16xf32>, vector<16xf32>, vector<16xi32>
      }
      %scan3A_2638 = arith.constant 25 : i32
      %mul3A_2639 = arith.constant 16 : i32
      %mul3A_2640 = arith.muli %scan3A_2628, %mul3A_2639 : i32
      %add3A_2641 = arith.constant 384 : i32
      %add3A_2642 = arith.addi %add3A_2641, %mul3A_2640 : i32
      %add3A_2643 = arith.addf %scan3A_2637#0, %scan3A_2637#1 : vector<16xf32>
      %get3A_2644 = arith.index_cast %add3A_2642 : i32 to index
      %get3A_2645 = tpu.vector_load %arg10[%get3A_2644] {strides = array<i32>} : memref<512xf32, #tpu.memory_space<vmem>>, vector<16xf32>,
      %div3A = arith.divf %add3A_2643, %get3A_2645 : vector<16xf32>
      %add3A_2646 = arith.addf %div3A, %get3A_402 : vector<16xf32>
      %neg3A = arith.constant 0.000000e+00 : f32
      %neg3A_2647 = vector.broadcast %neg3A : f32 to vector<16xf32>
      %neg3A_2648 = arith.subf %neg3A_2647, %add3A_2646 : vector<16xf32>
      %exp3A = math.exp %neg3A_2648 : vector<16xf32>
      %add3A_2649 = arith.constant 1.000000e+00 : f32
      %add3A_2650 = vector.broadcast %add3A_2649 : f32 to vector<16xf32>
      %add3A_2651 = arith.addf %add3A_2650, %exp3A : vector<16xf32>
      %div3A_2652 = arith.constant 1.000000e+00 : f32
      %div3A_2653 = vector.broadcast %div3A_2652 : f32 to vector<16xf32>
      %div3A_2654 = arith.divf %div3A_2653, %add3A_2651 : vector<16xf32>
      %swap3A = arith.index_cast %add3A_2642 : i32 to index
      %swap3A_2655 = tpu.vector_load %arg12[%swap3A] {strides = array<i32>} : memref<512xf32, #tpu.memory_space<vmem>>, vector<16xf32>,
      tpu.vector_store %arg12[%swap3A], %div3A_2654 {strides = array<i32>} : memref<512xf32, #tpu.memory_space<vmem>>, vector<16xf32>,
    }
    %scan3A_2627 = arith.constant 8 : i32
    "tpu.region"() ({
      %run_scoped3A = tpu.sem_alloc : memref<!tpu.dma_semaphore, #tpu.memory_space<semaphore_mem>>
      %dma_start3A_2628 = tpu.memref_slice %arg6[%mul3A_2] : memref<16384xf32, #tpu.memory_space<hbm>> -> memref<512xf32, #tpu.memory_space<hbm>>
      %dma_start3A_2629 = tpu.memref_slice %arg6[%mul3A_2] : memref<16384xf32, #tpu.memory_space<hbm>> -> memref<512xf32, #tpu.memory_space<hbm>>
      tpu.enqueue_dma source(%arg12 : memref<512xf32, #tpu.memory_space<vmem>>) target(%dma_start3A_2629 : memref<512xf32, #tpu.memory_space<hbm>>) target_semaphore(%run_scoped3A : memref<!tpu.dma_semaphore, #tpu.memory_space<semaphore_mem>>)
      %dma_wait3A_2630 = tpu.memref_slice %arg6[%mul3A_2] : memref<16384xf32, #tpu.memory_space<hbm>> -> memref<512xf32, #tpu.memory_space<hbm>>
      %dma_wait3A_2631 = tpu.memref_slice %arg6[%mul3A_2] : memref<16384xf32, #tpu.memory_space<hbm>> -> memref<512xf32, #tpu.memory_space<hbm>>
      tpu.wait_dma2 semaphore(%run_scoped3A : memref<!tpu.dma_semaphore, #tpu.memory_space<semaphore_mem>>) src(%arg12 : memref<512xf32, #tpu.memory_space<vmem>>) dst(%dma_wait3A_2631 : memref<512xf32, #tpu.memory_space<hbm>>)
      tpu.yield
    }) : () -> ()
    return
  }
}

module attributes {stable_mosaic.version = 14 : i64} {
  func.func @_project_body(%arg0: memref<64x7808xf32, #tpu.memory_space<vmem>>, %arg1: memref<1x64xf32, #tpu.memory_space<vmem>>, %arg2: memref<1x7808xf32, #tpu.memory_space<vmem>>) attributes {dimension_semantics = [], scalar_prefetch = 0 : i64, scratch_operands = 0 : i64, tpu.core_type = #tpu.core_type<tc>} {
    %get3A = arith.constant 0 : index
    %get3A_0 = arith.constant 0 : index
    %get3A_1 = vector.load %arg0[%get3A, %get3A_0] : memref<64x7808xf32, #tpu.memory_space<vmem>>, vector<64x7808xf32>
    %get3A_2 = arith.constant 0 : index
    %get3A_3 = arith.constant 0 : index
    %get3A_4 = vector.load %arg1[%get3A_2, %get3A_3] : memref<1x64xf32, #tpu.memory_space<vmem>>, vector<1x64xf32>
    %transpose3A = tpu.transpose %get3A_4, [1, 0] : vector<1x64xf32> -> vector<64x1xf32>
    %mul3A = vector.broadcast %transpose3A : vector<64x1xf32> to vector<64x7808xf32>
    %mul3A_5 = arith.mulf %get3A_1, %mul3A : vector<64x7808xf32>
    %reduce_sum3A = arith.constant dense<0.000000e+00> : vector<7808xf32>
    %reduce_sum3A_6 = vector.multi_reduction <add>, %mul3A_5, %reduce_sum3A [0] : vector<64x7808xf32> to vector<7808xf32>
    %broadcast_in_dim3A = vector.shape_cast %reduce_sum3A_6 : vector<7808xf32> to vector<1x7808xf32>
    %swap3A = arith.constant 0 : index
    %swap3A_7 = arith.constant 0 : index
    %swap3A_8 = vector.load %arg2[%swap3A, %swap3A_7] : memref<1x7808xf32, #tpu.memory_space<vmem>>, vector<1x7808xf32>
    tpu.vector_store %arg2[%swap3A, %swap3A_7], %broadcast_in_dim3A {strides = array<i32>} : memref<1x7808xf32, #tpu.memory_space<vmem>>, vector<1x7808xf32>,
    return
  }
}

</mosaic_0001>

<sc_bundles>
// kernel: kernel.4.cloned.1.call-start
scs
__scs_entry_jumppad:
0x0: {  	(pc) =	sbr.rel $0x88, $3  }
0x1: {  	(tag) =	ssettag $0x0;
	lr =	simm.s32 $0x1  }
0x2: {  	[smem:$0x3F9C] =	sst lr;
	_ =	strace $0xD0000000  }
0x3: {  	_ = 	snop  }
0x4: {  	_ = 	snop  }
0x5: {  	_ = 	snop  }
0x6: {  	_ = 	snop  }
0x7: {  	_ = 	snop  }
__scs_overlays_trampoline_lowered:
0x8: {  	[smem:$0x3FAB] =	sst s0  }
0x9: {  	[smem:$0x3FAC] =	sst s1  }
0xa: {  	[smem:$0x3FAD] =	sst s2  }
0xb: {  	[smem:$0x3FAE] =	sst s3  }
0xc: {  	[smem:$0x3FAF] =	sst s4  }
0xd: {  	[smem:$0x3FB0] =	sst s5  }
0xe: {  	[smem:$0x3FB1] =	sst s6  }
0xf: {  	[smem:$0x3FB2] =	sst s7  }
0x10: {  	[smem:$0x3FB3] =	sst s8  }
0x11: {  	[smem:$0x3FB4] =	sst s9;
	s0 =	simm.s32 @!p0 $0x0  }
0x12: {  	s1 =	sld [smem:$0x3F9A];
	s0 =	simm.s32 @p0 $0x1  }
0x13: {  	[smem:$0x3FB5] =	sst s0;
	s0 =	simm.s32 @!p1 $0x0  }
0x14: {  	s2 =	sld [smem:$0x3F99];
	s0 =	simm.s32 @p1 $0x1  }
0x15: {  	[smem:$0x3FB6] =	sst s0;
	s0 =	simm.s32 @!p2 $0x0  }
0x16: {  	s3 =	sld [smem:$0x3FDB];
	s0 =	simm.s32 @p2 $0x1  }
0x17: {  	s4 =	simm.s32 $0x1BF5;
	[smem:$0x3FB8] =	sst s0  }
0x18: {  	s0 =	sld [smem:$0x3F9B];
	_ =	swait.ge [sflag:s4], $0x0  }
0x19: {  	s7 =	sld [smem:$0x3F9C]  }
0x1a: {  	s8 =	sadd.s32 $0xFFFFE003, lr  }
0x1b: {  	s9 =	sadd.s32 $0xFFFFFEF7, lr;
	s5 =	simm.s32 $0xFFFFFFFF;
	p2 =	slt.u32 s8, $0xFFFFF086  }
0x1c: {  	p1 =	slt.u32 s9, $0xF7A;
	s5 =	simm.s32 @!p2 $0x0  }
0x1d: {  	s5 =	simm.s32 @p1 $0x1;
	p0 =	seq.s32 s7, s2  }
0x1e: {  	s7 =	smul.u32 @!p0 $0xF7A, s2;
	p2 =	seq.s32 @!p0 s5, $0x0  }
0x1f: {  	s9 =	smul.u32 $0xF7A, s1;
	s8 =	simm.s32 @!p0 $0x1BF5;
	p2 =	por !p2, p0  }
0x20: {  	[sflag:s8] =	ssyncset.s32 @!p0 $0xFFFFF086;
	s6 =	sadd.s32 @!p0 s3, s7;
	s7 =	simm.s32 @!p0 $0x108  }
0x21: {  	s3 =	sadd.s32 s3, s9;
	s6 =	sadd.s32 @!p0 $0x88, s6;
	s7 =	simm.s32 @p2 $0x1082  }
0x22: {  	[simem:s7], [sflag:s8] =	dma.local @!p0 [hbm:s6], $0xF7A  }
0x23: {  	s9 =	sor.u32 $0xD0000000, s2;
	s6 =	simm.s32 $0x108;
	_ =	swait.ge @!p0 [sflag:s8], $0x0  }
0x24: {  	s3 =	sadd.s32 $0x88, s3;
	s6 =	simm.s32 @!p1 $0x1082;
	[sflag:s4] =	ssyncset.s32 $0xFFFFF086  }
0x25: {  	[simem:s6], [sflag:s4] =	dma.local [hbm:s3], $0xF7A  }
0x26: {  	[smem:$0x3F9C] =	sst s1;
	(tag) =	ssettag s2;
	_ =	strace s9  }
0x27: {  	s1 =	sld [smem:$0x3FAC]  }
0x28: {  	s2 =	sld [smem:$0x3FAD]  }
0x29: {  	s4 =	sld [smem:$0x3FAF]  }
0x2a: {  	p0 =	seq.s32 s5, $0x0;
	s5 =	sld [smem:$0x3FB0]  }
0x2b: {  	s6 =	sld [smem:$0x3FB1]  }
0x2c: {  	s7 =	sld [smem:$0x3FB2]  }
0x2d: {  	s3 =	simm.s32 $0x108;
	s8 =	sld [smem:$0x3FB3]  }
0x2e: {  	s3 =	simm.s32 @!p0 $0x1082;
	s9 =	sld [smem:$0x3FB4]  }
0x2f: {  	lr =	sadd.s32 s0, s3;
	s0 =	sld [smem:$0x3FAB]  }
0x30: {  	s3 =	sld [smem:$0x3FAE]  }
0x31: {  	[smem:$0x3FB7] =	sst s10  }
0x32: {  	s10 =	sld [smem:$0x3FB5];
	_ =	sdelay $0x3  }
0x33: {  	p0 =	seq.s32 s10, $0x1;
	s10 =	sld [smem:$0x3FB7];
	_ =	sdelay $0x3  }
0x34: {  	[smem:$0x3FB7] =	sst s10  }
0x35: {  	s10 =	sld [smem:$0x3FB6];
	_ =	sdelay $0x3  }
0x36: {  	p1 =	seq.s32 s10, $0x1;
	s10 =	sld [smem:$0x3FB7];
	_ =	sdelay $0x3  }
0x37: {  	[smem:$0x3FB7] =	sst s10  }
0x38: {  	s10 =	sld [smem:$0x3FB8]  }
0x39: {  	_ = 	snop;
	(pc) =	sbr.ind lr, $3  }
0x3a: {  	_ = 	snop  }
0x3b: {  	_ = 	snop  }
0x3c: {  	p2 =	seq.s32 s10, $0x1;
	s10 =	sld [smem:$0x3FB7]  }
0x3d: {  	_ =	shalt  }
0x3e: {  	_ =	shalt  }
0x3f: {  	_ =	shalt  }
0x40: {  	_ =	shalt  }
0x41: {  	_ =	shalt  }
0x42: {  	_ =	shalt  }
0x43: {  	_ =	shalt  }
0x44: {  	_ =	shalt  }
0x45: {  	_ =	shalt  }
0x46: {  	_ =	shalt  }
0x47: {  	_ =	shalt  }
0x48: {  	_ =	shalt  }
0x49: {  	_ =	shalt  }
0x4a: {  	_ =	shalt  }
0x4b: {  	_ =	shalt  }
0x4c: {  	_ =	shalt  }
0x4d: {  	_ =	shalt  }
0x4e: {  	_ =	shalt  }
0x4f: {  	_ =	shalt  }
0x50: {  	_ =	shalt  }
0x51: {  	_ =	shalt  }
0x52: {  	_ =	shalt  }
0x53: {  	_ =	shalt  }
0x54: {  	_ =	shalt  }
0x55: {  	_ =	shalt  }
0x56: {  	_ =	shalt  }
0x57: {  	_ =	shalt  }
0x58: {  	_ =	shalt  }
0x59: {  	_ =	shalt  }
0x5a: {  	_ =	shalt  }
0x5b: {  	_ =	shalt  }
0x5c: {  	_ =	shalt  }
0x5d: {  	_ =	shalt  }
0x5e: {  	_ =	shalt  }
0x5f: {  	_ =	shalt  }
0x60: {  	_ =	shalt  }
0x61: {  	_ =	shalt  }
0x62: {  	_ =	shalt  }
0x63: {  	_ =	shalt  }
0x64: {  	_ =	shalt  }
0x65: {  	_ =	shalt  }
0x66: {  	_ =	shalt  }
0x67: {  	_ =	shalt  }
0x68: {  	_ =	shalt  }
0x69: {  	_ =	shalt  }
0x6a: {  	_ =	shalt  }
0x6b: {  	_ =	shalt  }
0x6c: {  	_ =	shalt  }
0x6d: {  	_ =	shalt  }
0x6e: {  	_ =	shalt  }
0x6f: {  	_ =	shalt  }
0x70: {  	_ =	shalt  }
0x71: {  	_ =	shalt  }
0x72: {  	_ =	shalt  }
0x73: {  	_ =	shalt  }
0x74: {  	_ =	shalt  }
0x75: {  	_ =	shalt  }
0x76: {  	_ =	shalt  }
0x77: {  	_ =	shalt  }
0x78: {  	_ =	shalt  }
0x79: {  	_ =	shalt  }
0x7a: {  	_ =	shalt  }
0x7b: {  	_ =	shalt  }
0x7c: {  	_ =	shalt  }
0x7d: {  	_ =	shalt  }
0x7e: {  	_ =	shalt  }
0x7f: {  	_ =	shalt  }
0x80: {  	_ =	shalt  }
0x81: {  	_ =	shalt  }
0x82: {  	_ =	shalt  }
0x83: {  	_ =	shalt  }
0x84: {  	_ =	shalt  }
0x85: {  	_ =	shalt  }
0x86: {  	_ =	shalt  }
0x87: {  	_ =	shalt  }
.Lfunc_end0:
.L_simem_size_0:
called_computation_lowered:
.L_overlay_start_0:
0x88: {  	s2 =	sld [smem:$0x3FD9]  }
0x89: {  	s3 =	sld [smem:$0x3FFE];
	_ =	sdelay $0x1  }
0x8a: {  	s1 =	srdreg.scid  }
0x8b: {  	s0 =	sand.u32 $0x1, s1  }
0x8c: {  	s17 =	sshll.u32 s0, $0xA;
	s2 =	sadd.s32 s3, s2  }
0x8d: {  	s2 =	sadd.s32 s2, s17  }
0x8e: {  	[smem:$0x3FC3] =	sst s2  }
0x8f: {  	_ = 	snop  }
0x90: {  	s2 =	sld [smem:$0x3FC9]  }
0x91: {  	s18 =	sld [smem:$0x3FC8]  }
0x92: {  	s4 =	sld [smem:$0x3FD0];
	(tm) =	ssettm $0x1  }
0x93: {  	s5 =	sld [smem:$0x3FFB];
	_ =	sdelay $0x3  }
0x94: {  	_ =	strace s5  }
0x95: {  	s5 =	sld [smem:$0x3FFC];
	_ =	sdelay $0x3  }
0x96: {  	_ =	strace s5  }
0x97: {  	s5 =	sld [smem:$0x3FFD];
	_ =	sdelay $0x3  }
0x98: {  	_ =	strace s5  }
0x99: {  	_ =	strace $0x8FFFFFFF  }
0x9a: {  	s19 =	sld [smem:$0x3FDB];
	_ =	sdelay $0x1  }
0x9b: {  	s6 =	simm.s32 $_scs_section_size  }
0x9c: {  	s7 =	simm.s32 $_size__tile_overlayer_lowered;
	s8 =	simm.s32 $_tile_overlayer_lowered  }
0x9d: {  	s22 =	simm.s32 $0x1BFF;
	s21 =	sshll.u32 s8, $0x1;
	s5 =	sadd.s32 s6, s19  }
0x9e: {  	s9 =	simm.s32 $0x0;
	s20 =	sshll.u32 s7, $0x1;
	s7 =	sadd.s32 s21, s5  }
0x9f: {  	[timem:s9], [sflag:s22] =	dma.local [hbm:s7], s20  }
0xa0: {  	_ =	swait.ge [sflag:s22], s20  }
0xa1: {  	s6 =	ssub.s32 $0x0, s20;
	[sflag:s22] =	ssyncset.done $0x0  }
0xa2: {  	[sflag:s22] =	ssyncadd.s32 s6;
	_ =	sdelay $0x1  }
0xa3: {  	s23 =	simm.s32 $0x1B8B  }
0xa4: {  	_ =	swait.ge [sflag:s23], $0x1  }
0xa5: {  	[sflag:s23] =	ssyncset.done $0x0  }
0xa6: {  	s25 =	simm.s32 $0x1B8E;
	s24 =	sld [smem:$0x3FFE];
	[sflag:s23] =	ssyncadd.s32 $0xFFFFFFFF  }
0xa7: {  	s26 =	simm.s32 $execute0_lowered;
	[smem:$0x3FD2] =	sst s25  }
0xa8: {  	s7 =	sshll.u32 s26, $0x1;
	_ =	strace $0x80000046;
	[dreg:$0x1] =	wrdreg $0xFFFFFFFF  }
0xa9: {  	s28 =	simm.s32 $_size_execute0_lowered;
	s5 =	sadd.s32 s5, s7;
	[dreg:$0x0] =	wrdreg $0x0  }
0xaa: {  	s7 =	sshll.u32 s28, $0x1;
	[dreg:$0x2] =	wrdreg s5  }
0xab: {  	[dreg:$0x3] =	wrdreg s7  }
0xac: {  	[dreg:$0x4] =	wrdreg $0xC0  }
0xad: {  	_ =	task [dreg:s9], $0x5FFFF  }
0xae: {  	[dreg:$0x1] =	wrdreg $0xFFFFFFFF  }
0xaf: {  	[dreg:$0x0] =	wrdreg $0x60  }
0xb0: {  	[dreg:$0x2] =	wrdreg s24  }
0xb1: {  	[dreg:$0x3] =	wrdreg s2  }
0xb2: {  	[dreg:$0x4] =	wrdreg s18  }
0xb3: {  	[dreg:$0x5] =	wrdreg s4  }
0xb4: {  	[dreg:$0x6] =	wrdreg $0x9  }
0xb5: {  	_ =	task.clear_ibuf [dreg:s9], $0x7FFFF;
	_ =	strace $0x90000046  }
0xb6: {  	s29 =	simm.s32 $0x9;
	_ =	strace $0x80000048  }
0xb7: {  	_ =	swait.ge [sflag:s29], $0x1  }
0xb8: {  	[sflag:s29] =	ssyncadd.s32 $0xFFFFFFFF  }
0xb9: {  	_ =	strace $0x90000048  }
0xba: {  	_ =	sfence  }
0xbb: {  	s30 =	sld [smem:$0x0];
	_ =	sdelay $0x2  }
0xbc: {  	s31 =	sshll.u32 s1, $0xD;
	s1 =	sshrl.u32 s1, $0x2  }
0xbd: {  	s3 =	sand.u32 $0x4000, s31;
	s1 =	sadd.s32 s1, s30  }
0xbe: {  	s0 =	sor.u32 s3, s0;
	s1 =	sshll.u32 s1, $0x11  }
0xbf: {  	s0 =	sor.u32 s1, s0  }
0xc0: {  	s0 =	sadd.s32 $0x8F2B, s0  }
0xc1: {  	[sflag:s0] =	ssyncadd.remote.s32 $0x1  }
0xc2: {  	_ =	sfence.sel $0xFFFF  }
0xc3: {  	[dreg:$0x0] =	wrdreg $0xFFFFFFFF;
	(pc) =	sbr.abs _section_cstart, $3  }
0xc4: {  	[dreg:$0x1] =	wrdreg $0xFFFFFFFF  }
0xc5: {  	_ =	task.clear_ibuf [dreg:s9], $0x2FFFF;
	_ =	strace $0x9FFFFFFF  }
0xc6: {  	(tm) =	ssettm $0x7FFFFFFF  }
0xc7: {  	_ =	shalt  }
tec
execute0_lowered:
.L_overlay_start_1:
0x0: {  	(tag) =	ssettag $0x1  }
0x1: {  	s0 =	rddreg [dreg:$0x0]  }
0x2: {  	s1 =	rddreg [dreg:$0x1]  }
0x3: {  	s3 =	rddreg [dreg:$0x2]  }
0x4: {  	s5 =	rddreg [dreg:$0x3]  }
0x5: {  	s4 =	srdreg.scid;
	s6 =	stileid.u32  }
0x6: {  	s2 =	simm.s32 $0x0;
	s4 =	sand.u32 $0x1, s4;
	s6 =	sshll.u32 s6, $0x1  }
0x7: {  	[smem:$0x7FF] =	sst s2;
	s8 =	sadd.s32 $0x200, s0;
	s0 =	sadd.s32 $0x600, s0  }
0x8: {  	s6 =	sor.u32 s4, s6;
	_ =	strace $0x80000047;
	s7 =	ssub.s32 $0x2, s4  }
0x9: {  	[dreg:$0x5] =	wrdreg s8;
	s22 =	sshll.u32 s6, $0x9;
	s18 =	sshll.u32 s6, $0x6  }
0xa: {  	[dreg:$0x6] =	wrdreg s0;
	s4 =	sadd.s32 s1, s22;
	s3 =	sadd.s32 s3, s18  }
0xb: {  	s1 =	sadd.s32 $0x4000, s4;
	[dreg:$0x17] =	wrdreg s3  }
0xc: {  	s25 =	sadd.s32 $0x8000, s4;
	[dreg:$0x7] =	wrdreg s1  }
0xd: {  	s26 =	sadd.s32 $0xC000, s4;
	[dreg:$0x8] =	wrdreg s25  }
0xe: {  	s23 =	sshrl.u32 s7, $0x1;
	s31 =	sadd.s32 $0x10000, s4;
	[dreg:$0x9] =	wrdreg s26  }
0xf: {  	s24 =	ssub.s32 s7, s23;
	s7 =	sadd.s32 $0x14000, s4;
	[dreg:$0xa] =	wrdreg s31  }
0x10: {  	s8 =	sadd.s32 $0x18000, s4;
	[dreg:$0xb] =	wrdreg s7  }
0x11: {  	s9 =	sadd.s32 $0x1C000, s4;
	[dreg:$0xc] =	wrdreg s8  }
0x12: {  	s10 =	sadd.s32 $0x20000, s4;
	[dreg:$0xd] =	wrdreg s9  }
0x13: {  	s11 =	sadd.s32 $0x24000, s4;
	[dreg:$0xe] =	wrdreg s10  }
0x14: {  	s12 =	sadd.s32 $0x28000, s4;
	[dreg:$0xf] =	wrdreg s11  }
0x15: {  	s13 =	sadd.s32 $0x2C000, s4;
	[dreg:$0x10] =	wrdreg s12  }
0x16: {  	s14 =	sadd.s32 $0x30000, s4;
	[dreg:$0x11] =	wrdreg s13  }
0x17: {  	s15 =	sadd.s32 $0x34000, s4;
	[dreg:$0x12] =	wrdreg s14  }
0x18: {  	s16 =	sadd.s32 $0x38000, s4;
	[dreg:$0x13] =	wrdreg s15  }
0x19: {  	s17 =	sadd.s32 $0x3C000, s4;
	[dreg:$0x14] =	wrdreg s16  }
0x1a: {  	s19 =	sadd.s32 $0x40000, s4;
	[dreg:$0x15] =	wrdreg s17  }
0x1b: {  	s20 =	sadd.s32 $0x44000, s4;
	[dreg:$0x16] =	wrdreg s19  }
0x1c: {  	s0 =	smax.u32 s24, $0x1;
	[dreg:$0x19] =	wrdreg s20  }
0x1d: {  	s21 =	sadd.s32 $0x48000, s4;
	[dreg:$0x1a] =	wrdreg s0  }
0x1e: {  	s22 =	sadd.s32 $0x4C000, s4;
	[dreg:$0x1b] =	wrdreg s21  }
0x1f: {  	s23 =	sadd.s32 $0x50000, s4;
	[dreg:$0x1c] =	wrdreg s22  }
0x20: {  	s24 =	sadd.s32 $0x54000, s4;
	[dreg:$0x1d] =	wrdreg s23  }
0x21: {  	s3 =	sadd.s32 $0x4080, s4;
	[dreg:$0x1e] =	wrdreg s24  }
0x22: {  	s6 =	sadd.s32 $0xC080, s4;
	[smem:$0x7B4] =	sst s3  }
0x23: {  	s1 =	sadd.s32 s5, s18;
	[smem:$0x7B6] =	sst s6  }
0x24: {  	s25 =	sadd.s32 $0x58000, s4;
	[dreg:$0x18] =	wrdreg s1  }
0x25: {  	s26 =	sadd.s32 $0x5C000, s4;
	[dreg:$0x1f] =	wrdreg s25  }
0x26: {  	s31 =	sadd.s32 $0x60000, s4;
	[smem:$0x7B1] =	sst s26  }
0x27: {  	s5 =	sadd.s32 $0x8080, s4;
	[smem:$0x7B2] =	sst s31  }
0x28: {  	s7 =	sadd.s32 $0x10080, s4;
	[smem:$0x7B5] =	sst s5  }
0x29: {  	s8 =	sadd.s32 $0x14080, s4;
	[smem:$0x7B7] =	sst s7  }
0x2a: {  	s9 =	sadd.s32 $0x18080, s4;
	[smem:$0x7B8] =	sst s8  }
0x2b: {  	s10 =	sadd.s32 $0x1C080, s4;
	[smem:$0x7B9] =	sst s9  }
0x2c: {  	s11 =	sadd.s32 $0x20080, s4;
	[smem:$0x7BA] =	sst s10  }
0x2d: {  	s12 =	sadd.s32 $0x24080, s4;
	[smem:$0x7BB] =	sst s11  }
0x2e: {  	s13 =	sadd.s32 $0x28080, s4;
	[smem:$0x7BC] =	sst s12  }
0x2f: {  	s14 =	sadd.s32 $0x2C080, s4;
	[smem:$0x7BD] =	sst s13  }
0x30: {  	s15 =	sadd.s32 $0x30080, s4;
	[smem:$0x7BE] =	sst s14  }
0x31: {  	s16 =	sadd.s32 $0x34080, s4;
	[smem:$0x7BF] =	sst s15  }
0x32: {  	s17 =	sadd.s32 $0x38080, s4;
	[smem:$0x7C0] =	sst s16  }
0x33: {  	s18 =	sadd.s32 $0x3C080, s4;
	[smem:$0x7C1] =	sst s17  }
0x34: {  	s19 =	sadd.s32 $0x40080, s4;
	[smem:$0x7C2] =	sst s18  }
0x35: {  	s20 =	sadd.s32 $0x44080, s4;
	[smem:$0x7C3] =	sst s19  }
0x36: {  	s21 =	sadd.s32 $0x48080, s4;
	[smem:$0x7C4] =	sst s20  }
0x37: {  	s22 =	sadd.s32 $0x4C080, s4;
	[smem:$0x7C5] =	sst s21  }
0x38: {  	s23 =	sadd.s32 $0x50080, s4;
	[smem:$0x7C6] =	sst s22  }
0x39: {  	s24 =	sadd.s32 $0x54080, s4;
	[smem:$0x7C7] =	sst s23  }
0x3a: {  	s3 =	sadd.s32 $0x4100, s4;
	[smem:$0x7C8] =	sst s24  }
0x3b: {  	s6 =	sadd.s32 $0xC100, s4;
	[smem:$0x7CD] =	sst s3  }
0x3c: {  	s1 =	sadd.s32 $0x80, s4;
	[smem:$0x7CF] =	sst s6  }
0x3d: {  	s25 =	sadd.s32 $0x58080, s4;
	[smem:$0x7B3] =	sst s1  }
0x3e: {  	s26 =	sadd.s32 $0x5C080, s4;
	[smem:$0x7C9] =	sst s25  }
0x3f: {  	s31 =	sadd.s32 $0x60080, s4;
	[smem:$0x7CA] =	sst s26  }
0x40: {  	s5 =	sadd.s32 $0x8100, s4;
	[smem:$0x7CB] =	sst s31  }
0x41: {  	s7 =	sadd.s32 $0x10100, s4;
	[smem:$0x7CE] =	sst s5  }
0x42: {  	s8 =	sadd.s32 $0x14100, s4;
	[smem:$0x7D0] =	sst s7  }
0x43: {  	s9 =	sadd.s32 $0x18100, s4;
	[smem:$0x7D1] =	sst s8  }
0x44: {  	s10 =	sadd.s32 $0x1C100, s4;
	[smem:$0x7D2] =	sst s9  }
0x45: {  	s11 =	sadd.s32 $0x20100, s4;
	[smem:$0x7D3] =	sst s10  }
0x46: {  	s12 =	sadd.s32 $0x24100, s4;
	[smem:$0x7D4] =	sst s11  }
0x47: {  	s13 =	sadd.s32 $0x28100, s4;
	[smem:$0x7D5] =	sst s12  }
0x48: {  	s14 =	sadd.s32 $0x2C100, s4;
	[smem:$0x7D6] =	sst s13  }
0x49: {  	s15 =	sadd.s32 $0x30100, s4;
	[smem:$0x7D7] =	sst s14  }
0x4a: {  	s16 =	sadd.s32 $0x34100, s4;
	[smem:$0x7D8] =	sst s15  }
0x4b: {  	s17 =	sadd.s32 $0x38100, s4;
	[smem:$0x7D9] =	sst s16  }
0x4c: {  	s18 =	sadd.s32 $0x3C100, s4;
	[smem:$0x7DA] =	sst s17  }
0x4d: {  	s19 =	sadd.s32 $0x40100, s4;
	[smem:$0x7DB] =	sst s18  }
0x4e: {  	s20 =	sadd.s32 $0x44100, s4;
	[smem:$0x7DC] =	sst s19  }
0x4f: {  	s21 =	sadd.s32 $0x48100, s4;
	[smem:$0x7DD] =	sst s20  }
0x50: {  	s22 =	sadd.s32 $0x4C100, s4;
	[smem:$0x7DE] =	sst s21  }
0x51: {  	s23 =	sadd.s32 $0x50100, s4;
	[smem:$0x7DF] =	sst s22  }
0x52: {  	s24 =	sadd.s32 $0x54100, s4;
	[smem:$0x7E0] =	sst s23  }
0x53: {  	s3 =	sadd.s32 $0x4180, s4;
	[smem:$0x7E1] =	sst s24  }
0x54: {  	s6 =	sadd.s32 $0xC180, s4;
	[smem:$0x7E6] =	sst s3  }
0x55: {  	s1 =	sadd.s32 $0x100, s4;
	[smem:$0x7E8] =	sst s6  }
0x56: {  	s25 =	sadd.s32 $0x58100, s4;
	[smem:$0x7CC] =	sst s1  }
0x57: {  	s26 =	sadd.s32 $0x5C100, s4;
	[smem:$0x7E2] =	sst s25  }
0x58: {  	s31 =	sadd.s32 $0x60100, s4;
	[smem:$0x7E3] =	sst s26  }
0x59: {  	s5 =	sadd.s32 $0x8180, s4;
	[smem:$0x7E4] =	sst s31  }
0x5a: {  	s7 =	sadd.s32 $0x10180, s4;
	[smem:$0x7E7] =	sst s5  }
0x5b: {  	s8 =	sadd.s32 $0x14180, s4;
	[smem:$0x7E9] =	sst s7  }
0x5c: {  	s9 =	sadd.s32 $0x18180, s4;
	[smem:$0x7EA] =	sst s8  }
0x5d: {  	s10 =	sadd.s32 $0x1C180, s4;
	[smem:$0x7EB] =	sst s9  }
0x5e: {  	s11 =	sadd.s32 $0x20180, s4;
	[smem:$0x7EC] =	sst s10  }
0x5f: {  	s12 =	sadd.s32 $0x24180, s4;
	[smem:$0x7ED] =	sst s11  }
0x60: {  	s13 =	sadd.s32 $0x28180, s4;
	[smem:$0x7EE] =	sst s12  }
0x61: {  	s14 =	sadd.s32 $0x2C180, s4;
	[smem:$0x7EF] =	sst s13  }
0x62: {  	s15 =	sadd.s32 $0x30180, s4;
	[smem:$0x7F0] =	sst s14  }
0x63: {  	s16 =	sadd.s32 $0x34180, s4;
	[smem:$0x7F1] =	sst s15  }
0x64: {  	s17 =	sadd.s32 $0x38180, s4;
	[smem:$0x7F2] =	sst s16  }
0x65: {  	s18 =	sadd.s32 $0x3C180, s4;
	[smem:$0x7F3] =	sst s17  }
0x66: {  	s19 =	sadd.s32 $0x40180, s4;
	[smem:$0x7F4] =	sst s18  }
0x67: {  	s29 =	simm.s32 $0x3;
	s20 =	sadd.s32 $0x44180, s4;
	[smem:$0x7F5] =	sst s19  }
0x68: {  	s30 =	simm.s32 $0x8280;
	s21 =	sadd.s32 $0x48180, s4;
	[smem:$0x7F6] =	sst s20  }
0x69: {  	s28 =	simm.s32 $0xE280;
	s22 =	sadd.s32 $0x4C180, s4;
	[smem:$0x7F7] =	sst s21  }
0x6a: {  	s23 =	sadd.s32 $0x50180, s4;
	s24 =	sadd.s32 $0x54180, s4;
	[smem:$0x7F8] =	sst s22  }
0x6b: {  	s3 =	simm.s32 $0xA280;
	s6 =	simm.s32 $0xC280;
	[smem:$0x7F9] =	sst s23  }
0x6c: {  	s1 =	sadd.s32 $0x180, s4;
	[smem:$0x7FA] =	sst s24;
	s25 =	sadd.s32 $0x58180, s4  }
0x6d: {  	s26 =	sadd.s32 $0x5C180, s4;
	s31 =	sadd.s32 $0x60180, s4;
	s21 =	simm.s32 $0x1E80  }
0x6e: {  	s11 =	simm.s32 $0x1;
	s14 =	simm.s32 $0x9680;
	s15 =	simm.s32 $0x9E80  }
0x6f: {  	s16 =	simm.s32 $0xA680;
	s22 =	simm.s32 $0xAA80;
	s17 =	simm.s32 $0xAE80  }
0x70: {  	s5 =	simm.s32 $0xB280;
	s18 =	simm.s32 $0xB680;
	s23 =	simm.s32 $0xBA80  }
0x71: {  	s19 =	simm.s32 $0xBE80;
	s20 =	simm.s32 $0xC680;
	[smem:$0x7E5] =	sst s1  }
0x72: {  	v0 =	vlaneseq.u32;
	s24 =	simm.s32 $0xCA80;
	s7 =	simm.s32 $0xCE80;
	[smem:$0x7FB] =	sst s25  }
0x73: {  	v1 =	vor.u32 $0x80, v0;
	s8 =	simm.s32 $0xD680;
	s9 =	simm.s32 $0xDE80;
	[smem:$0x7FC] =	sst s26  }
0x74: {  	v2 =	vor.u32 $0x100, v0;
	v3 =	vor.u32 $0x180, v0;
	v4 =	vor.u32 $0x200, v0;
	s10 =	simm.s32 $0x2;
	s12 =	simm.s32 $0x0;
	[smem:$0x7FD] =	sst s31  }
0x75: {  	v5 =	vor.u32 $0x280, v0;
	v6 =	vor.u32 $0x300, v0;
	v7 =	vor.u32 $0x380, v0;
	s1 =	simm.s32 $0x9A80;
	s25 =	simm.s32 $0xD280;
	s26 =	simm.s32 $0xDA80  }
.LBB2_1:
0x76: {  	[tilespmem:s21], [sflag:$0x1] =	stream.linear.gather [hbm4b:s4+s2], $0x400, $0x38;
	[tilespmem:$0xEB00] =	vst v63  }
0x77: {  	s0 =	rddreg [dreg:$0x7];
	s13 =	simm.s32 $0x2280  }
0x78: {  	[tilespmem:s13], [sflag:$0x1] =	stream.linear.gather [hbm4b:s0+s2], $0x400, $0x38;
	[tilespmem:$0xEB00] =	vst v63  }
0x79: {  	s0 =	rddreg [dreg:$0x8];
	s13 =	simm.s32 $0x2680  }
0x7a: {  	[tilespmem:s13], [sflag:$0x1] =	stream.linear.gather [hbm4b:s0+s2], $0x400, $0x38;
	[tilespmem:$0xEB00] =	vst v63  }
0x7b: {  	s0 =	rddreg [dreg:$0x9];
	s13 =	simm.s32 $0x2A80  }
0x7c: {  	[tilespmem:s13], [sflag:$0x1] =	stream.linear.gather [hbm4b:s0+s2], $0x400, $0x38;
	[tilespmem:$0xEB00] =	vst v63  }
0x7d: {  	s0 =	rddreg [dreg:$0xa];
	s13 =	simm.s32 $0x2E80  }
0x7e: {  	[tilespmem:s13], [sflag:$0x1] =	stream.linear.gather [hbm4b:s0+s2], $0x400, $0x38;
	[tilespmem:$0xEB00] =	vst v63  }
0x7f: {  	s0 =	rddreg [dreg:$0xb];
	s13 =	simm.s32 $0x3280  }
0x80: {  	[tilespmem:s13], [sflag:$0x1] =	stream.linear.gather [hbm4b:s0+s2], $0x400, $0x38;
	[tilespmem:$0xEB00] =	vst v63  }
0x81: {  	s0 =	rddreg [dreg:$0xc];
	s13 =	simm.s32 $0x3680  }
0x82: {  	[tilespmem:s13], [sflag:$0x1] =	stream.linear.gather [hbm4b:s0+s2], $0x400, $0x38;
	[tilespmem:$0xEB00] =	vst v63  }
0x83: {  	s0 =	rddreg [dreg:$0xd];
	s13 =	simm.s32 $0x3A80  }
0x84: {  	[tilespmem:s13], [sflag:$0x1] =	stream.linear.gather [hbm4b:s0+s2], $0x400, $0x38;
	[tilespmem:$0xEB00] =	vst v63  }
0x85: {  	s0 =	rddreg [dreg:$0xe];
	s13 =	simm.s32 $0x3E80  }
0x86: {  	[tilespmem:s13], [sflag:$0x1] =	stream.linear.gather [hbm4b:s0+s2], $0x400, $0x38;
	[tilespmem:$0xEB00] =	vst v63  }
0x87: {  	s0 =	rddreg [dreg:$0xf];
	s13 =	simm.s32 $0x4280  }
0x88: {  	[tilespmem:s13], [sflag:$0x1] =	stream.linear.gather [hbm4b:s0+s2], $0x400, $0x38;
	[tilespmem:$0xEB00] =	vst v63  }
0x89: {  	s0 =	rddreg [dreg:$0x10];
	s13 =	simm.s32 $0x4680  }
0x8a: {  	[tilespmem:s13], [sflag:$0x1] =	stream.linear.gather [hbm4b:s0+s2], $0x400, $0x38;
	[tilespmem:$0xEB00] =	vst v63  }
0x8b: {  	s0 =	rddreg [dreg:$0x11];
	s13 =	simm.s32 $0x4A80  }
0x8c: {  	[tilespmem:s13], [sflag:$0x1] =	stream.linear.gather [hbm4b:s0+s2], $0x400, $0x38;
	[tilespmem:$0xEB00] =	vst v63  }
0x8d: {  	s0 =	rddreg [dreg:$0x12];
	s13 =	simm.s32 $0x4E80  }
0x8e: {  	[tilespmem:s13], [sflag:$0x1] =	stream.linear.gather [hbm4b:s0+s2], $0x400, $0x38;
	[tilespmem:$0xEB00] =	vst v63  }
0x8f: {  	s0 =	rddreg [dreg:$0x13];
	s13 =	simm.s32 $0x5280  }
0x90: {  	[tilespmem:s13], [sflag:$0x1] =	stream.linear.gather [hbm4b:s0+s2], $0x400, $0x38;
	[tilespmem:$0xEB00] =	vst v63  }
0x91: {  	s0 =	rddreg [dreg:$0x14];
	s13 =	simm.s32 $0x5680  }
0x92: {  	[tilespmem:s13], [sflag:$0x1] =	stream.linear.gather [hbm4b:s0+s2], $0x400, $0x38;
	[tilespmem:$0xEB00] =	vst v63  }
0x93: {  	s0 =	rddreg [dreg:$0x15];
	s13 =	simm.s32 $0x5A80  }
0x94: {  	[tilespmem:s13], [sflag:$0x1] =	stream.linear.gather [hbm4b:s0+s2], $0x400, $0x38;
	[tilespmem:$0xEB00] =	vst v63  }
0x95: {  	s0 =	rddreg [dreg:$0x16];
	s13 =	simm.s32 $0x5E80  }
0x96: {  	[tilespmem:s13], [sflag:$0x1] =	stream.linear.gather [hbm4b:s0+s2], $0x400, $0x38;
	[tilespmem:$0xEB00] =	vst v63  }
0x97: {  	s0 =	rddreg [dreg:$0x19];
	s13 =	simm.s32 $0x6280  }
0x98: {  	[tilespmem:s13], [sflag:$0x1] =	stream.linear.gather [hbm4b:s0+s2], $0x400, $0x38;
	[tilespmem:$0xEB00] =	vst v63  }
0x99: {  	s0 =	rddreg [dreg:$0x1b];
	s13 =	simm.s32 $0x6680  }
0x9a: {  	[tilespmem:s13], [sflag:$0x1] =	stream.linear.gather [hbm4b:s0+s2], $0x400, $0x38;
	[tilespmem:$0xEB00] =	vst v63  }
0x9b: {  	s0 =	rddreg [dreg:$0x1c];
	s13 =	simm.s32 $0x6A80  }
0x9c: {  	[tilespmem:s13], [sflag:$0x1] =	stream.linear.gather [hbm4b:s0+s2], $0x400, $0x38;
	[tilespmem:$0xEB00] =	vst v63  }
0x9d: {  	s0 =	rddreg [dreg:$0x1d];
	s13 =	simm.s32 $0x6E80  }
0x9e: {  	[tilespmem:s13], [sflag:$0x1] =	stream.linear.gather [hbm4b:s0+s2], $0x400, $0x38;
	[tilespmem:$0xEB00] =	vst v63  }
0x9f: {  	s0 =	rddreg [dreg:$0x1e];
	s13 =	simm.s32 $0x7280  }
0xa0: {  	[tilespmem:s13], [sflag:$0x1] =	stream.linear.gather [hbm4b:s0+s2], $0x400, $0x38;
	[tilespmem:$0xEB00] =	vst v63  }
0xa1: {  	s0 =	rddreg [dreg:$0x1f];
	s13 =	simm.s32 $0x7680  }
0xa2: {  	[tilespmem:s13], [sflag:$0x1] =	stream.linear.gather [hbm4b:s0+s2], $0x400, $0x38;
	[tilespmem:$0xEB00] =	vst v63  }
0xa3: {  	s0 =	sld [smem:$0x7B1];
	_ =	sdelay $0x1  }
0xa4: {  	s13 =	simm.s32 $0x7A80  }
0xa5: {  	[tilespmem:s13], [sflag:$0x1] =	stream.linear.gather [hbm4b:s0+s2], $0x400, $0x38;
	[tilespmem:$0xEB00] =	vst v63  }
0xa6: {  	s0 =	sld [smem:$0x7B2];
	_ =	sdelay $0x1  }
0xa7: {  	s13 =	simm.s32 $0x7E80  }
0xa8: {  	[tilespmem:s13], [sflag:$0x1] =	stream.linear.gather [hbm4b:s0+s2], $0x400, $0x38;
	[tilespmem:$0xEB00] =	vst v63  }
0xa9: {  	s13 =	rddreg [dreg:$0x5]  }
0xaa: {  	[tilespmem:s2], [sflag:$0x3] =	stream.linear.gather [hbm4b:s13+s2], $0x1E80, $0x38;
	[tilespmem:$0xEB00] =	vst v63  }
0xab: {  	_ =	swait.ge [sflag:s29], $0x1E80  }
0xac: {  	[sflag:s29] =	ssyncset.done $0x0  }
0xad: {  	s13 =	simm.s32 $0xE680;
	s0 =	rddreg [dreg:$0x17];
	[sflag:s29] =	ssyncadd.s32 $0xFFFFE180  }
0xae: {  	[tilespmem:s13], [sflag:$0x3] =	stream.linear.gather [hbm4b:s0+s2], $0x200, $0x38;
	[tilespmem:$0xEB00] =	vst v63  }
0xaf: {  	_ =	swait.ge [sflag:s29], $0x200  }
0xb0: {  	[sflag:s29] =	ssyncset.done $0x0  }
0xb1: {  	s13 =	simm.s32 $0xE880;
	s0 =	rddreg [dreg:$0x6];
	[sflag:s29] =	ssyncadd.s32 $0xFFFFFE00  }
0xb2: {  	[tilespmem:s13], [sflag:$0x3] =	stream.linear.gather [hbm4b:s0+s2], $0x80, $0x38;
	[tilespmem:$0xEB00] =	vst v63  }
0xb3: {  	_ =	swait.ge [sflag:s29], $0x80  }
0xb4: {  	[sflag:s29] =	ssyncset.done $0x0  }
0xb5: {  	[sflag:s29] =	ssyncadd.s32 $0xFFFFFF80  }
0xb6: {  	v8 =	vld [tilespmem:$0xE880];
	_ =	swait.ge [sflag:s11], $0x400  }
0xb7: {  	[sflag:s11] =	ssyncset.done $0x0  }
0xb8: {  	[sflag:s11] =	ssyncadd.s32 $0xFFFFFC00  }
0xb9: {  	_ =	swait.ge [sflag:s11], $0x400  }
0xba: {  	[sflag:s11] =	ssyncset.done $0x0  }
0xbb: {  	[sflag:s11] =	ssyncadd.s32 $0xFFFFFC00  }
0xbc: {  	_ =	swait.ge [sflag:s11], $0x400  }
0xbd: {  	[sflag:s11] =	ssyncset.done $0x0  }
0xbe: {  	[sflag:s11] =	ssyncadd.s32 $0xFFFFFC00  }
0xbf: {  	_ =	swait.ge [sflag:s11], $0x400  }
0xc0: {  	[sflag:s11] =	ssyncset.done $0x0  }
0xc1: {  	[sflag:s11] =	ssyncadd.s32 $0xFFFFFC00  }
0xc2: {  	_ =	swait.ge [sflag:s11], $0x400  }
0xc3: {  	[sflag:s11] =	ssyncset.done $0x0  }
0xc4: {  	[sflag:s11] =	ssyncadd.s32 $0xFFFFFC00  }
0xc5: {  	_ =	swait.ge [sflag:s11], $0x400  }
0xc6: {  	[sflag:s11] =	ssyncset.done $0x0  }
0xc7: {  	[sflag:s11] =	ssyncadd.s32 $0xFFFFFC00  }
0xc8: {  	_ =	swait.ge [sflag:s11], $0x400  }
0xc9: {  	[sflag:s11] =	ssyncset.done $0x0  }
0xca: {  	[sflag:s11] =	ssyncadd.s32 $0xFFFFFC00  }
0xcb: {  	_ =	swait.ge [sflag:s11], $0x400  }
0xcc: {  	[sflag:s11] =	ssyncset.done $0x0  }
0xcd: {  	[sflag:s11] =	ssyncadd.s32 $0xFFFFFC00  }
0xce: {  	_ =	swait.ge [sflag:s11], $0x400  }
0xcf: {  	[sflag:s11] =	ssyncset.done $0x0  }
0xd0: {  	[sflag:s11] =	ssyncadd.s32 $0xFFFFFC00  }
0xd1: {  	_ =	swait.ge [sflag:s11], $0x400  }
0xd2: {  	[sflag:s11] =	ssyncset.done $0x0  }
0xd3: {  	[sflag:s11] =	ssyncadd.s32 $0xFFFFFC00  }
0xd4: {  	_ =	swait.ge [sflag:s11], $0x400  }
0xd5: {  	[sflag:s11] =	ssyncset.done $0x0  }
0xd6: {  	[sflag:s11] =	ssyncadd.s32 $0xFFFFFC00  }
0xd7: {  	_ =	swait.ge [sflag:s11], $0x400  }
0xd8: {  	[sflag:s11] =	ssyncset.done $0x0  }
0xd9: {  	[sflag:s11] =	ssyncadd.s32 $0xFFFFFC00  }
0xda: {  	_ =	swait.ge [sflag:s11], $0x400  }
0xdb: {  	[sflag:s11] =	ssyncset.done $0x0  }
0xdc: {  	[sflag:s11] =	ssyncadd.s32 $0xFFFFFC00  }
0xdd: {  	_ =	swait.ge [sflag:s11], $0x400  }
0xde: {  	[sflag:s11] =	ssyncset.done $0x0  }
0xdf: {  	[sflag:s11] =	ssyncadd.s32 $0xFFFFFC00  }
0xe0: {  	_ =	swait.ge [sflag:s11], $0x400  }
0xe1: {  	[sflag:s11] =	ssyncset.done $0x0  }
0xe2: {  	[sflag:s11] =	ssyncadd.s32 $0xFFFFFC00  }
0xe3: {  	_ =	swait.ge [sflag:s11], $0x400  }
0xe4: {  	[sflag:s11] =	ssyncset.done $0x0  }
0xe5: {  	[sflag:s11] =	ssyncadd.s32 $0xFFFFFC00  }
0xe6: {  	_ =	swait.ge [sflag:s11], $0x400  }
0xe7: {  	[sflag:s11] =	ssyncset.done $0x0  }
0xe8: {  	[sflag:s11] =	ssyncadd.s32 $0xFFFFFC00  }
0xe9: {  	_ =	swait.ge [sflag:s11], $0x400  }
0xea: {  	[sflag:s11] =	ssyncset.done $0x0  }
0xeb: {  	[sflag:s11] =	ssyncadd.s32 $0xFFFFFC00  }
0xec: {  	_ =	swait.ge [sflag:s11], $0x400  }
0xed: {  	[sflag:s11] =	ssyncset.done $0x0  }
0xee: {  	[sflag:s11] =	ssyncadd.s32 $0xFFFFFC00  }
0xef: {  	_ =	swait.ge [sflag:s11], $0x400  }
0xf0: {  	[sflag:s11] =	ssyncset.done $0x0  }
0xf1: {  	[sflag:s11] =	ssyncadd.s32 $0xFFFFFC00  }
0xf2: {  	_ =	swait.ge [sflag:s11], $0x400  }
0xf3: {  	[sflag:s11] =	ssyncset.done $0x0  }
0xf4: {  	[sflag:s11] =	ssyncadd.s32 $0xFFFFFC00  }
0xf5: {  	_ =	swait.ge [sflag:s11], $0x400  }
0xf6: {  	[sflag:s11] =	ssyncset.done $0x0  }
0xf7: {  	[sflag:s11] =	ssyncadd.s32 $0xFFFFFC00  }
0xf8: {  	_ =	swait.ge [sflag:s11], $0x400  }
0xf9: {  	[sflag:s11] =	ssyncset.done $0x0  }
0xfa: {  	[sflag:s11] =	ssyncadd.s32 $0xFFFFFC00  }
0xfb: {  	_ =	swait.ge [sflag:s11], $0x400  }
0xfc: {  	[sflag:s11] =	ssyncset.done $0x0  }
0xfd: {  	[sflag:s11] =	ssyncadd.s32 $0xFFFFFC00  }
0xfe: {  	_ =	swait.ge [sflag:s11], $0x400  }
0xff: {  	s13 =	sld [smem:$0x7B3]  }
0x100: {  	[sflag:s11] =	ssyncset.done $0x0  }
0x101: {  	s0 =	sld [smem:$0x7B4];
	[sflag:s11] =	ssyncadd.s32 $0xFFFFFC00  }
0x102: {  	[tilespmem:s30], [sflag:$0x2] =	stream.linear.gather [hbm4b:s13+s2], $0x400, $0x38;
	[tilespmem:$0xEB00] =	vst v63  }
0x103: {  	s13 =	simm.s32 $0x8680  }
0x104: {  	[tilespmem:s13], [sflag:$0x2] =	stream.linear.gather [hbm4b:s0+s2], $0x400, $0x38;
	[tilespmem:$0xEB00] =	vst v63  }
0x105: {  	s0 =	sld [smem:$0x7B5];
	_ =	sdelay $0x1  }
0x106: {  	s13 =	simm.s32 $0x8A80  }
0x107: {  	[tilespmem:s13], [sflag:$0x2] =	stream.linear.gather [hbm4b:s0+s2], $0x400, $0x38;
	[tilespmem:$0xEB00] =	vst v63  }
0x108: {  	s0 =	sld [smem:$0x7B6];
	_ =	sdelay $0x1  }
0x109: {  	s13 =	simm.s32 $0x8E80  }
0x10a: {  	[tilespmem:s13], [sflag:$0x2] =	stream.linear.gather [hbm4b:s0+s2], $0x400, $0x38;
	[tilespmem:$0xEB00] =	vst v63  }
0x10b: {  	s0 =	sld [smem:$0x7B7];
	_ =	sdelay $0x1  }
0x10c: {  	s13 =	simm.s32 $0x9280  }
0x10d: {  	[tilespmem:s13], [sflag:$0x2] =	stream.linear.gather [hbm4b:s0+s2], $0x400, $0x38;
	[tilespmem:$0xEB00] =	vst v63  }
0x10e: {  	s13 =	sld [smem:$0x7B8];
	_ =	sdelay $0x2  }
0x10f: {  	[tilespmem:s14], [sflag:$0x2] =	stream.linear.gather [hbm4b:s13+s2], $0x400, $0x38;
	[tilespmem:$0xEB00] =	vst v63  }
0x110: {  	s13 =	sld [smem:$0x7B9];
	_ =	sdelay $0x2  }
0x111: {  	[tilespmem:s1], [sflag:$0x2] =	stream.linear.gather [hbm4b:s13+s2], $0x400, $0x38;
	[tilespmem:$0xEB00] =	vst v63  }
0x112: {  	s13 =	sld [smem:$0x7BA];
	_ =	sdelay $0x2  }
0x113: {  	[tilespmem:s15], [sflag:$0x2] =	stream.linear.gather [hbm4b:s13+s2], $0x400, $0x38;
	[tilespmem:$0xEB00] =	vst v63  }
0x114: {  	s13 =	sld [smem:$0x7BB];
	_ =	sdelay $0x2  }
0x115: {  	[tilespmem:s3], [sflag:$0x2] =	stream.linear.gather [hbm4b:s13+s2], $0x400, $0x38;
	[tilespmem:$0xEB00] =	vst v63  }
0x116: {  	s13 =	sld [smem:$0x7BC];
	_ =	sdelay $0x2  }
0x117: {  	[tilespmem:s16], [sflag:$0x2] =	stream.linear.gather [hbm4b:s13+s2], $0x400, $0x38;
	[tilespmem:$0xEB00] =	vst v63  }
0x118: {  	s13 =	sld [smem:$0x7BD];
	_ =	sdelay $0x2  }
0x119: {  	[tilespmem:s22], [sflag:$0x2] =	stream.linear.gather [hbm4b:s13+s2], $0x400, $0x38;
	[tilespmem:$0xEB00] =	vst v63  }
0x11a: {  	s13 =	sld [smem:$0x7BE];
	_ =	sdelay $0x2  }
0x11b: {  	[tilespmem:s17], [sflag:$0x2] =	stream.linear.gather [hbm4b:s13+s2], $0x400, $0x38;
	[tilespmem:$0xEB00] =	vst v63  }
0x11c: {  	s13 =	sld [smem:$0x7BF];
	_ =	sdelay $0x2  }
0x11d: {  	[tilespmem:s5], [sflag:$0x2] =	stream.linear.gather [hbm4b:s13+s2], $0x400, $0x38;
	[tilespmem:$0xEB00] =	vst v63  }
0x11e: {  	s13 =	sld [smem:$0x7C0];
	_ =	sdelay $0x2  }
0x11f: {  	[tilespmem:s18], [sflag:$0x2] =	stream.linear.gather [hbm4b:s13+s2], $0x400, $0x38;
	[tilespmem:$0xEB00] =	vst v63  }
0x120: {  	s13 =	sld [smem:$0x7C1];
	_ =	sdelay $0x2  }
0x121: {  	[tilespmem:s23], [sflag:$0x2] =	stream.linear.gather [hbm4b:s13+s2], $0x400, $0x38;
	[tilespmem:$0xEB00] =	vst v63  }
0x122: {  	s13 =	sld [smem:$0x7C2];
	_ =	sdelay $0x2  }
0x123: {  	[tilespmem:s19], [sflag:$0x2] =	stream.linear.gather [hbm4b:s13+s2], $0x400, $0x38;
	[tilespmem:$0xEB00] =	vst v63  }
0x124: {  	s13 =	sld [smem:$0x7C3];
	_ =	sdelay $0x2  }
0x125: {  	[tilespmem:s6], [sflag:$0x2] =	stream.linear.gather [hbm4b:s13+s2], $0x400, $0x38;
	[tilespmem:$0xEB00] =	vst v63  }
0x126: {  	s13 =	sld [smem:$0x7C4];
	_ =	sdelay $0x2  }
0x127: {  	[tilespmem:s20], [sflag:$0x2] =	stream.linear.gather [hbm4b:s13+s2], $0x400, $0x38;
	[tilespmem:$0xEB00] =	vst v63  }
0x128: {  	s13 =	sld [smem:$0x7C5];
	_ =	sdelay $0x2  }
0x129: {  	[tilespmem:s24], [sflag:$0x2] =	stream.linear.gather [hbm4b:s13+s2], $0x400, $0x38;
	[tilespmem:$0xEB00] =	vst v63  }
0x12a: {  	s13 =	sld [smem:$0x7C6];
	_ =	sdelay $0x2  }
0x12b: {  	[tilespmem:s7], [sflag:$0x2] =	stream.linear.gather [hbm4b:s13+s2], $0x400, $0x38;
	[tilespmem:$0xEB00] =	vst v63  }
0x12c: {  	s13 =	sld [smem:$0x7C7];
	_ =	sdelay $0x2  }
0x12d: {  	[tilespmem:s25], [sflag:$0x2] =	stream.linear.gather [hbm4b:s13+s2], $0x400, $0x38;
	[tilespmem:$0xEB00] =	vst v63  }
0x12e: {  	s13 =	sld [smem:$0x7C8];
	_ =	sdelay $0x2  }
0x12f: {  	[tilespmem:s8], [sflag:$0x2] =	stream.linear.gather [hbm4b:s13+s2], $0x400, $0x38;
	[tilespmem:$0xEB00] =	vst v63  }
0x130: {  	s13 =	sld [smem:$0x7C9];
	_ =	sdelay $0x2  }
0x131: {  	[tilespmem:s26], [sflag:$0x2] =	stream.linear.gather [hbm4b:s13+s2], $0x400, $0x38;
	[tilespmem:$0xEB00] =	vst v63  }
0x132: {  	s13 =	sld [smem:$0x7CA];
	_ =	sdelay $0x2  }
0x133: {  	[tilespmem:s9], [sflag:$0x2] =	stream.linear.gather [hbm4b:s13+s2], $0x400, $0x38;
	[tilespmem:$0xEB00] =	vst v63  }
0x134: {  	s13 =	sld [smem:$0x7CB];
	_ =	sdelay $0x1  }
0x135: {  	s31 =	simm.s32 $0x0  }
0x136: {  	[tilespmem:s28], [sflag:$0x2] =	stream.linear.gather [hbm4b:s13+s2], $0x400, $0x38;
	[tilespmem:$0xEB00] =	vst v63  }
.LBB2_2:
0x137: {  	s13 =	sshll.u32 s31, $0x4;
	v17 =	vimm.s32 $0x0  }
0x138: {  	v11 =	vor.u32 s13, v0;
	v18 =	vshll.u32 v17, $0x7  }
0x139: {  	v12 =	vor.u32 s13, v1;
	v16 =	vor.u32 v11, v18  }
0x13a: {  	v13 =	vor.u32 s13, v2;
	v19 =	vor.u32 v18, v12  }
0x13b: {  	v14 =	vor.u32 s13, v3;
	v20 =	vor.u32 v18, v13  }
0x13c: {  	v15 =	vor.u32 s13, v4;
	v21 =	vor.u32 v18, v14  }
0x13d: {  	v9 =	vor.u32 s13, v5;
	v22 =	vor.u32 v18, v15  }
0x13e: {  	v10 =	vor.u32 s13, v6;
	v24 =	vor.u32 v18, v9;
	v23 =	vld.idx.msk [tilespmem:v16+s21+$0x0], $0xffff  }
0x13f: {  	v25 =	vor.u32 v18, v10;
	v16 =	vor.u32 s13, v7;
	v19 =	vld.idx.msk [tilespmem:v19+s21+$0x0], $0xffff  }
0x140: {  	v29 =	vld.idx.msk [tilespmem:v20+s21+$0x0], $0xffff;
	v18 =	vor.u32 v18, v16  }
0x141: {  	v30 =	vld.idx.msk [tilespmem:v21+s21+$0x0], $0xffff  }
0x142: {  	v28 =	vld.idx.msk [tilespmem:v22+s21+$0x0], $0xffff  }
0x143: {  	v26 =	vld.idx.msk [tilespmem:v24+s21+$0x0], $0xffff  }
0x144: {  	v27 =	vld.idx.msk [tilespmem:v25+s21+$0x0], $0xffff  }
0x145: {  	v25 =	vld.idx.msk [tilespmem:v18+s21+$0x0], $0xffff  }
0x146: {  	v21 =	vld.idx.msk [tilespmem:v23+s2+$0x0], $0xffff  }
0x147: {  	v17 =	vadd.s32 $0x8, v17;
	v23 =	vld.idx.msk [tilespmem:v19+s2+$0x0], $0xffff  }
0x148: {  	v20 =	vshll.u32 v17, $0x7;
	v18 =	vld.idx.msk [tilespmem:v29+s2+$0x0], $0xffff  }
0x149: {  	s0 =	simm.s32 $0x17;
	v22 =	vimm.f32 $0.0e+00;
	v19 =	vimm.f32 $0.0e+00;
	v29 =	vor.u32 v11, v20;
	v24 =	vld.idx.msk [tilespmem:v30+s2+$0x0], $0xffff  }
.LBB2_3:
0x14a: {  	p0 =	sne.s32 s0, $0x1;
	v30 =	vor.u32 v20, v12;
	v28 =	vld.idx.msk [tilespmem:v28+s2+$0x0], $0xffff  }
0x14b: {  	v31 =	vor.u32 v20, v13;
	v26 =	vld.idx.msk [tilespmem:v26+s2+$0x0], $0xffff  }
0x14c: {  	v32 =	vor.u32 v20, v14;
	v27 =	vld.idx.msk [tilespmem:v27+s2+$0x0], $0xffff  }
0x14d: {  	v33 =	vor.u32 v20, v15;
	v19 =	vadd.f32 v21, v19;
	v21 =	vadd.f32 v23, v22;
	v22 =	vld.idx.msk [tilespmem:v25+s2+$0x0], $0xffff  }
0x14e: {  	v25 =	vor.u32 v20, v9;
	v23 =	vld.idx.msk [tilespmem:v29+s21+$0x0], $0xffff  }
0x14f: {  	v18 =	vadd.f32 v18, v19;
	v19 =	vadd.f32 v24, v21;
	v29 =	vld.idx.msk [tilespmem:v30+s21+$0x0], $0xffff;
	v30 =	vor.u32 v20, v10  }
0x150: {  	v20 =	vor.u32 v20, v16;
	v24 =	vld.idx.msk [tilespmem:v31+s21+$0x0], $0xffff  }
0x151: {  	v18 =	vadd.f32 v28, v18;
	v21 =	vadd.f32 v26, v19;
	v31 =	vld.idx.msk [tilespmem:v32+s21+$0x0], $0xffff  }
0x152: {  	v28 =	vld.idx.msk [tilespmem:v33+s21+$0x0], $0xffff  }
0x153: {  	v19 =	vadd.f32 v27, v18;
	v22 =	vadd.f32 v22, v21;
	v26 =	vld.idx.msk [tilespmem:v25+s21+$0x0], $0xffff  }
0x154: {  	v27 =	vld.idx.msk [tilespmem:v30+s21+$0x0], $0xffff  }
.Ltmp0:
0x155: {  	v25 =	vld.idx.msk [tilespmem:v20+s21+$0x0], $0xffff;
	(pc) =	sbr.rel @p0 .LBB2_3-.Ltmp0, $4  }
0x156: {  	v21 =	vld.idx.msk [tilespmem:v23+s2+$0x0], $0xffff  }
0x157: {  	v17 =	vadd.s32 $0x8, v17;
	v23 =	vld.idx.msk [tilespmem:v29+s2+$0x0], $0xffff  }
0x158: {  	v20 =	vshll.u32 v17, $0x7;
	v18 =	vld.idx.msk [tilespmem:v24+s2+$0x0], $0xffff  }
0x159: {  	s0 =	sadd.s32 $0xFFFFFFFF, s0;
	v29 =	vor.u32 v11, v20;
	v24 =	vld.idx.msk [tilespmem:v31+s2+$0x0], $0xffff  }
0x15a: {  	_ =	sdelay $0x3  }
0x15b: {  	v57 =	vld.idx.msk [tilespmem:v28+s2+$0x0], $0xffff  }
0x15c: {  	v11 =	vor.u32 v20, v12;
	v17 =	vld.idx.msk [tilespmem:v26+s2+$0x0], $0xffff  }
0x15d: {  	v13 =	vor.u32 v20, v13;
	v58 =	vld.idx.msk [tilespmem:v27+s2+$0x0], $0xffff  }
0x15e: {  	v14 =	vor.u32 v20, v14;
	v25 =	vld.idx.msk [tilespmem:v25+s2+$0x0], $0xffff  }
0x15f: {  	v15 =	vor.u32 v20, v15;
	v59 =	vld.idx.msk [tilespmem:v29+s21+$0x0], $0xffff  }
0x160: {  	v9 =	vor.u32 v20, v9;
	v63 =	vld [tilespmem:s13+$0xE680]  }
0x161: {  	v10 =	vor.u32 v20, v10;
	v11 =	vld.idx.msk [tilespmem:v11+s21+$0x0], $0xffff  }
0x162: {  	v16 =	vor.u32 v20, v16;
	v13 =	vld.idx.msk [tilespmem:v13+s21+$0x0], $0xffff  }
0x163: {  	v14 =	vld.idx.msk [tilespmem:v14+s21+$0x0], $0xffff  }
0x164: {  	v15 =	vld.idx.msk [tilespmem:v15+s21+$0x0], $0xffff  }
0x165: {  	v19 =	vadd.f32 v21, v19;
	v9 =	vld.idx.msk [tilespmem:v9+s21+$0x0], $0xffff  }
0x166: {  	v60 =	vadd.f32 v23, v22;
	v10 =	vld.idx.msk [tilespmem:v10+s21+$0x0], $0xffff  }
0x167: {  	v18 =	vadd.f32 v18, v19;
	v16 =	vld.idx.msk [tilespmem:v16+s21+$0x0], $0xffff  }
0x168: {  	v62 =	vadd.f32 v24, v60;
	v61 =	vld.idx.msk [tilespmem:v59+s2+$0x0], $0xffff  }
0x169: {  	v12 =	vadd.f32 v57, v18;
	v11 =	vld.idx.msk [tilespmem:v11+s2+$0x0], $0xffff  }
0x16a: {  	v17 =	vadd.f32 v17, v62;
	v13 =	vld.idx.msk [tilespmem:v13+s2+$0x0], $0xffff  }
0x16b: {  	v12 =	vadd.f32 v58, v12;
	v14 =	vld.idx.msk [tilespmem:v14+s2+$0x0], $0xffff  }
0x16c: {  	v17 =	vadd.f32 v25, v17;
	v15 =	vld.idx.msk [tilespmem:v15+s2+$0x0], $0xffff  }
0x16d: {  	v9 =	vld.idx.msk [tilespmem:v9+s2+$0x0], $0xffff;
	v12 =	vadd.f32 v61, v12  }
0x16e: {  	(erf) = vrcp.f32 v63;
	v10 =	vld.idx.msk [tilespmem:v10+s2+$0x0], $0xffff;
	v11 =	vadd.f32 v11, v17  }
0x16f: {  	v16 =	vld.idx.msk [tilespmem:v16+s2+$0x0], $0xffff;
	v12 =	vadd.f32 v13, v12  }
0x170: {  	v11 =	vadd.f32 v14, v11  }
0x171: {  	v12 =	vadd.f32 v15, v12  }
0x172: {  	v9 =	vadd.f32 v9, v11  }
0x173: {  	v10 =	vadd.f32 v10, v12  }
0x174: {  	v9 =	vadd.f32 v16, v9;
	_ =	sdelay $0x1  }
0x175: {  	v9 =	vadd.f32 v9, v10  }
0x176: {  	v10 =	vpop (erf)  }
0x177: {  	v9 =	vmul.f32 v10, v9;
	_ =	sdelay $0x1  }
0x178: {  	v9 =	vadd.f32 v9, v8;
	_ =	sdelay $0x1  }
0x179: {  	v9 =	vsub.f32 $0.0e+00, v9;
	_ =	sdelay $0x1  }
0x17a: {  	v9 =	vmul.f32 $1.442695020e+00, v9;
	_ =	sdelay $0x1  }
0x17b: {  	(erf) = vpow2.f32 v9;
	_ =	sdelay $0x8  }
0x17c: {  	v9 =	vpop (erf)  }
0x17d: {  	v9 =	vadd.f32 $1.000000000e+00, v9;
	_ =	sdelay $0x1  }
0x17e: {  	(erf) = vrcp.f32 v9;
	_ =	sdelay $0x3  }
0x17f: {  	s31 =	sadd.s32 $0x1, s31  }
0x180: {  	p0 =	sne.s32 s31, $0x8  }
.Ltmp1:
0x181: {  	_ = 	snop;
	(pc) =	sbr.rel @p0 .LBB2_2-.Ltmp1, $3  }
0x182: {  	_ =	sdelay $0x1  }
0x183: {  	v9 =	vpop (erf)  }
0x184: {  	[tilespmem:s13+$0xE900] =	vst v9  }
0x185: {  	_ =	swait.ge [sflag:s10], $0x400  }
0x186: {  	[sflag:s10] =	ssyncset.done $0x0  }
0x187: {  	[sflag:s10] =	ssyncadd.s32 $0xFFFFFC00  }
0x188: {  	_ =	swait.ge [sflag:s10], $0x400  }
0x189: {  	[sflag:s10] =	ssyncset.done $0x0  }
0x18a: {  	[sflag:s10] =	ssyncadd.s32 $0xFFFFFC00  }
0x18b: {  	_ =	swait.ge [sflag:s10], $0x400  }
0x18c: {  	[sflag:s10] =	ssyncset.done $0x0  }
0x18d: {  	[sflag:s10] =	ssyncadd.s32 $0xFFFFFC00  }
0x18e: {  	_ =	swait.ge [sflag:s10], $0x400  }
0x18f: {  	[sflag:s10] =	ssyncset.done $0x0  }
0x190: {  	[sflag:s10] =	ssyncadd.s32 $0xFFFFFC00  }
0x191: {  	_ =	swait.ge [sflag:s10], $0x400  }
0x192: {  	[sflag:s10] =	ssyncset.done $0x0  }
0x193: {  	[sflag:s10] =	ssyncadd.s32 $0xFFFFFC00  }
0x194: {  	_ =	swait.ge [sflag:s10], $0x400  }
0x195: {  	[sflag:s10] =	ssyncset.done $0x0  }
0x196: {  	[sflag:s10] =	ssyncadd.s32 $0xFFFFFC00  }
0x197: {  	_ =	swait.ge [sflag:s10], $0x400  }
0x198: {  	[sflag:s10] =	ssyncset.done $0x0  }
0x199: {  	[sflag:s10] =	ssyncadd.s32 $0xFFFFFC00  }
0x19a: {  	_ =	swait.ge [sflag:s10], $0x400  }
0x19b: {  	[sflag:s10] =	ssyncset.done $0x0  }
0x19c: {  	[sflag:s10] =	ssyncadd.s32 $0xFFFFFC00  }
0x19d: {  	_ =	swait.ge [sflag:s10], $0x400  }
0x19e: {  	[sflag:s10] =	ssyncset.done $0x0  }
0x19f: {  	[sflag:s10] =	ssyncadd.s32 $0xFFFFFC00  }
0x1a0: {  	_ =	swait.ge [sflag:s10], $0x400  }
0x1a1: {  	[sflag:s10] =	ssyncset.done $0x0  }
0x1a2: {  	[sflag:s10] =	ssyncadd.s32 $0xFFFFFC00  }
0x1a3: {  	_ =	swait.ge [sflag:s10], $0x400  }
0x1a4: {  	[sflag:s10] =	ssyncset.done $0x0  }
0x1a5: {  	[sflag:s10] =	ssyncadd.s32 $0xFFFFFC00  }
0x1a6: {  	_ =	swait.ge [sflag:s10], $0x400  }
0x1a7: {  	[sflag:s10] =	ssyncset.done $0x0  }
0x1a8: {  	[sflag:s10] =	ssyncadd.s32 $0xFFFFFC00  }
0x1a9: {  	_ =	swait.ge [sflag:s10], $0x400  }
0x1aa: {  	[sflag:s10] =	ssyncset.done $0x0  }
0x1ab: {  	[sflag:s10] =	ssyncadd.s32 $0xFFFFFC00  }
0x1ac: {  	_ =	swait.ge [sflag:s10], $0x400  }
0x1ad: {  	[sflag:s10] =	ssyncset.done $0x0  }
0x1ae: {  	[sflag:s10] =	ssyncadd.s32 $0xFFFFFC00  }
0x1af: {  	_ =	swait.ge [sflag:s10], $0x400  }
0x1b0: {  	[sflag:s10] =	ssyncset.done $0x0  }
0x1b1: {  	[sflag:s10] =	ssyncadd.s32 $0xFFFFFC00  }
0x1b2: {  	_ =	swait.ge [sflag:s10], $0x400  }
0x1b3: {  	[sflag:s10] =	ssyncset.done $0x0  }
0x1b4: {  	[sflag:s10] =	ssyncadd.s32 $0xFFFFFC00  }
0x1b5: {  	_ =	swait.ge [sflag:s10], $0x400  }
0x1b6: {  	[sflag:s10] =	ssyncset.done $0x0  }
0x1b7: {  	[sflag:s10] =	ssyncadd.s32 $0xFFFFFC00  }
0x1b8: {  	_ =	swait.ge [sflag:s10], $0x400  }
0x1b9: {  	[sflag:s10] =	ssyncset.done $0x0  }
0x1ba: {  	[sflag:s10] =	ssyncadd.s32 $0xFFFFFC00  }
0x1bb: {  	_ =	swait.ge [sflag:s10], $0x400  }
0x1bc: {  	[sflag:s10] =	ssyncset.done $0x0  }
0x1bd: {  	[sflag:s10] =	ssyncadd.s32 $0xFFFFFC00  }
0x1be: {  	_ =	swait.ge [sflag:s10], $0x400  }
0x1bf: {  	[sflag:s10] =	ssyncset.done $0x0  }
0x1c0: {  	[sflag:s10] =	ssyncadd.s32 $0xFFFFFC00  }
0x1c1: {  	_ =	swait.ge [sflag:s10], $0x400  }
0x1c2: {  	[sflag:s10] =	ssyncset.done $0x0  }
0x1c3: {  	[sflag:s10] =	ssyncadd.s32 $0xFFFFFC00  }
0x1c4: {  	_ =	swait.ge [sflag:s10], $0x400  }
0x1c5: {  	[sflag:s10] =	ssyncset.done $0x0  }
0x1c6: {  	[sflag:s10] =	ssyncadd.s32 $0xFFFFFC00  }
0x1c7: {  	_ =	swait.ge [sflag:s10], $0x400  }
0x1c8: {  	[sflag:s10] =	ssyncset.done $0x0  }
0x1c9: {  	[sflag:s10] =	ssyncadd.s32 $0xFFFFFC00  }
0x1ca: {  	_ =	swait.ge [sflag:s10], $0x400  }
0x1cb: {  	[sflag:s10] =	ssyncset.done $0x0  }
0x1cc: {  	[sflag:s10] =	ssyncadd.s32 $0xFFFFFC00  }
0x1cd: {  	_ =	swait.ge [sflag:s10], $0x400  }
0x1ce: {  	s0 =	sld [smem:$0x7CC]  }
0x1cf: {  	[sflag:s10] =	ssyncset.done $0x0  }
0x1d0: {  	s31 =	simm.s32 $0x0;
	[sflag:s10] =	ssyncadd.s32 $0xFFFFFC00  }
0x1d1: {  	[tilespmem:s21], [sflag:$0x1] =	stream.linear.gather [hbm4b:s0+s31], $0x400, $0x38;
	[tilespmem:$0xEB00] =	vst v63  }
0x1d2: {  	s0 =	sld [smem:$0x7CD];
	_ =	sdelay $0x1  }
0x1d3: {  	s13 =	simm.s32 $0x2280  }
0x1d4: {  	[tilespmem:s13], [sflag:$0x1] =	stream.linear.gather [hbm4b:s0+s31], $0x400, $0x38;
	[tilespmem:$0xEB00] =	vst v63  }
0x1d5: {  	s0 =	sld [smem:$0x7CE];
	_ =	sdelay $0x1  }
0x1d6: {  	s13 =	simm.s32 $0x2680  }
0x1d7: {  	[tilespmem:s13], [sflag:$0x1] =	stream.linear.gather [hbm4b:s0+s31], $0x400, $0x38;
	[tilespmem:$0xEB00] =	vst v63  }
0x1d8: {  	s0 =	sld [smem:$0x7CF];
	_ =	sdelay $0x1  }
0x1d9: {  	s13 =	simm.s32 $0x2A80  }
0x1da: {  	[tilespmem:s13], [sflag:$0x1] =	stream.linear.gather [hbm4b:s0+s31], $0x400, $0x38;
	[tilespmem:$0xEB00] =	vst v63  }
0x1db: {  	s0 =	sld [smem:$0x7D0];
	_ =	sdelay $0x1  }
0x1dc: {  	s13 =	simm.s32 $0x2E80  }
0x1dd: {  	[tilespmem:s13], [sflag:$0x1] =	stream.linear.gather [hbm4b:s0+s31], $0x400, $0x38;
	[tilespmem:$0xEB00] =	vst v63  }
0x1de: {  	s0 =	sld [smem:$0x7D1];
	_ =	sdelay $0x1  }
0x1df: {  	s13 =	simm.s32 $0x3280  }
0x1e0: {  	[tilespmem:s13], [sflag:$0x1] =	stream.linear.gather [hbm4b:s0+s31], $0x400, $0x38;
	[tilespmem:$0xEB00] =	vst v63  }
0x1e1: {  	s0 =	sld [smem:$0x7D2];
	_ =	sdelay $0x1  }
0x1e2: {  	s13 =	simm.s32 $0x3680  }
0x1e3: {  	[tilespmem:s13], [sflag:$0x1] =	stream.linear.gather [hbm4b:s0+s31], $0x400, $0x38;
	[tilespmem:$0xEB00] =	vst v63  }
0x1e4: {  	s0 =	sld [smem:$0x7D3];
	_ =	sdelay $0x1  }
0x1e5: {  	s13 =	simm.s32 $0x3A80  }
0x1e6: {  	[tilespmem:s13], [sflag:$0x1] =	stream.linear.gather [hbm4b:s0+s31], $0x400, $0x38;
	[tilespmem:$0xEB00] =	vst v63  }
0x1e7: {  	s0 =	sld [smem:$0x7D4];
	_ =	sdelay $0x1  }
0x1e8: {  	s13 =	simm.s32 $0x3E80  }
0x1e9: {  	[tilespmem:s13], [sflag:$0x1] =	stream.linear.gather [hbm4b:s0+s31], $0x400, $0x38;
	[tilespmem:$0xEB00] =	vst v63  }
0x1ea: {  	s0 =	sld [smem:$0x7D5];
	_ =	sdelay $0x1  }
0x1eb: {  	s13 =	simm.s32 $0x4280  }
0x1ec: {  	[tilespmem:s13], [sflag:$0x1] =	stream.linear.gather [hbm4b:s0+s31], $0x400, $0x38;
	[tilespmem:$0xEB00] =	vst v63  }
0x1ed: {  	s0 =	sld [smem:$0x7D6];
	_ =	sdelay $0x1  }
0x1ee: {  	s13 =	simm.s32 $0x4680  }
0x1ef: {  	[tilespmem:s13], [sflag:$0x1] =	stream.linear.gather [hbm4b:s0+s31], $0x400, $0x38;
	[tilespmem:$0xEB00] =	vst v63  }
0x1f0: {  	s0 =	sld [smem:$0x7D7];
	_ =	sdelay $0x1  }
0x1f1: {  	s13 =	simm.s32 $0x4A80  }
0x1f2: {  	[tilespmem:s13], [sflag:$0x1] =	stream.linear.gather [hbm4b:s0+s31], $0x400, $0x38;
	[tilespmem:$0xEB00] =	vst v63  }
0x1f3: {  	s0 =	sld [smem:$0x7D8];
	_ =	sdelay $0x1  }
0x1f4: {  	s13 =	simm.s32 $0x4E80  }
0x1f5: {  	[tilespmem:s13], [sflag:$0x1] =	stream.linear.gather [hbm4b:s0+s31], $0x400, $0x38;
	[tilespmem:$0xEB00] =	vst v63  }
0x1f6: {  	s0 =	sld [smem:$0x7D9];
	_ =	sdelay $0x1  }
0x1f7: {  	s13 =	simm.s32 $0x5280  }
0x1f8: {  	[tilespmem:s13], [sflag:$0x1] =	stream.linear.gather [hbm4b:s0+s31], $0x400, $0x38;
	[tilespmem:$0xEB00] =	vst v63  }
0x1f9: {  	s0 =	sld [smem:$0x7DA];
	_ =	sdelay $0x1  }
0x1fa: {  	s13 =	simm.s32 $0x5680  }
0x1fb: {  	[tilespmem:s13], [sflag:$0x1] =	stream.linear.gather [hbm4b:s0+s31], $0x400, $0x38;
	[tilespmem:$0xEB00] =	vst v63  }
0x1fc: {  	s0 =	sld [smem:$0x7DB];
	_ =	sdelay $0x1  }
0x1fd: {  	s13 =	simm.s32 $0x5A80  }
0x1fe: {  	[tilespmem:s13], [sflag:$0x1] =	stream.linear.gather [hbm4b:s0+s31], $0x400, $0x38;
	[tilespmem:$0xEB00] =	vst v63  }
0x1ff: {  	s0 =	sld [smem:$0x7DC];
	_ =	sdelay $0x1  }
0x200: {  	s13 =	simm.s32 $0x5E80  }
0x201: {  	[tilespmem:s13], [sflag:$0x1] =	stream.linear.gather [hbm4b:s0+s31], $0x400, $0x38;
	[tilespmem:$0xEB00] =	vst v63  }
0x202: {  	s0 =	sld [smem:$0x7DD];
	_ =	sdelay $0x1  }
0x203: {  	s13 =	simm.s32 $0x6280  }
0x204: {  	[tilespmem:s13], [sflag:$0x1] =	stream.linear.gather [hbm4b:s0+s31], $0x400, $0x38;
	[tilespmem:$0xEB00] =	vst v63  }
0x205: {  	s0 =	sld [smem:$0x7DE];
	_ =	sdelay $0x1  }
0x206: {  	s13 =	simm.s32 $0x6680  }
0x207: {  	[tilespmem:s13], [sflag:$0x1] =	stream.linear.gather [hbm4b:s0+s31], $0x400, $0x38;
	[tilespmem:$0xEB00] =	vst v63  }
0x208: {  	s0 =	sld [smem:$0x7DF];
	_ =	sdelay $0x1  }
0x209: {  	s13 =	simm.s32 $0x6A80  }
0x20a: {  	[tilespmem:s13], [sflag:$0x1] =	stream.linear.gather [hbm4b:s0+s31], $0x400, $0x38;
	[tilespmem:$0xEB00] =	vst v63  }
0x20b: {  	s0 =	sld [smem:$0x7E0];
	_ =	sdelay $0x1  }
0x20c: {  	s13 =	simm.s32 $0x6E80  }
0x20d: {  	[tilespmem:s13], [sflag:$0x1] =	stream.linear.gather [hbm4b:s0+s31], $0x400, $0x38;
	[tilespmem:$0xEB00] =	vst v63  }
0x20e: {  	s0 =	sld [smem:$0x7E1];
	_ =	sdelay $0x1  }
0x20f: {  	s13 =	simm.s32 $0x7280  }
0x210: {  	[tilespmem:s13], [sflag:$0x1] =	stream.linear.gather [hbm4b:s0+s31], $0x400, $0x38;
	[tilespmem:$0xEB00] =	vst v63  }
0x211: {  	s0 =	sld [smem:$0x7E2];
	_ =	sdelay $0x1  }
0x212: {  	s13 =	simm.s32 $0x7680  }
0x213: {  	[tilespmem:s13], [sflag:$0x1] =	stream.linear.gather [hbm4b:s0+s31], $0x400, $0x38;
	[tilespmem:$0xEB00] =	vst v63  }
0x214: {  	s0 =	sld [smem:$0x7E3];
	_ =	sdelay $0x1  }
0x215: {  	s13 =	simm.s32 $0x7A80  }
0x216: {  	[tilespmem:s13], [sflag:$0x1] =	stream.linear.gather [hbm4b:s0+s31], $0x400, $0x38;
	[tilespmem:$0xEB00] =	vst v63  }
0x217: {  	s0 =	sld [smem:$0x7E4];
	_ =	sdelay $0x1  }
0x218: {  	s13 =	simm.s32 $0x7E80  }
0x219: {  	[tilespmem:s13], [sflag:$0x1] =	stream.linear.gather [hbm4b:s0+s31], $0x400, $0x38;
	[tilespmem:$0xEB00] =	vst v63  }
.LBB2_6:
0x21a: {  	s13 =	sshll.u32 s31, $0x4;
	v17 =	vimm.s32 $0x0  }
0x21b: {  	v11 =	vor.u32 s13, v0;
	v18 =	vshll.u32 v17, $0x7  }
0x21c: {  	v12 =	vor.u32 s13, v1;
	v16 =	vor.u32 v11, v18  }
0x21d: {  	v13 =	vor.u32 s13, v2;
	v19 =	vor.u32 v18, v12  }
0x21e: {  	v14 =	vor.u32 s13, v3;
	v20 =	vor.u32 v18, v13  }
0x21f: {  	v15 =	vor.u32 s13, v4;
	v21 =	vor.u32 v18, v14  }
0x220: {  	v9 =	vor.u32 s13, v5;
	v22 =	vor.u32 v18, v15  }
0x221: {  	v10 =	vor.u32 s13, v6;
	v24 =	vor.u32 v18, v9;
	v23 =	vld.idx.msk [tilespmem:v16+s30+$0x0], $0xffff  }
0x222: {  	v25 =	vor.u32 v18, v10;
	v16 =	vor.u32 s13, v7;
	v19 =	vld.idx.msk [tilespmem:v19+s30+$0x0], $0xffff  }
0x223: {  	v29 =	vld.idx.msk [tilespmem:v20+s30+$0x0], $0xffff;
	v18 =	vor.u32 v18, v16  }
0x224: {  	v30 =	vld.idx.msk [tilespmem:v21+s30+$0x0], $0xffff  }
0x225: {  	v28 =	vld.idx.msk [tilespmem:v22+s30+$0x0], $0xffff  }
0x226: {  	v26 =	vld.idx.msk [tilespmem:v24+s30+$0x0], $0xffff  }
0x227: {  	v27 =	vld.idx.msk [tilespmem:v25+s30+$0x0], $0xffff  }
0x228: {  	v25 =	vld.idx.msk [tilespmem:v18+s30+$0x0], $0xffff  }
0x229: {  	v21 =	vld.idx.msk [tilespmem:v23+s2+$0x0], $0xffff  }
0x22a: {  	v17 =	vadd.s32 $0x8, v17;
	v23 =	vld.idx.msk [tilespmem:v19+s2+$0x0], $0xffff  }
0x22b: {  	v20 =	vshll.u32 v17, $0x7;
	v18 =	vld.idx.msk [tilespmem:v29+s2+$0x0], $0xffff  }
0x22c: {  	s0 =	simm.s32 $0x17;
	v22 =	vimm.f32 $0.0e+00;
	v19 =	vimm.f32 $0.0e+00;
	v29 =	vor.u32 v11, v20;
	v24 =	vld.idx.msk [tilespmem:v30+s2+$0x0], $0xffff  }
.LBB2_7:
0x22d: {  	p0 =	sne.s32 s0, $0x1;
	v30 =	vor.u32 v20, v12;
	v28 =	vld.idx.msk [tilespmem:v28+s2+$0x0], $0xffff  }
0x22e: {  	v31 =	vor.u32 v20, v13;
	v26 =	vld.idx.msk [tilespmem:v26+s2+$0x0], $0xffff  }
0x22f: {  	v32 =	vor.u32 v20, v14;
	v27 =	vld.idx.msk [tilespmem:v27+s2+$0x0], $0xffff  }
0x230: {  	v33 =	vor.u32 v20, v15;
	v19 =	vadd.f32 v21, v19;
	v21 =	vadd.f32 v23, v22;
	v22 =	vld.idx.msk [tilespmem:v25+s2+$0x0], $0xffff  }
0x231: {  	v25 =	vor.u32 v20, v9;
	v23 =	vld.idx.msk [tilespmem:v29+s30+$0x0], $0xffff  }
0x232: {  	v18 =	vadd.f32 v18, v19;
	v19 =	vadd.f32 v24, v21;
	v29 =	vld.idx.msk [tilespmem:v30+s30+$0x0], $0xffff;
	v30 =	vor.u32 v20, v10  }
0x233: {  	v20 =	vor.u32 v20, v16;
	v24 =	vld.idx.msk [tilespmem:v31+s30+$0x0], $0xffff  }
0x234: {  	v18 =	vadd.f32 v28, v18;
	v21 =	vadd.f32 v26, v19;
	v31 =	vld.idx.msk [tilespmem:v32+s30+$0x0], $0xffff  }
0x235: {  	v28 =	vld.idx.msk [tilespmem:v33+s30+$0x0], $0xffff  }
0x236: {  	v19 =	vadd.f32 v27, v18;
	v22 =	vadd.f32 v22, v21;
	v26 =	vld.idx.msk [tilespmem:v25+s30+$0x0], $0xffff  }
0x237: {  	v27 =	vld.idx.msk [tilespmem:v30+s30+$0x0], $0xffff  }
.Ltmp2:
0x238: {  	v25 =	vld.idx.msk [tilespmem:v20+s30+$0x0], $0xffff;
	(pc) =	sbr.rel @p0 .LBB2_7-.Ltmp2, $4  }
0x239: {  	v21 =	vld.idx.msk [tilespmem:v23+s2+$0x0], $0xffff  }
0x23a: {  	v17 =	vadd.s32 $0x8, v17;
	v23 =	vld.idx.msk [tilespmem:v29+s2+$0x0], $0xffff  }
0x23b: {  	v20 =	vshll.u32 v17, $0x7;
	v18 =	vld.idx.msk [tilespmem:v24+s2+$0x0], $0xffff  }
0x23c: {  	s0 =	sadd.s32 $0xFFFFFFFF, s0;
	v29 =	vor.u32 v11, v20;
	v24 =	vld.idx.msk [tilespmem:v31+s2+$0x0], $0xffff  }
0x23d: {  	_ =	sdelay $0x3  }
0x23e: {  	v57 =	vld.idx.msk [tilespmem:v28+s2+$0x0], $0xffff  }
0x23f: {  	v11 =	vor.u32 v20, v12;
	v17 =	vld.idx.msk [tilespmem:v26+s2+$0x0], $0xffff  }
0x240: {  	v13 =	vor.u32 v20, v13;
	v58 =	vld.idx.msk [tilespmem:v27+s2+$0x0], $0xffff  }
0x241: {  	v14 =	vor.u32 v20, v14;
	v25 =	vld.idx.msk [tilespmem:v25+s2+$0x0], $0xffff  }
0x242: {  	v15 =	vor.u32 v20, v15;
	v59 =	vld.idx.msk [tilespmem:v29+s30+$0x0], $0xffff  }
0x243: {  	v9 =	vor.u32 v20, v9;
	v63 =	vld [tilespmem:s13+$0xE700]  }
0x244: {  	v10 =	vor.u32 v20, v10;
	v11 =	vld.idx.msk [tilespmem:v11+s30+$0x0], $0xffff  }
0x245: {  	v16 =	vor.u32 v20, v16;
	v13 =	vld.idx.msk [tilespmem:v13+s30+$0x0], $0xffff  }
0x246: {  	v14 =	vld.idx.msk [tilespmem:v14+s30+$0x0], $0xffff  }
0x247: {  	v15 =	vld.idx.msk [tilespmem:v15+s30+$0x0], $0xffff  }
0x248: {  	v19 =	vadd.f32 v21, v19;
	v9 =	vld.idx.msk [tilespmem:v9+s30+$0x0], $0xffff  }
0x249: {  	v60 =	vadd.f32 v23, v22;
	v10 =	vld.idx.msk [tilespmem:v10+s30+$0x0], $0xffff  }
0x24a: {  	v18 =	vadd.f32 v18, v19;
	v16 =	vld.idx.msk [tilespmem:v16+s30+$0x0], $0xffff  }
0x24b: {  	v62 =	vadd.f32 v24, v60;
	v61 =	vld.idx.msk [tilespmem:v59+s2+$0x0], $0xffff  }
0x24c: {  	v12 =	vadd.f32 v57, v18;
	v11 =	vld.idx.msk [tilespmem:v11+s2+$0x0], $0xffff  }
0x24d: {  	v17 =	vadd.f32 v17, v62;
	v13 =	vld.idx.msk [tilespmem:v13+s2+$0x0], $0xffff  }
0x24e: {  	v12 =	vadd.f32 v58, v12;
	v14 =	vld.idx.msk [tilespmem:v14+s2+$0x0], $0xffff  }
0x24f: {  	v17 =	vadd.f32 v25, v17;
	v15 =	vld.idx.msk [tilespmem:v15+s2+$0x0], $0xffff  }
0x250: {  	v9 =	vld.idx.msk [tilespmem:v9+s2+$0x0], $0xffff;
	v12 =	vadd.f32 v61, v12  }
0x251: {  	(erf) = vrcp.f32 v63;
	v10 =	vld.idx.msk [tilespmem:v10+s2+$0x0], $0xffff;
	v11 =	vadd.f32 v11, v17  }
0x252: {  	v16 =	vld.idx.msk [tilespmem:v16+s2+$0x0], $0xffff;
	v12 =	vadd.f32 v13, v12  }
0x253: {  	v11 =	vadd.f32 v14, v11  }
0x254: {  	v12 =	vadd.f32 v15, v12  }
0x255: {  	v9 =	vadd.f32 v9, v11  }
0x256: {  	v10 =	vadd.f32 v10, v12  }
0x257: {  	v9 =	vadd.f32 v16, v9;
	_ =	sdelay $0x1  }
0x258: {  	v9 =	vadd.f32 v9, v10  }
0x259: {  	v10 =	vpop (erf)  }
0x25a: {  	v9 =	vmul.f32 v10, v9;
	_ =	sdelay $0x1  }
0x25b: {  	v9 =	vadd.f32 v9, v8;
	_ =	sdelay $0x1  }
0x25c: {  	v9 =	vsub.f32 $0.0e+00, v9;
	_ =	sdelay $0x1  }
0x25d: {  	v9 =	vmul.f32 $1.442695020e+00, v9;
	_ =	sdelay $0x1  }
0x25e: {  	(erf) = vpow2.f32 v9;
	_ =	sdelay $0x8  }
0x25f: {  	v9 =	vpop (erf)  }
0x260: {  	v9 =	vadd.f32 $1.000000000e+00, v9;
	_ =	sdelay $0x1  }
0x261: {  	(erf) = vrcp.f32 v9;
	_ =	sdelay $0x3  }
0x262: {  	s31 =	sadd.s32 $0x1, s31  }
0x263: {  	p0 =	sne.s32 s31, $0x8  }
.Ltmp3:
0x264: {  	_ = 	snop;
	(pc) =	sbr.rel @p0 .LBB2_6-.Ltmp3, $3  }
0x265: {  	_ =	sdelay $0x1  }
0x266: {  	v9 =	vpop (erf)  }
0x267: {  	[tilespmem:s13+$0xE980] =	vst v9  }
0x268: {  	_ =	swait.ge [sflag:s11], $0x400  }
0x269: {  	[sflag:s11] =	ssyncset.done $0x0  }
0x26a: {  	[sflag:s11] =	ssyncadd.s32 $0xFFFFFC00  }
0x26b: {  	_ =	swait.ge [sflag:s11], $0x400  }
0x26c: {  	[sflag:s11] =	ssyncset.done $0x0  }
0x26d: {  	[sflag:s11] =	ssyncadd.s32 $0xFFFFFC00  }
0x26e: {  	_ =	swait.ge [sflag:s11], $0x400  }
0x26f: {  	[sflag:s11] =	ssyncset.done $0x0  }
0x270: {  	[sflag:s11] =	ssyncadd.s32 $0xFFFFFC00  }
0x271: {  	_ =	swait.ge [sflag:s11], $0x400  }
0x272: {  	[sflag:s11] =	ssyncset.done $0x0  }
0x273: {  	[sflag:s11] =	ssyncadd.s32 $0xFFFFFC00  }
0x274: {  	_ =	swait.ge [sflag:s11], $0x400  }
0x275: {  	[sflag:s11] =	ssyncset.done $0x0  }
0x276: {  	[sflag:s11] =	ssyncadd.s32 $0xFFFFFC00  }
0x277: {  	_ =	swait.ge [sflag:s11], $0x400  }
0x278: {  	[sflag:s11] =	ssyncset.done $0x0  }
0x279: {  	[sflag:s11] =	ssyncadd.s32 $0xFFFFFC00  }
0x27a: {  	_ =	swait.ge [sflag:s11], $0x400  }
0x27b: {  	[sflag:s11] =	ssyncset.done $0x0  }
0x27c: {  	[sflag:s11] =	ssyncadd.s32 $0xFFFFFC00  }
0x27d: {  	_ =	swait.ge [sflag:s11], $0x400  }
0x27e: {  	[sflag:s11] =	ssyncset.done $0x0  }
0x27f: {  	[sflag:s11] =	ssyncadd.s32 $0xFFFFFC00  }
0x280: {  	_ =	swait.ge [sflag:s11], $0x400  }
0x281: {  	[sflag:s11] =	ssyncset.done $0x0  }
0x282: {  	[sflag:s11] =	ssyncadd.s32 $0xFFFFFC00  }
0x283: {  	_ =	swait.ge [sflag:s11], $0x400  }
0x284: {  	[sflag:s11] =	ssyncset.done $0x0  }
0x285: {  	[sflag:s11] =	ssyncadd.s32 $0xFFFFFC00  }
0x286: {  	_ =	swait.ge [sflag:s11], $0x400  }
0x287: {  	[sflag:s11] =	ssyncset.done $0x0  }
0x288: {  	[sflag:s11] =	ssyncadd.s32 $0xFFFFFC00  }
0x289: {  	_ =	swait.ge [sflag:s11], $0x400  }
0x28a: {  	[sflag:s11] =	ssyncset.done $0x0  }
0x28b: {  	[sflag:s11] =	ssyncadd.s32 $0xFFFFFC00  }
0x28c: {  	_ =	swait.ge [sflag:s11], $0x400  }
0x28d: {  	[sflag:s11] =	ssyncset.done $0x0  }
0x28e: {  	[sflag:s11] =	ssyncadd.s32 $0xFFFFFC00  }
0x28f: {  	_ =	swait.ge [sflag:s11], $0x400  }
0x290: {  	[sflag:s11] =	ssyncset.done $0x0  }
0x291: {  	[sflag:s11] =	ssyncadd.s32 $0xFFFFFC00  }
0x292: {  	_ =	swait.ge [sflag:s11], $0x400  }
0x293: {  	[sflag:s11] =	ssyncset.done $0x0  }
0x294: {  	[sflag:s11] =	ssyncadd.s32 $0xFFFFFC00  }
0x295: {  	_ =	swait.ge [sflag:s11], $0x400  }
0x296: {  	[sflag:s11] =	ssyncset.done $0x0  }
0x297: {  	[sflag:s11] =	ssyncadd.s32 $0xFFFFFC00  }
0x298: {  	_ =	swait.ge [sflag:s11], $0x400  }
0x299: {  	[sflag:s11] =	ssyncset.done $0x0  }
0x29a: {  	[sflag:s11] =	ssyncadd.s32 $0xFFFFFC00  }
0x29b: {  	_ =	swait.ge [sflag:s11], $0x400  }
0x29c: {  	[sflag:s11] =	ssyncset.done $0x0  }
0x29d: {  	[sflag:s11] =	ssyncadd.s32 $0xFFFFFC00  }
0x29e: {  	_ =	swait.ge [sflag:s11], $0x400  }
0x29f: {  	[sflag:s11] =	ssyncset.done $0x0  }
0x2a0: {  	[sflag:s11] =	ssyncadd.s32 $0xFFFFFC00  }
0x2a1: {  	_ =	swait.ge [sflag:s11], $0x400  }
0x2a2: {  	[sflag:s11] =	ssyncset.done $0x0  }
0x2a3: {  	[sflag:s11] =	ssyncadd.s32 $0xFFFFFC00  }
0x2a4: {  	_ =	swait.ge [sflag:s11], $0x400  }
0x2a5: {  	[sflag:s11] =	ssyncset.done $0x0  }
0x2a6: {  	[sflag:s11] =	ssyncadd.s32 $0xFFFFFC00  }
0x2a7: {  	_ =	swait.ge [sflag:s11], $0x400  }
0x2a8: {  	[sflag:s11] =	ssyncset.done $0x0  }
0x2a9: {  	[sflag:s11] =	ssyncadd.s32 $0xFFFFFC00  }
0x2aa: {  	_ =	swait.ge [sflag:s11], $0x400  }
0x2ab: {  	[sflag:s11] =	ssyncset.done $0x0  }
0x2ac: {  	[sflag:s11] =	ssyncadd.s32 $0xFFFFFC00  }
0x2ad: {  	_ =	swait.ge [sflag:s11], $0x400  }
0x2ae: {  	[sflag:s11] =	ssyncset.done $0x0  }
0x2af: {  	[sflag:s11] =	ssyncadd.s32 $0xFFFFFC00  }
0x2b0: {  	_ =	swait.ge [sflag:s11], $0x400  }
0x2b1: {  	s0 =	sld [smem:$0x7E5]  }
0x2b2: {  	[sflag:s11] =	ssyncset.done $0x0  }
0x2b3: {  	s31 =	simm.s32 $0x0;
	[sflag:s11] =	ssyncadd.s32 $0xFFFFFC00  }
0x2b4: {  	[tilespmem:s30], [sflag:$0x2] =	stream.linear.gather [hbm4b:s0+s31], $0x400, $0x38;
	[tilespmem:$0xEB00] =	vst v63  }
0x2b5: {  	s0 =	sld [smem:$0x7E6];
	_ =	sdelay $0x1  }
0x2b6: {  	s13 =	simm.s32 $0x8680  }
0x2b7: {  	[tilespmem:s13], [sflag:$0x2] =	stream.linear.gather [hbm4b:s0+s31], $0x400, $0x38;
	[tilespmem:$0xEB00] =	vst v63  }
0x2b8: {  	s0 =	sld [smem:$0x7E7];
	_ =	sdelay $0x1  }
0x2b9: {  	s13 =	simm.s32 $0x8A80  }
0x2ba: {  	[tilespmem:s13], [sflag:$0x2] =	stream.linear.gather [hbm4b:s0+s31], $0x400, $0x38;
	[tilespmem:$0xEB00] =	vst v63  }
0x2bb: {  	s0 =	sld [smem:$0x7E8];
	_ =	sdelay $0x1  }
0x2bc: {  	s13 =	simm.s32 $0x8E80  }
0x2bd: {  	[tilespmem:s13], [sflag:$0x2] =	stream.linear.gather [hbm4b:s0+s31], $0x400, $0x38;
	[tilespmem:$0xEB00] =	vst v63  }
0x2be: {  	s0 =	sld [smem:$0x7E9];
	_ =	sdelay $0x1  }
0x2bf: {  	s13 =	simm.s32 $0x9280  }
0x2c0: {  	[tilespmem:s13], [sflag:$0x2] =	stream.linear.gather [hbm4b:s0+s31], $0x400, $0x38;
	[tilespmem:$0xEB00] =	vst v63  }
0x2c1: {  	s13 =	sld [smem:$0x7EA];
	_ =	sdelay $0x2  }
0x2c2: {  	[tilespmem:s14], [sflag:$0x2] =	stream.linear.gather [hbm4b:s13+s31], $0x400, $0x38;
	[tilespmem:$0xEB00] =	vst v63  }
0x2c3: {  	s13 =	sld [smem:$0x7EB];
	_ =	sdelay $0x2  }
0x2c4: {  	[tilespmem:s1], [sflag:$0x2] =	stream.linear.gather [hbm4b:s13+s31], $0x400, $0x38;
	[tilespmem:$0xEB00] =	vst v63  }
0x2c5: {  	s13 =	sld [smem:$0x7EC];
	_ =	sdelay $0x2  }
0x2c6: {  	[tilespmem:s15], [sflag:$0x2] =	stream.linear.gather [hbm4b:s13+s31], $0x400, $0x38;
	[tilespmem:$0xEB00] =	vst v63  }
0x2c7: {  	s13 =	sld [smem:$0x7ED];
	_ =	sdelay $0x2  }
0x2c8: {  	[tilespmem:s3], [sflag:$0x2] =	stream.linear.gather [hbm4b:s13+s31], $0x400, $0x38;
	[tilespmem:$0xEB00] =	vst v63  }
0x2c9: {  	s13 =	sld [smem:$0x7EE];
	_ =	sdelay $0x2  }
0x2ca: {  	[tilespmem:s16], [sflag:$0x2] =	stream.linear.gather [hbm4b:s13+s31], $0x400, $0x38;
	[tilespmem:$0xEB00] =	vst v63  }
0x2cb: {  	s13 =	sld [smem:$0x7EF];
	_ =	sdelay $0x2  }
0x2cc: {  	[tilespmem:s22], [sflag:$0x2] =	stream.linear.gather [hbm4b:s13+s31], $0x400, $0x38;
	[tilespmem:$0xEB00] =	vst v63  }
0x2cd: {  	s13 =	sld [smem:$0x7F0];
	_ =	sdelay $0x2  }
0x2ce: {  	[tilespmem:s17], [sflag:$0x2] =	stream.linear.gather [hbm4b:s13+s31], $0x400, $0x38;
	[tilespmem:$0xEB00] =	vst v63  }
0x2cf: {  	s13 =	sld [smem:$0x7F1];
	_ =	sdelay $0x2  }
0x2d0: {  	[tilespmem:s5], [sflag:$0x2] =	stream.linear.gather [hbm4b:s13+s31], $0x400, $0x38;
	[tilespmem:$0xEB00] =	vst v63  }
0x2d1: {  	s13 =	sld [smem:$0x7F2];
	_ =	sdelay $0x2  }
0x2d2: {  	[tilespmem:s18], [sflag:$0x2] =	stream.linear.gather [hbm4b:s13+s31], $0x400, $0x38;
	[tilespmem:$0xEB00] =	vst v63  }
0x2d3: {  	s13 =	sld [smem:$0x7F3];
	_ =	sdelay $0x2  }
0x2d4: {  	[tilespmem:s23], [sflag:$0x2] =	stream.linear.gather [hbm4b:s13+s31], $0x400, $0x38;
	[tilespmem:$0xEB00] =	vst v63  }
0x2d5: {  	s13 =	sld [smem:$0x7F4];
	_ =	sdelay $0x2  }
0x2d6: {  	[tilespmem:s19], [sflag:$0x2] =	stream.linear.gather [hbm4b:s13+s31], $0x400, $0x38;
	[tilespmem:$0xEB00] =	vst v63  }
0x2d7: {  	s13 =	sld [smem:$0x7F5];
	_ =	sdelay $0x2  }
0x2d8: {  	[tilespmem:s6], [sflag:$0x2] =	stream.linear.gather [hbm4b:s13+s31], $0x400, $0x38;
	[tilespmem:$0xEB00] =	vst v63  }
0x2d9: {  	s13 =	sld [smem:$0x7F6];
	_ =	sdelay $0x2  }
0x2da: {  	[tilespmem:s20], [sflag:$0x2] =	stream.linear.gather [hbm4b:s13+s31], $0x400, $0x38;
	[tilespmem:$0xEB00] =	vst v63  }
0x2db: {  	s13 =	sld [smem:$0x7F7];
	_ =	sdelay $0x2  }
0x2dc: {  	[tilespmem:s24], [sflag:$0x2] =	stream.linear.gather [hbm4b:s13+s31], $0x400, $0x38;
	[tilespmem:$0xEB00] =	vst v63  }
0x2dd: {  	s13 =	sld [smem:$0x7F8];
	_ =	sdelay $0x2  }
0x2de: {  	[tilespmem:s7], [sflag:$0x2] =	stream.linear.gather [hbm4b:s13+s31], $0x400, $0x38;
	[tilespmem:$0xEB00] =	vst v63  }
0x2df: {  	s13 =	sld [smem:$0x7F9];
	_ =	sdelay $0x2  }
0x2e0: {  	[tilespmem:s25], [sflag:$0x2] =	stream.linear.gather [hbm4b:s13+s31], $0x400, $0x38;
	[tilespmem:$0xEB00] =	vst v63  }
0x2e1: {  	s13 =	sld [smem:$0x7FA];
	_ =	sdelay $0x2  }
0x2e2: {  	[tilespmem:s8], [sflag:$0x2] =	stream.linear.gather [hbm4b:s13+s31], $0x400, $0x38;
	[tilespmem:$0xEB00] =	vst v63  }
0x2e3: {  	s13 =	sld [smem:$0x7FB];
	_ =	sdelay $0x2  }
0x2e4: {  	[tilespmem:s26], [sflag:$0x2] =	stream.linear.gather [hbm4b:s13+s31], $0x400, $0x38;
	[tilespmem:$0xEB00] =	vst v63  }
0x2e5: {  	s13 =	sld [smem:$0x7FC];
	_ =	sdelay $0x2  }
0x2e6: {  	[tilespmem:s9], [sflag:$0x2] =	stream.linear.gather [hbm4b:s13+s31], $0x400, $0x38;
	[tilespmem:$0xEB00] =	vst v63  }
0x2e7: {  	s13 =	sld [smem:$0x7FD];
	_ =	sdelay $0x2  }
0x2e8: {  	[tilespmem:s28], [sflag:$0x2] =	stream.linear.gather [hbm4b:s13+s31], $0x400, $0x38;
	[tilespmem:$0xEB00] =	vst v63  }
.LBB2_10:
0x2e9: {  	s13 =	sshll.u32 s31, $0x4;
	v17 =	vimm.s32 $0x0  }
0x2ea: {  	v11 =	vor.u32 s13, v0;
	v18 =	vshll.u32 v17, $0x7  }
0x2eb: {  	v12 =	vor.u32 s13, v1;
	v16 =	vor.u32 v11, v18  }
0x2ec: {  	v13 =	vor.u32 s13, v2;
	v19 =	vor.u32 v18, v12  }
0x2ed: {  	v14 =	vor.u32 s13, v3;
	v20 =	vor.u32 v18, v13  }
0x2ee: {  	v15 =	vor.u32 s13, v4;
	v21 =	vor.u32 v18, v14  }
0x2ef: {  	v9 =	vor.u32 s13, v5;
	v22 =	vor.u32 v18, v15  }
0x2f0: {  	v10 =	vor.u32 s13, v6;
	v24 =	vor.u32 v18, v9;
	v23 =	vld.idx.msk [tilespmem:v16+s21+$0x0], $0xffff  }
0x2f1: {  	v25 =	vor.u32 v18, v10;
	v16 =	vor.u32 s13, v7;
	v19 =	vld.idx.msk [tilespmem:v19+s21+$0x0], $0xffff  }
0x2f2: {  	v29 =	vld.idx.msk [tilespmem:v20+s21+$0x0], $0xffff;
	v18 =	vor.u32 v18, v16  }
0x2f3: {  	v30 =	vld.idx.msk [tilespmem:v21+s21+$0x0], $0xffff  }
0x2f4: {  	v28 =	vld.idx.msk [tilespmem:v22+s21+$0x0], $0xffff  }
0x2f5: {  	v26 =	vld.idx.msk [tilespmem:v24+s21+$0x0], $0xffff  }
0x2f6: {  	v27 =	vld.idx.msk [tilespmem:v25+s21+$0x0], $0xffff  }
0x2f7: {  	v25 =	vld.idx.msk [tilespmem:v18+s21+$0x0], $0xffff  }
0x2f8: {  	v21 =	vld.idx.msk [tilespmem:v23+s2+$0x0], $0xffff  }
0x2f9: {  	v17 =	vadd.s32 $0x8, v17;
	v23 =	vld.idx.msk [tilespmem:v19+s2+$0x0], $0xffff  }
0x2fa: {  	v20 =	vshll.u32 v17, $0x7;
	v18 =	vld.idx.msk [tilespmem:v29+s2+$0x0], $0xffff  }
0x2fb: {  	s0 =	simm.s32 $0x17;
	v22 =	vimm.f32 $0.0e+00;
	v19 =	vimm.f32 $0.0e+00;
	v29 =	vor.u32 v11, v20;
	v24 =	vld.idx.msk [tilespmem:v30+s2+$0x0], $0xffff  }
.LBB2_11:
0x2fc: {  	p0 =	sne.s32 s0, $0x1;
	v30 =	vor.u32 v20, v12;
	v28 =	vld.idx.msk [tilespmem:v28+s2+$0x0], $0xffff  }
0x2fd: {  	v31 =	vor.u32 v20, v13;
	v26 =	vld.idx.msk [tilespmem:v26+s2+$0x0], $0xffff  }
0x2fe: {  	v32 =	vor.u32 v20, v14;
	v27 =	vld.idx.msk [tilespmem:v27+s2+$0x0], $0xffff  }
0x2ff: {  	v33 =	vor.u32 v20, v15;
	v19 =	vadd.f32 v21, v19;
	v21 =	vadd.f32 v23, v22;
	v22 =	vld.idx.msk [tilespmem:v25+s2+$0x0], $0xffff  }
0x300: {  	v25 =	vor.u32 v20, v9;
	v23 =	vld.idx.msk [tilespmem:v29+s21+$0x0], $0xffff  }
0x301: {  	v18 =	vadd.f32 v18, v19;
	v19 =	vadd.f32 v24, v21;
	v29 =	vld.idx.msk [tilespmem:v30+s21+$0x0], $0xffff;
	v30 =	vor.u32 v20, v10  }
0x302: {  	v20 =	vor.u32 v20, v16;
	v24 =	vld.idx.msk [tilespmem:v31+s21+$0x0], $0xffff  }
0x303: {  	v18 =	vadd.f32 v28, v18;
	v21 =	vadd.f32 v26, v19;
	v31 =	vld.idx.msk [tilespmem:v32+s21+$0x0], $0xffff  }
0x304: {  	v28 =	vld.idx.msk [tilespmem:v33+s21+$0x0], $0xffff  }
0x305: {  	v19 =	vadd.f32 v27, v18;
	v22 =	vadd.f32 v22, v21;
	v26 =	vld.idx.msk [tilespmem:v25+s21+$0x0], $0xffff  }
0x306: {  	v27 =	vld.idx.msk [tilespmem:v30+s21+$0x0], $0xffff  }
.Ltmp4:
0x307: {  	v25 =	vld.idx.msk [tilespmem:v20+s21+$0x0], $0xffff;
	(pc) =	sbr.rel @p0 .LBB2_11-.Ltmp4, $4  }
0x308: {  	v21 =	vld.idx.msk [tilespmem:v23+s2+$0x0], $0xffff  }
0x309: {  	v17 =	vadd.s32 $0x8, v17;
	v23 =	vld.idx.msk [tilespmem:v29+s2+$0x0], $0xffff  }
0x30a: {  	v20 =	vshll.u32 v17, $0x7;
	v18 =	vld.idx.msk [tilespmem:v24+s2+$0x0], $0xffff  }
0x30b: {  	s0 =	sadd.s32 $0xFFFFFFFF, s0;
	v29 =	vor.u32 v11, v20;
	v24 =	vld.idx.msk [tilespmem:v31+s2+$0x0], $0xffff  }
0x30c: {  	_ =	sdelay $0x3  }
0x30d: {  	v57 =	vld.idx.msk [tilespmem:v28+s2+$0x0], $0xffff  }
0x30e: {  	v11 =	vor.u32 v20, v12;
	v17 =	vld.idx.msk [tilespmem:v26+s2+$0x0], $0xffff  }
0x30f: {  	v13 =	vor.u32 v20, v13;
	v58 =	vld.idx.msk [tilespmem:v27+s2+$0x0], $0xffff  }
0x310: {  	v14 =	vor.u32 v20, v14;
	v25 =	vld.idx.msk [tilespmem:v25+s2+$0x0], $0xffff  }
0x311: {  	v15 =	vor.u32 v20, v15;
	v59 =	vld.idx.msk [tilespmem:v29+s21+$0x0], $0xffff  }
0x312: {  	v9 =	vor.u32 v20, v9;
	v63 =	vld [tilespmem:s13+$0xE780]  }
0x313: {  	v10 =	vor.u32 v20, v10;
	v11 =	vld.idx.msk [tilespmem:v11+s21+$0x0], $0xffff  }
0x314: {  	v16 =	vor.u32 v20, v16;
	v13 =	vld.idx.msk [tilespmem:v13+s21+$0x0], $0xffff  }
0x315: {  	v14 =	vld.idx.msk [tilespmem:v14+s21+$0x0], $0xffff  }
0x316: {  	v15 =	vld.idx.msk [tilespmem:v15+s21+$0x0], $0xffff  }
0x317: {  	v19 =	vadd.f32 v21, v19;
	v9 =	vld.idx.msk [tilespmem:v9+s21+$0x0], $0xffff  }
0x318: {  	v60 =	vadd.f32 v23, v22;
	v10 =	vld.idx.msk [tilespmem:v10+s21+$0x0], $0xffff  }
0x319: {  	v18 =	vadd.f32 v18, v19;
	v16 =	vld.idx.msk [tilespmem:v16+s21+$0x0], $0xffff  }
0x31a: {  	v62 =	vadd.f32 v24, v60;
	v61 =	vld.idx.msk [tilespmem:v59+s2+$0x0], $0xffff  }
0x31b: {  	v12 =	vadd.f32 v57, v18;
	v11 =	vld.idx.msk [tilespmem:v11+s2+$0x0], $0xffff  }
0x31c: {  	v17 =	vadd.f32 v17, v62;
	v13 =	vld.idx.msk [tilespmem:v13+s2+$0x0], $0xffff  }
0x31d: {  	v12 =	vadd.f32 v58, v12;
	v14 =	vld.idx.msk [tilespmem:v14+s2+$0x0], $0xffff  }
0x31e: {  	v17 =	vadd.f32 v25, v17;
	v15 =	vld.idx.msk [tilespmem:v15+s2+$0x0], $0xffff  }
0x31f: {  	v9 =	vld.idx.msk [tilespmem:v9+s2+$0x0], $0xffff;
	v12 =	vadd.f32 v61, v12  }
0x320: {  	(erf) = vrcp.f32 v63;
	v10 =	vld.idx.msk [tilespmem:v10+s2+$0x0], $0xffff;
	v11 =	vadd.f32 v11, v17  }
0x321: {  	v16 =	vld.idx.msk [tilespmem:v16+s2+$0x0], $0xffff;
	v12 =	vadd.f32 v13, v12  }
0x322: {  	v11 =	vadd.f32 v14, v11  }
0x323: {  	v12 =	vadd.f32 v15, v12  }
0x324: {  	v9 =	vadd.f32 v9, v11  }
0x325: {  	v10 =	vadd.f32 v10, v12  }
0x326: {  	v9 =	vadd.f32 v16, v9;
	_ =	sdelay $0x1  }
0x327: {  	v9 =	vadd.f32 v9, v10  }
0x328: {  	v10 =	vpop (erf)  }
0x329: {  	v9 =	vmul.f32 v10, v9;
	_ =	sdelay $0x1  }
0x32a: {  	v9 =	vadd.f32 v9, v8;
	_ =	sdelay $0x1  }
0x32b: {  	v9 =	vsub.f32 $0.0e+00, v9;
	_ =	sdelay $0x1  }
0x32c: {  	v9 =	vmul.f32 $1.442695020e+00, v9;
	_ =	sdelay $0x1  }
0x32d: {  	(erf) = vpow2.f32 v9;
	_ =	sdelay $0x8  }
0x32e: {  	v9 =	vpop (erf)  }
0x32f: {  	v9 =	vadd.f32 $1.000000000e+00, v9;
	_ =	sdelay $0x1  }
0x330: {  	(erf) = vrcp.f32 v9;
	_ =	sdelay $0x3  }
0x331: {  	s31 =	sadd.s32 $0x1, s31  }
0x332: {  	p0 =	sne.s32 s31, $0x8  }
.Ltmp5:
0x333: {  	_ = 	snop;
	(pc) =	sbr.rel @p0 .LBB2_10-.Ltmp5, $3  }
0x334: {  	_ =	sdelay $0x1  }
0x335: {  	v9 =	vpop (erf)  }
0x336: {  	[tilespmem:s13+$0xEA00] =	vst v9  }
0x337: {  	_ =	swait.ge [sflag:s10], $0x400  }
0x338: {  	[sflag:s10] =	ssyncset.done $0x0  }
0x339: {  	[sflag:s10] =	ssyncadd.s32 $0xFFFFFC00  }
0x33a: {  	_ =	swait.ge [sflag:s10], $0x400  }
0x33b: {  	[sflag:s10] =	ssyncset.done $0x0  }
0x33c: {  	[sflag:s10] =	ssyncadd.s32 $0xFFFFFC00  }
0x33d: {  	_ =	swait.ge [sflag:s10], $0x400  }
0x33e: {  	[sflag:s10] =	ssyncset.done $0x0  }
0x33f: {  	[sflag:s10] =	ssyncadd.s32 $0xFFFFFC00  }
0x340: {  	_ =	swait.ge [sflag:s10], $0x400  }
0x341: {  	[sflag:s10] =	ssyncset.done $0x0  }
0x342: {  	[sflag:s10] =	ssyncadd.s32 $0xFFFFFC00  }
0x343: {  	_ =	swait.ge [sflag:s10], $0x400  }
0x344: {  	[sflag:s10] =	ssyncset.done $0x0  }
0x345: {  	[sflag:s10] =	ssyncadd.s32 $0xFFFFFC00  }
0x346: {  	_ =	swait.ge [sflag:s10], $0x400  }
0x347: {  	[sflag:s10] =	ssyncset.done $0x0  }
0x348: {  	[sflag:s10] =	ssyncadd.s32 $0xFFFFFC00  }
0x349: {  	_ =	swait.ge [sflag:s10], $0x400  }
0x34a: {  	[sflag:s10] =	ssyncset.done $0x0  }
0x34b: {  	[sflag:s10] =	ssyncadd.s32 $0xFFFFFC00  }
0x34c: {  	_ =	swait.ge [sflag:s10], $0x400  }
0x34d: {  	[sflag:s10] =	ssyncset.done $0x0  }
0x34e: {  	[sflag:s10] =	ssyncadd.s32 $0xFFFFFC00  }
0x34f: {  	_ =	swait.ge [sflag:s10], $0x400  }
0x350: {  	[sflag:s10] =	ssyncset.done $0x0  }
0x351: {  	[sflag:s10] =	ssyncadd.s32 $0xFFFFFC00  }
0x352: {  	_ =	swait.ge [sflag:s10], $0x400  }
0x353: {  	[sflag:s10] =	ssyncset.done $0x0  }
0x354: {  	[sflag:s10] =	ssyncadd.s32 $0xFFFFFC00  }
0x355: {  	_ =	swait.ge [sflag:s10], $0x400  }
0x356: {  	[sflag:s10] =	ssyncset.done $0x0  }
0x357: {  	[sflag:s10] =	ssyncadd.s32 $0xFFFFFC00  }
0x358: {  	_ =	swait.ge [sflag:s10], $0x400  }
0x359: {  	[sflag:s10] =	ssyncset.done $0x0  }
0x35a: {  	[sflag:s10] =	ssyncadd.s32 $0xFFFFFC00  }
0x35b: {  	_ =	swait.ge [sflag:s10], $0x400  }
0x35c: {  	[sflag:s10] =	ssyncset.done $0x0  }
0x35d: {  	[sflag:s10] =	ssyncadd.s32 $0xFFFFFC00  }
0x35e: {  	_ =	swait.ge [sflag:s10], $0x400  }
0x35f: {  	[sflag:s10] =	ssyncset.done $0x0  }
0x360: {  	[sflag:s10] =	ssyncadd.s32 $0xFFFFFC00  }
0x361: {  	_ =	swait.ge [sflag:s10], $0x400  }
0x362: {  	[sflag:s10] =	ssyncset.done $0x0  }
0x363: {  	[sflag:s10] =	ssyncadd.s32 $0xFFFFFC00  }
0x364: {  	_ =	swait.ge [sflag:s10], $0x400  }
0x365: {  	[sflag:s10] =	ssyncset.done $0x0  }
0x366: {  	[sflag:s10] =	ssyncadd.s32 $0xFFFFFC00  }
0x367: {  	_ =	swait.ge [sflag:s10], $0x400  }
0x368: {  	[sflag:s10] =	ssyncset.done $0x0  }
0x369: {  	[sflag:s10] =	ssyncadd.s32 $0xFFFFFC00  }
0x36a: {  	_ =	swait.ge [sflag:s10], $0x400  }
0x36b: {  	[sflag:s10] =	ssyncset.done $0x0  }
0x36c: {  	[sflag:s10] =	ssyncadd.s32 $0xFFFFFC00  }
0x36d: {  	_ =	swait.ge [sflag:s10], $0x400  }
0x36e: {  	[sflag:s10] =	ssyncset.done $0x0  }
0x36f: {  	[sflag:s10] =	ssyncadd.s32 $0xFFFFFC00  }
0x370: {  	_ =	swait.ge [sflag:s10], $0x400  }
0x371: {  	[sflag:s10] =	ssyncset.done $0x0  }
0x372: {  	[sflag:s10] =	ssyncadd.s32 $0xFFFFFC00  }
0x373: {  	_ =	swait.ge [sflag:s10], $0x400  }
0x374: {  	[sflag:s10] =	ssyncset.done $0x0  }
0x375: {  	[sflag:s10] =	ssyncadd.s32 $0xFFFFFC00  }
0x376: {  	_ =	swait.ge [sflag:s10], $0x400  }
0x377: {  	[sflag:s10] =	ssyncset.done $0x0  }
0x378: {  	[sflag:s10] =	ssyncadd.s32 $0xFFFFFC00  }
0x379: {  	_ =	swait.ge [sflag:s10], $0x400  }
0x37a: {  	[sflag:s10] =	ssyncset.done $0x0  }
0x37b: {  	[sflag:s10] =	ssyncadd.s32 $0xFFFFFC00  }
0x37c: {  	_ =	swait.ge [sflag:s10], $0x400  }
0x37d: {  	[sflag:s10] =	ssyncset.done $0x0  }
0x37e: {  	[sflag:s10] =	ssyncadd.s32 $0xFFFFFC00  }
0x37f: {  	_ =	swait.ge [sflag:s10], $0x400  }
0x380: {  	[sflag:s10] =	ssyncset.done $0x0  }
0x381: {  	s31 =	simm.s32 $0x0;
	[sflag:s10] =	ssyncadd.s32 $0xFFFFFC00  }
.LBB2_14:
0x382: {  	s13 =	sshll.u32 s31, $0x4;
	v17 =	vimm.s32 $0x0  }
0x383: {  	v11 =	vor.u32 s13, v0;
	v18 =	vshll.u32 v17, $0x7  }
0x384: {  	v12 =	vor.u32 s13, v1;
	v16 =	vor.u32 v11, v18  }
0x385: {  	v13 =	vor.u32 s13, v2;
	v19 =	vor.u32 v18, v12  }
0x386: {  	v14 =	vor.u32 s13, v3;
	v20 =	vor.u32 v18, v13  }
0x387: {  	v15 =	vor.u32 s13, v4;
	v21 =	vor.u32 v18, v14  }
0x388: {  	v9 =	vor.u32 s13, v5;
	v22 =	vor.u32 v18, v15  }
0x389: {  	v10 =	vor.u32 s13, v6;
	v24 =	vor.u32 v18, v9;
	v23 =	vld.idx.msk [tilespmem:v16+s30+$0x0], $0xffff  }
0x38a: {  	v25 =	vor.u32 v18, v10;
	v16 =	vor.u32 s13, v7;
	v19 =	vld.idx.msk [tilespmem:v19+s30+$0x0], $0xffff  }
0x38b: {  	v29 =	vld.idx.msk [tilespmem:v20+s30+$0x0], $0xffff;
	v18 =	vor.u32 v18, v16  }
0x38c: {  	v30 =	vld.idx.msk [tilespmem:v21+s30+$0x0], $0xffff  }
0x38d: {  	v28 =	vld.idx.msk [tilespmem:v22+s30+$0x0], $0xffff  }
0x38e: {  	v26 =	vld.idx.msk [tilespmem:v24+s30+$0x0], $0xffff  }
0x38f: {  	v27 =	vld.idx.msk [tilespmem:v25+s30+$0x0], $0xffff  }
0x390: {  	v25 =	vld.idx.msk [tilespmem:v18+s30+$0x0], $0xffff  }
0x391: {  	v21 =	vld.idx.msk [tilespmem:v23+s2+$0x0], $0xffff  }
0x392: {  	v17 =	vadd.s32 $0x8, v17;
	v23 =	vld.idx.msk [tilespmem:v19+s2+$0x0], $0xffff  }
0x393: {  	v20 =	vshll.u32 v17, $0x7;
	v18 =	vld.idx.msk [tilespmem:v29+s2+$0x0], $0xffff  }
0x394: {  	s0 =	simm.s32 $0x17;
	v22 =	vimm.f32 $0.0e+00;
	v19 =	vimm.f32 $0.0e+00;
	v29 =	vor.u32 v11, v20;
	v24 =	vld.idx.msk [tilespmem:v30+s2+$0x0], $0xffff  }
.LBB2_15:
0x395: {  	p0 =	sne.s32 s0, $0x1;
	v30 =	vor.u32 v20, v12;
	v28 =	vld.idx.msk [tilespmem:v28+s2+$0x0], $0xffff  }
0x396: {  	v31 =	vor.u32 v20, v13;
	v26 =	vld.idx.msk [tilespmem:v26+s2+$0x0], $0xffff  }
0x397: {  	v32 =	vor.u32 v20, v14;
	v27 =	vld.idx.msk [tilespmem:v27+s2+$0x0], $0xffff  }
0x398: {  	v33 =	vor.u32 v20, v15;
	v19 =	vadd.f32 v21, v19;
	v21 =	vadd.f32 v23, v22;
	v22 =	vld.idx.msk [tilespmem:v25+s2+$0x0], $0xffff  }
0x399: {  	v25 =	vor.u32 v20, v9;
	v23 =	vld.idx.msk [tilespmem:v29+s30+$0x0], $0xffff  }
0x39a: {  	v18 =	vadd.f32 v18, v19;
	v19 =	vadd.f32 v24, v21;
	v29 =	vld.idx.msk [tilespmem:v30+s30+$0x0], $0xffff;
	v30 =	vor.u32 v20, v10  }
0x39b: {  	v20 =	vor.u32 v20, v16;
	v24 =	vld.idx.msk [tilespmem:v31+s30+$0x0], $0xffff  }
0x39c: {  	v18 =	vadd.f32 v28, v18;
	v21 =	vadd.f32 v26, v19;
	v31 =	vld.idx.msk [tilespmem:v32+s30+$0x0], $0xffff  }
0x39d: {  	v28 =	vld.idx.msk [tilespmem:v33+s30+$0x0], $0xffff  }
0x39e: {  	v19 =	vadd.f32 v27, v18;
	v22 =	vadd.f32 v22, v21;
	v26 =	vld.idx.msk [tilespmem:v25+s30+$0x0], $0xffff  }
0x39f: {  	v27 =	vld.idx.msk [tilespmem:v30+s30+$0x0], $0xffff  }
.Ltmp6:
0x3a0: {  	v25 =	vld.idx.msk [tilespmem:v20+s30+$0x0], $0xffff;
	(pc) =	sbr.rel @p0 .LBB2_15-.Ltmp6, $4  }
0x3a1: {  	v21 =	vld.idx.msk [tilespmem:v23+s2+$0x0], $0xffff  }
0x3a2: {  	v17 =	vadd.s32 $0x8, v17;
	v23 =	vld.idx.msk [tilespmem:v29+s2+$0x0], $0xffff  }
0x3a3: {  	v20 =	vshll.u32 v17, $0x7;
	v18 =	vld.idx.msk [tilespmem:v24+s2+$0x0], $0xffff  }
0x3a4: {  	s0 =	sadd.s32 $0xFFFFFFFF, s0;
	v29 =	vor.u32 v11, v20;
	v24 =	vld.idx.msk [tilespmem:v31+s2+$0x0], $0xffff  }
0x3a5: {  	_ =	sdelay $0x3  }
0x3a6: {  	v57 =	vld.idx.msk [tilespmem:v28+s2+$0x0], $0xffff  }
0x3a7: {  	v11 =	vor.u32 v20, v12;
	v17 =	vld.idx.msk [tilespmem:v26+s2+$0x0], $0xffff  }
0x3a8: {  	v13 =	vor.u32 v20, v13;
	v58 =	vld.idx.msk [tilespmem:v27+s2+$0x0], $0xffff  }
0x3a9: {  	v14 =	vor.u32 v20, v14;
	v25 =	vld.idx.msk [tilespmem:v25+s2+$0x0], $0xffff  }
0x3aa: {  	v15 =	vor.u32 v20, v15;
	v59 =	vld.idx.msk [tilespmem:v29+s30+$0x0], $0xffff  }
0x3ab: {  	v9 =	vor.u32 v20, v9;
	v63 =	vld [tilespmem:s13+$0xE800]  }
0x3ac: {  	v10 =	vor.u32 v20, v10;
	v11 =	vld.idx.msk [tilespmem:v11+s30+$0x0], $0xffff  }
0x3ad: {  	v16 =	vor.u32 v20, v16;
	v13 =	vld.idx.msk [tilespmem:v13+s30+$0x0], $0xffff  }
0x3ae: {  	v14 =	vld.idx.msk [tilespmem:v14+s30+$0x0], $0xffff  }
0x3af: {  	v15 =	vld.idx.msk [tilespmem:v15+s30+$0x0], $0xffff  }
0x3b0: {  	v19 =	vadd.f32 v21, v19;
	v9 =	vld.idx.msk [tilespmem:v9+s30+$0x0], $0xffff  }
0x3b1: {  	v60 =	vadd.f32 v23, v22;
	v10 =	vld.idx.msk [tilespmem:v10+s30+$0x0], $0xffff  }
0x3b2: {  	v18 =	vadd.f32 v18, v19;
	v16 =	vld.idx.msk [tilespmem:v16+s30+$0x0], $0xffff  }
0x3b3: {  	v62 =	vadd.f32 v24, v60;
	v61 =	vld.idx.msk [tilespmem:v59+s2+$0x0], $0xffff  }
0x3b4: {  	v12 =	vadd.f32 v57, v18;
	v11 =	vld.idx.msk [tilespmem:v11+s2+$0x0], $0xffff  }
0x3b5: {  	v17 =	vadd.f32 v17, v62;
	v13 =	vld.idx.msk [tilespmem:v13+s2+$0x0], $0xffff  }
0x3b6: {  	v12 =	vadd.f32 v58, v12;
	v14 =	vld.idx.msk [tilespmem:v14+s2+$0x0], $0xffff  }
0x3b7: {  	v17 =	vadd.f32 v25, v17;
	v15 =	vld.idx.msk [tilespmem:v15+s2+$0x0], $0xffff  }
0x3b8: {  	v9 =	vld.idx.msk [tilespmem:v9+s2+$0x0], $0xffff;
	v12 =	vadd.f32 v61, v12  }
0x3b9: {  	(erf) = vrcp.f32 v63;
	v10 =	vld.idx.msk [tilespmem:v10+s2+$0x0], $0xffff;
	v11 =	vadd.f32 v11, v17  }
0x3ba: {  	v16 =	vld.idx.msk [tilespmem:v16+s2+$0x0], $0xffff;
	v12 =	vadd.f32 v13, v12  }
0x3bb: {  	v11 =	vadd.f32 v14, v11  }
0x3bc: {  	v12 =	vadd.f32 v15, v12  }
0x3bd: {  	v9 =	vadd.f32 v9, v11  }
0x3be: {  	v10 =	vadd.f32 v10, v12  }
0x3bf: {  	v9 =	vadd.f32 v16, v9;
	_ =	sdelay $0x1  }
0x3c0: {  	v9 =	vadd.f32 v9, v10  }
0x3c1: {  	v10 =	vpop (erf)  }
0x3c2: {  	v9 =	vmul.f32 v10, v9;
	_ =	sdelay $0x1  }
0x3c3: {  	v9 =	vadd.f32 v9, v8;
	_ =	sdelay $0x1  }
0x3c4: {  	v9 =	vsub.f32 $0.0e+00, v9;
	_ =	sdelay $0x1  }
0x3c5: {  	v9 =	vmul.f32 $1.442695020e+00, v9;
	_ =	sdelay $0x1  }
0x3c6: {  	(erf) = vpow2.f32 v9;
	_ =	sdelay $0x8  }
0x3c7: {  	v9 =	vpop (erf)  }
0x3c8: {  	v9 =	vadd.f32 $1.000000000e+00, v9;
	_ =	sdelay $0x1  }
0x3c9: {  	(erf) = vrcp.f32 v9;
	_ =	sdelay $0x3  }
0x3ca: {  	s31 =	sadd.s32 $0x1, s31  }
0x3cb: {  	p0 =	sne.s32 s31, $0x8  }
.Ltmp7:
0x3cc: {  	_ = 	snop;
	(pc) =	sbr.rel @p0 .LBB2_14-.Ltmp7, $3  }
0x3cd: {  	_ =	sdelay $0x1  }
0x3ce: {  	v9 =	vpop (erf)  }
0x3cf: {  	[tilespmem:s13+$0xEA80] =	vst v9  }
0x3d0: {  	s0 =	rddreg [dreg:$0x18];
	s13 =	simm.s32 $0xE900  }
0x3d1: {  	[hbm4b:s0+s2] =	stream.linear.scatter [tilespmem:s13], [sflag:$0x3], $0x200, $0x38;
	[tilespmem:$0xEB00] =	vst v63  }
0x3d2: {  	_ =	swait.ge [sflag:s29], $0x200  }
0x3d3: {  	s12 =	sadd.s32 $0x1, s12;
	s31 =	rddreg [dreg:$0x1a]  }
0x3d4: {  	p0 =	sne.s32 s12, s31  }
.Ltmp8:
0x3d5: {  	_ = 	snop;
	(pc) =	sbr.rel @p0 .LBB2_1-.Ltmp8, $3  }
0x3d6: {  	_ =	sdelay $0x1  }
0x3d7: {  	[sflag:s29] =	ssyncset.done $0x0  }
0x3d8: {  	[sflag:s29] =	ssyncadd.s32 $0xFFFFFE00  }
0x3d9: {  	_ =	sfence.sel $0x180000  }
0x3da: {  	[bflag:$0x0] =	sbarrier.arrive $0xFFFF  }
0x3db: {  	_ =	strace $0x90000047  }
0x3dc: {  	s0 =	stileid.u32;
	[bflag:$0x2] =	sbarrier.arrive $0xFFFF  }
0x3dd: {  	p0 =	sne.s32 s0, $0x0;
	s0 =	rddreg [dreg:$0x4]  }
0x3de: {  	s0 =	sadd.s32 @!p0 $0x100000, s0  }
0x3df: {  	[sflag:s0] =	ssyncadd.tile.s32 @!p0 $0x1;
	_ =	shalt  }
.Lfunc_end2:
_tile_overlayer_lowered:
.L_overlay_start_2:
0x3e0: {  	(tag) =	ssettag $0x2  }
0x3e1: {  	s0 =	rddreg [dreg:$0x0];
	s2 =	stileid.u32  }
0x3e2: {  	s1 =	rddreg [dreg:$0x1];
	p0 =	sne.s32 s2, $0x0  }
0x3e3: {  	s3 =	rddreg [dreg:$0x2];
	[bflag:$0x3] =	sbarrier.arrive $0xFFFF;
	s2 =	simm.s32 @!p0 $0x1C03  }
0x3e4: {  	[timem:s3], [sflag:s2] =	dma.local @!p0 [hbm:s0], s1  }
0x3e5: {  	s0 =	simm.s32 @!p0 $0x3  }
0x3e6: {  	_ =	swait.ge @!p0 [sflag:s0], s1  }
0x3e7: {  	s1 =	ssub.s32 @!p0 $0x0, s1;
	[sflag:s0] =	ssyncset.done @!p0 $0x0  }
0x3e8: {  	[sflag:s0] =	ssyncadd.s32 @!p0 s1  }
0x3e9: {  	[bflag:$0x3] =	sbarrier.arrive $0xFFFF  }
0x3ea: {  	_ =	shalt  }

</sc_bundles>
